<compile_context>
chip_gen: v7x
topology: tpu7x:2x2x1
jax: 0.10.2.dev20260603
libtpu: 0.0.44.dev20260713+nightly
codegen_flags: <defaults>
</compile_context>

<pallas_src>
import functools

import jax
import jax.numpy as jnp
from jax import lax
from jax.experimental import pallas as pl
from jax.experimental.pallas import tpu as pltpu
from jax.experimental.pallas import tpu_sc as plsc

B = 1024
C = 100000

_info = plsc.get_sparse_core_info()
_NC, _NS = _info.num_cores, _info.num_subcores
_NW = _NC * _NS

CH = 7680
NCH_ROW = 13
TR_PER_W = (B // 8) // _NW


def _sc_copy_body(cos, out, bufA, bufB, siA, soA, siB, soB):
    w = lax.axis_index("s") * _NC + lax.axis_index("c")
    bufs = [(bufA, siA, soA), (bufB, siB, soB)]

    def in_copy(t, j, buf, sem):
        r0 = (w * TR_PER_W + t) * 8
        return pltpu.make_async_copy(
            cos.at[pl.ds(r0, 8), pl.ds(j * CH, CH)], buf, sem)

    def out_copy(t, j, buf, sem):
        r0 = (w * TR_PER_W + t) * 8
        return pltpu.make_async_copy(
            buf, out.at[pl.ds(r0, 8), pl.ds(j * CH, CH)], sem)

    seq = [(t, j) for t in range(TR_PER_W) for j in range(NCH_ROW)]
    out_pending = [None, None]

    in_copy(seq[0][0], seq[0][1], bufs[0][0], bufs[0][1]).start()
    for i, (t, j) in enumerate(seq):
        cur = i % 2
        buf, isem, osem = bufs[cur]
        in_copy(t, j, buf, isem).wait()
        nxt = (i + 1) % 2
        if i + 1 < len(seq):
            nbuf, nisem, nosem = bufs[nxt]
            if out_pending[nxt] is not None:
                pt, pj = out_pending[nxt]
                out_copy(pt, pj, nbuf, nosem).wait()
                out_pending[nxt] = None
            in_copy(seq[i + 1][0], seq[i + 1][1], nbuf, nisem).start()
        out_copy(t, j, buf, osem).start()
        out_pending[cur] = (t, j)

    for cur in (0, 1):
        if out_pending[cur] is not None:
            pt, pj = out_pending[cur]
            out_copy(pt, pj, bufs[cur][0], bufs[cur][2]).wait()


_sc_copy = functools.partial(
    pl.kernel,
    out_type=jax.ShapeDtypeStruct((B, C), jnp.float32),
    mesh=plsc.VectorSubcoreMesh(core_axis_name="c", subcore_axis_name="s"),
    scratch_types=[
        pltpu.VMEM((8, CH), jnp.float32),
        pltpu.VMEM((8, CH), jnp.float32),
        pltpu.SemaphoreType.DMA,
        pltpu.SemaphoreType.DMA,
        pltpu.SemaphoreType.DMA,
        pltpu.SemaphoreType.DMA,
    ],
)(_sc_copy_body)


def kernel(cosine_theta_logits, label):
    return _sc_copy(cosine_theta_logits)

# --- scband reference (transcript-rebuilt; emitter-appended) ---
"""Pipeline reference for scband-arc-face-loss-8289286881743 (READ-ONLY COPY).

The authoritative reference and input builder live on the scoring server;
editing this copy changes nothing except your own understanding.
"""

import jax, jax.numpy as jnp
import numpy as np
import math

SCALE = 30.0
MARGIN = 0.5
COS_M = math.cos(MARGIN)
SIN_M = math.sin(MARGIN)
TH = math.cos(math.pi - MARGIN)
MM = math.sin(math.pi - MARGIN) * MARGIN

B = 1024
NUM_CLASSES = 100000


def setup_inputs(seed: int = 0) -> dict:
    key = jax.random.key(seed)
    k1, k2 = jax.random.split(key)
    # cosine similarities must lie in [-1, 1]; uniform [0,1) keeps sqrt(1-c^2) well-defined
    cosine_theta_logits = jax.random.uniform(k1, (B, NUM_CLASSES), dtype=jnp.float32)
    label = jax.random.randint(k2, (B,), 0, NUM_CLASSES, dtype=jnp.int64)
    return {"cosine_theta_logits": cosine_theta_logits, "label": label}


def reference(cosine_theta_logits, label):
    cosine = cosine_theta_logits
    sine = jnp.sqrt(1.0 - jnp.power(cosine, 2))
    phi = cosine * COS_M - sine * SIN_M
    # easy_margin=False branch
    cosine = cosine.astype(jnp.float32)
    phi = phi.astype(jnp.float32)
    phi = jnp.where(cosine > TH, phi, cosine - MM)
    # one-hot via scatter-overwrite (torch scatter_ semantics)
    rows = jnp.arange(cosine.shape[0])
    one_hot = jnp.zeros_like(cosine).at[rows, label].set(1.0)
    output = one_hot * phi + (1.0 - one_hot) * cosine
    output = output * SCALE
    return output

if __name__ == "__main__":
    import jax
    _d = setup_inputs()
    print(jax.jit(kernel)(*tuple(_d.values())))

</pallas_src>

<mosaic_0001>
#map = affine_map<(d0, d1) -> (0, 0)>
module attributes {stable_mosaic.version = 14 : i64} {
  func.func @_sc_copy_body(%arg0: i32, %arg1: i32, %arg2: memref<1024x100000xf32, #tpu.memory_space<hbm>>, %arg3: memref<1024x100000xf32, #tpu.memory_space<hbm>>, %arg4: memref<8x7680xf32, #tpu.memory_space<vmem>>, %arg5: memref<8x7680xf32, #tpu.memory_space<vmem>>, %arg6: memref<!tpu.dma_semaphore, #tpu.memory_space<semaphore_mem>>, %arg7: memref<!tpu.dma_semaphore, #tpu.memory_space<semaphore_mem>>, %arg8: memref<!tpu.dma_semaphore, #tpu.memory_space<semaphore_mem>>, %arg9: memref<!tpu.dma_semaphore, #tpu.memory_space<semaphore_mem>>) attributes {dimension_semantics = [#tpu.dimension_semantics<core_parallel>, #tpu.dimension_semantics<subcore_parallel>], iteration_bounds = array<i64: 2, 16>, scalar_prefetch = 0 : i64, scratch_operands = 6 : i64, tpu.core_type = #tpu.core_type<sc_vector_subcore>, window_params = [{transform_indices = #map}, {transform_indices = #map}]} {
    %mul3A = arith.constant 2 : i32
    %mul3A_0 = arith.muli %arg1, %mul3A : i32
    %add3A = arith.addi %mul3A_0, %arg0 : i32
    %mul3A_1 = arith.constant 4 : i32
    %mul3A_2 = arith.muli %add3A, %mul3A_1 : i32
    %add3A_3 = arith.constant 0 : i32
    %add3A_4 = arith.addi %mul3A_2, %add3A_3 : i32
    %mul3A_5 = arith.constant 8 : i32
    %mul3A_6 = arith.muli %add3A_4, %mul3A_5 : i32
    %dma_start3A = arith.constant 0 : i32
    %dma_start3A_7 = tpu.memref_slice %arg2[%mul3A_6, %dma_start3A] : memref<1024x100000xf32, #tpu.memory_space<hbm>> -> memref<8x7680xf32, #tpu.memory_space<hbm>>
    %dma_start3A_8 = arith.constant 0 : i32
    %dma_start3A_9 = tpu.memref_slice %arg2[%mul3A_6, %dma_start3A_8] : memref<1024x100000xf32, #tpu.memory_space<hbm>> -> memref<8x7680xf32, #tpu.memory_space<hbm>>
    tpu.enqueue_dma source(%dma_start3A_9 : memref<8x7680xf32, #tpu.memory_space<hbm>>) target(%arg4 : memref<8x7680xf32, #tpu.memory_space<vmem>>) target_semaphore(%arg6 : memref<!tpu.dma_semaphore, #tpu.memory_space<semaphore_mem>>)
    %mul3A_10 = arith.constant 4 : i32
    %mul3A_11 = arith.muli %add3A, %mul3A_10 : i32
    %add3A_12 = arith.constant 0 : i32
    %add3A_13 = arith.addi %mul3A_11, %add3A_12 : i32
    %mul3A_14 = arith.constant 8 : i32
    %mul3A_15 = arith.muli %add3A_13, %mul3A_14 : i32
    %dma_wait3A = arith.constant 0 : i32
    %dma_wait3A_16 = tpu.memref_slice %arg2[%mul3A_15, %dma_wait3A] : memref<1024x100000xf32, #tpu.memory_space<hbm>> -> memref<8x7680xf32, #tpu.memory_space<hbm>>
    %dma_wait3A_17 = arith.constant 0 : i32
    %dma_wait3A_18 = tpu.memref_slice %arg2[%mul3A_15, %dma_wait3A_17] : memref<1024x100000xf32, #tpu.memory_space<hbm>> -> memref<8x7680xf32, #tpu.memory_space<hbm>>
    tpu.wait_dma2 semaphore(%arg6 : memref<!tpu.dma_semaphore, #tpu.memory_space<semaphore_mem>>) src(%dma_wait3A_18 : memref<8x7680xf32, #tpu.memory_space<hbm>>) dst(%arg4 : memref<8x7680xf32, #tpu.memory_space<vmem>>)
    %mul3A_19 = arith.constant 4 : i32
    %mul3A_20 = arith.muli %add3A, %mul3A_19 : i32
    %add3A_21 = arith.constant 0 : i32
    %add3A_22 = arith.addi %mul3A_20, %add3A_21 : i32
    %mul3A_23 = arith.constant 8 : i32
    %mul3A_24 = arith.muli %add3A_22, %mul3A_23 : i32
    %dma_start3A_25 = arith.constant 7680 : i32
    %dma_start3A_26 = tpu.memref_slice %arg2[%mul3A_24, %dma_start3A_25] : memref<1024x100000xf32, #tpu.memory_space<hbm>> -> memref<8x7680xf32, #tpu.memory_space<hbm>>
    %dma_start3A_27 = arith.constant 7680 : i32
    %dma_start3A_28 = tpu.memref_slice %arg2[%mul3A_24, %dma_start3A_27] : memref<1024x100000xf32, #tpu.memory_space<hbm>> -> memref<8x7680xf32, #tpu.memory_space<hbm>>
    tpu.enqueue_dma source(%dma_start3A_28 : memref<8x7680xf32, #tpu.memory_space<hbm>>) target(%arg5 : memref<8x7680xf32, #tpu.memory_space<vmem>>) target_semaphore(%arg8 : memref<!tpu.dma_semaphore, #tpu.memory_space<semaphore_mem>>)
    %mul3A_29 = arith.constant 4 : i32
    %mul3A_30 = arith.muli %add3A, %mul3A_29 : i32
    %add3A_31 = arith.constant 0 : i32
    %add3A_32 = arith.addi %mul3A_30, %add3A_31 : i32
    %mul3A_33 = arith.constant 8 : i32
    %mul3A_34 = arith.muli %add3A_32, %mul3A_33 : i32
    %dma_start3A_35 = arith.constant 0 : i32
    %dma_start3A_36 = tpu.memref_slice %arg3[%mul3A_34, %dma_start3A_35] : memref<1024x100000xf32, #tpu.memory_space<hbm>> -> memref<8x7680xf32, #tpu.memory_space<hbm>>
    %dma_start3A_37 = arith.constant 0 : i32
    %dma_start3A_38 = tpu.memref_slice %arg3[%mul3A_34, %dma_start3A_37] : memref<1024x100000xf32, #tpu.memory_space<hbm>> -> memref<8x7680xf32, #tpu.memory_space<hbm>>
    tpu.enqueue_dma source(%arg4 : memref<8x7680xf32, #tpu.memory_space<vmem>>) target(%dma_start3A_38 : memref<8x7680xf32, #tpu.memory_space<hbm>>) target_semaphore(%arg7 : memref<!tpu.dma_semaphore, #tpu.memory_space<semaphore_mem>>)
    %mul3A_39 = arith.constant 4 : i32
    %mul3A_40 = arith.muli %add3A, %mul3A_39 : i32
    %add3A_41 = arith.constant 0 : i32
    %add3A_42 = arith.addi %mul3A_40, %add3A_41 : i32
    %mul3A_43 = arith.constant 8 : i32
    %mul3A_44 = arith.muli %add3A_42, %mul3A_43 : i32
    %dma_wait3A_45 = arith.constant 7680 : i32
    %dma_wait3A_46 = tpu.memref_slice %arg2[%mul3A_44, %dma_wait3A_45] : memref<1024x100000xf32, #tpu.memory_space<hbm>> -> memref<8x7680xf32, #tpu.memory_space<hbm>>
    %dma_wait3A_47 = arith.constant 7680 : i32
    %dma_wait3A_48 = tpu.memref_slice %arg2[%mul3A_44, %dma_wait3A_47] : memref<1024x100000xf32, #tpu.memory_space<hbm>> -> memref<8x7680xf32, #tpu.memory_space<hbm>>
    tpu.wait_dma2 semaphore(%arg8 : memref<!tpu.dma_semaphore, #tpu.memory_space<semaphore_mem>>) src(%dma_wait3A_48 : memref<8x7680xf32, #tpu.memory_space<hbm>>) dst(%arg5 : memref<8x7680xf32, #tpu.memory_space<vmem>>)
    %mul3A_49 = arith.constant 4 : i32
    %mul3A_50 = arith.muli %add3A, %mul3A_49 : i32
    %add3A_51 = arith.constant 0 : i32
    %add3A_52 = arith.addi %mul3A_50, %add3A_51 : i32
    %mul3A_53 = arith.constant 8 : i32
    %mul3A_54 = arith.muli %add3A_52, %mul3A_53 : i32
    %dma_wait3A_55 = arith.constant 0 : i32
    %dma_wait3A_56 = tpu.memref_slice %arg3[%mul3A_54, %dma_wait3A_55] : memref<1024x100000xf32, #tpu.memory_space<hbm>> -> memref<8x7680xf32, #tpu.memory_space<hbm>>
    %dma_wait3A_57 = arith.constant 0 : i32
    %dma_wait3A_58 = tpu.memref_slice %arg3[%mul3A_54, %dma_wait3A_57] : memref<1024x100000xf32, #tpu.memory_space<hbm>> -> memref<8x7680xf32, #tpu.memory_space<hbm>>
    tpu.wait_dma2 semaphore(%arg7 : memref<!tpu.dma_semaphore, #tpu.memory_space<semaphore_mem>>) src(%arg4 : memref<8x7680xf32, #tpu.memory_space<vmem>>) dst(%dma_wait3A_58 : memref<8x7680xf32, #tpu.memory_space<hbm>>)
    %mul3A_59 = arith.constant 4 : i32
    %mul3A_60 = arith.muli %add3A, %mul3A_59 : i32
    %add3A_61 = arith.constant 0 : i32
    %add3A_62 = arith.addi %mul3A_60, %add3A_61 : i32
    %mul3A_63 = arith.constant 8 : i32
    %mul3A_64 = arith.muli %add3A_62, %mul3A_63 : i32
    %dma_start3A_65 = arith.constant 15360 : i32
    %dma_start3A_66 = tpu.memref_slice %arg2[%mul3A_64, %dma_start3A_65] : memref<1024x100000xf32, #tpu.memory_space<hbm>> -> memref<8x7680xf32, #tpu.memory_space<hbm>>
    %dma_start3A_67 = arith.constant 15360 : i32
    %dma_start3A_68 = tpu.memref_slice %arg2[%mul3A_64, %dma_start3A_67] : memref<1024x100000xf32, #tpu.memory_space<hbm>> -> memref<8x7680xf32, #tpu.memory_space<hbm>>
    tpu.enqueue_dma source(%dma_start3A_68 : memref<8x7680xf32, #tpu.memory_space<hbm>>) target(%arg4 : memref<8x7680xf32, #tpu.memory_space<vmem>>) target_semaphore(%arg6 : memref<!tpu.dma_semaphore, #tpu.memory_space<semaphore_mem>>)
    %mul3A_69 = arith.constant 4 : i32
    %mul3A_70 = arith.muli %add3A, %mul3A_69 : i32
    %add3A_71 = arith.constant 0 : i32
    %add3A_72 = arith.addi %mul3A_70, %add3A_71 : i32
    %mul3A_73 = arith.constant 8 : i32
    %mul3A_74 = arith.muli %add3A_72, %mul3A_73 : i32
    %dma_start3A_75 = arith.constant 7680 : i32
    %dma_start3A_76 = tpu.memref_slice %arg3[%mul3A_74, %dma_start3A_75] : memref<1024x100000xf32, #tpu.memory_space<hbm>> -> memref<8x7680xf32, #tpu.memory_space<hbm>>
    %dma_start3A_77 = arith.constant 7680 : i32
    %dma_start3A_78 = tpu.memref_slice %arg3[%mul3A_74, %dma_start3A_77] : memref<1024x100000xf32, #tpu.memory_space<hbm>> -> memref<8x7680xf32, #tpu.memory_space<hbm>>
    tpu.enqueue_dma source(%arg5 : memref<8x7680xf32, #tpu.memory_space<vmem>>) target(%dma_start3A_78 : memref<8x7680xf32, #tpu.memory_space<hbm>>) target_semaphore(%arg9 : memref<!tpu.dma_semaphore, #tpu.memory_space<semaphore_mem>>)
    %mul3A_79 = arith.constant 4 : i32
    %mul3A_80 = arith.muli %add3A, %mul3A_79 : i32
    %add3A_81 = arith.constant 0 : i32
    %add3A_82 = arith.addi %mul3A_80, %add3A_81 : i32
    %mul3A_83 = arith.constant 8 : i32
    %mul3A_84 = arith.muli %add3A_82, %mul3A_83 : i32
    %dma_wait3A_85 = arith.constant 15360 : i32
    %dma_wait3A_86 = tpu.memref_slice %arg2[%mul3A_84, %dma_wait3A_85] : memref<1024x100000xf32, #tpu.memory_space<hbm>> -> memref<8x7680xf32, #tpu.memory_space<hbm>>
    %dma_wait3A_87 = arith.constant 15360 : i32
    %dma_wait3A_88 = tpu.memref_slice %arg2[%mul3A_84, %dma_wait3A_87] : memref<1024x100000xf32, #tpu.memory_space<hbm>> -> memref<8x7680xf32, #tpu.memory_space<hbm>>
    tpu.wait_dma2 semaphore(%arg6 : memref<!tpu.dma_semaphore, #tpu.memory_space<semaphore_mem>>) src(%dma_wait3A_88 : memref<8x7680xf32, #tpu.memory_space<hbm>>) dst(%arg4 : memref<8x7680xf32, #tpu.memory_space<vmem>>)
    %mul3A_89 = arith.constant 4 : i32
    %mul3A_90 = arith.muli %add3A, %mul3A_89 : i32
    %add3A_91 = arith.constant 0 : i32
    %add3A_92 = arith.addi %mul3A_90, %add3A_91 : i32
    %mul3A_93 = arith.constant 8 : i32
    %mul3A_94 = arith.muli %add3A_92, %mul3A_93 : i32
    %dma_wait3A_95 = arith.constant 7680 : i32
    %dma_wait3A_96 = tpu.memref_slice %arg3[%mul3A_94, %dma_wait3A_95] : memref<1024x100000xf32, #tpu.memory_space<hbm>> -> memref<8x7680xf32, #tpu.memory_space<hbm>>
    %dma_wait3A_97 = arith.constant 7680 : i32
    %dma_wait3A_98 = tpu.memref_slice %arg3[%mul3A_94, %dma_wait3A_97] : memref<1024x100000xf32, #tpu.memory_space<hbm>> -> memref<8x7680xf32, #tpu.memory_space<hbm>>
    tpu.wait_dma2 semaphore(%arg9 : memref<!tpu.dma_semaphore, #tpu.memory_space<semaphore_mem>>) src(%arg5 : memref<8x7680xf32, #tpu.memory_space<vmem>>) dst(%dma_wait3A_98 : memref<8x7680xf32, #tpu.memory_space<hbm>>)
    %mul3A_99 = arith.constant 4 : i32
    %mul3A_100 = arith.muli %add3A, %mul3A_99 : i32
    %add3A_101 = arith.constant 0 : i32
    %add3A_102 = arith.addi %mul3A_100, %add3A_101 : i32
    %mul3A_103 = arith.constant 8 : i32
    %mul3A_104 = arith.muli %add3A_102, %mul3A_103 : i32
    %dma_start3A_105 = arith.constant 23040 : i32
    %dma_start3A_106 = tpu.memref_slice %arg2[%mul3A_104, %dma_start3A_105] : memref<1024x100000xf32, #tpu.memory_space<hbm>> -> memref<8x7680xf32, #tpu.memory_space<hbm>>
    %dma_start3A_107 = arith.constant 23040 : i32
    %dma_start3A_108 = tpu.memref_slice %arg2[%mul3A_104, %dma_start3A_107] : memref<1024x100000xf32, #tpu.memory_space<hbm>> -> memref<8x7680xf32, #tpu.memory_space<hbm>>
    tpu.enqueue_dma source(%dma_start3A_108 : memref<8x7680xf32, #tpu.memory_space<hbm>>) target(%arg5 : memref<8x7680xf32, #tpu.memory_space<vmem>>) target_semaphore(%arg8 : memref<!tpu.dma_semaphore, #tpu.memory_space<semaphore_mem>>)
    %mul3A_109 = arith.constant 4 : i32
    %mul3A_110 = arith.muli %add3A, %mul3A_109 : i32
    %add3A_111 = arith.constant 0 : i32
    %add3A_112 = arith.addi %mul3A_110, %add3A_111 : i32
    %mul3A_113 = arith.constant 8 : i32
    %mul3A_114 = arith.muli %add3A_112, %mul3A_113 : i32
    %dma_start3A_115 = arith.constant 15360 : i32
    %dma_start3A_116 = tpu.memref_slice %arg3[%mul3A_114, %dma_start3A_115] : memref<1024x100000xf32, #tpu.memory_space<hbm>> -> memref<8x7680xf32, #tpu.memory_space<hbm>>
    %dma_start3A_117 = arith.constant 15360 : i32
    %dma_start3A_118 = tpu.memref_slice %arg3[%mul3A_114, %dma_start3A_117] : memref<1024x100000xf32, #tpu.memory_space<hbm>> -> memref<8x7680xf32, #tpu.memory_space<hbm>>
    tpu.enqueue_dma source(%arg4 : memref<8x7680xf32, #tpu.memory_space<vmem>>) target(%dma_start3A_118 : memref<8x7680xf32, #tpu.memory_space<hbm>>) target_semaphore(%arg7 : memref<!tpu.dma_semaphore, #tpu.memory_space<semaphore_mem>>)
    %mul3A_119 = arith.constant 4 : i32
    %mul3A_120 = arith.muli %add3A, %mul3A_119 : i32
    %add3A_121 = arith.constant 0 : i32
    %add3A_122 = arith.addi %mul3A_120, %add3A_121 : i32
    %mul3A_123 = arith.constant 8 : i32
    %mul3A_124 = arith.muli %add3A_122, %mul3A_123 : i32
    %dma_wait3A_125 = arith.constant 23040 : i32
    %dma_wait3A_126 = tpu.memref_slice %arg2[%mul3A_124, %dma_wait3A_125] : memref<1024x100000xf32, #tpu.memory_space<hbm>> -> memref<8x7680xf32, #tpu.memory_space<hbm>>
    %dma_wait3A_127 = arith.constant 23040 : i32
    %dma_wait3A_128 = tpu.memref_slice %arg2[%mul3A_124, %dma_wait3A_127] : memref<1024x100000xf32, #tpu.memory_space<hbm>> -> memref<8x7680xf32, #tpu.memory_space<hbm>>
    tpu.wait_dma2 semaphore(%arg8 : memref<!tpu.dma_semaphore, #tpu.memory_space<semaphore_mem>>) src(%dma_wait3A_128 : memref<8x7680xf32, #tpu.memory_space<hbm>>) dst(%arg5 : memref<8x7680xf32, #tpu.memory_space<vmem>>)
    %mul3A_129 = arith.constant 4 : i32
    %mul3A_130 = arith.muli %add3A, %mul3A_129 : i32
    %add3A_131 = arith.constant 0 : i32
    %add3A_132 = arith.addi %mul3A_130, %add3A_131 : i32
    %mul3A_133 = arith.constant 8 : i32
    %mul3A_134 = arith.muli %add3A_132, %mul3A_133 : i32
    %dma_wait3A_135 = arith.constant 15360 : i32
    %dma_wait3A_136 = tpu.memref_slice %arg3[%mul3A_134, %dma_wait3A_135] : memref<1024x100000xf32, #tpu.memory_space<hbm>> -> memref<8x7680xf32, #tpu.memory_space<hbm>>
    %dma_wait3A_137 = arith.constant 15360 : i32
    %dma_wait3A_138 = tpu.memref_slice %arg3[%mul3A_134, %dma_wait3A_137] : memref<1024x100000xf32, #tpu.memory_space<hbm>> -> memref<8x7680xf32, #tpu.memory_space<hbm>>
    tpu.wait_dma2 semaphore(%arg7 : memref<!tpu.dma_semaphore, #tpu.memory_space<semaphore_mem>>) src(%arg4 : memref<8x7680xf32, #tpu.memory_space<vmem>>) dst(%dma_wait3A_138 : memref<8x7680xf32, #tpu.memory_space<hbm>>)
    %mul3A_139 = arith.constant 4 : i32
    %mul3A_140 = arith.muli %add3A, %mul3A_139 : i32
    %add3A_141 = arith.constant 0 : i32
    %add3A_142 = arith.addi %mul3A_140, %add3A_141 : i32
    %mul3A_143 = arith.constant 8 : i32
    %mul3A_144 = arith.muli %add3A_142, %mul3A_143 : i32
    %dma_start3A_145 = arith.constant 30720 : i32
    %dma_start3A_146 = tpu.memref_slice %arg2[%mul3A_144, %dma_start3A_145] : memref<1024x100000xf32, #tpu.memory_space<hbm>> -> memref<8x7680xf32, #tpu.memory_space<hbm>>
    %dma_start3A_147 = arith.constant 30720 : i32
    %dma_start3A_148 = tpu.memref_slice %arg2[%mul3A_144, %dma_start3A_147] : memref<1024x100000xf32, #tpu.memory_space<hbm>> -> memref<8x7680xf32, #tpu.memory_space<hbm>>
    tpu.enqueue_dma source(%dma_start3A_148 : memref<8x7680xf32, #tpu.memory_space<hbm>>) target(%arg4 : memref<8x7680xf32, #tpu.memory_space<vmem>>) target_semaphore(%arg6 : memref<!tpu.dma_semaphore, #tpu.memory_space<semaphore_mem>>)
    %mul3A_149 = arith.constant 4 : i32
    %mul3A_150 = arith.muli %add3A, %mul3A_149 : i32
    %add3A_151 = arith.constant 0 : i32
    %add3A_152 = arith.addi %mul3A_150, %add3A_151 : i32
    %mul3A_153 = arith.constant 8 : i32
    %mul3A_154 = arith.muli %add3A_152, %mul3A_153 : i32
    %dma_start3A_155 = arith.constant 23040 : i32
    %dma_start3A_156 = tpu.memref_slice %arg3[%mul3A_154, %dma_start3A_155] : memref<1024x100000xf32, #tpu.memory_space<hbm>> -> memref<8x7680xf32, #tpu.memory_space<hbm>>
    %dma_start3A_157 = arith.constant 23040 : i32
    %dma_start3A_158 = tpu.memref_slice %arg3[%mul3A_154, %dma_start3A_157] : memref<1024x100000xf32, #tpu.memory_space<hbm>> -> memref<8x7680xf32, #tpu.memory_space<hbm>>
    tpu.enqueue_dma source(%arg5 : memref<8x7680xf32, #tpu.memory_space<vmem>>) target(%dma_start3A_158 : memref<8x7680xf32, #tpu.memory_space<hbm>>) target_semaphore(%arg9 : memref<!tpu.dma_semaphore, #tpu.memory_space<semaphore_mem>>)
    %mul3A_159 = arith.constant 4 : i32
    %mul3A_160 = arith.muli %add3A, %mul3A_159 : i32
    %add3A_161 = arith.constant 0 : i32
    %add3A_162 = arith.addi %mul3A_160, %add3A_161 : i32
    %mul3A_163 = arith.constant 8 : i32
    %mul3A_164 = arith.muli %add3A_162, %mul3A_163 : i32
    %dma_wait3A_165 = arith.constant 30720 : i32
    %dma_wait3A_166 = tpu.memref_slice %arg2[%mul3A_164, %dma_wait3A_165] : memref<1024x100000xf32, #tpu.memory_space<hbm>> -> memref<8x7680xf32, #tpu.memory_space<hbm>>
    %dma_wait3A_167 = arith.constant 30720 : i32
    %dma_wait3A_168 = tpu.memref_slice %arg2[%mul3A_164, %dma_wait3A_167] : memref<1024x100000xf32, #tpu.memory_space<hbm>> -> memref<8x7680xf32, #tpu.memory_space<hbm>>
    tpu.wait_dma2 semaphore(%arg6 : memref<!tpu.dma_semaphore, #tpu.memory_space<semaphore_mem>>) src(%dma_wait3A_168 : memref<8x7680xf32, #tpu.memory_space<hbm>>) dst(%arg4 : memref<8x7680xf32, #tpu.memory_space<vmem>>)
    %mul3A_169 = arith.constant 4 : i32
    %mul3A_170 = arith.muli %add3A, %mul3A_169 : i32
    %add3A_171 = arith.constant 0 : i32
    %add3A_172 = arith.addi %mul3A_170, %add3A_171 : i32
    %mul3A_173 = arith.constant 8 : i32
    %mul3A_174 = arith.muli %add3A_172, %mul3A_173 : i32
    %dma_wait3A_175 = arith.constant 23040 : i32
    %dma_wait3A_176 = tpu.memref_slice %arg3[%mul3A_174, %dma_wait3A_175] : memref<1024x100000xf32, #tpu.memory_space<hbm>> -> memref<8x7680xf32, #tpu.memory_space<hbm>>
    %dma_wait3A_177 = arith.constant 23040 : i32
    %dma_wait3A_178 = tpu.memref_slice %arg3[%mul3A_174, %dma_wait3A_177] : memref<1024x100000xf32, #tpu.memory_space<hbm>> -> memref<8x7680xf32, #tpu.memory_space<hbm>>
    tpu.wait_dma2 semaphore(%arg9 : memref<!tpu.dma_semaphore, #tpu.memory_space<semaphore_mem>>) src(%arg5 : memref<8x7680xf32, #tpu.memory_space<vmem>>) dst(%dma_wait3A_178 : memref<8x7680xf32, #tpu.memory_space<hbm>>)
    %mul3A_179 = arith.constant 4 : i32
    %mul3A_180 = arith.muli %add3A, %mul3A_179 : i32
    %add3A_181 = arith.constant 0 : i32
    %add3A_182 = arith.addi %mul3A_180, %add3A_181 : i32
    %mul3A_183 = arith.constant 8 : i32
    %mul3A_184 = arith.muli %add3A_182, %mul3A_183 : i32
    %dma_start3A_185 = arith.constant 38400 : i32
    %dma_start3A_186 = tpu.memref_slice %arg2[%mul3A_184, %dma_start3A_185] : memref<1024x100000xf32, #tpu.memory_space<hbm>> -> memref<8x7680xf32, #tpu.memory_space<hbm>>
    %dma_start3A_187 = arith.constant 38400 : i32
    %dma_start3A_188 = tpu.memref_slice %arg2[%mul3A_184, %dma_start3A_187] : memref<1024x100000xf32, #tpu.memory_space<hbm>> -> memref<8x7680xf32, #tpu.memory_space<hbm>>
    tpu.enqueue_dma source(%dma_start3A_188 : memref<8x7680xf32, #tpu.memory_space<hbm>>) target(%arg5 : memref<8x7680xf32, #tpu.memory_space<vmem>>) target_semaphore(%arg8 : memref<!tpu.dma_semaphore, #tpu.memory_space<semaphore_mem>>)
    %mul3A_189 = arith.constant 4 : i32
    %mul3A_190 = arith.muli %add3A, %mul3A_189 : i32
    %add3A_191 = arith.constant 0 : i32
    %add3A_192 = arith.addi %mul3A_190, %add3A_191 : i32
    %mul3A_193 = arith.constant 8 : i32
    %mul3A_194 = arith.muli %add3A_192, %mul3A_193 : i32
    %dma_start3A_195 = arith.constant 30720 : i32
    %dma_start3A_196 = tpu.memref_slice %arg3[%mul3A_194, %dma_start3A_195] : memref<1024x100000xf32, #tpu.memory_space<hbm>> -> memref<8x7680xf32, #tpu.memory_space<hbm>>
    %dma_start3A_197 = arith.constant 30720 : i32
    %dma_start3A_198 = tpu.memref_slice %arg3[%mul3A_194, %dma_start3A_197] : memref<1024x100000xf32, #tpu.memory_space<hbm>> -> memref<8x7680xf32, #tpu.memory_space<hbm>>
    tpu.enqueue_dma source(%arg4 : memref<8x7680xf32, #tpu.memory_space<vmem>>) target(%dma_start3A_198 : memref<8x7680xf32, #tpu.memory_space<hbm>>) target_semaphore(%arg7 : memref<!tpu.dma_semaphore, #tpu.memory_space<semaphore_mem>>)
    %mul3A_199 = arith.constant 4 : i32
    %mul3A_200 = arith.muli %add3A, %mul3A_199 : i32
    %add3A_201 = arith.constant 0 : i32
    %add3A_202 = arith.addi %mul3A_200, %add3A_201 : i32
    %mul3A_203 = arith.constant 8 : i32
    %mul3A_204 = arith.muli %add3A_202, %mul3A_203 : i32
    %dma_wait3A_205 = arith.constant 38400 : i32
    %dma_wait3A_206 = tpu.memref_slice %arg2[%mul3A_204, %dma_wait3A_205] : memref<1024x100000xf32, #tpu.memory_space<hbm>> -> memref<8x7680xf32, #tpu.memory_space<hbm>>
    %dma_wait3A_207 = arith.constant 38400 : i32
    %dma_wait3A_208 = tpu.memref_slice %arg2[%mul3A_204, %dma_wait3A_207] : memref<1024x100000xf32, #tpu.memory_space<hbm>> -> memref<8x7680xf32, #tpu.memory_space<hbm>>
    tpu.wait_dma2 semaphore(%arg8 : memref<!tpu.dma_semaphore, #tpu.memory_space<semaphore_mem>>) src(%dma_wait3A_208 : memref<8x7680xf32, #tpu.memory_space<hbm>>) dst(%arg5 : memref<8x7680xf32, #tpu.memory_space<vmem>>)
    %mul3A_209 = arith.constant 4 : i32
    %mul3A_210 = arith.muli %add3A, %mul3A_209 : i32
    %add3A_211 = arith.constant 0 : i32
    %add3A_212 = arith.addi %mul3A_210, %add3A_211 : i32
    %mul3A_213 = arith.constant 8 : i32
    %mul3A_214 = arith.muli %add3A_212, %mul3A_213 : i32
    %dma_wait3A_215 = arith.constant 30720 : i32
    %dma_wait3A_216 = tpu.memref_slice %arg3[%mul3A_214, %dma_wait3A_215] : memref<1024x100000xf32, #tpu.memory_space<hbm>> -> memref<8x7680xf32, #tpu.memory_space<hbm>>
    %dma_wait3A_217 = arith.constant 30720 : i32
    %dma_wait3A_218 = tpu.memref_slice %arg3[%mul3A_214, %dma_wait3A_217] : memref<1024x100000xf32, #tpu.memory_space<hbm>> -> memref<8x7680xf32, #tpu.memory_space<hbm>>
    tpu.wait_dma2 semaphore(%arg7 : memref<!tpu.dma_semaphore, #tpu.memory_space<semaphore_mem>>) src(%arg4 : memref<8x7680xf32, #tpu.memory_space<vmem>>) dst(%dma_wait3A_218 : memref<8x7680xf32, #tpu.memory_space<hbm>>)
    %mul3A_219 = arith.constant 4 : i32
    %mul3A_220 = arith.muli %add3A, %mul3A_219 : i32
    %add3A_221 = arith.constant 0 : i32
    %add3A_222 = arith.addi %mul3A_220, %add3A_221 : i32
    %mul3A_223 = arith.constant 8 : i32
    %mul3A_224 = arith.muli %add3A_222, %mul3A_223 : i32
    %dma_start3A_225 = arith.constant 46080 : i32
    %dma_start3A_226 = tpu.memref_slice %arg2[%mul3A_224, %dma_start3A_225] : memref<1024x100000xf32, #tpu.memory_space<hbm>> -> memref<8x7680xf32, #tpu.memory_space<hbm>>
    %dma_start3A_227 = arith.constant 46080 : i32
    %dma_start3A_228 = tpu.memref_slice %arg2[%mul3A_224, %dma_start3A_227] : memref<1024x100000xf32, #tpu.memory_space<hbm>> -> memref<8x7680xf32, #tpu.memory_space<hbm>>
    tpu.enqueue_dma source(%dma_start3A_228 : memref<8x7680xf32, #tpu.memory_space<hbm>>) target(%arg4 : memref<8x7680xf32, #tpu.memory_space<vmem>>) target_semaphore(%arg6 : memref<!tpu.dma_semaphore, #tpu.memory_space<semaphore_mem>>)
    %mul3A_229 = arith.constant 4 : i32
    %mul3A_230 = arith.muli %add3A, %mul3A_229 : i32
    %add3A_231 = arith.constant 0 : i32
    %add3A_232 = arith.addi %mul3A_230, %add3A_231 : i32
    %mul3A_233 = arith.constant 8 : i32
    %mul3A_234 = arith.muli %add3A_232, %mul3A_233 : i32
    %dma_start3A_235 = arith.constant 38400 : i32
    %dma_start3A_236 = tpu.memref_slice %arg3[%mul3A_234, %dma_start3A_235] : memref<1024x100000xf32, #tpu.memory_space<hbm>> -> memref<8x7680xf32, #tpu.memory_space<hbm>>
    %dma_start3A_237 = arith.constant 38400 : i32
    %dma_start3A_238 = tpu.memref_slice %arg3[%mul3A_234, %dma_start3A_237] : memref<1024x100000xf32, #tpu.memory_space<hbm>> -> memref<8x7680xf32, #tpu.memory_space<hbm>>
    tpu.enqueue_dma source(%arg5 : memref<8x7680xf32, #tpu.memory_space<vmem>>) target(%dma_start3A_238 : memref<8x7680xf32, #tpu.memory_space<hbm>>) target_semaphore(%arg9 : memref<!tpu.dma_semaphore, #tpu.memory_space<semaphore_mem>>)
    %mul3A_239 = arith.constant 4 : i32
    %mul3A_240 = arith.muli %add3A, %mul3A_239 : i32
    %add3A_241 = arith.constant 0 : i32
    %add3A_242 = arith.addi %mul3A_240, %add3A_241 : i32
    %mul3A_243 = arith.constant 8 : i32
    %mul3A_244 = arith.muli %add3A_242, %mul3A_243 : i32
    %dma_wait3A_245 = arith.constant 46080 : i32
    %dma_wait3A_246 = tpu.memref_slice %arg2[%mul3A_244, %dma_wait3A_245] : memref<1024x100000xf32, #tpu.memory_space<hbm>> -> memref<8x7680xf32, #tpu.memory_space<hbm>>
    %dma_wait3A_247 = arith.constant 46080 : i32
    %dma_wait3A_248 = tpu.memref_slice %arg2[%mul3A_244, %dma_wait3A_247] : memref<1024x100000xf32, #tpu.memory_space<hbm>> -> memref<8x7680xf32, #tpu.memory_space<hbm>>
    tpu.wait_dma2 semaphore(%arg6 : memref<!tpu.dma_semaphore, #tpu.memory_space<semaphore_mem>>) src(%dma_wait3A_248 : memref<8x7680xf32, #tpu.memory_space<hbm>>) dst(%arg4 : memref<8x7680xf32, #tpu.memory_space<vmem>>)
    %mul3A_249 = arith.constant 4 : i32
    %mul3A_250 = arith.muli %add3A, %mul3A_249 : i32
    %add3A_251 = arith.constant 0 : i32
    %add3A_252 = arith.addi %mul3A_250, %add3A_251 : i32
    %mul3A_253 = arith.constant 8 : i32
    %mul3A_254 = arith.muli %add3A_252, %mul3A_253 : i32
    %dma_wait3A_255 = arith.constant 38400 : i32
    %dma_wait3A_256 = tpu.memref_slice %arg3[%mul3A_254, %dma_wait3A_255] : memref<1024x100000xf32, #tpu.memory_space<hbm>> -> memref<8x7680xf32, #tpu.memory_space<hbm>>
    %dma_wait3A_257 = arith.constant 38400 : i32
    %dma_wait3A_258 = tpu.memref_slice %arg3[%mul3A_254, %dma_wait3A_257] : memref<1024x100000xf32, #tpu.memory_space<hbm>> -> memref<8x7680xf32, #tpu.memory_space<hbm>>
    tpu.wait_dma2 semaphore(%arg9 : memref<!tpu.dma_semaphore, #tpu.memory_space<semaphore_mem>>) src(%arg5 : memref<8x7680xf32, #tpu.memory_space<vmem>>) dst(%dma_wait3A_258 : memref<8x7680xf32, #tpu.memory_space<hbm>>)
    %mul3A_259 = arith.constant 4 : i32
    %mul3A_260 = arith.muli %add3A, %mul3A_259 : i32
    %add3A_261 = arith.constant 0 : i32
    %add3A_262 = arith.addi %mul3A_260, %add3A_261 : i32
    %mul3A_263 = arith.constant 8 : i32
    %mul3A_264 = arith.muli %add3A_262, %mul3A_263 : i32
    %dma_start3A_265 = arith.constant 53760 : i32
    %dma_start3A_266 = tpu.memref_slice %arg2[%mul3A_264, %dma_start3A_265] : memref<1024x100000xf32, #tpu.memory_space<hbm>> -> memref<8x7680xf32, #tpu.memory_space<hbm>>
    %dma_start3A_267 = arith.constant 53760 : i32
    %dma_start3A_268 = tpu.memref_slice %arg2[%mul3A_264, %dma_start3A_267] : memref<1024x100000xf32, #tpu.memory_space<hbm>> -> memref<8x7680xf32, #tpu.memory_space<hbm>>
    tpu.enqueue_dma source(%dma_start3A_268 : memref<8x7680xf32, #tpu.memory_space<hbm>>) target(%arg5 : memref<8x7680xf32, #tpu.memory_space<vmem>>) target_semaphore(%arg8 : memref<!tpu.dma_semaphore, #tpu.memory_space<semaphore_mem>>)
    %mul3A_269 = arith.constant 4 : i32
    %mul3A_270 = arith.muli %add3A, %mul3A_269 : i32
    %add3A_271 = arith.constant 0 : i32
    %add3A_272 = arith.addi %mul3A_270, %add3A_271 : i32
    %mul3A_273 = arith.constant 8 : i32
    %mul3A_274 = arith.muli %add3A_272, %mul3A_273 : i32
    %dma_start3A_275 = arith.constant 46080 : i32
    %dma_start3A_276 = tpu.memref_slice %arg3[%mul3A_274, %dma_start3A_275] : memref<1024x100000xf32, #tpu.memory_space<hbm>> -> memref<8x7680xf32, #tpu.memory_space<hbm>>
    %dma_start3A_277 = arith.constant 46080 : i32
    %dma_start3A_278 = tpu.memref_slice %arg3[%mul3A_274, %dma_start3A_277] : memref<1024x100000xf32, #tpu.memory_space<hbm>> -> memref<8x7680xf32, #tpu.memory_space<hbm>>
    tpu.enqueue_dma source(%arg4 : memref<8x7680xf32, #tpu.memory_space<vmem>>) target(%dma_start3A_278 : memref<8x7680xf32, #tpu.memory_space<hbm>>) target_semaphore(%arg7 : memref<!tpu.dma_semaphore, #tpu.memory_space<semaphore_mem>>)
    %mul3A_279 = arith.constant 4 : i32
    %mul3A_280 = arith.muli %add3A, %mul3A_279 : i32
    %add3A_281 = arith.constant 0 : i32
    %add3A_282 = arith.addi %mul3A_280, %add3A_281 : i32
    %mul3A_283 = arith.constant 8 : i32
    %mul3A_284 = arith.muli %add3A_282, %mul3A_283 : i32
    %dma_wait3A_285 = arith.constant 53760 : i32
    %dma_wait3A_286 = tpu.memref_slice %arg2[%mul3A_284, %dma_wait3A_285] : memref<1024x100000xf32, #tpu.memory_space<hbm>> -> memref<8x7680xf32, #tpu.memory_space<hbm>>
    %dma_wait3A_287 = arith.constant 53760 : i32
    %dma_wait3A_288 = tpu.memref_slice %arg2[%mul3A_284, %dma_wait3A_287] : memref<1024x100000xf32, #tpu.memory_space<hbm>> -> memref<8x7680xf32, #tpu.memory_space<hbm>>
    tpu.wait_dma2 semaphore(%arg8 : memref<!tpu.dma_semaphore, #tpu.memory_space<semaphore_mem>>) src(%dma_wait3A_288 : memref<8x7680xf32, #tpu.memory_space<hbm>>) dst(%arg5 : memref<8x7680xf32, #tpu.memory_space<vmem>>)
    %mul3A_289 = arith.constant 4 : i32
    %mul3A_290 = arith.muli %add3A, %mul3A_289 : i32
    %add3A_291 = arith.constant 0 : i32
    %add3A_292 = arith.addi %mul3A_290, %add3A_291 : i32
    %mul3A_293 = arith.constant 8 : i32
    %mul3A_294 = arith.muli %add3A_292, %mul3A_293 : i32
    %dma_wait3A_295 = arith.constant 46080 : i32
    %dma_wait3A_296 = tpu.memref_slice %arg3[%mul3A_294, %dma_wait3A_295] : memref<1024x100000xf32, #tpu.memory_space<hbm>> -> memref<8x7680xf32, #tpu.memory_space<hbm>>
    %dma_wait3A_297 = arith.constant 46080 : i32
    %dma_wait3A_298 = tpu.memref_slice %arg3[%mul3A_294, %dma_wait3A_297] : memref<1024x100000xf32, #tpu.memory_space<hbm>> -> memref<8x7680xf32, #tpu.memory_space<hbm>>
    tpu.wait_dma2 semaphore(%arg7 : memref<!tpu.dma_semaphore, #tpu.memory_space<semaphore_mem>>) src(%arg4 : memref<8x7680xf32, #tpu.memory_space<vmem>>) dst(%dma_wait3A_298 : memref<8x7680xf32, #tpu.memory_space<hbm>>)
    %mul3A_299 = arith.constant 4 : i32
    %mul3A_300 = arith.muli %add3A, %mul3A_299 : i32
    %add3A_301 = arith.constant 0 : i32
    %add3A_302 = arith.addi %mul3A_300, %add3A_301 : i32
    %mul3A_303 = arith.constant 8 : i32
    %mul3A_304 = arith.muli %add3A_302, %mul3A_303 : i32
    %dma_start3A_305 = arith.constant 61440 : i32
    %dma_start3A_306 = tpu.memref_slice %arg2[%mul3A_304, %dma_start3A_305] : memref<1024x100000xf32, #tpu.memory_space<hbm>> -> memref<8x7680xf32, #tpu.memory_space<hbm>>
    %dma_start3A_307 = arith.constant 61440 : i32
    %dma_start3A_308 = tpu.memref_slice %arg2[%mul3A_304, %dma_start3A_307] : memref<1024x100000xf32, #tpu.memory_space<hbm>> -> memref<8x7680xf32, #tpu.memory_space<hbm>>
    tpu.enqueue_dma source(%dma_start3A_308 : memref<8x7680xf32, #tpu.memory_space<hbm>>) target(%arg4 : memref<8x7680xf32, #tpu.memory_space<vmem>>) target_semaphore(%arg6 : memref<!tpu.dma_semaphore, #tpu.memory_space<semaphore_mem>>)
    %mul3A_309 = arith.constant 4 : i32
    %mul3A_310 = arith.muli %add3A, %mul3A_309 : i32
    %add3A_311 = arith.constant 0 : i32
    %add3A_312 = arith.addi %mul3A_310, %add3A_311 : i32
    %mul3A_313 = arith.constant 8 : i32
    %mul3A_314 = arith.muli %add3A_312, %mul3A_313 : i32
    %dma_start3A_315 = arith.constant 53760 : i32
    %dma_start3A_316 = tpu.memref_slice %arg3[%mul3A_314, %dma_start3A_315] : memref<1024x100000xf32, #tpu.memory_space<hbm>> -> memref<8x7680xf32, #tpu.memory_space<hbm>>
    %dma_start3A_317 = arith.constant 53760 : i32
    %dma_start3A_318 = tpu.memref_slice %arg3[%mul3A_314, %dma_start3A_317] : memref<1024x100000xf32, #tpu.memory_space<hbm>> -> memref<8x7680xf32, #tpu.memory_space<hbm>>
    tpu.enqueue_dma source(%arg5 : memref<8x7680xf32, #tpu.memory_space<vmem>>) target(%dma_start3A_318 : memref<8x7680xf32, #tpu.memory_space<hbm>>) target_semaphore(%arg9 : memref<!tpu.dma_semaphore, #tpu.memory_space<semaphore_mem>>)
    %mul3A_319 = arith.constant 4 : i32
    %mul3A_320 = arith.muli %add3A, %mul3A_319 : i32
    %add3A_321 = arith.constant 0 : i32
    %add3A_322 = arith.addi %mul3A_320, %add3A_321 : i32
    %mul3A_323 = arith.constant 8 : i32
    %mul3A_324 = arith.muli %add3A_322, %mul3A_323 : i32
    %dma_wait3A_325 = arith.constant 61440 : i32
    %dma_wait3A_326 = tpu.memref_slice %arg2[%mul3A_324, %dma_wait3A_325] : memref<1024x100000xf32, #tpu.memory_space<hbm>> -> memref<8x7680xf32, #tpu.memory_space<hbm>>
    %dma_wait3A_327 = arith.constant 61440 : i32
    %dma_wait3A_328 = tpu.memref_slice %arg2[%mul3A_324, %dma_wait3A_327] : memref<1024x100000xf32, #tpu.memory_space<hbm>> -> memref<8x7680xf32, #tpu.memory_space<hbm>>
    tpu.wait_dma2 semaphore(%arg6 : memref<!tpu.dma_semaphore, #tpu.memory_space<semaphore_mem>>) src(%dma_wait3A_328 : memref<8x7680xf32, #tpu.memory_space<hbm>>) dst(%arg4 : memref<8x7680xf32, #tpu.memory_space<vmem>>)
    %mul3A_329 = arith.constant 4 : i32
    %mul3A_330 = arith.muli %add3A, %mul3A_329 : i32
    %add3A_331 = arith.constant 0 : i32
    %add3A_332 = arith.addi %mul3A_330, %add3A_331 : i32
    %mul3A_333 = arith.constant 8 : i32
    %mul3A_334 = arith.muli %add3A_332, %mul3A_333 : i32
    %dma_wait3A_335 = arith.constant 53760 : i32
    %dma_wait3A_336 = tpu.memref_slice %arg3[%mul3A_334, %dma_wait3A_335] : memref<1024x100000xf32, #tpu.memory_space<hbm>> -> memref<8x7680xf32, #tpu.memory_space<hbm>>
    %dma_wait3A_337 = arith.constant 53760 : i32
    %dma_wait3A_338 = tpu.memref_slice %arg3[%mul3A_334, %dma_wait3A_337] : memref<1024x100000xf32, #tpu.memory_space<hbm>> -> memref<8x7680xf32, #tpu.memory_space<hbm>>
    tpu.wait_dma2 semaphore(%arg9 : memref<!tpu.dma_semaphore, #tpu.memory_space<semaphore_mem>>) src(%arg5 : memref<8x7680xf32, #tpu.memory_space<vmem>>) dst(%dma_wait3A_338 : memref<8x7680xf32, #tpu.memory_space<hbm>>)
    %mul3A_339 = arith.constant 4 : i32
    %mul3A_340 = arith.muli %add3A, %mul3A_339 : i32
    %add3A_341 = arith.constant 0 : i32
    %add3A_342 = arith.addi %mul3A_340, %add3A_341 : i32
    %mul3A_343 = arith.constant 8 : i32
    %mul3A_344 = arith.muli %add3A_342, %mul3A_343 : i32
    %dma_start3A_345 = arith.constant 69120 : i32
    %dma_start3A_346 = tpu.memref_slice %arg2[%mul3A_344, %dma_start3A_345] : memref<1024x100000xf32, #tpu.memory_space<hbm>> -> memref<8x7680xf32, #tpu.memory_space<hbm>>
    %dma_start3A_347 = arith.constant 69120 : i32
    %dma_start3A_348 = tpu.memref_slice %arg2[%mul3A_344, %dma_start3A_347] : memref<1024x100000xf32, #tpu.memory_space<hbm>> -> memref<8x7680xf32, #tpu.memory_space<hbm>>
    tpu.enqueue_dma source(%dma_start3A_348 : memref<8x7680xf32, #tpu.memory_space<hbm>>) target(%arg5 : memref<8x7680xf32, #tpu.memory_space<vmem>>) target_semaphore(%arg8 : memref<!tpu.dma_semaphore, #tpu.memory_space<semaphore_mem>>)
    %mul3A_349 = arith.constant 4 : i32
    %mul3A_350 = arith.muli %add3A, %mul3A_349 : i32
    %add3A_351 = arith.constant 0 : i32
    %add3A_352 = arith.addi %mul3A_350, %add3A_351 : i32
    %mul3A_353 = arith.constant 8 : i32
    %mul3A_354 = arith.muli %add3A_352, %mul3A_353 : i32
    %dma_start3A_355 = arith.constant 61440 : i32
    %dma_start3A_356 = tpu.memref_slice %arg3[%mul3A_354, %dma_start3A_355] : memref<1024x100000xf32, #tpu.memory_space<hbm>> -> memref<8x7680xf32, #tpu.memory_space<hbm>>
    %dma_start3A_357 = arith.constant 61440 : i32
    %dma_start3A_358 = tpu.memref_slice %arg3[%mul3A_354, %dma_start3A_357] : memref<1024x100000xf32, #tpu.memory_space<hbm>> -> memref<8x7680xf32, #tpu.memory_space<hbm>>
    tpu.enqueue_dma source(%arg4 : memref<8x7680xf32, #tpu.memory_space<vmem>>) target(%dma_start3A_358 : memref<8x7680xf32, #tpu.memory_space<hbm>>) target_semaphore(%arg7 : memref<!tpu.dma_semaphore, #tpu.memory_space<semaphore_mem>>)
    %mul3A_359 = arith.constant 4 : i32
    %mul3A_360 = arith.muli %add3A, %mul3A_359 : i32
    %add3A_361 = arith.constant 0 : i32
    %add3A_362 = arith.addi %mul3A_360, %add3A_361 : i32
    %mul3A_363 = arith.constant 8 : i32
    %mul3A_364 = arith.muli %add3A_362, %mul3A_363 : i32
    %dma_wait3A_365 = arith.constant 69120 : i32
    %dma_wait3A_366 = tpu.memref_slice %arg2[%mul3A_364, %dma_wait3A_365] : memref<1024x100000xf32, #tpu.memory_space<hbm>> -> memref<8x7680xf32, #tpu.memory_space<hbm>>
    %dma_wait3A_367 = arith.constant 69120 : i32
    %dma_wait3A_368 = tpu.memref_slice %arg2[%mul3A_364, %dma_wait3A_367] : memref<1024x100000xf32, #tpu.memory_space<hbm>> -> memref<8x7680xf32, #tpu.memory_space<hbm>>
    tpu.wait_dma2 semaphore(%arg8 : memref<!tpu.dma_semaphore, #tpu.memory_space<semaphore_mem>>) src(%dma_wait3A_368 : memref<8x7680xf32, #tpu.memory_space<hbm>>) dst(%arg5 : memref<8x7680xf32, #tpu.memory_space<vmem>>)
    %mul3A_369 = arith.constant 4 : i32
    %mul3A_370 = arith.muli %add3A, %mul3A_369 : i32
    %add3A_371 = arith.constant 0 : i32
    %add3A_372 = arith.addi %mul3A_370, %add3A_371 : i32
    %mul3A_373 = arith.constant 8 : i32
    %mul3A_374 = arith.muli %add3A_372, %mul3A_373 : i32
    %dma_wait3A_375 = arith.constant 61440 : i32
    %dma_wait3A_376 = tpu.memref_slice %arg3[%mul3A_374, %dma_wait3A_375] : memref<1024x100000xf32, #tpu.memory_space<hbm>> -> memref<8x7680xf32, #tpu.memory_space<hbm>>
    %dma_wait3A_377 = arith.constant 61440 : i32
    %dma_wait3A_378 = tpu.memref_slice %arg3[%mul3A_374, %dma_wait3A_377] : memref<1024x100000xf32, #tpu.memory_space<hbm>> -> memref<8x7680xf32, #tpu.memory_space<hbm>>
    tpu.wait_dma2 semaphore(%arg7 : memref<!tpu.dma_semaphore, #tpu.memory_space<semaphore_mem>>) src(%arg4 : memref<8x7680xf32, #tpu.memory_space<vmem>>) dst(%dma_wait3A_378 : memref<8x7680xf32, #tpu.memory_space<hbm>>)
    %mul3A_379 = arith.constant 4 : i32
    %mul3A_380 = arith.muli %add3A, %mul3A_379 : i32
    %add3A_381 = arith.constant 0 : i32
    %add3A_382 = arith.addi %mul3A_380, %add3A_381 : i32
    %mul3A_383 = arith.constant 8 : i32
    %mul3A_384 = arith.muli %add3A_382, %mul3A_383 : i32
    %dma_start3A_385 = arith.constant 76800 : i32
    %dma_start3A_386 = tpu.memref_slice %arg2[%mul3A_384, %dma_start3A_385] : memref<1024x100000xf32, #tpu.memory_space<hbm>> -> memref<8x7680xf32, #tpu.memory_space<hbm>>
    %dma_start3A_387 = arith.constant 76800 : i32
    %dma_start3A_388 = tpu.memref_slice %arg2[%mul3A_384, %dma_start3A_387] : memref<1024x100000xf32, #tpu.memory_space<hbm>> -> memref<8x7680xf32, #tpu.memory_space<hbm>>
    tpu.enqueue_dma source(%dma_start3A_388 : memref<8x7680xf32, #tpu.memory_space<hbm>>) target(%arg4 : memref<8x7680xf32, #tpu.memory_space<vmem>>) target_semaphore(%arg6 : memref<!tpu.dma_semaphore, #tpu.memory_space<semaphore_mem>>)
    %mul3A_389 = arith.constant 4 : i32
    %mul3A_390 = arith.muli %add3A, %mul3A_389 : i32
    %add3A_391 = arith.constant 0 : i32
    %add3A_392 = arith.addi %mul3A_390, %add3A_391 : i32
    %mul3A_393 = arith.constant 8 : i32
    %mul3A_394 = arith.muli %add3A_392, %mul3A_393 : i32
    %dma_start3A_395 = arith.constant 69120 : i32
    %dma_start3A_396 = tpu.memref_slice %arg3[%mul3A_394, %dma_start3A_395] : memref<1024x100000xf32, #tpu.memory_space<hbm>> -> memref<8x7680xf32, #tpu.memory_space<hbm>>
    %dma_start3A_397 = arith.constant 69120 : i32
    %dma_start3A_398 = tpu.memref_slice %arg3[%mul3A_394, %dma_start3A_397] : memref<1024x100000xf32, #tpu.memory_space<hbm>> -> memref<8x7680xf32, #tpu.memory_space<hbm>>
    tpu.enqueue_dma source(%arg5 : memref<8x7680xf32, #tpu.memory_space<vmem>>) target(%dma_start3A_398 : memref<8x7680xf32, #tpu.memory_space<hbm>>) target_semaphore(%arg9 : memref<!tpu.dma_semaphore, #tpu.memory_space<semaphore_mem>>)
    %mul3A_399 = arith.constant 4 : i32
    %mul3A_400 = arith.muli %add3A, %mul3A_399 : i32
    %add3A_401 = arith.constant 0 : i32
    %add3A_402 = arith.addi %mul3A_400, %add3A_401 : i32
    %mul3A_403 = arith.constant 8 : i32
    %mul3A_404 = arith.muli %add3A_402, %mul3A_403 : i32
    %dma_wait3A_405 = arith.constant 76800 : i32
    %dma_wait3A_406 = tpu.memref_slice %arg2[%mul3A_404, %dma_wait3A_405] : memref<1024x100000xf32, #tpu.memory_space<hbm>> -> memref<8x7680xf32, #tpu.memory_space<hbm>>
    %dma_wait3A_407 = arith.constant 76800 : i32
    %dma_wait3A_408 = tpu.memref_slice %arg2[%mul3A_404, %dma_wait3A_407] : memref<1024x100000xf32, #tpu.memory_space<hbm>> -> memref<8x7680xf32, #tpu.memory_space<hbm>>
    tpu.wait_dma2 semaphore(%arg6 : memref<!tpu.dma_semaphore, #tpu.memory_space<semaphore_mem>>) src(%dma_wait3A_408 : memref<8x7680xf32, #tpu.memory_space<hbm>>) dst(%arg4 : memref<8x7680xf32, #tpu.memory_space<vmem>>)
    %mul3A_409 = arith.constant 4 : i32
    %mul3A_410 = arith.muli %add3A, %mul3A_409 : i32
    %add3A_411 = arith.constant 0 : i32
    %add3A_412 = arith.addi %mul3A_410, %add3A_411 : i32
    %mul3A_413 = arith.constant 8 : i32
    %mul3A_414 = arith.muli %add3A_412, %mul3A_413 : i32
    %dma_wait3A_415 = arith.constant 69120 : i32
    %dma_wait3A_416 = tpu.memref_slice %arg3[%mul3A_414, %dma_wait3A_415] : memref<1024x100000xf32, #tpu.memory_space<hbm>> -> memref<8x7680xf32, #tpu.memory_space<hbm>>
    %dma_wait3A_417 = arith.constant 69120 : i32
    %dma_wait3A_418 = tpu.memref_slice %arg3[%mul3A_414, %dma_wait3A_417] : memref<1024x100000xf32, #tpu.memory_space<hbm>> -> memref<8x7680xf32, #tpu.memory_space<hbm>>
    tpu.wait_dma2 semaphore(%arg9 : memref<!tpu.dma_semaphore, #tpu.memory_space<semaphore_mem>>) src(%arg5 : memref<8x7680xf32, #tpu.memory_space<vmem>>) dst(%dma_wait3A_418 : memref<8x7680xf32, #tpu.memory_space<hbm>>)
    %mul3A_419 = arith.constant 4 : i32
    %mul3A_420 = arith.muli %add3A, %mul3A_419 : i32
    %add3A_421 = arith.constant 0 : i32
    %add3A_422 = arith.addi %mul3A_420, %add3A_421 : i32
    %mul3A_423 = arith.constant 8 : i32
    %mul3A_424 = arith.muli %add3A_422, %mul3A_423 : i32
    %dma_start3A_425 = arith.constant 84480 : i32
    %dma_start3A_426 = tpu.memref_slice %arg2[%mul3A_424, %dma_start3A_425] : memref<1024x100000xf32, #tpu.memory_space<hbm>> -> memref<8x7680xf32, #tpu.memory_space<hbm>>
    %dma_start3A_427 = arith.constant 84480 : i32
    %dma_start3A_428 = tpu.memref_slice %arg2[%mul3A_424, %dma_start3A_427] : memref<1024x100000xf32, #tpu.memory_space<hbm>> -> memref<8x7680xf32, #tpu.memory_space<hbm>>
    tpu.enqueue_dma source(%dma_start3A_428 : memref<8x7680xf32, #tpu.memory_space<hbm>>) target(%arg5 : memref<8x7680xf32, #tpu.memory_space<vmem>>) target_semaphore(%arg8 : memref<!tpu.dma_semaphore, #tpu.memory_space<semaphore_mem>>)
    %mul3A_429 = arith.constant 4 : i32
    %mul3A_430 = arith.muli %add3A, %mul3A_429 : i32
    %add3A_431 = arith.constant 0 : i32
    %add3A_432 = arith.addi %mul3A_430, %add3A_431 : i32
    %mul3A_433 = arith.constant 8 : i32
    %mul3A_434 = arith.muli %add3A_432, %mul3A_433 : i32
    %dma_start3A_435 = arith.constant 76800 : i32
    %dma_start3A_436 = tpu.memref_slice %arg3[%mul3A_434, %dma_start3A_435] : memref<1024x100000xf32, #tpu.memory_space<hbm>> -> memref<8x7680xf32, #tpu.memory_space<hbm>>
    %dma_start3A_437 = arith.constant 76800 : i32
    %dma_start3A_438 = tpu.memref_slice %arg3[%mul3A_434, %dma_start3A_437] : memref<1024x100000xf32, #tpu.memory_space<hbm>> -> memref<8x7680xf32, #tpu.memory_space<hbm>>
    tpu.enqueue_dma source(%arg4 : memref<8x7680xf32, #tpu.memory_space<vmem>>) target(%dma_start3A_438 : memref<8x7680xf32, #tpu.memory_space<hbm>>) target_semaphore(%arg7 : memref<!tpu.dma_semaphore, #tpu.memory_space<semaphore_mem>>)
    %mul3A_439 = arith.constant 4 : i32
    %mul3A_440 = arith.muli %add3A, %mul3A_439 : i32
    %add3A_441 = arith.constant 0 : i32
    %add3A_442 = arith.addi %mul3A_440, %add3A_441 : i32
    %mul3A_443 = arith.constant 8 : i32
    %mul3A_444 = arith.muli %add3A_442, %mul3A_443 : i32
    %dma_wait3A_445 = arith.constant 84480 : i32
    %dma_wait3A_446 = tpu.memref_slice %arg2[%mul3A_444, %dma_wait3A_445] : memref<1024x100000xf32, #tpu.memory_space<hbm>> -> memref<8x7680xf32, #tpu.memory_space<hbm>>
    %dma_wait3A_447 = arith.constant 84480 : i32
    %dma_wait3A_448 = tpu.memref_slice %arg2[%mul3A_444, %dma_wait3A_447] : memref<1024x100000xf32, #tpu.memory_space<hbm>> -> memref<8x7680xf32, #tpu.memory_space<hbm>>
    tpu.wait_dma2 semaphore(%arg8 : memref<!tpu.dma_semaphore, #tpu.memory_space<semaphore_mem>>) src(%dma_wait3A_448 : memref<8x7680xf32, #tpu.memory_space<hbm>>) dst(%arg5 : memref<8x7680xf32, #tpu.memory_space<vmem>>)
    %mul3A_449 = arith.constant 4 : i32
    %mul3A_450 = arith.muli %add3A, %mul3A_449 : i32
    %add3A_451 = arith.constant 0 : i32
    %add3A_452 = arith.addi %mul3A_450, %add3A_451 : i32
    %mul3A_453 = arith.constant 8 : i32
    %mul3A_454 = arith.muli %add3A_452, %mul3A_453 : i32
    %dma_wait3A_455 = arith.constant 76800 : i32
    %dma_wait3A_456 = tpu.memref_slice %arg3[%mul3A_454, %dma_wait3A_455] : memref<1024x100000xf32, #tpu.memory_space<hbm>> -> memref<8x7680xf32, #tpu.memory_space<hbm>>
    %dma_wait3A_457 = arith.constant 76800 : i32
    %dma_wait3A_458 = tpu.memref_slice %arg3[%mul3A_454, %dma_wait3A_457] : memref<1024x100000xf32, #tpu.memory_space<hbm>> -> memref<8x7680xf32, #tpu.memory_space<hbm>>
    tpu.wait_dma2 semaphore(%arg7 : memref<!tpu.dma_semaphore, #tpu.memory_space<semaphore_mem>>) src(%arg4 : memref<8x7680xf32, #tpu.memory_space<vmem>>) dst(%dma_wait3A_458 : memref<8x7680xf32, #tpu.memory_space<hbm>>)
    %mul3A_459 = arith.constant 4 : i32
    %mul3A_460 = arith.muli %add3A, %mul3A_459 : i32
    %add3A_461 = arith.constant 0 : i32
    %add3A_462 = arith.addi %mul3A_460, %add3A_461 : i32
    %mul3A_463 = arith.constant 8 : i32
    %mul3A_464 = arith.muli %add3A_462, %mul3A_463 : i32
    %dma_start3A_465 = arith.constant 92160 : i32
    %dma_start3A_466 = tpu.memref_slice %arg2[%mul3A_464, %dma_start3A_465] : memref<1024x100000xf32, #tpu.memory_space<hbm>> -> memref<8x7680xf32, #tpu.memory_space<hbm>>
    %dma_start3A_467 = arith.constant 92160 : i32
    %dma_start3A_468 = tpu.memref_slice %arg2[%mul3A_464, %dma_start3A_467] : memref<1024x100000xf32, #tpu.memory_space<hbm>> -> memref<8x7680xf32, #tpu.memory_space<hbm>>
    tpu.enqueue_dma source(%dma_start3A_468 : memref<8x7680xf32, #tpu.memory_space<hbm>>) target(%arg4 : memref<8x7680xf32, #tpu.memory_space<vmem>>) target_semaphore(%arg6 : memref<!tpu.dma_semaphore, #tpu.memory_space<semaphore_mem>>)
    %mul3A_469 = arith.constant 4 : i32
    %mul3A_470 = arith.muli %add3A, %mul3A_469 : i32
    %add3A_471 = arith.constant 0 : i32
    %add3A_472 = arith.addi %mul3A_470, %add3A_471 : i32
    %mul3A_473 = arith.constant 8 : i32
    %mul3A_474 = arith.muli %add3A_472, %mul3A_473 : i32
    %dma_start3A_475 = arith.constant 84480 : i32
    %dma_start3A_476 = tpu.memref_slice %arg3[%mul3A_474, %dma_start3A_475] : memref<1024x100000xf32, #tpu.memory_space<hbm>> -> memref<8x7680xf32, #tpu.memory_space<hbm>>
    %dma_start3A_477 = arith.constant 84480 : i32
    %dma_start3A_478 = tpu.memref_slice %arg3[%mul3A_474, %dma_start3A_477] : memref<1024x100000xf32, #tpu.memory_space<hbm>> -> memref<8x7680xf32, #tpu.memory_space<hbm>>
    tpu.enqueue_dma source(%arg5 : memref<8x7680xf32, #tpu.memory_space<vmem>>) target(%dma_start3A_478 : memref<8x7680xf32, #tpu.memory_space<hbm>>) target_semaphore(%arg9 : memref<!tpu.dma_semaphore, #tpu.memory_space<semaphore_mem>>)
    %mul3A_479 = arith.constant 4 : i32
    %mul3A_480 = arith.muli %add3A, %mul3A_479 : i32
    %add3A_481 = arith.constant 0 : i32
    %add3A_482 = arith.addi %mul3A_480, %add3A_481 : i32
    %mul3A_483 = arith.constant 8 : i32
    %mul3A_484 = arith.muli %add3A_482, %mul3A_483 : i32
    %dma_wait3A_485 = arith.constant 92160 : i32
    %dma_wait3A_486 = tpu.memref_slice %arg2[%mul3A_484, %dma_wait3A_485] : memref<1024x100000xf32, #tpu.memory_space<hbm>> -> memref<8x7680xf32, #tpu.memory_space<hbm>>
    %dma_wait3A_487 = arith.constant 92160 : i32
    %dma_wait3A_488 = tpu.memref_slice %arg2[%mul3A_484, %dma_wait3A_487] : memref<1024x100000xf32, #tpu.memory_space<hbm>> -> memref<8x7680xf32, #tpu.memory_space<hbm>>
    tpu.wait_dma2 semaphore(%arg6 : memref<!tpu.dma_semaphore, #tpu.memory_space<semaphore_mem>>) src(%dma_wait3A_488 : memref<8x7680xf32, #tpu.memory_space<hbm>>) dst(%arg4 : memref<8x7680xf32, #tpu.memory_space<vmem>>)
    %mul3A_489 = arith.constant 4 : i32
    %mul3A_490 = arith.muli %add3A, %mul3A_489 : i32
    %add3A_491 = arith.constant 0 : i32
    %add3A_492 = arith.addi %mul3A_490, %add3A_491 : i32
    %mul3A_493 = arith.constant 8 : i32
    %mul3A_494 = arith.muli %add3A_492, %mul3A_493 : i32
    %dma_wait3A_495 = arith.constant 84480 : i32
    %dma_wait3A_496 = tpu.memref_slice %arg3[%mul3A_494, %dma_wait3A_495] : memref<1024x100000xf32, #tpu.memory_space<hbm>> -> memref<8x7680xf32, #tpu.memory_space<hbm>>
    %dma_wait3A_497 = arith.constant 84480 : i32
    %dma_wait3A_498 = tpu.memref_slice %arg3[%mul3A_494, %dma_wait3A_497] : memref<1024x100000xf32, #tpu.memory_space<hbm>> -> memref<8x7680xf32, #tpu.memory_space<hbm>>
    tpu.wait_dma2 semaphore(%arg9 : memref<!tpu.dma_semaphore, #tpu.memory_space<semaphore_mem>>) src(%arg5 : memref<8x7680xf32, #tpu.memory_space<vmem>>) dst(%dma_wait3A_498 : memref<8x7680xf32, #tpu.memory_space<hbm>>)
    %mul3A_499 = arith.constant 4 : i32
    %mul3A_500 = arith.muli %add3A, %mul3A_499 : i32
    %add3A_501 = arith.constant 1 : i32
    %add3A_502 = arith.addi %mul3A_500, %add3A_501 : i32
    %mul3A_503 = arith.constant 8 : i32
    %mul3A_504 = arith.muli %add3A_502, %mul3A_503 : i32
    %dma_start3A_505 = arith.constant 0 : i32
    %dma_start3A_506 = tpu.memref_slice %arg2[%mul3A_504, %dma_start3A_505] : memref<1024x100000xf32, #tpu.memory_space<hbm>> -> memref<8x7680xf32, #tpu.memory_space<hbm>>
    %dma_start3A_507 = arith.constant 0 : i32
    %dma_start3A_508 = tpu.memref_slice %arg2[%mul3A_504, %dma_start3A_507] : memref<1024x100000xf32, #tpu.memory_space<hbm>> -> memref<8x7680xf32, #tpu.memory_space<hbm>>
    tpu.enqueue_dma source(%dma_start3A_508 : memref<8x7680xf32, #tpu.memory_space<hbm>>) target(%arg5 : memref<8x7680xf32, #tpu.memory_space<vmem>>) target_semaphore(%arg8 : memref<!tpu.dma_semaphore, #tpu.memory_space<semaphore_mem>>)
    %mul3A_509 = arith.constant 4 : i32
    %mul3A_510 = arith.muli %add3A, %mul3A_509 : i32
    %add3A_511 = arith.constant 0 : i32
    %add3A_512 = arith.addi %mul3A_510, %add3A_511 : i32
    %mul3A_513 = arith.constant 8 : i32
    %mul3A_514 = arith.muli %add3A_512, %mul3A_513 : i32
    %dma_start3A_515 = arith.constant 92160 : i32
    %dma_start3A_516 = tpu.memref_slice %arg3[%mul3A_514, %dma_start3A_515] : memref<1024x100000xf32, #tpu.memory_space<hbm>> -> memref<8x7680xf32, #tpu.memory_space<hbm>>
    %dma_start3A_517 = arith.constant 92160 : i32
    %dma_start3A_518 = tpu.memref_slice %arg3[%mul3A_514, %dma_start3A_517] : memref<1024x100000xf32, #tpu.memory_space<hbm>> -> memref<8x7680xf32, #tpu.memory_space<hbm>>
    tpu.enqueue_dma source(%arg4 : memref<8x7680xf32, #tpu.memory_space<vmem>>) target(%dma_start3A_518 : memref<8x7680xf32, #tpu.memory_space<hbm>>) target_semaphore(%arg7 : memref<!tpu.dma_semaphore, #tpu.memory_space<semaphore_mem>>)
    %mul3A_519 = arith.constant 4 : i32
    %mul3A_520 = arith.muli %add3A, %mul3A_519 : i32
    %add3A_521 = arith.constant 1 : i32
    %add3A_522 = arith.addi %mul3A_520, %add3A_521 : i32
    %mul3A_523 = arith.constant 8 : i32
    %mul3A_524 = arith.muli %add3A_522, %mul3A_523 : i32
    %dma_wait3A_525 = arith.constant 0 : i32
    %dma_wait3A_526 = tpu.memref_slice %arg2[%mul3A_524, %dma_wait3A_525] : memref<1024x100000xf32, #tpu.memory_space<hbm>> -> memref<8x7680xf32, #tpu.memory_space<hbm>>
    %dma_wait3A_527 = arith.constant 0 : i32
    %dma_wait3A_528 = tpu.memref_slice %arg2[%mul3A_524, %dma_wait3A_527] : memref<1024x100000xf32, #tpu.memory_space<hbm>> -> memref<8x7680xf32, #tpu.memory_space<hbm>>
    tpu.wait_dma2 semaphore(%arg8 : memref<!tpu.dma_semaphore, #tpu.memory_space<semaphore_mem>>) src(%dma_wait3A_528 : memref<8x7680xf32, #tpu.memory_space<hbm>>) dst(%arg5 : memref<8x7680xf32, #tpu.memory_space<vmem>>)
    %mul3A_529 = arith.constant 4 : i32
    %mul3A_530 = arith.muli %add3A, %mul3A_529 : i32
    %add3A_531 = arith.constant 0 : i32
    %add3A_532 = arith.addi %mul3A_530, %add3A_531 : i32
    %mul3A_533 = arith.constant 8 : i32
    %mul3A_534 = arith.muli %add3A_532, %mul3A_533 : i32
    %dma_wait3A_535 = arith.constant 92160 : i32
    %dma_wait3A_536 = tpu.memref_slice %arg3[%mul3A_534, %dma_wait3A_535] : memref<1024x100000xf32, #tpu.memory_space<hbm>> -> memref<8x7680xf32, #tpu.memory_space<hbm>>
    %dma_wait3A_537 = arith.constant 92160 : i32
    %dma_wait3A_538 = tpu.memref_slice %arg3[%mul3A_534, %dma_wait3A_537] : memref<1024x100000xf32, #tpu.memory_space<hbm>> -> memref<8x7680xf32, #tpu.memory_space<hbm>>
    tpu.wait_dma2 semaphore(%arg7 : memref<!tpu.dma_semaphore, #tpu.memory_space<semaphore_mem>>) src(%arg4 : memref<8x7680xf32, #tpu.memory_space<vmem>>) dst(%dma_wait3A_538 : memref<8x7680xf32, #tpu.memory_space<hbm>>)
    %mul3A_539 = arith.constant 4 : i32
    %mul3A_540 = arith.muli %add3A, %mul3A_539 : i32
    %add3A_541 = arith.constant 1 : i32
    %add3A_542 = arith.addi %mul3A_540, %add3A_541 : i32
    %mul3A_543 = arith.constant 8 : i32
    %mul3A_544 = arith.muli %add3A_542, %mul3A_543 : i32
    %dma_start3A_545 = arith.constant 7680 : i32
    %dma_start3A_546 = tpu.memref_slice %arg2[%mul3A_544, %dma_start3A_545] : memref<1024x100000xf32, #tpu.memory_space<hbm>> -> memref<8x7680xf32, #tpu.memory_space<hbm>>
    %dma_start3A_547 = arith.constant 7680 : i32
    %dma_start3A_548 = tpu.memref_slice %arg2[%mul3A_544, %dma_start3A_547] : memref<1024x100000xf32, #tpu.memory_space<hbm>> -> memref<8x7680xf32, #tpu.memory_space<hbm>>
    tpu.enqueue_dma source(%dma_start3A_548 : memref<8x7680xf32, #tpu.memory_space<hbm>>) target(%arg4 : memref<8x7680xf32, #tpu.memory_space<vmem>>) target_semaphore(%arg6 : memref<!tpu.dma_semaphore, #tpu.memory_space<semaphore_mem>>)
    %mul3A_549 = arith.constant 4 : i32
    %mul3A_550 = arith.muli %add3A, %mul3A_549 : i32
    %add3A_551 = arith.constant 1 : i32
    %add3A_552 = arith.addi %mul3A_550, %add3A_551 : i32
    %mul3A_553 = arith.constant 8 : i32
    %mul3A_554 = arith.muli %add3A_552, %mul3A_553 : i32
    %dma_start3A_555 = arith.constant 0 : i32
    %dma_start3A_556 = tpu.memref_slice %arg3[%mul3A_554, %dma_start3A_555] : memref<1024x100000xf32, #tpu.memory_space<hbm>> -> memref<8x7680xf32, #tpu.memory_space<hbm>>
    %dma_start3A_557 = arith.constant 0 : i32
    %dma_start3A_558 = tpu.memref_slice %arg3[%mul3A_554, %dma_start3A_557] : memref<1024x100000xf32, #tpu.memory_space<hbm>> -> memref<8x7680xf32, #tpu.memory_space<hbm>>
    tpu.enqueue_dma source(%arg5 : memref<8x7680xf32, #tpu.memory_space<vmem>>) target(%dma_start3A_558 : memref<8x7680xf32, #tpu.memory_space<hbm>>) target_semaphore(%arg9 : memref<!tpu.dma_semaphore, #tpu.memory_space<semaphore_mem>>)
    %mul3A_559 = arith.constant 4 : i32
    %mul3A_560 = arith.muli %add3A, %mul3A_559 : i32
    %add3A_561 = arith.constant 1 : i32
    %add3A_562 = arith.addi %mul3A_560, %add3A_561 : i32
    %mul3A_563 = arith.constant 8 : i32
    %mul3A_564 = arith.muli %add3A_562, %mul3A_563 : i32
    %dma_wait3A_565 = arith.constant 7680 : i32
    %dma_wait3A_566 = tpu.memref_slice %arg2[%mul3A_564, %dma_wait3A_565] : memref<1024x100000xf32, #tpu.memory_space<hbm>> -> memref<8x7680xf32, #tpu.memory_space<hbm>>
    %dma_wait3A_567 = arith.constant 7680 : i32
    %dma_wait3A_568 = tpu.memref_slice %arg2[%mul3A_564, %dma_wait3A_567] : memref<1024x100000xf32, #tpu.memory_space<hbm>> -> memref<8x7680xf32, #tpu.memory_space<hbm>>
    tpu.wait_dma2 semaphore(%arg6 : memref<!tpu.dma_semaphore, #tpu.memory_space<semaphore_mem>>) src(%dma_wait3A_568 : memref<8x7680xf32, #tpu.memory_space<hbm>>) dst(%arg4 : memref<8x7680xf32, #tpu.memory_space<vmem>>)
    %mul3A_569 = arith.constant 4 : i32
    %mul3A_570 = arith.muli %add3A, %mul3A_569 : i32
    %add3A_571 = arith.constant 1 : i32
    %add3A_572 = arith.addi %mul3A_570, %add3A_571 : i32
    %mul3A_573 = arith.constant 8 : i32
    %mul3A_574 = arith.muli %add3A_572, %mul3A_573 : i32
    %dma_wait3A_575 = arith.constant 0 : i32
    %dma_wait3A_576 = tpu.memref_slice %arg3[%mul3A_574, %dma_wait3A_575] : memref<1024x100000xf32, #tpu.memory_space<hbm>> -> memref<8x7680xf32, #tpu.memory_space<hbm>>
    %dma_wait3A_577 = arith.constant 0 : i32
    %dma_wait3A_578 = tpu.memref_slice %arg3[%mul3A_574, %dma_wait3A_577] : memref<1024x100000xf32, #tpu.memory_space<hbm>> -> memref<8x7680xf32, #tpu.memory_space<hbm>>
    tpu.wait_dma2 semaphore(%arg9 : memref<!tpu.dma_semaphore, #tpu.memory_space<semaphore_mem>>) src(%arg5 : memref<8x7680xf32, #tpu.memory_space<vmem>>) dst(%dma_wait3A_578 : memref<8x7680xf32, #tpu.memory_space<hbm>>)
    %mul3A_579 = arith.constant 4 : i32
    %mul3A_580 = arith.muli %add3A, %mul3A_579 : i32
    %add3A_581 = arith.constant 1 : i32
    %add3A_582 = arith.addi %mul3A_580, %add3A_581 : i32
    %mul3A_583 = arith.constant 8 : i32
    %mul3A_584 = arith.muli %add3A_582, %mul3A_583 : i32
    %dma_start3A_585 = arith.constant 15360 : i32
    %dma_start3A_586 = tpu.memref_slice %arg2[%mul3A_584, %dma_start3A_585] : memref<1024x100000xf32, #tpu.memory_space<hbm>> -> memref<8x7680xf32, #tpu.memory_space<hbm>>
    %dma_start3A_587 = arith.constant 15360 : i32
    %dma_start3A_588 = tpu.memref_slice %arg2[%mul3A_584, %dma_start3A_587] : memref<1024x100000xf32, #tpu.memory_space<hbm>> -> memref<8x7680xf32, #tpu.memory_space<hbm>>
    tpu.enqueue_dma source(%dma_start3A_588 : memref<8x7680xf32, #tpu.memory_space<hbm>>) target(%arg5 : memref<8x7680xf32, #tpu.memory_space<vmem>>) target_semaphore(%arg8 : memref<!tpu.dma_semaphore, #tpu.memory_space<semaphore_mem>>)
    %mul3A_589 = arith.constant 4 : i32
    %mul3A_590 = arith.muli %add3A, %mul3A_589 : i32
    %add3A_591 = arith.constant 1 : i32
    %add3A_592 = arith.addi %mul3A_590, %add3A_591 : i32
    %mul3A_593 = arith.constant 8 : i32
    %mul3A_594 = arith.muli %add3A_592, %mul3A_593 : i32
    %dma_start3A_595 = arith.constant 7680 : i32
    %dma_start3A_596 = tpu.memref_slice %arg3[%mul3A_594, %dma_start3A_595] : memref<1024x100000xf32, #tpu.memory_space<hbm>> -> memref<8x7680xf32, #tpu.memory_space<hbm>>
    %dma_start3A_597 = arith.constant 7680 : i32
    %dma_start3A_598 = tpu.memref_slice %arg3[%mul3A_594, %dma_start3A_597] : memref<1024x100000xf32, #tpu.memory_space<hbm>> -> memref<8x7680xf32, #tpu.memory_space<hbm>>
    tpu.enqueue_dma source(%arg4 : memref<8x7680xf32, #tpu.memory_space<vmem>>) target(%dma_start3A_598 : memref<8x7680xf32, #tpu.memory_space<hbm>>) target_semaphore(%arg7 : memref<!tpu.dma_semaphore, #tpu.memory_space<semaphore_mem>>)
    %mul3A_599 = arith.constant 4 : i32
    %mul3A_600 = arith.muli %add3A, %mul3A_599 : i32
    %add3A_601 = arith.constant 1 : i32
    %add3A_602 = arith.addi %mul3A_600, %add3A_601 : i32
    %mul3A_603 = arith.constant 8 : i32
    %mul3A_604 = arith.muli %add3A_602, %mul3A_603 : i32
    %dma_wait3A_605 = arith.constant 15360 : i32
    %dma_wait3A_606 = tpu.memref_slice %arg2[%mul3A_604, %dma_wait3A_605] : memref<1024x100000xf32, #tpu.memory_space<hbm>> -> memref<8x7680xf32, #tpu.memory_space<hbm>>
    %dma_wait3A_607 = arith.constant 15360 : i32
    %dma_wait3A_608 = tpu.memref_slice %arg2[%mul3A_604, %dma_wait3A_607] : memref<1024x100000xf32, #tpu.memory_space<hbm>> -> memref<8x7680xf32, #tpu.memory_space<hbm>>
    tpu.wait_dma2 semaphore(%arg8 : memref<!tpu.dma_semaphore, #tpu.memory_space<semaphore_mem>>) src(%dma_wait3A_608 : memref<8x7680xf32, #tpu.memory_space<hbm>>) dst(%arg5 : memref<8x7680xf32, #tpu.memory_space<vmem>>)
    %mul3A_609 = arith.constant 4 : i32
    %mul3A_610 = arith.muli %add3A, %mul3A_609 : i32
    %add3A_611 = arith.constant 1 : i32
    %add3A_612 = arith.addi %mul3A_610, %add3A_611 : i32
    %mul3A_613 = arith.constant 8 : i32
    %mul3A_614 = arith.muli %add3A_612, %mul3A_613 : i32
    %dma_wait3A_615 = arith.constant 7680 : i32
    %dma_wait3A_616 = tpu.memref_slice %arg3[%mul3A_614, %dma_wait3A_615] : memref<1024x100000xf32, #tpu.memory_space<hbm>> -> memref<8x7680xf32, #tpu.memory_space<hbm>>
    %dma_wait3A_617 = arith.constant 7680 : i32
    %dma_wait3A_618 = tpu.memref_slice %arg3[%mul3A_614, %dma_wait3A_617] : memref<1024x100000xf32, #tpu.memory_space<hbm>> -> memref<8x7680xf32, #tpu.memory_space<hbm>>
    tpu.wait_dma2 semaphore(%arg7 : memref<!tpu.dma_semaphore, #tpu.memory_space<semaphore_mem>>) src(%arg4 : memref<8x7680xf32, #tpu.memory_space<vmem>>) dst(%dma_wait3A_618 : memref<8x7680xf32, #tpu.memory_space<hbm>>)
    %mul3A_619 = arith.constant 4 : i32
    %mul3A_620 = arith.muli %add3A, %mul3A_619 : i32
    %add3A_621 = arith.constant 1 : i32
    %add3A_622 = arith.addi %mul3A_620, %add3A_621 : i32
    %mul3A_623 = arith.constant 8 : i32
    %mul3A_624 = arith.muli %add3A_622, %mul3A_623 : i32
    %dma_start3A_625 = arith.constant 23040 : i32
    %dma_start3A_626 = tpu.memref_slice %arg2[%mul3A_624, %dma_start3A_625] : memref<1024x100000xf32, #tpu.memory_space<hbm>> -> memref<8x7680xf32, #tpu.memory_space<hbm>>
    %dma_start3A_627 = arith.constant 23040 : i32
    %dma_start3A_628 = tpu.memref_slice %arg2[%mul3A_624, %dma_start3A_627] : memref<1024x100000xf32, #tpu.memory_space<hbm>> -> memref<8x7680xf32, #tpu.memory_space<hbm>>
    tpu.enqueue_dma source(%dma_start3A_628 : memref<8x7680xf32, #tpu.memory_space<hbm>>) target(%arg4 : memref<8x7680xf32, #tpu.memory_space<vmem>>) target_semaphore(%arg6 : memref<!tpu.dma_semaphore, #tpu.memory_space<semaphore_mem>>)
    %mul3A_629 = arith.constant 4 : i32
    %mul3A_630 = arith.muli %add3A, %mul3A_629 : i32
    %add3A_631 = arith.constant 1 : i32
    %add3A_632 = arith.addi %mul3A_630, %add3A_631 : i32
    %mul3A_633 = arith.constant 8 : i32
    %mul3A_634 = arith.muli %add3A_632, %mul3A_633 : i32
    %dma_start3A_635 = arith.constant 15360 : i32
    %dma_start3A_636 = tpu.memref_slice %arg3[%mul3A_634, %dma_start3A_635] : memref<1024x100000xf32, #tpu.memory_space<hbm>> -> memref<8x7680xf32, #tpu.memory_space<hbm>>
    %dma_start3A_637 = arith.constant 15360 : i32
    %dma_start3A_638 = tpu.memref_slice %arg3[%mul3A_634, %dma_start3A_637] : memref<1024x100000xf32, #tpu.memory_space<hbm>> -> memref<8x7680xf32, #tpu.memory_space<hbm>>
    tpu.enqueue_dma source(%arg5 : memref<8x7680xf32, #tpu.memory_space<vmem>>) target(%dma_start3A_638 : memref<8x7680xf32, #tpu.memory_space<hbm>>) target_semaphore(%arg9 : memref<!tpu.dma_semaphore, #tpu.memory_space<semaphore_mem>>)
    %mul3A_639 = arith.constant 4 : i32
    %mul3A_640 = arith.muli %add3A, %mul3A_639 : i32
    %add3A_641 = arith.constant 1 : i32
    %add3A_642 = arith.addi %mul3A_640, %add3A_641 : i32
    %mul3A_643 = arith.constant 8 : i32
    %mul3A_644 = arith.muli %add3A_642, %mul3A_643 : i32
    %dma_wait3A_645 = arith.constant 23040 : i32
    %dma_wait3A_646 = tpu.memref_slice %arg2[%mul3A_644, %dma_wait3A_645] : memref<1024x100000xf32, #tpu.memory_space<hbm>> -> memref<8x7680xf32, #tpu.memory_space<hbm>>
    %dma_wait3A_647 = arith.constant 23040 : i32
    %dma_wait3A_648 = tpu.memref_slice %arg2[%mul3A_644, %dma_wait3A_647] : memref<1024x100000xf32, #tpu.memory_space<hbm>> -> memref<8x7680xf32, #tpu.memory_space<hbm>>
    tpu.wait_dma2 semaphore(%arg6 : memref<!tpu.dma_semaphore, #tpu.memory_space<semaphore_mem>>) src(%dma_wait3A_648 : memref<8x7680xf32, #tpu.memory_space<hbm>>) dst(%arg4 : memref<8x7680xf32, #tpu.memory_space<vmem>>)
    %mul3A_649 = arith.constant 4 : i32
    %mul3A_650 = arith.muli %add3A, %mul3A_649 : i32
    %add3A_651 = arith.constant 1 : i32
    %add3A_652 = arith.addi %mul3A_650, %add3A_651 : i32
    %mul3A_653 = arith.constant 8 : i32
    %mul3A_654 = arith.muli %add3A_652, %mul3A_653 : i32
    %dma_wait3A_655 = arith.constant 15360 : i32
    %dma_wait3A_656 = tpu.memref_slice %arg3[%mul3A_654, %dma_wait3A_655] : memref<1024x100000xf32, #tpu.memory_space<hbm>> -> memref<8x7680xf32, #tpu.memory_space<hbm>>
    %dma_wait3A_657 = arith.constant 15360 : i32
    %dma_wait3A_658 = tpu.memref_slice %arg3[%mul3A_654, %dma_wait3A_657] : memref<1024x100000xf32, #tpu.memory_space<hbm>> -> memref<8x7680xf32, #tpu.memory_space<hbm>>
    tpu.wait_dma2 semaphore(%arg9 : memref<!tpu.dma_semaphore, #tpu.memory_space<semaphore_mem>>) src(%arg5 : memref<8x7680xf32, #tpu.memory_space<vmem>>) dst(%dma_wait3A_658 : memref<8x7680xf32, #tpu.memory_space<hbm>>)
    %mul3A_659 = arith.constant 4 : i32
    %mul3A_660 = arith.muli %add3A, %mul3A_659 : i32
    %add3A_661 = arith.constant 1 : i32
    %add3A_662 = arith.addi %mul3A_660, %add3A_661 : i32
    %mul3A_663 = arith.constant 8 : i32
    %mul3A_664 = arith.muli %add3A_662, %mul3A_663 : i32
    %dma_start3A_665 = arith.constant 30720 : i32
    %dma_start3A_666 = tpu.memref_slice %arg2[%mul3A_664, %dma_start3A_665] : memref<1024x100000xf32, #tpu.memory_space<hbm>> -> memref<8x7680xf32, #tpu.memory_space<hbm>>
    %dma_start3A_667 = arith.constant 30720 : i32
    %dma_start3A_668 = tpu.memref_slice %arg2[%mul3A_664, %dma_start3A_667] : memref<1024x100000xf32, #tpu.memory_space<hbm>> -> memref<8x7680xf32, #tpu.memory_space<hbm>>
    tpu.enqueue_dma source(%dma_start3A_668 : memref<8x7680xf32, #tpu.memory_space<hbm>>) target(%arg5 : memref<8x7680xf32, #tpu.memory_space<vmem>>) target_semaphore(%arg8 : memref<!tpu.dma_semaphore, #tpu.memory_space<semaphore_mem>>)
    %mul3A_669 = arith.constant 4 : i32
    %mul3A_670 = arith.muli %add3A, %mul3A_669 : i32
    %add3A_671 = arith.constant 1 : i32
    %add3A_672 = arith.addi %mul3A_670, %add3A_671 : i32
    %mul3A_673 = arith.constant 8 : i32
    %mul3A_674 = arith.muli %add3A_672, %mul3A_673 : i32
    %dma_start3A_675 = arith.constant 23040 : i32
    %dma_start3A_676 = tpu.memref_slice %arg3[%mul3A_674, %dma_start3A_675] : memref<1024x100000xf32, #tpu.memory_space<hbm>> -> memref<8x7680xf32, #tpu.memory_space<hbm>>
    %dma_start3A_677 = arith.constant 23040 : i32
    %dma_start3A_678 = tpu.memref_slice %arg3[%mul3A_674, %dma_start3A_677] : memref<1024x100000xf32, #tpu.memory_space<hbm>> -> memref<8x7680xf32, #tpu.memory_space<hbm>>
    tpu.enqueue_dma source(%arg4 : memref<8x7680xf32, #tpu.memory_space<vmem>>) target(%dma_start3A_678 : memref<8x7680xf32, #tpu.memory_space<hbm>>) target_semaphore(%arg7 : memref<!tpu.dma_semaphore, #tpu.memory_space<semaphore_mem>>)
    %mul3A_679 = arith.constant 4 : i32
    %mul3A_680 = arith.muli %add3A, %mul3A_679 : i32
    %add3A_681 = arith.constant 1 : i32
    %add3A_682 = arith.addi %mul3A_680, %add3A_681 : i32
    %mul3A_683 = arith.constant 8 : i32
    %mul3A_684 = arith.muli %add3A_682, %mul3A_683 : i32
    %dma_wait3A_685 = arith.constant 30720 : i32
    %dma_wait3A_686 = tpu.memref_slice %arg2[%mul3A_684, %dma_wait3A_685] : memref<1024x100000xf32, #tpu.memory_space<hbm>> -> memref<8x7680xf32, #tpu.memory_space<hbm>>
    %dma_wait3A_687 = arith.constant 30720 : i32
    %dma_wait3A_688 = tpu.memref_slice %arg2[%mul3A_684, %dma_wait3A_687] : memref<1024x100000xf32, #tpu.memory_space<hbm>> -> memref<8x7680xf32, #tpu.memory_space<hbm>>
    tpu.wait_dma2 semaphore(%arg8 : memref<!tpu.dma_semaphore, #tpu.memory_space<semaphore_mem>>) src(%dma_wait3A_688 : memref<8x7680xf32, #tpu.memory_space<hbm>>) dst(%arg5 : memref<8x7680xf32, #tpu.memory_space<vmem>>)
    %mul3A_689 = arith.constant 4 : i32
    %mul3A_690 = arith.muli %add3A, %mul3A_689 : i32
    %add3A_691 = arith.constant 1 : i32
    %add3A_692 = arith.addi %mul3A_690, %add3A_691 : i32
    %mul3A_693 = arith.constant 8 : i32
    %mul3A_694 = arith.muli %add3A_692, %mul3A_693 : i32
    %dma_wait3A_695 = arith.constant 23040 : i32
    %dma_wait3A_696 = tpu.memref_slice %arg3[%mul3A_694, %dma_wait3A_695] : memref<1024x100000xf32, #tpu.memory_space<hbm>> -> memref<8x7680xf32, #tpu.memory_space<hbm>>
    %dma_wait3A_697 = arith.constant 23040 : i32
    %dma_wait3A_698 = tpu.memref_slice %arg3[%mul3A_694, %dma_wait3A_697] : memref<1024x100000xf32, #tpu.memory_space<hbm>> -> memref<8x7680xf32, #tpu.memory_space<hbm>>
    tpu.wait_dma2 semaphore(%arg7 : memref<!tpu.dma_semaphore, #tpu.memory_space<semaphore_mem>>) src(%arg4 : memref<8x7680xf32, #tpu.memory_space<vmem>>) dst(%dma_wait3A_698 : memref<8x7680xf32, #tpu.memory_space<hbm>>)
    %mul3A_699 = arith.constant 4 : i32
    %mul3A_700 = arith.muli %add3A, %mul3A_699 : i32
    %add3A_701 = arith.constant 1 : i32
    %add3A_702 = arith.addi %mul3A_700, %add3A_701 : i32
    %mul3A_703 = arith.constant 8 : i32
    %mul3A_704 = arith.muli %add3A_702, %mul3A_703 : i32
    %dma_start3A_705 = arith.constant 38400 : i32
    %dma_start3A_706 = tpu.memref_slice %arg2[%mul3A_704, %dma_start3A_705] : memref<1024x100000xf32, #tpu.memory_space<hbm>> -> memref<8x7680xf32, #tpu.memory_space<hbm>>
    %dma_start3A_707 = arith.constant 38400 : i32
    %dma_start3A_708 = tpu.memref_slice %arg2[%mul3A_704, %dma_start3A_707] : memref<1024x100000xf32, #tpu.memory_space<hbm>> -> memref<8x7680xf32, #tpu.memory_space<hbm>>
    tpu.enqueue_dma source(%dma_start3A_708 : memref<8x7680xf32, #tpu.memory_space<hbm>>) target(%arg4 : memref<8x7680xf32, #tpu.memory_space<vmem>>) target_semaphore(%arg6 : memref<!tpu.dma_semaphore, #tpu.memory_space<semaphore_mem>>)
    %mul3A_709 = arith.constant 4 : i32
    %mul3A_710 = arith.muli %add3A, %mul3A_709 : i32
    %add3A_711 = arith.constant 1 : i32
    %add3A_712 = arith.addi %mul3A_710, %add3A_711 : i32
    %mul3A_713 = arith.constant 8 : i32
    %mul3A_714 = arith.muli %add3A_712, %mul3A_713 : i32
    %dma_start3A_715 = arith.constant 30720 : i32
    %dma_start3A_716 = tpu.memref_slice %arg3[%mul3A_714, %dma_start3A_715] : memref<1024x100000xf32, #tpu.memory_space<hbm>> -> memref<8x7680xf32, #tpu.memory_space<hbm>>
    %dma_start3A_717 = arith.constant 30720 : i32
    %dma_start3A_718 = tpu.memref_slice %arg3[%mul3A_714, %dma_start3A_717] : memref<1024x100000xf32, #tpu.memory_space<hbm>> -> memref<8x7680xf32, #tpu.memory_space<hbm>>
    tpu.enqueue_dma source(%arg5 : memref<8x7680xf32, #tpu.memory_space<vmem>>) target(%dma_start3A_718 : memref<8x7680xf32, #tpu.memory_space<hbm>>) target_semaphore(%arg9 : memref<!tpu.dma_semaphore, #tpu.memory_space<semaphore_mem>>)
    %mul3A_719 = arith.constant 4 : i32
    %mul3A_720 = arith.muli %add3A, %mul3A_719 : i32
    %add3A_721 = arith.constant 1 : i32
    %add3A_722 = arith.addi %mul3A_720, %add3A_721 : i32
    %mul3A_723 = arith.constant 8 : i32
    %mul3A_724 = arith.muli %add3A_722, %mul3A_723 : i32
    %dma_wait3A_725 = arith.constant 38400 : i32
    %dma_wait3A_726 = tpu.memref_slice %arg2[%mul3A_724, %dma_wait3A_725] : memref<1024x100000xf32, #tpu.memory_space<hbm>> -> memref<8x7680xf32, #tpu.memory_space<hbm>>
    %dma_wait3A_727 = arith.constant 38400 : i32
    %dma_wait3A_728 = tpu.memref_slice %arg2[%mul3A_724, %dma_wait3A_727] : memref<1024x100000xf32, #tpu.memory_space<hbm>> -> memref<8x7680xf32, #tpu.memory_space<hbm>>
    tpu.wait_dma2 semaphore(%arg6 : memref<!tpu.dma_semaphore, #tpu.memory_space<semaphore_mem>>) src(%dma_wait3A_728 : memref<8x7680xf32, #tpu.memory_space<hbm>>) dst(%arg4 : memref<8x7680xf32, #tpu.memory_space<vmem>>)
    %mul3A_729 = arith.constant 4 : i32
    %mul3A_730 = arith.muli %add3A, %mul3A_729 : i32
    %add3A_731 = arith.constant 1 : i32
    %add3A_732 = arith.addi %mul3A_730, %add3A_731 : i32
    %mul3A_733 = arith.constant 8 : i32
    %mul3A_734 = arith.muli %add3A_732, %mul3A_733 : i32
    %dma_wait3A_735 = arith.constant 30720 : i32
    %dma_wait3A_736 = tpu.memref_slice %arg3[%mul3A_734, %dma_wait3A_735] : memref<1024x100000xf32, #tpu.memory_space<hbm>> -> memref<8x7680xf32, #tpu.memory_space<hbm>>
    %dma_wait3A_737 = arith.constant 30720 : i32
    %dma_wait3A_738 = tpu.memref_slice %arg3[%mul3A_734, %dma_wait3A_737] : memref<1024x100000xf32, #tpu.memory_space<hbm>> -> memref<8x7680xf32, #tpu.memory_space<hbm>>
    tpu.wait_dma2 semaphore(%arg9 : memref<!tpu.dma_semaphore, #tpu.memory_space<semaphore_mem>>) src(%arg5 : memref<8x7680xf32, #tpu.memory_space<vmem>>) dst(%dma_wait3A_738 : memref<8x7680xf32, #tpu.memory_space<hbm>>)
    %mul3A_739 = arith.constant 4 : i32
    %mul3A_740 = arith.muli %add3A, %mul3A_739 : i32
    %add3A_741 = arith.constant 1 : i32
    %add3A_742 = arith.addi %mul3A_740, %add3A_741 : i32
    %mul3A_743 = arith.constant 8 : i32
    %mul3A_744 = arith.muli %add3A_742, %mul3A_743 : i32
    %dma_start3A_745 = arith.constant 46080 : i32
    %dma_start3A_746 = tpu.memref_slice %arg2[%mul3A_744, %dma_start3A_745] : memref<1024x100000xf32, #tpu.memory_space<hbm>> -> memref<8x7680xf32, #tpu.memory_space<hbm>>
    %dma_start3A_747 = arith.constant 46080 : i32
    %dma_start3A_748 = tpu.memref_slice %arg2[%mul3A_744, %dma_start3A_747] : memref<1024x100000xf32, #tpu.memory_space<hbm>> -> memref<8x7680xf32, #tpu.memory_space<hbm>>
    tpu.enqueue_dma source(%dma_start3A_748 : memref<8x7680xf32, #tpu.memory_space<hbm>>) target(%arg5 : memref<8x7680xf32, #tpu.memory_space<vmem>>) target_semaphore(%arg8 : memref<!tpu.dma_semaphore, #tpu.memory_space<semaphore_mem>>)
    %mul3A_749 = arith.constant 4 : i32
    %mul3A_750 = arith.muli %add3A, %mul3A_749 : i32
    %add3A_751 = arith.constant 1 : i32
    %add3A_752 = arith.addi %mul3A_750, %add3A_751 : i32
    %mul3A_753 = arith.constant 8 : i32
    %mul3A_754 = arith.muli %add3A_752, %mul3A_753 : i32
    %dma_start3A_755 = arith.constant 38400 : i32
    %dma_start3A_756 = tpu.memref_slice %arg3[%mul3A_754, %dma_start3A_755] : memref<1024x100000xf32, #tpu.memory_space<hbm>> -> memref<8x7680xf32, #tpu.memory_space<hbm>>
    %dma_start3A_757 = arith.constant 38400 : i32
    %dma_start3A_758 = tpu.memref_slice %arg3[%mul3A_754, %dma_start3A_757] : memref<1024x100000xf32, #tpu.memory_space<hbm>> -> memref<8x7680xf32, #tpu.memory_space<hbm>>
    tpu.enqueue_dma source(%arg4 : memref<8x7680xf32, #tpu.memory_space<vmem>>) target(%dma_start3A_758 : memref<8x7680xf32, #tpu.memory_space<hbm>>) target_semaphore(%arg7 : memref<!tpu.dma_semaphore, #tpu.memory_space<semaphore_mem>>)
    %mul3A_759 = arith.constant 4 : i32
    %mul3A_760 = arith.muli %add3A, %mul3A_759 : i32
    %add3A_761 = arith.constant 1 : i32
    %add3A_762 = arith.addi %mul3A_760, %add3A_761 : i32
    %mul3A_763 = arith.constant 8 : i32
    %mul3A_764 = arith.muli %add3A_762, %mul3A_763 : i32
    %dma_wait3A_765 = arith.constant 46080 : i32
    %dma_wait3A_766 = tpu.memref_slice %arg2[%mul3A_764, %dma_wait3A_765] : memref<1024x100000xf32, #tpu.memory_space<hbm>> -> memref<8x7680xf32, #tpu.memory_space<hbm>>
    %dma_wait3A_767 = arith.constant 46080 : i32
    %dma_wait3A_768 = tpu.memref_slice %arg2[%mul3A_764, %dma_wait3A_767] : memref<1024x100000xf32, #tpu.memory_space<hbm>> -> memref<8x7680xf32, #tpu.memory_space<hbm>>
    tpu.wait_dma2 semaphore(%arg8 : memref<!tpu.dma_semaphore, #tpu.memory_space<semaphore_mem>>) src(%dma_wait3A_768 : memref<8x7680xf32, #tpu.memory_space<hbm>>) dst(%arg5 : memref<8x7680xf32, #tpu.memory_space<vmem>>)
    %mul3A_769 = arith.constant 4 : i32
    %mul3A_770 = arith.muli %add3A, %mul3A_769 : i32
    %add3A_771 = arith.constant 1 : i32
    %add3A_772 = arith.addi %mul3A_770, %add3A_771 : i32
    %mul3A_773 = arith.constant 8 : i32
    %mul3A_774 = arith.muli %add3A_772, %mul3A_773 : i32
    %dma_wait3A_775 = arith.constant 38400 : i32
    %dma_wait3A_776 = tpu.memref_slice %arg3[%mul3A_774, %dma_wait3A_775] : memref<1024x100000xf32, #tpu.memory_space<hbm>> -> memref<8x7680xf32, #tpu.memory_space<hbm>>
    %dma_wait3A_777 = arith.constant 38400 : i32
    %dma_wait3A_778 = tpu.memref_slice %arg3[%mul3A_774, %dma_wait3A_777] : memref<1024x100000xf32, #tpu.memory_space<hbm>> -> memref<8x7680xf32, #tpu.memory_space<hbm>>
    tpu.wait_dma2 semaphore(%arg7 : memref<!tpu.dma_semaphore, #tpu.memory_space<semaphore_mem>>) src(%arg4 : memref<8x7680xf32, #tpu.memory_space<vmem>>) dst(%dma_wait3A_778 : memref<8x7680xf32, #tpu.memory_space<hbm>>)
    %mul3A_779 = arith.constant 4 : i32
    %mul3A_780 = arith.muli %add3A, %mul3A_779 : i32
    %add3A_781 = arith.constant 1 : i32
    %add3A_782 = arith.addi %mul3A_780, %add3A_781 : i32
    %mul3A_783 = arith.constant 8 : i32
    %mul3A_784 = arith.muli %add3A_782, %mul3A_783 : i32
    %dma_start3A_785 = arith.constant 53760 : i32
    %dma_start3A_786 = tpu.memref_slice %arg2[%mul3A_784, %dma_start3A_785] : memref<1024x100000xf32, #tpu.memory_space<hbm>> -> memref<8x7680xf32, #tpu.memory_space<hbm>>
    %dma_start3A_787 = arith.constant 53760 : i32
    %dma_start3A_788 = tpu.memref_slice %arg2[%mul3A_784, %dma_start3A_787] : memref<1024x100000xf32, #tpu.memory_space<hbm>> -> memref<8x7680xf32, #tpu.memory_space<hbm>>
    tpu.enqueue_dma source(%dma_start3A_788 : memref<8x7680xf32, #tpu.memory_space<hbm>>) target(%arg4 : memref<8x7680xf32, #tpu.memory_space<vmem>>) target_semaphore(%arg6 : memref<!tpu.dma_semaphore, #tpu.memory_space<semaphore_mem>>)
    %mul3A_789 = arith.constant 4 : i32
    %mul3A_790 = arith.muli %add3A, %mul3A_789 : i32
    %add3A_791 = arith.constant 1 : i32
    %add3A_792 = arith.addi %mul3A_790, %add3A_791 : i32
    %mul3A_793 = arith.constant 8 : i32
    %mul3A_794 = arith.muli %add3A_792, %mul3A_793 : i32
    %dma_start3A_795 = arith.constant 46080 : i32
    %dma_start3A_796 = tpu.memref_slice %arg3[%mul3A_794, %dma_start3A_795] : memref<1024x100000xf32, #tpu.memory_space<hbm>> -> memref<8x7680xf32, #tpu.memory_space<hbm>>
    %dma_start3A_797 = arith.constant 46080 : i32
    %dma_start3A_798 = tpu.memref_slice %arg3[%mul3A_794, %dma_start3A_797] : memref<1024x100000xf32, #tpu.memory_space<hbm>> -> memref<8x7680xf32, #tpu.memory_space<hbm>>
    tpu.enqueue_dma source(%arg5 : memref<8x7680xf32, #tpu.memory_space<vmem>>) target(%dma_start3A_798 : memref<8x7680xf32, #tpu.memory_space<hbm>>) target_semaphore(%arg9 : memref<!tpu.dma_semaphore, #tpu.memory_space<semaphore_mem>>)
    %mul3A_799 = arith.constant 4 : i32
    %mul3A_800 = arith.muli %add3A, %mul3A_799 : i32
    %add3A_801 = arith.constant 1 : i32
    %add3A_802 = arith.addi %mul3A_800, %add3A_801 : i32
    %mul3A_803 = arith.constant 8 : i32
    %mul3A_804 = arith.muli %add3A_802, %mul3A_803 : i32
    %dma_wait3A_805 = arith.constant 53760 : i32
    %dma_wait3A_806 = tpu.memref_slice %arg2[%mul3A_804, %dma_wait3A_805] : memref<1024x100000xf32, #tpu.memory_space<hbm>> -> memref<8x7680xf32, #tpu.memory_space<hbm>>
    %dma_wait3A_807 = arith.constant 53760 : i32
    %dma_wait3A_808 = tpu.memref_slice %arg2[%mul3A_804, %dma_wait3A_807] : memref<1024x100000xf32, #tpu.memory_space<hbm>> -> memref<8x7680xf32, #tpu.memory_space<hbm>>
    tpu.wait_dma2 semaphore(%arg6 : memref<!tpu.dma_semaphore, #tpu.memory_space<semaphore_mem>>) src(%dma_wait3A_808 : memref<8x7680xf32, #tpu.memory_space<hbm>>) dst(%arg4 : memref<8x7680xf32, #tpu.memory_space<vmem>>)
    %mul3A_809 = arith.constant 4 : i32
    %mul3A_810 = arith.muli %add3A, %mul3A_809 : i32
    %add3A_811 = arith.constant 1 : i32
    %add3A_812 = arith.addi %mul3A_810, %add3A_811 : i32
    %mul3A_813 = arith.constant 8 : i32
    %mul3A_814 = arith.muli %add3A_812, %mul3A_813 : i32
    %dma_wait3A_815 = arith.constant 46080 : i32
    %dma_wait3A_816 = tpu.memref_slice %arg3[%mul3A_814, %dma_wait3A_815] : memref<1024x100000xf32, #tpu.memory_space<hbm>> -> memref<8x7680xf32, #tpu.memory_space<hbm>>
    %dma_wait3A_817 = arith.constant 46080 : i32
    %dma_wait3A_818 = tpu.memref_slice %arg3[%mul3A_814, %dma_wait3A_817] : memref<1024x100000xf32, #tpu.memory_space<hbm>> -> memref<8x7680xf32, #tpu.memory_space<hbm>>
    tpu.wait_dma2 semaphore(%arg9 : memref<!tpu.dma_semaphore, #tpu.memory_space<semaphore_mem>>) src(%arg5 : memref<8x7680xf32, #tpu.memory_space<vmem>>) dst(%dma_wait3A_818 : memref<8x7680xf32, #tpu.memory_space<hbm>>)
    %mul3A_819 = arith.constant 4 : i32
    %mul3A_820 = arith.muli %add3A, %mul3A_819 : i32
    %add3A_821 = arith.constant 1 : i32
    %add3A_822 = arith.addi %mul3A_820, %add3A_821 : i32
    %mul3A_823 = arith.constant 8 : i32
    %mul3A_824 = arith.muli %add3A_822, %mul3A_823 : i32
    %dma_start3A_825 = arith.constant 61440 : i32
    %dma_start3A_826 = tpu.memref_slice %arg2[%mul3A_824, %dma_start3A_825] : memref<1024x100000xf32, #tpu.memory_space<hbm>> -> memref<8x7680xf32, #tpu.memory_space<hbm>>
    %dma_start3A_827 = arith.constant 61440 : i32
    %dma_start3A_828 = tpu.memref_slice %arg2[%mul3A_824, %dma_start3A_827] : memref<1024x100000xf32, #tpu.memory_space<hbm>> -> memref<8x7680xf32, #tpu.memory_space<hbm>>
    tpu.enqueue_dma source(%dma_start3A_828 : memref<8x7680xf32, #tpu.memory_space<hbm>>) target(%arg5 : memref<8x7680xf32, #tpu.memory_space<vmem>>) target_semaphore(%arg8 : memref<!tpu.dma_semaphore, #tpu.memory_space<semaphore_mem>>)
    %mul3A_829 = arith.constant 4 : i32
    %mul3A_830 = arith.muli %add3A, %mul3A_829 : i32
    %add3A_831 = arith.constant 1 : i32
    %add3A_832 = arith.addi %mul3A_830, %add3A_831 : i32
    %mul3A_833 = arith.constant 8 : i32
    %mul3A_834 = arith.muli %add3A_832, %mul3A_833 : i32
    %dma_start3A_835 = arith.constant 53760 : i32
    %dma_start3A_836 = tpu.memref_slice %arg3[%mul3A_834, %dma_start3A_835] : memref<1024x100000xf32, #tpu.memory_space<hbm>> -> memref<8x7680xf32, #tpu.memory_space<hbm>>
    %dma_start3A_837 = arith.constant 53760 : i32
    %dma_start3A_838 = tpu.memref_slice %arg3[%mul3A_834, %dma_start3A_837] : memref<1024x100000xf32, #tpu.memory_space<hbm>> -> memref<8x7680xf32, #tpu.memory_space<hbm>>
    tpu.enqueue_dma source(%arg4 : memref<8x7680xf32, #tpu.memory_space<vmem>>) target(%dma_start3A_838 : memref<8x7680xf32, #tpu.memory_space<hbm>>) target_semaphore(%arg7 : memref<!tpu.dma_semaphore, #tpu.memory_space<semaphore_mem>>)
    %mul3A_839 = arith.constant 4 : i32
    %mul3A_840 = arith.muli %add3A, %mul3A_839 : i32
    %add3A_841 = arith.constant 1 : i32
    %add3A_842 = arith.addi %mul3A_840, %add3A_841 : i32
    %mul3A_843 = arith.constant 8 : i32
    %mul3A_844 = arith.muli %add3A_842, %mul3A_843 : i32
    %dma_wait3A_845 = arith.constant 61440 : i32
    %dma_wait3A_846 = tpu.memref_slice %arg2[%mul3A_844, %dma_wait3A_845] : memref<1024x100000xf32, #tpu.memory_space<hbm>> -> memref<8x7680xf32, #tpu.memory_space<hbm>>
    %dma_wait3A_847 = arith.constant 61440 : i32
    %dma_wait3A_848 = tpu.memref_slice %arg2[%mul3A_844, %dma_wait3A_847] : memref<1024x100000xf32, #tpu.memory_space<hbm>> -> memref<8x7680xf32, #tpu.memory_space<hbm>>
    tpu.wait_dma2 semaphore(%arg8 : memref<!tpu.dma_semaphore, #tpu.memory_space<semaphore_mem>>) src(%dma_wait3A_848 : memref<8x7680xf32, #tpu.memory_space<hbm>>) dst(%arg5 : memref<8x7680xf32, #tpu.memory_space<vmem>>)
    %mul3A_849 = arith.constant 4 : i32
    %mul3A_850 = arith.muli %add3A, %mul3A_849 : i32
    %add3A_851 = arith.constant 1 : i32
    %add3A_852 = arith.addi %mul3A_850, %add3A_851 : i32
    %mul3A_853 = arith.constant 8 : i32
    %mul3A_854 = arith.muli %add3A_852, %mul3A_853 : i32
    %dma_wait3A_855 = arith.constant 53760 : i32
    %dma_wait3A_856 = tpu.memref_slice %arg3[%mul3A_854, %dma_wait3A_855] : memref<1024x100000xf32, #tpu.memory_space<hbm>> -> memref<8x7680xf32, #tpu.memory_space<hbm>>
    %dma_wait3A_857 = arith.constant 53760 : i32
    %dma_wait3A_858 = tpu.memref_slice %arg3[%mul3A_854, %dma_wait3A_857] : memref<1024x100000xf32, #tpu.memory_space<hbm>> -> memref<8x7680xf32, #tpu.memory_space<hbm>>
    tpu.wait_dma2 semaphore(%arg7 : memref<!tpu.dma_semaphore, #tpu.memory_space<semaphore_mem>>) src(%arg4 : memref<8x7680xf32, #tpu.memory_space<vmem>>) dst(%dma_wait3A_858 : memref<8x7680xf32, #tpu.memory_space<hbm>>)
    %mul3A_859 = arith.constant 4 : i32
    %mul3A_860 = arith.muli %add3A, %mul3A_859 : i32
    %add3A_861 = arith.constant 1 : i32
    %add3A_862 = arith.addi %mul3A_860, %add3A_861 : i32
    %mul3A_863 = arith.constant 8 : i32
    %mul3A_864 = arith.muli %add3A_862, %mul3A_863 : i32
    %dma_start3A_865 = arith.constant 69120 : i32
    %dma_start3A_866 = tpu.memref_slice %arg2[%mul3A_864, %dma_start3A_865] : memref<1024x100000xf32, #tpu.memory_space<hbm>> -> memref<8x7680xf32, #tpu.memory_space<hbm>>
    %dma_start3A_867 = arith.constant 69120 : i32
    %dma_start3A_868 = tpu.memref_slice %arg2[%mul3A_864, %dma_start3A_867] : memref<1024x100000xf32, #tpu.memory_space<hbm>> -> memref<8x7680xf32, #tpu.memory_space<hbm>>
    tpu.enqueue_dma source(%dma_start3A_868 : memref<8x7680xf32, #tpu.memory_space<hbm>>) target(%arg4 : memref<8x7680xf32, #tpu.memory_space<vmem>>) target_semaphore(%arg6 : memref<!tpu.dma_semaphore, #tpu.memory_space<semaphore_mem>>)
    %mul3A_869 = arith.constant 4 : i32
    %mul3A_870 = arith.muli %add3A, %mul3A_869 : i32
    %add3A_871 = arith.constant 1 : i32
    %add3A_872 = arith.addi %mul3A_870, %add3A_871 : i32
    %mul3A_873 = arith.constant 8 : i32
    %mul3A_874 = arith.muli %add3A_872, %mul3A_873 : i32
    %dma_start3A_875 = arith.constant 61440 : i32
    %dma_start3A_876 = tpu.memref_slice %arg3[%mul3A_874, %dma_start3A_875] : memref<1024x100000xf32, #tpu.memory_space<hbm>> -> memref<8x7680xf32, #tpu.memory_space<hbm>>
    %dma_start3A_877 = arith.constant 61440 : i32
    %dma_start3A_878 = tpu.memref_slice %arg3[%mul3A_874, %dma_start3A_877] : memref<1024x100000xf32, #tpu.memory_space<hbm>> -> memref<8x7680xf32, #tpu.memory_space<hbm>>
    tpu.enqueue_dma source(%arg5 : memref<8x7680xf32, #tpu.memory_space<vmem>>) target(%dma_start3A_878 : memref<8x7680xf32, #tpu.memory_space<hbm>>) target_semaphore(%arg9 : memref<!tpu.dma_semaphore, #tpu.memory_space<semaphore_mem>>)
    %mul3A_879 = arith.constant 4 : i32
    %mul3A_880 = arith.muli %add3A, %mul3A_879 : i32
    %add3A_881 = arith.constant 1 : i32
    %add3A_882 = arith.addi %mul3A_880, %add3A_881 : i32
    %mul3A_883 = arith.constant 8 : i32
    %mul3A_884 = arith.muli %add3A_882, %mul3A_883 : i32
    %dma_wait3A_885 = arith.constant 69120 : i32
    %dma_wait3A_886 = tpu.memref_slice %arg2[%mul3A_884, %dma_wait3A_885] : memref<1024x100000xf32, #tpu.memory_space<hbm>> -> memref<8x7680xf32, #tpu.memory_space<hbm>>
    %dma_wait3A_887 = arith.constant 69120 : i32
    %dma_wait3A_888 = tpu.memref_slice %arg2[%mul3A_884, %dma_wait3A_887] : memref<1024x100000xf32, #tpu.memory_space<hbm>> -> memref<8x7680xf32, #tpu.memory_space<hbm>>
    tpu.wait_dma2 semaphore(%arg6 : memref<!tpu.dma_semaphore, #tpu.memory_space<semaphore_mem>>) src(%dma_wait3A_888 : memref<8x7680xf32, #tpu.memory_space<hbm>>) dst(%arg4 : memref<8x7680xf32, #tpu.memory_space<vmem>>)
    %mul3A_889 = arith.constant 4 : i32
    %mul3A_890 = arith.muli %add3A, %mul3A_889 : i32
    %add3A_891 = arith.constant 1 : i32
    %add3A_892 = arith.addi %mul3A_890, %add3A_891 : i32
    %mul3A_893 = arith.constant 8 : i32
    %mul3A_894 = arith.muli %add3A_892, %mul3A_893 : i32
    %dma_wait3A_895 = arith.constant 61440 : i32
    %dma_wait3A_896 = tpu.memref_slice %arg3[%mul3A_894, %dma_wait3A_895] : memref<1024x100000xf32, #tpu.memory_space<hbm>> -> memref<8x7680xf32, #tpu.memory_space<hbm>>
    %dma_wait3A_897 = arith.constant 61440 : i32
    %dma_wait3A_898 = tpu.memref_slice %arg3[%mul3A_894, %dma_wait3A_897] : memref<1024x100000xf32, #tpu.memory_space<hbm>> -> memref<8x7680xf32, #tpu.memory_space<hbm>>
    tpu.wait_dma2 semaphore(%arg9 : memref<!tpu.dma_semaphore, #tpu.memory_space<semaphore_mem>>) src(%arg5 : memref<8x7680xf32, #tpu.memory_space<vmem>>) dst(%dma_wait3A_898 : memref<8x7680xf32, #tpu.memory_space<hbm>>)
    %mul3A_899 = arith.constant 4 : i32
    %mul3A_900 = arith.muli %add3A, %mul3A_899 : i32
    %add3A_901 = arith.constant 1 : i32
    %add3A_902 = arith.addi %mul3A_900, %add3A_901 : i32
    %mul3A_903 = arith.constant 8 : i32
    %mul3A_904 = arith.muli %add3A_902, %mul3A_903 : i32
    %dma_start3A_905 = arith.constant 76800 : i32
    %dma_start3A_906 = tpu.memref_slice %arg2[%mul3A_904, %dma_start3A_905] : memref<1024x100000xf32, #tpu.memory_space<hbm>> -> memref<8x7680xf32, #tpu.memory_space<hbm>>
    %dma_start3A_907 = arith.constant 76800 : i32
    %dma_start3A_908 = tpu.memref_slice %arg2[%mul3A_904, %dma_start3A_907] : memref<1024x100000xf32, #tpu.memory_space<hbm>> -> memref<8x7680xf32, #tpu.memory_space<hbm>>
    tpu.enqueue_dma source(%dma_start3A_908 : memref<8x7680xf32, #tpu.memory_space<hbm>>) target(%arg5 : memref<8x7680xf32, #tpu.memory_space<vmem>>) target_semaphore(%arg8 : memref<!tpu.dma_semaphore, #tpu.memory_space<semaphore_mem>>)
    %mul3A_909 = arith.constant 4 : i32
    %mul3A_910 = arith.muli %add3A, %mul3A_909 : i32
    %add3A_911 = arith.constant 1 : i32
    %add3A_912 = arith.addi %mul3A_910, %add3A_911 : i32
    %mul3A_913 = arith.constant 8 : i32
    %mul3A_914 = arith.muli %add3A_912, %mul3A_913 : i32
    %dma_start3A_915 = arith.constant 69120 : i32
    %dma_start3A_916 = tpu.memref_slice %arg3[%mul3A_914, %dma_start3A_915] : memref<1024x100000xf32, #tpu.memory_space<hbm>> -> memref<8x7680xf32, #tpu.memory_space<hbm>>
    %dma_start3A_917 = arith.constant 69120 : i32
    %dma_start3A_918 = tpu.memref_slice %arg3[%mul3A_914, %dma_start3A_917] : memref<1024x100000xf32, #tpu.memory_space<hbm>> -> memref<8x7680xf32, #tpu.memory_space<hbm>>
    tpu.enqueue_dma source(%arg4 : memref<8x7680xf32, #tpu.memory_space<vmem>>) target(%dma_start3A_918 : memref<8x7680xf32, #tpu.memory_space<hbm>>) target_semaphore(%arg7 : memref<!tpu.dma_semaphore, #tpu.memory_space<semaphore_mem>>)
    %mul3A_919 = arith.constant 4 : i32
    %mul3A_920 = arith.muli %add3A, %mul3A_919 : i32
    %add3A_921 = arith.constant 1 : i32
    %add3A_922 = arith.addi %mul3A_920, %add3A_921 : i32
    %mul3A_923 = arith.constant 8 : i32
    %mul3A_924 = arith.muli %add3A_922, %mul3A_923 : i32
    %dma_wait3A_925 = arith.constant 76800 : i32
    %dma_wait3A_926 = tpu.memref_slice %arg2[%mul3A_924, %dma_wait3A_925] : memref<1024x100000xf32, #tpu.memory_space<hbm>> -> memref<8x7680xf32, #tpu.memory_space<hbm>>
    %dma_wait3A_927 = arith.constant 76800 : i32
    %dma_wait3A_928 = tpu.memref_slice %arg2[%mul3A_924, %dma_wait3A_927] : memref<1024x100000xf32, #tpu.memory_space<hbm>> -> memref<8x7680xf32, #tpu.memory_space<hbm>>
    tpu.wait_dma2 semaphore(%arg8 : memref<!tpu.dma_semaphore, #tpu.memory_space<semaphore_mem>>) src(%dma_wait3A_928 : memref<8x7680xf32, #tpu.memory_space<hbm>>) dst(%arg5 : memref<8x7680xf32, #tpu.memory_space<vmem>>)
    %mul3A_929 = arith.constant 4 : i32
    %mul3A_930 = arith.muli %add3A, %mul3A_929 : i32
    %add3A_931 = arith.constant 1 : i32
    %add3A_932 = arith.addi %mul3A_930, %add3A_931 : i32
    %mul3A_933 = arith.constant 8 : i32
    %mul3A_934 = arith.muli %add3A_932, %mul3A_933 : i32
    %dma_wait3A_935 = arith.constant 69120 : i32
    %dma_wait3A_936 = tpu.memref_slice %arg3[%mul3A_934, %dma_wait3A_935] : memref<1024x100000xf32, #tpu.memory_space<hbm>> -> memref<8x7680xf32, #tpu.memory_space<hbm>>
    %dma_wait3A_937 = arith.constant 69120 : i32
    %dma_wait3A_938 = tpu.memref_slice %arg3[%mul3A_934, %dma_wait3A_937] : memref<1024x100000xf32, #tpu.memory_space<hbm>> -> memref<8x7680xf32, #tpu.memory_space<hbm>>
    tpu.wait_dma2 semaphore(%arg7 : memref<!tpu.dma_semaphore, #tpu.memory_space<semaphore_mem>>) src(%arg4 : memref<8x7680xf32, #tpu.memory_space<vmem>>) dst(%dma_wait3A_938 : memref<8x7680xf32, #tpu.memory_space<hbm>>)
    %mul3A_939 = arith.constant 4 : i32
    %mul3A_940 = arith.muli %add3A, %mul3A_939 : i32
    %add3A_941 = arith.constant 1 : i32
    %add3A_942 = arith.addi %mul3A_940, %add3A_941 : i32
    %mul3A_943 = arith.constant 8 : i32
    %mul3A_944 = arith.muli %add3A_942, %mul3A_943 : i32
    %dma_start3A_945 = arith.constant 84480 : i32
    %dma_start3A_946 = tpu.memref_slice %arg2[%mul3A_944, %dma_start3A_945] : memref<1024x100000xf32, #tpu.memory_space<hbm>> -> memref<8x7680xf32, #tpu.memory_space<hbm>>
    %dma_start3A_947 = arith.constant 84480 : i32
    %dma_start3A_948 = tpu.memref_slice %arg2[%mul3A_944, %dma_start3A_947] : memref<1024x100000xf32, #tpu.memory_space<hbm>> -> memref<8x7680xf32, #tpu.memory_space<hbm>>
    tpu.enqueue_dma source(%dma_start3A_948 : memref<8x7680xf32, #tpu.memory_space<hbm>>) target(%arg4 : memref<8x7680xf32, #tpu.memory_space<vmem>>) target_semaphore(%arg6 : memref<!tpu.dma_semaphore, #tpu.memory_space<semaphore_mem>>)
    %mul3A_949 = arith.constant 4 : i32
    %mul3A_950 = arith.muli %add3A, %mul3A_949 : i32
    %add3A_951 = arith.constant 1 : i32
    %add3A_952 = arith.addi %mul3A_950, %add3A_951 : i32
    %mul3A_953 = arith.constant 8 : i32
    %mul3A_954 = arith.muli %add3A_952, %mul3A_953 : i32
    %dma_start3A_955 = arith.constant 76800 : i32
    %dma_start3A_956 = tpu.memref_slice %arg3[%mul3A_954, %dma_start3A_955] : memref<1024x100000xf32, #tpu.memory_space<hbm>> -> memref<8x7680xf32, #tpu.memory_space<hbm>>
    %dma_start3A_957 = arith.constant 76800 : i32
    %dma_start3A_958 = tpu.memref_slice %arg3[%mul3A_954, %dma_start3A_957] : memref<1024x100000xf32, #tpu.memory_space<hbm>> -> memref<8x7680xf32, #tpu.memory_space<hbm>>
    tpu.enqueue_dma source(%arg5 : memref<8x7680xf32, #tpu.memory_space<vmem>>) target(%dma_start3A_958 : memref<8x7680xf32, #tpu.memory_space<hbm>>) target_semaphore(%arg9 : memref<!tpu.dma_semaphore, #tpu.memory_space<semaphore_mem>>)
    %mul3A_959 = arith.constant 4 : i32
    %mul3A_960 = arith.muli %add3A, %mul3A_959 : i32
    %add3A_961 = arith.constant 1 : i32
    %add3A_962 = arith.addi %mul3A_960, %add3A_961 : i32
    %mul3A_963 = arith.constant 8 : i32
    %mul3A_964 = arith.muli %add3A_962, %mul3A_963 : i32
    %dma_wait3A_965 = arith.constant 84480 : i32
    %dma_wait3A_966 = tpu.memref_slice %arg2[%mul3A_964, %dma_wait3A_965] : memref<1024x100000xf32, #tpu.memory_space<hbm>> -> memref<8x7680xf32, #tpu.memory_space<hbm>>
    %dma_wait3A_967 = arith.constant 84480 : i32
    %dma_wait3A_968 = tpu.memref_slice %arg2[%mul3A_964, %dma_wait3A_967] : memref<1024x100000xf32, #tpu.memory_space<hbm>> -> memref<8x7680xf32, #tpu.memory_space<hbm>>
    tpu.wait_dma2 semaphore(%arg6 : memref<!tpu.dma_semaphore, #tpu.memory_space<semaphore_mem>>) src(%dma_wait3A_968 : memref<8x7680xf32, #tpu.memory_space<hbm>>) dst(%arg4 : memref<8x7680xf32, #tpu.memory_space<vmem>>)
    %mul3A_969 = arith.constant 4 : i32
    %mul3A_970 = arith.muli %add3A, %mul3A_969 : i32
    %add3A_971 = arith.constant 1 : i32
    %add3A_972 = arith.addi %mul3A_970, %add3A_971 : i32
    %mul3A_973 = arith.constant 8 : i32
    %mul3A_974 = arith.muli %add3A_972, %mul3A_973 : i32
    %dma_wait3A_975 = arith.constant 76800 : i32
    %dma_wait3A_976 = tpu.memref_slice %arg3[%mul3A_974, %dma_wait3A_975] : memref<1024x100000xf32, #tpu.memory_space<hbm>> -> memref<8x7680xf32, #tpu.memory_space<hbm>>
    %dma_wait3A_977 = arith.constant 76800 : i32
    %dma_wait3A_978 = tpu.memref_slice %arg3[%mul3A_974, %dma_wait3A_977] : memref<1024x100000xf32, #tpu.memory_space<hbm>> -> memref<8x7680xf32, #tpu.memory_space<hbm>>
    tpu.wait_dma2 semaphore(%arg9 : memref<!tpu.dma_semaphore, #tpu.memory_space<semaphore_mem>>) src(%arg5 : memref<8x7680xf32, #tpu.memory_space<vmem>>) dst(%dma_wait3A_978 : memref<8x7680xf32, #tpu.memory_space<hbm>>)
    %mul3A_979 = arith.constant 4 : i32
    %mul3A_980 = arith.muli %add3A, %mul3A_979 : i32
    %add3A_981 = arith.constant 1 : i32
    %add3A_982 = arith.addi %mul3A_980, %add3A_981 : i32
    %mul3A_983 = arith.constant 8 : i32
    %mul3A_984 = arith.muli %add3A_982, %mul3A_983 : i32
    %dma_start3A_985 = arith.constant 92160 : i32
    %dma_start3A_986 = tpu.memref_slice %arg2[%mul3A_984, %dma_start3A_985] : memref<1024x100000xf32, #tpu.memory_space<hbm>> -> memref<8x7680xf32, #tpu.memory_space<hbm>>
    %dma_start3A_987 = arith.constant 92160 : i32
    %dma_start3A_988 = tpu.memref_slice %arg2[%mul3A_984, %dma_start3A_987] : memref<1024x100000xf32, #tpu.memory_space<hbm>> -> memref<8x7680xf32, #tpu.memory_space<hbm>>
    tpu.enqueue_dma source(%dma_start3A_988 : memref<8x7680xf32, #tpu.memory_space<hbm>>) target(%arg5 : memref<8x7680xf32, #tpu.memory_space<vmem>>) target_semaphore(%arg8 : memref<!tpu.dma_semaphore, #tpu.memory_space<semaphore_mem>>)
    %mul3A_989 = arith.constant 4 : i32
    %mul3A_990 = arith.muli %add3A, %mul3A_989 : i32
    %add3A_991 = arith.constant 1 : i32
    %add3A_992 = arith.addi %mul3A_990, %add3A_991 : i32
    %mul3A_993 = arith.constant 8 : i32
    %mul3A_994 = arith.muli %add3A_992, %mul3A_993 : i32
    %dma_start3A_995 = arith.constant 84480 : i32
    %dma_start3A_996 = tpu.memref_slice %arg3[%mul3A_994, %dma_start3A_995] : memref<1024x100000xf32, #tpu.memory_space<hbm>> -> memref<8x7680xf32, #tpu.memory_space<hbm>>
    %dma_start3A_997 = arith.constant 84480 : i32
    %dma_start3A_998 = tpu.memref_slice %arg3[%mul3A_994, %dma_start3A_997] : memref<1024x100000xf32, #tpu.memory_space<hbm>> -> memref<8x7680xf32, #tpu.memory_space<hbm>>
    tpu.enqueue_dma source(%arg4 : memref<8x7680xf32, #tpu.memory_space<vmem>>) target(%dma_start3A_998 : memref<8x7680xf32, #tpu.memory_space<hbm>>) target_semaphore(%arg7 : memref<!tpu.dma_semaphore, #tpu.memory_space<semaphore_mem>>)
    %mul3A_999 = arith.constant 4 : i32
    %mul3A_1000 = arith.muli %add3A, %mul3A_999 : i32
    %add3A_1001 = arith.constant 1 : i32
    %add3A_1002 = arith.addi %mul3A_1000, %add3A_1001 : i32
    %mul3A_1003 = arith.constant 8 : i32
    %mul3A_1004 = arith.muli %add3A_1002, %mul3A_1003 : i32
    %dma_wait3A_1005 = arith.constant 92160 : i32
    %dma_wait3A_1006 = tpu.memref_slice %arg2[%mul3A_1004, %dma_wait3A_1005] : memref<1024x100000xf32, #tpu.memory_space<hbm>> -> memref<8x7680xf32, #tpu.memory_space<hbm>>
    %dma_wait3A_1007 = arith.constant 92160 : i32
    %dma_wait3A_1008 = tpu.memref_slice %arg2[%mul3A_1004, %dma_wait3A_1007] : memref<1024x100000xf32, #tpu.memory_space<hbm>> -> memref<8x7680xf32, #tpu.memory_space<hbm>>
    tpu.wait_dma2 semaphore(%arg8 : memref<!tpu.dma_semaphore, #tpu.memory_space<semaphore_mem>>) src(%dma_wait3A_1008 : memref<8x7680xf32, #tpu.memory_space<hbm>>) dst(%arg5 : memref<8x7680xf32, #tpu.memory_space<vmem>>)
    %mul3A_1009 = arith.constant 4 : i32
    %mul3A_1010 = arith.muli %add3A, %mul3A_1009 : i32
    %add3A_1011 = arith.constant 1 : i32
    %add3A_1012 = arith.addi %mul3A_1010, %add3A_1011 : i32
    %mul3A_1013 = arith.constant 8 : i32
    %mul3A_1014 = arith.muli %add3A_1012, %mul3A_1013 : i32
    %dma_wait3A_1015 = arith.constant 84480 : i32
    %dma_wait3A_1016 = tpu.memref_slice %arg3[%mul3A_1014, %dma_wait3A_1015] : memref<1024x100000xf32, #tpu.memory_space<hbm>> -> memref<8x7680xf32, #tpu.memory_space<hbm>>
    %dma_wait3A_1017 = arith.constant 84480 : i32
    %dma_wait3A_1018 = tpu.memref_slice %arg3[%mul3A_1014, %dma_wait3A_1017] : memref<1024x100000xf32, #tpu.memory_space<hbm>> -> memref<8x7680xf32, #tpu.memory_space<hbm>>
    tpu.wait_dma2 semaphore(%arg7 : memref<!tpu.dma_semaphore, #tpu.memory_space<semaphore_mem>>) src(%arg4 : memref<8x7680xf32, #tpu.memory_space<vmem>>) dst(%dma_wait3A_1018 : memref<8x7680xf32, #tpu.memory_space<hbm>>)
    %mul3A_1019 = arith.constant 4 : i32
    %mul3A_1020 = arith.muli %add3A, %mul3A_1019 : i32
    %add3A_1021 = arith.constant 2 : i32
    %add3A_1022 = arith.addi %mul3A_1020, %add3A_1021 : i32
    %mul3A_1023 = arith.constant 8 : i32
    %mul3A_1024 = arith.muli %add3A_1022, %mul3A_1023 : i32
    %dma_start3A_1025 = arith.constant 0 : i32
    %dma_start3A_1026 = tpu.memref_slice %arg2[%mul3A_1024, %dma_start3A_1025] : memref<1024x100000xf32, #tpu.memory_space<hbm>> -> memref<8x7680xf32, #tpu.memory_space<hbm>>
    %dma_start3A_1027 = arith.constant 0 : i32
    %dma_start3A_1028 = tpu.memref_slice %arg2[%mul3A_1024, %dma_start3A_1027] : memref<1024x100000xf32, #tpu.memory_space<hbm>> -> memref<8x7680xf32, #tpu.memory_space<hbm>>
    tpu.enqueue_dma source(%dma_start3A_1028 : memref<8x7680xf32, #tpu.memory_space<hbm>>) target(%arg4 : memref<8x7680xf32, #tpu.memory_space<vmem>>) target_semaphore(%arg6 : memref<!tpu.dma_semaphore, #tpu.memory_space<semaphore_mem>>)
    %mul3A_1029 = arith.constant 4 : i32
    %mul3A_1030 = arith.muli %add3A, %mul3A_1029 : i32
    %add3A_1031 = arith.constant 1 : i32
    %add3A_1032 = arith.addi %mul3A_1030, %add3A_1031 : i32
    %mul3A_1033 = arith.constant 8 : i32
    %mul3A_1034 = arith.muli %add3A_1032, %mul3A_1033 : i32
    %dma_start3A_1035 = arith.constant 92160 : i32
    %dma_start3A_1036 = tpu.memref_slice %arg3[%mul3A_1034, %dma_start3A_1035] : memref<1024x100000xf32, #tpu.memory_space<hbm>> -> memref<8x7680xf32, #tpu.memory_space<hbm>>
    %dma_start3A_1037 = arith.constant 92160 : i32
    %dma_start3A_1038 = tpu.memref_slice %arg3[%mul3A_1034, %dma_start3A_1037] : memref<1024x100000xf32, #tpu.memory_space<hbm>> -> memref<8x7680xf32, #tpu.memory_space<hbm>>
    tpu.enqueue_dma source(%arg5 : memref<8x7680xf32, #tpu.memory_space<vmem>>) target(%dma_start3A_1038 : memref<8x7680xf32, #tpu.memory_space<hbm>>) target_semaphore(%arg9 : memref<!tpu.dma_semaphore, #tpu.memory_space<semaphore_mem>>)
    %mul3A_1039 = arith.constant 4 : i32
    %mul3A_1040 = arith.muli %add3A, %mul3A_1039 : i32
    %add3A_1041 = arith.constant 2 : i32
    %add3A_1042 = arith.addi %mul3A_1040, %add3A_1041 : i32
    %mul3A_1043 = arith.constant 8 : i32
    %mul3A_1044 = arith.muli %add3A_1042, %mul3A_1043 : i32
    %dma_wait3A_1045 = arith.constant 0 : i32
    %dma_wait3A_1046 = tpu.memref_slice %arg2[%mul3A_1044, %dma_wait3A_1045] : memref<1024x100000xf32, #tpu.memory_space<hbm>> -> memref<8x7680xf32, #tpu.memory_space<hbm>>
    %dma_wait3A_1047 = arith.constant 0 : i32
    %dma_wait3A_1048 = tpu.memref_slice %arg2[%mul3A_1044, %dma_wait3A_1047] : memref<1024x100000xf32, #tpu.memory_space<hbm>> -> memref<8x7680xf32, #tpu.memory_space<hbm>>
    tpu.wait_dma2 semaphore(%arg6 : memref<!tpu.dma_semaphore, #tpu.memory_space<semaphore_mem>>) src(%dma_wait3A_1048 : memref<8x7680xf32, #tpu.memory_space<hbm>>) dst(%arg4 : memref<8x7680xf32, #tpu.memory_space<vmem>>)
    %mul3A_1049 = arith.constant 4 : i32
    %mul3A_1050 = arith.muli %add3A, %mul3A_1049 : i32
    %add3A_1051 = arith.constant 1 : i32
    %add3A_1052 = arith.addi %mul3A_1050, %add3A_1051 : i32
    %mul3A_1053 = arith.constant 8 : i32
    %mul3A_1054 = arith.muli %add3A_1052, %mul3A_1053 : i32
    %dma_wait3A_1055 = arith.constant 92160 : i32
    %dma_wait3A_1056 = tpu.memref_slice %arg3[%mul3A_1054, %dma_wait3A_1055] : memref<1024x100000xf32, #tpu.memory_space<hbm>> -> memref<8x7680xf32, #tpu.memory_space<hbm>>
    %dma_wait3A_1057 = arith.constant 92160 : i32
    %dma_wait3A_1058 = tpu.memref_slice %arg3[%mul3A_1054, %dma_wait3A_1057] : memref<1024x100000xf32, #tpu.memory_space<hbm>> -> memref<8x7680xf32, #tpu.memory_space<hbm>>
    tpu.wait_dma2 semaphore(%arg9 : memref<!tpu.dma_semaphore, #tpu.memory_space<semaphore_mem>>) src(%arg5 : memref<8x7680xf32, #tpu.memory_space<vmem>>) dst(%dma_wait3A_1058 : memref<8x7680xf32, #tpu.memory_space<hbm>>)
    %mul3A_1059 = arith.constant 4 : i32
    %mul3A_1060 = arith.muli %add3A, %mul3A_1059 : i32
    %add3A_1061 = arith.constant 2 : i32
    %add3A_1062 = arith.addi %mul3A_1060, %add3A_1061 : i32
    %mul3A_1063 = arith.constant 8 : i32
    %mul3A_1064 = arith.muli %add3A_1062, %mul3A_1063 : i32
    %dma_start3A_1065 = arith.constant 7680 : i32
    %dma_start3A_1066 = tpu.memref_slice %arg2[%mul3A_1064, %dma_start3A_1065] : memref<1024x100000xf32, #tpu.memory_space<hbm>> -> memref<8x7680xf32, #tpu.memory_space<hbm>>
    %dma_start3A_1067 = arith.constant 7680 : i32
    %dma_start3A_1068 = tpu.memref_slice %arg2[%mul3A_1064, %dma_start3A_1067] : memref<1024x100000xf32, #tpu.memory_space<hbm>> -> memref<8x7680xf32, #tpu.memory_space<hbm>>
    tpu.enqueue_dma source(%dma_start3A_1068 : memref<8x7680xf32, #tpu.memory_space<hbm>>) target(%arg5 : memref<8x7680xf32, #tpu.memory_space<vmem>>) target_semaphore(%arg8 : memref<!tpu.dma_semaphore, #tpu.memory_space<semaphore_mem>>)
    %mul3A_1069 = arith.constant 4 : i32
    %mul3A_1070 = arith.muli %add3A, %mul3A_1069 : i32
    %add3A_1071 = arith.constant 2 : i32
    %add3A_1072 = arith.addi %mul3A_1070, %add3A_1071 : i32
    %mul3A_1073 = arith.constant 8 : i32
    %mul3A_1074 = arith.muli %add3A_1072, %mul3A_1073 : i32
    %dma_start3A_1075 = arith.constant 0 : i32
    %dma_start3A_1076 = tpu.memref_slice %arg3[%mul3A_1074, %dma_start3A_1075] : memref<1024x100000xf32, #tpu.memory_space<hbm>> -> memref<8x7680xf32, #tpu.memory_space<hbm>>
    %dma_start3A_1077 = arith.constant 0 : i32
    %dma_start3A_1078 = tpu.memref_slice %arg3[%mul3A_1074, %dma_start3A_1077] : memref<1024x100000xf32, #tpu.memory_space<hbm>> -> memref<8x7680xf32, #tpu.memory_space<hbm>>
    tpu.enqueue_dma source(%arg4 : memref<8x7680xf32, #tpu.memory_space<vmem>>) target(%dma_start3A_1078 : memref<8x7680xf32, #tpu.memory_space<hbm>>) target_semaphore(%arg7 : memref<!tpu.dma_semaphore, #tpu.memory_space<semaphore_mem>>)
    %mul3A_1079 = arith.constant 4 : i32
    %mul3A_1080 = arith.muli %add3A, %mul3A_1079 : i32
    %add3A_1081 = arith.constant 2 : i32
    %add3A_1082 = arith.addi %mul3A_1080, %add3A_1081 : i32
    %mul3A_1083 = arith.constant 8 : i32
    %mul3A_1084 = arith.muli %add3A_1082, %mul3A_1083 : i32
    %dma_wait3A_1085 = arith.constant 7680 : i32
    %dma_wait3A_1086 = tpu.memref_slice %arg2[%mul3A_1084, %dma_wait3A_1085] : memref<1024x100000xf32, #tpu.memory_space<hbm>> -> memref<8x7680xf32, #tpu.memory_space<hbm>>
    %dma_wait3A_1087 = arith.constant 7680 : i32
    %dma_wait3A_1088 = tpu.memref_slice %arg2[%mul3A_1084, %dma_wait3A_1087] : memref<1024x100000xf32, #tpu.memory_space<hbm>> -> memref<8x7680xf32, #tpu.memory_space<hbm>>
    tpu.wait_dma2 semaphore(%arg8 : memref<!tpu.dma_semaphore, #tpu.memory_space<semaphore_mem>>) src(%dma_wait3A_1088 : memref<8x7680xf32, #tpu.memory_space<hbm>>) dst(%arg5 : memref<8x7680xf32, #tpu.memory_space<vmem>>)
    %mul3A_1089 = arith.constant 4 : i32
    %mul3A_1090 = arith.muli %add3A, %mul3A_1089 : i32
    %add3A_1091 = arith.constant 2 : i32
    %add3A_1092 = arith.addi %mul3A_1090, %add3A_1091 : i32
    %mul3A_1093 = arith.constant 8 : i32
    %mul3A_1094 = arith.muli %add3A_1092, %mul3A_1093 : i32
    %dma_wait3A_1095 = arith.constant 0 : i32
    %dma_wait3A_1096 = tpu.memref_slice %arg3[%mul3A_1094, %dma_wait3A_1095] : memref<1024x100000xf32, #tpu.memory_space<hbm>> -> memref<8x7680xf32, #tpu.memory_space<hbm>>
    %dma_wait3A_1097 = arith.constant 0 : i32
    %dma_wait3A_1098 = tpu.memref_slice %arg3[%mul3A_1094, %dma_wait3A_1097] : memref<1024x100000xf32, #tpu.memory_space<hbm>> -> memref<8x7680xf32, #tpu.memory_space<hbm>>
    tpu.wait_dma2 semaphore(%arg7 : memref<!tpu.dma_semaphore, #tpu.memory_space<semaphore_mem>>) src(%arg4 : memref<8x7680xf32, #tpu.memory_space<vmem>>) dst(%dma_wait3A_1098 : memref<8x7680xf32, #tpu.memory_space<hbm>>)
    %mul3A_1099 = arith.constant 4 : i32
    %mul3A_1100 = arith.muli %add3A, %mul3A_1099 : i32
    %add3A_1101 = arith.constant 2 : i32
    %add3A_1102 = arith.addi %mul3A_1100, %add3A_1101 : i32
    %mul3A_1103 = arith.constant 8 : i32
    %mul3A_1104 = arith.muli %add3A_1102, %mul3A_1103 : i32
    %dma_start3A_1105 = arith.constant 15360 : i32
    %dma_start3A_1106 = tpu.memref_slice %arg2[%mul3A_1104, %dma_start3A_1105] : memref<1024x100000xf32, #tpu.memory_space<hbm>> -> memref<8x7680xf32, #tpu.memory_space<hbm>>
    %dma_start3A_1107 = arith.constant 15360 : i32
    %dma_start3A_1108 = tpu.memref_slice %arg2[%mul3A_1104, %dma_start3A_1107] : memref<1024x100000xf32, #tpu.memory_space<hbm>> -> memref<8x7680xf32, #tpu.memory_space<hbm>>
    tpu.enqueue_dma source(%dma_start3A_1108 : memref<8x7680xf32, #tpu.memory_space<hbm>>) target(%arg4 : memref<8x7680xf32, #tpu.memory_space<vmem>>) target_semaphore(%arg6 : memref<!tpu.dma_semaphore, #tpu.memory_space<semaphore_mem>>)
    %mul3A_1109 = arith.constant 4 : i32
    %mul3A_1110 = arith.muli %add3A, %mul3A_1109 : i32
    %add3A_1111 = arith.constant 2 : i32
    %add3A_1112 = arith.addi %mul3A_1110, %add3A_1111 : i32
    %mul3A_1113 = arith.constant 8 : i32
    %mul3A_1114 = arith.muli %add3A_1112, %mul3A_1113 : i32
    %dma_start3A_1115 = arith.constant 7680 : i32
    %dma_start3A_1116 = tpu.memref_slice %arg3[%mul3A_1114, %dma_start3A_1115] : memref<1024x100000xf32, #tpu.memory_space<hbm>> -> memref<8x7680xf32, #tpu.memory_space<hbm>>
    %dma_start3A_1117 = arith.constant 7680 : i32
    %dma_start3A_1118 = tpu.memref_slice %arg3[%mul3A_1114, %dma_start3A_1117] : memref<1024x100000xf32, #tpu.memory_space<hbm>> -> memref<8x7680xf32, #tpu.memory_space<hbm>>
    tpu.enqueue_dma source(%arg5 : memref<8x7680xf32, #tpu.memory_space<vmem>>) target(%dma_start3A_1118 : memref<8x7680xf32, #tpu.memory_space<hbm>>) target_semaphore(%arg9 : memref<!tpu.dma_semaphore, #tpu.memory_space<semaphore_mem>>)
    %mul3A_1119 = arith.constant 4 : i32
    %mul3A_1120 = arith.muli %add3A, %mul3A_1119 : i32
    %add3A_1121 = arith.constant 2 : i32
    %add3A_1122 = arith.addi %mul3A_1120, %add3A_1121 : i32
    %mul3A_1123 = arith.constant 8 : i32
    %mul3A_1124 = arith.muli %add3A_1122, %mul3A_1123 : i32
    %dma_wait3A_1125 = arith.constant 15360 : i32
    %dma_wait3A_1126 = tpu.memref_slice %arg2[%mul3A_1124, %dma_wait3A_1125] : memref<1024x100000xf32, #tpu.memory_space<hbm>> -> memref<8x7680xf32, #tpu.memory_space<hbm>>
    %dma_wait3A_1127 = arith.constant 15360 : i32
    %dma_wait3A_1128 = tpu.memref_slice %arg2[%mul3A_1124, %dma_wait3A_1127] : memref<1024x100000xf32, #tpu.memory_space<hbm>> -> memref<8x7680xf32, #tpu.memory_space<hbm>>
    tpu.wait_dma2 semaphore(%arg6 : memref<!tpu.dma_semaphore, #tpu.memory_space<semaphore_mem>>) src(%dma_wait3A_1128 : memref<8x7680xf32, #tpu.memory_space<hbm>>) dst(%arg4 : memref<8x7680xf32, #tpu.memory_space<vmem>>)
    %mul3A_1129 = arith.constant 4 : i32
    %mul3A_1130 = arith.muli %add3A, %mul3A_1129 : i32
    %add3A_1131 = arith.constant 2 : i32
    %add3A_1132 = arith.addi %mul3A_1130, %add3A_1131 : i32
    %mul3A_1133 = arith.constant 8 : i32
    %mul3A_1134 = arith.muli %add3A_1132, %mul3A_1133 : i32
    %dma_wait3A_1135 = arith.constant 7680 : i32
    %dma_wait3A_1136 = tpu.memref_slice %arg3[%mul3A_1134, %dma_wait3A_1135] : memref<1024x100000xf32, #tpu.memory_space<hbm>> -> memref<8x7680xf32, #tpu.memory_space<hbm>>
    %dma_wait3A_1137 = arith.constant 7680 : i32
    %dma_wait3A_1138 = tpu.memref_slice %arg3[%mul3A_1134, %dma_wait3A_1137] : memref<1024x100000xf32, #tpu.memory_space<hbm>> -> memref<8x7680xf32, #tpu.memory_space<hbm>>
    tpu.wait_dma2 semaphore(%arg9 : memref<!tpu.dma_semaphore, #tpu.memory_space<semaphore_mem>>) src(%arg5 : memref<8x7680xf32, #tpu.memory_space<vmem>>) dst(%dma_wait3A_1138 : memref<8x7680xf32, #tpu.memory_space<hbm>>)
    %mul3A_1139 = arith.constant 4 : i32
    %mul3A_1140 = arith.muli %add3A, %mul3A_1139 : i32
    %add3A_1141 = arith.constant 2 : i32
    %add3A_1142 = arith.addi %mul3A_1140, %add3A_1141 : i32
    %mul3A_1143 = arith.constant 8 : i32
    %mul3A_1144 = arith.muli %add3A_1142, %mul3A_1143 : i32
    %dma_start3A_1145 = arith.constant 23040 : i32
    %dma_start3A_1146 = tpu.memref_slice %arg2[%mul3A_1144, %dma_start3A_1145] : memref<1024x100000xf32, #tpu.memory_space<hbm>> -> memref<8x7680xf32, #tpu.memory_space<hbm>>
    %dma_start3A_1147 = arith.constant 23040 : i32
    %dma_start3A_1148 = tpu.memref_slice %arg2[%mul3A_1144, %dma_start3A_1147] : memref<1024x100000xf32, #tpu.memory_space<hbm>> -> memref<8x7680xf32, #tpu.memory_space<hbm>>
    tpu.enqueue_dma source(%dma_start3A_1148 : memref<8x7680xf32, #tpu.memory_space<hbm>>) target(%arg5 : memref<8x7680xf32, #tpu.memory_space<vmem>>) target_semaphore(%arg8 : memref<!tpu.dma_semaphore, #tpu.memory_space<semaphore_mem>>)
    %mul3A_1149 = arith.constant 4 : i32
    %mul3A_1150 = arith.muli %add3A, %mul3A_1149 : i32
    %add3A_1151 = arith.constant 2 : i32
    %add3A_1152 = arith.addi %mul3A_1150, %add3A_1151 : i32
    %mul3A_1153 = arith.constant 8 : i32
    %mul3A_1154 = arith.muli %add3A_1152, %mul3A_1153 : i32
    %dma_start3A_1155 = arith.constant 15360 : i32
    %dma_start3A_1156 = tpu.memref_slice %arg3[%mul3A_1154, %dma_start3A_1155] : memref<1024x100000xf32, #tpu.memory_space<hbm>> -> memref<8x7680xf32, #tpu.memory_space<hbm>>
    %dma_start3A_1157 = arith.constant 15360 : i32
    %dma_start3A_1158 = tpu.memref_slice %arg3[%mul3A_1154, %dma_start3A_1157] : memref<1024x100000xf32, #tpu.memory_space<hbm>> -> memref<8x7680xf32, #tpu.memory_space<hbm>>
    tpu.enqueue_dma source(%arg4 : memref<8x7680xf32, #tpu.memory_space<vmem>>) target(%dma_start3A_1158 : memref<8x7680xf32, #tpu.memory_space<hbm>>) target_semaphore(%arg7 : memref<!tpu.dma_semaphore, #tpu.memory_space<semaphore_mem>>)
    %mul3A_1159 = arith.constant 4 : i32
    %mul3A_1160 = arith.muli %add3A, %mul3A_1159 : i32
    %add3A_1161 = arith.constant 2 : i32
    %add3A_1162 = arith.addi %mul3A_1160, %add3A_1161 : i32
    %mul3A_1163 = arith.constant 8 : i32
    %mul3A_1164 = arith.muli %add3A_1162, %mul3A_1163 : i32
    %dma_wait3A_1165 = arith.constant 23040 : i32
    %dma_wait3A_1166 = tpu.memref_slice %arg2[%mul3A_1164, %dma_wait3A_1165] : memref<1024x100000xf32, #tpu.memory_space<hbm>> -> memref<8x7680xf32, #tpu.memory_space<hbm>>
    %dma_wait3A_1167 = arith.constant 23040 : i32
    %dma_wait3A_1168 = tpu.memref_slice %arg2[%mul3A_1164, %dma_wait3A_1167] : memref<1024x100000xf32, #tpu.memory_space<hbm>> -> memref<8x7680xf32, #tpu.memory_space<hbm>>
    tpu.wait_dma2 semaphore(%arg8 : memref<!tpu.dma_semaphore, #tpu.memory_space<semaphore_mem>>) src(%dma_wait3A_1168 : memref<8x7680xf32, #tpu.memory_space<hbm>>) dst(%arg5 : memref<8x7680xf32, #tpu.memory_space<vmem>>)
    %mul3A_1169 = arith.constant 4 : i32
    %mul3A_1170 = arith.muli %add3A, %mul3A_1169 : i32
    %add3A_1171 = arith.constant 2 : i32
    %add3A_1172 = arith.addi %mul3A_1170, %add3A_1171 : i32
    %mul3A_1173 = arith.constant 8 : i32
    %mul3A_1174 = arith.muli %add3A_1172, %mul3A_1173 : i32
    %dma_wait3A_1175 = arith.constant 15360 : i32
    %dma_wait3A_1176 = tpu.memref_slice %arg3[%mul3A_1174, %dma_wait3A_1175] : memref<1024x100000xf32, #tpu.memory_space<hbm>> -> memref<8x7680xf32, #tpu.memory_space<hbm>>
    %dma_wait3A_1177 = arith.constant 15360 : i32
    %dma_wait3A_1178 = tpu.memref_slice %arg3[%mul3A_1174, %dma_wait3A_1177] : memref<1024x100000xf32, #tpu.memory_space<hbm>> -> memref<8x7680xf32, #tpu.memory_space<hbm>>
    tpu.wait_dma2 semaphore(%arg7 : memref<!tpu.dma_semaphore, #tpu.memory_space<semaphore_mem>>) src(%arg4 : memref<8x7680xf32, #tpu.memory_space<vmem>>) dst(%dma_wait3A_1178 : memref<8x7680xf32, #tpu.memory_space<hbm>>)
    %mul3A_1179 = arith.constant 4 : i32
    %mul3A_1180 = arith.muli %add3A, %mul3A_1179 : i32
    %add3A_1181 = arith.constant 2 : i32
    %add3A_1182 = arith.addi %mul3A_1180, %add3A_1181 : i32
    %mul3A_1183 = arith.constant 8 : i32
    %mul3A_1184 = arith.muli %add3A_1182, %mul3A_1183 : i32
    %dma_start3A_1185 = arith.constant 30720 : i32
    %dma_start3A_1186 = tpu.memref_slice %arg2[%mul3A_1184, %dma_start3A_1185] : memref<1024x100000xf32, #tpu.memory_space<hbm>> -> memref<8x7680xf32, #tpu.memory_space<hbm>>
    %dma_start3A_1187 = arith.constant 30720 : i32
    %dma_start3A_1188 = tpu.memref_slice %arg2[%mul3A_1184, %dma_start3A_1187] : memref<1024x100000xf32, #tpu.memory_space<hbm>> -> memref<8x7680xf32, #tpu.memory_space<hbm>>
    tpu.enqueue_dma source(%dma_start3A_1188 : memref<8x7680xf32, #tpu.memory_space<hbm>>) target(%arg4 : memref<8x7680xf32, #tpu.memory_space<vmem>>) target_semaphore(%arg6 : memref<!tpu.dma_semaphore, #tpu.memory_space<semaphore_mem>>)
    %mul3A_1189 = arith.constant 4 : i32
    %mul3A_1190 = arith.muli %add3A, %mul3A_1189 : i32
    %add3A_1191 = arith.constant 2 : i32
    %add3A_1192 = arith.addi %mul3A_1190, %add3A_1191 : i32
    %mul3A_1193 = arith.constant 8 : i32
    %mul3A_1194 = arith.muli %add3A_1192, %mul3A_1193 : i32
    %dma_start3A_1195 = arith.constant 23040 : i32
    %dma_start3A_1196 = tpu.memref_slice %arg3[%mul3A_1194, %dma_start3A_1195] : memref<1024x100000xf32, #tpu.memory_space<hbm>> -> memref<8x7680xf32, #tpu.memory_space<hbm>>
    %dma_start3A_1197 = arith.constant 23040 : i32
    %dma_start3A_1198 = tpu.memref_slice %arg3[%mul3A_1194, %dma_start3A_1197] : memref<1024x100000xf32, #tpu.memory_space<hbm>> -> memref<8x7680xf32, #tpu.memory_space<hbm>>
    tpu.enqueue_dma source(%arg5 : memref<8x7680xf32, #tpu.memory_space<vmem>>) target(%dma_start3A_1198 : memref<8x7680xf32, #tpu.memory_space<hbm>>) target_semaphore(%arg9 : memref<!tpu.dma_semaphore, #tpu.memory_space<semaphore_mem>>)
    %mul3A_1199 = arith.constant 4 : i32
    %mul3A_1200 = arith.muli %add3A, %mul3A_1199 : i32
    %add3A_1201 = arith.constant 2 : i32
    %add3A_1202 = arith.addi %mul3A_1200, %add3A_1201 : i32
    %mul3A_1203 = arith.constant 8 : i32
    %mul3A_1204 = arith.muli %add3A_1202, %mul3A_1203 : i32
    %dma_wait3A_1205 = arith.constant 30720 : i32
    %dma_wait3A_1206 = tpu.memref_slice %arg2[%mul3A_1204, %dma_wait3A_1205] : memref<1024x100000xf32, #tpu.memory_space<hbm>> -> memref<8x7680xf32, #tpu.memory_space<hbm>>
    %dma_wait3A_1207 = arith.constant 30720 : i32
    %dma_wait3A_1208 = tpu.memref_slice %arg2[%mul3A_1204, %dma_wait3A_1207] : memref<1024x100000xf32, #tpu.memory_space<hbm>> -> memref<8x7680xf32, #tpu.memory_space<hbm>>
    tpu.wait_dma2 semaphore(%arg6 : memref<!tpu.dma_semaphore, #tpu.memory_space<semaphore_mem>>) src(%dma_wait3A_1208 : memref<8x7680xf32, #tpu.memory_space<hbm>>) dst(%arg4 : memref<8x7680xf32, #tpu.memory_space<vmem>>)
    %mul3A_1209 = arith.constant 4 : i32
    %mul3A_1210 = arith.muli %add3A, %mul3A_1209 : i32
    %add3A_1211 = arith.constant 2 : i32
    %add3A_1212 = arith.addi %mul3A_1210, %add3A_1211 : i32
    %mul3A_1213 = arith.constant 8 : i32
    %mul3A_1214 = arith.muli %add3A_1212, %mul3A_1213 : i32
    %dma_wait3A_1215 = arith.constant 23040 : i32
    %dma_wait3A_1216 = tpu.memref_slice %arg3[%mul3A_1214, %dma_wait3A_1215] : memref<1024x100000xf32, #tpu.memory_space<hbm>> -> memref<8x7680xf32, #tpu.memory_space<hbm>>
    %dma_wait3A_1217 = arith.constant 23040 : i32
    %dma_wait3A_1218 = tpu.memref_slice %arg3[%mul3A_1214, %dma_wait3A_1217] : memref<1024x100000xf32, #tpu.memory_space<hbm>> -> memref<8x7680xf32, #tpu.memory_space<hbm>>
    tpu.wait_dma2 semaphore(%arg9 : memref<!tpu.dma_semaphore, #tpu.memory_space<semaphore_mem>>) src(%arg5 : memref<8x7680xf32, #tpu.memory_space<vmem>>) dst(%dma_wait3A_1218 : memref<8x7680xf32, #tpu.memory_space<hbm>>)
    %mul3A_1219 = arith.constant 4 : i32
    %mul3A_1220 = arith.muli %add3A, %mul3A_1219 : i32
    %add3A_1221 = arith.constant 2 : i32
    %add3A_1222 = arith.addi %mul3A_1220, %add3A_1221 : i32
    %mul3A_1223 = arith.constant 8 : i32
    %mul3A_1224 = arith.muli %add3A_1222, %mul3A_1223 : i32
    %dma_start3A_1225 = arith.constant 38400 : i32
    %dma_start3A_1226 = tpu.memref_slice %arg2[%mul3A_1224, %dma_start3A_1225] : memref<1024x100000xf32, #tpu.memory_space<hbm>> -> memref<8x7680xf32, #tpu.memory_space<hbm>>
    %dma_start3A_1227 = arith.constant 38400 : i32
    %dma_start3A_1228 = tpu.memref_slice %arg2[%mul3A_1224, %dma_start3A_1227] : memref<1024x100000xf32, #tpu.memory_space<hbm>> -> memref<8x7680xf32, #tpu.memory_space<hbm>>
    tpu.enqueue_dma source(%dma_start3A_1228 : memref<8x7680xf32, #tpu.memory_space<hbm>>) target(%arg5 : memref<8x7680xf32, #tpu.memory_space<vmem>>) target_semaphore(%arg8 : memref<!tpu.dma_semaphore, #tpu.memory_space<semaphore_mem>>)
    %mul3A_1229 = arith.constant 4 : i32
    %mul3A_1230 = arith.muli %add3A, %mul3A_1229 : i32
    %add3A_1231 = arith.constant 2 : i32
    %add3A_1232 = arith.addi %mul3A_1230, %add3A_1231 : i32
    %mul3A_1233 = arith.constant 8 : i32
    %mul3A_1234 = arith.muli %add3A_1232, %mul3A_1233 : i32
    %dma_start3A_1235 = arith.constant 30720 : i32
    %dma_start3A_1236 = tpu.memref_slice %arg3[%mul3A_1234, %dma_start3A_1235] : memref<1024x100000xf32, #tpu.memory_space<hbm>> -> memref<8x7680xf32, #tpu.memory_space<hbm>>
    %dma_start3A_1237 = arith.constant 30720 : i32
    %dma_start3A_1238 = tpu.memref_slice %arg3[%mul3A_1234, %dma_start3A_1237] : memref<1024x100000xf32, #tpu.memory_space<hbm>> -> memref<8x7680xf32, #tpu.memory_space<hbm>>
    tpu.enqueue_dma source(%arg4 : memref<8x7680xf32, #tpu.memory_space<vmem>>) target(%dma_start3A_1238 : memref<8x7680xf32, #tpu.memory_space<hbm>>) target_semaphore(%arg7 : memref<!tpu.dma_semaphore, #tpu.memory_space<semaphore_mem>>)
    %mul3A_1239 = arith.constant 4 : i32
    %mul3A_1240 = arith.muli %add3A, %mul3A_1239 : i32
    %add3A_1241 = arith.constant 2 : i32
    %add3A_1242 = arith.addi %mul3A_1240, %add3A_1241 : i32
    %mul3A_1243 = arith.constant 8 : i32
    %mul3A_1244 = arith.muli %add3A_1242, %mul3A_1243 : i32
    %dma_wait3A_1245 = arith.constant 38400 : i32
    %dma_wait3A_1246 = tpu.memref_slice %arg2[%mul3A_1244, %dma_wait3A_1245] : memref<1024x100000xf32, #tpu.memory_space<hbm>> -> memref<8x7680xf32, #tpu.memory_space<hbm>>
    %dma_wait3A_1247 = arith.constant 38400 : i32
    %dma_wait3A_1248 = tpu.memref_slice %arg2[%mul3A_1244, %dma_wait3A_1247] : memref<1024x100000xf32, #tpu.memory_space<hbm>> -> memref<8x7680xf32, #tpu.memory_space<hbm>>
    tpu.wait_dma2 semaphore(%arg8 : memref<!tpu.dma_semaphore, #tpu.memory_space<semaphore_mem>>) src(%dma_wait3A_1248 : memref<8x7680xf32, #tpu.memory_space<hbm>>) dst(%arg5 : memref<8x7680xf32, #tpu.memory_space<vmem>>)
    %mul3A_1249 = arith.constant 4 : i32
    %mul3A_1250 = arith.muli %add3A, %mul3A_1249 : i32
    %add3A_1251 = arith.constant 2 : i32
    %add3A_1252 = arith.addi %mul3A_1250, %add3A_1251 : i32
    %mul3A_1253 = arith.constant 8 : i32
    %mul3A_1254 = arith.muli %add3A_1252, %mul3A_1253 : i32
    %dma_wait3A_1255 = arith.constant 30720 : i32
    %dma_wait3A_1256 = tpu.memref_slice %arg3[%mul3A_1254, %dma_wait3A_1255] : memref<1024x100000xf32, #tpu.memory_space<hbm>> -> memref<8x7680xf32, #tpu.memory_space<hbm>>
    %dma_wait3A_1257 = arith.constant 30720 : i32
    %dma_wait3A_1258 = tpu.memref_slice %arg3[%mul3A_1254, %dma_wait3A_1257] : memref<1024x100000xf32, #tpu.memory_space<hbm>> -> memref<8x7680xf32, #tpu.memory_space<hbm>>
    tpu.wait_dma2 semaphore(%arg7 : memref<!tpu.dma_semaphore, #tpu.memory_space<semaphore_mem>>) src(%arg4 : memref<8x7680xf32, #tpu.memory_space<vmem>>) dst(%dma_wait3A_1258 : memref<8x7680xf32, #tpu.memory_space<hbm>>)
    %mul3A_1259 = arith.constant 4 : i32
    %mul3A_1260 = arith.muli %add3A, %mul3A_1259 : i32
    %add3A_1261 = arith.constant 2 : i32
    %add3A_1262 = arith.addi %mul3A_1260, %add3A_1261 : i32
    %mul3A_1263 = arith.constant 8 : i32
    %mul3A_1264 = arith.muli %add3A_1262, %mul3A_1263 : i32
    %dma_start3A_1265 = arith.constant 46080 : i32
    %dma_start3A_1266 = tpu.memref_slice %arg2[%mul3A_1264, %dma_start3A_1265] : memref<1024x100000xf32, #tpu.memory_space<hbm>> -> memref<8x7680xf32, #tpu.memory_space<hbm>>
    %dma_start3A_1267 = arith.constant 46080 : i32
    %dma_start3A_1268 = tpu.memref_slice %arg2[%mul3A_1264, %dma_start3A_1267] : memref<1024x100000xf32, #tpu.memory_space<hbm>> -> memref<8x7680xf32, #tpu.memory_space<hbm>>
    tpu.enqueue_dma source(%dma_start3A_1268 : memref<8x7680xf32, #tpu.memory_space<hbm>>) target(%arg4 : memref<8x7680xf32, #tpu.memory_space<vmem>>) target_semaphore(%arg6 : memref<!tpu.dma_semaphore, #tpu.memory_space<semaphore_mem>>)
    %mul3A_1269 = arith.constant 4 : i32
    %mul3A_1270 = arith.muli %add3A, %mul3A_1269 : i32
    %add3A_1271 = arith.constant 2 : i32
    %add3A_1272 = arith.addi %mul3A_1270, %add3A_1271 : i32
    %mul3A_1273 = arith.constant 8 : i32
    %mul3A_1274 = arith.muli %add3A_1272, %mul3A_1273 : i32
    %dma_start3A_1275 = arith.constant 38400 : i32
    %dma_start3A_1276 = tpu.memref_slice %arg3[%mul3A_1274, %dma_start3A_1275] : memref<1024x100000xf32, #tpu.memory_space<hbm>> -> memref<8x7680xf32, #tpu.memory_space<hbm>>
    %dma_start3A_1277 = arith.constant 38400 : i32
    %dma_start3A_1278 = tpu.memref_slice %arg3[%mul3A_1274, %dma_start3A_1277] : memref<1024x100000xf32, #tpu.memory_space<hbm>> -> memref<8x7680xf32, #tpu.memory_space<hbm>>
    tpu.enqueue_dma source(%arg5 : memref<8x7680xf32, #tpu.memory_space<vmem>>) target(%dma_start3A_1278 : memref<8x7680xf32, #tpu.memory_space<hbm>>) target_semaphore(%arg9 : memref<!tpu.dma_semaphore, #tpu.memory_space<semaphore_mem>>)
    %mul3A_1279 = arith.constant 4 : i32
    %mul3A_1280 = arith.muli %add3A, %mul3A_1279 : i32
    %add3A_1281 = arith.constant 2 : i32
    %add3A_1282 = arith.addi %mul3A_1280, %add3A_1281 : i32
    %mul3A_1283 = arith.constant 8 : i32
    %mul3A_1284 = arith.muli %add3A_1282, %mul3A_1283 : i32
    %dma_wait3A_1285 = arith.constant 46080 : i32
    %dma_wait3A_1286 = tpu.memref_slice %arg2[%mul3A_1284, %dma_wait3A_1285] : memref<1024x100000xf32, #tpu.memory_space<hbm>> -> memref<8x7680xf32, #tpu.memory_space<hbm>>
    %dma_wait3A_1287 = arith.constant 46080 : i32
    %dma_wait3A_1288 = tpu.memref_slice %arg2[%mul3A_1284, %dma_wait3A_1287] : memref<1024x100000xf32, #tpu.memory_space<hbm>> -> memref<8x7680xf32, #tpu.memory_space<hbm>>
    tpu.wait_dma2 semaphore(%arg6 : memref<!tpu.dma_semaphore, #tpu.memory_space<semaphore_mem>>) src(%dma_wait3A_1288 : memref<8x7680xf32, #tpu.memory_space<hbm>>) dst(%arg4 : memref<8x7680xf32, #tpu.memory_space<vmem>>)
    %mul3A_1289 = arith.constant 4 : i32
    %mul3A_1290 = arith.muli %add3A, %mul3A_1289 : i32
    %add3A_1291 = arith.constant 2 : i32
    %add3A_1292 = arith.addi %mul3A_1290, %add3A_1291 : i32
    %mul3A_1293 = arith.constant 8 : i32
    %mul3A_1294 = arith.muli %add3A_1292, %mul3A_1293 : i32
    %dma_wait3A_1295 = arith.constant 38400 : i32
    %dma_wait3A_1296 = tpu.memref_slice %arg3[%mul3A_1294, %dma_wait3A_1295] : memref<1024x100000xf32, #tpu.memory_space<hbm>> -> memref<8x7680xf32, #tpu.memory_space<hbm>>
    %dma_wait3A_1297 = arith.constant 38400 : i32
    %dma_wait3A_1298 = tpu.memref_slice %arg3[%mul3A_1294, %dma_wait3A_1297] : memref<1024x100000xf32, #tpu.memory_space<hbm>> -> memref<8x7680xf32, #tpu.memory_space<hbm>>
    tpu.wait_dma2 semaphore(%arg9 : memref<!tpu.dma_semaphore, #tpu.memory_space<semaphore_mem>>) src(%arg5 : memref<8x7680xf32, #tpu.memory_space<vmem>>) dst(%dma_wait3A_1298 : memref<8x7680xf32, #tpu.memory_space<hbm>>)
    %mul3A_1299 = arith.constant 4 : i32
    %mul3A_1300 = arith.muli %add3A, %mul3A_1299 : i32
    %add3A_1301 = arith.constant 2 : i32
    %add3A_1302 = arith.addi %mul3A_1300, %add3A_1301 : i32
    %mul3A_1303 = arith.constant 8 : i32
    %mul3A_1304 = arith.muli %add3A_1302, %mul3A_1303 : i32
    %dma_start3A_1305 = arith.constant 53760 : i32
    %dma_start3A_1306 = tpu.memref_slice %arg2[%mul3A_1304, %dma_start3A_1305] : memref<1024x100000xf32, #tpu.memory_space<hbm>> -> memref<8x7680xf32, #tpu.memory_space<hbm>>
    %dma_start3A_1307 = arith.constant 53760 : i32
    %dma_start3A_1308 = tpu.memref_slice %arg2[%mul3A_1304, %dma_start3A_1307] : memref<1024x100000xf32, #tpu.memory_space<hbm>> -> memref<8x7680xf32, #tpu.memory_space<hbm>>
    tpu.enqueue_dma source(%dma_start3A_1308 : memref<8x7680xf32, #tpu.memory_space<hbm>>) target(%arg5 : memref<8x7680xf32, #tpu.memory_space<vmem>>) target_semaphore(%arg8 : memref<!tpu.dma_semaphore, #tpu.memory_space<semaphore_mem>>)
    %mul3A_1309 = arith.constant 4 : i32
    %mul3A_1310 = arith.muli %add3A, %mul3A_1309 : i32
    %add3A_1311 = arith.constant 2 : i32
    %add3A_1312 = arith.addi %mul3A_1310, %add3A_1311 : i32
    %mul3A_1313 = arith.constant 8 : i32
    %mul3A_1314 = arith.muli %add3A_1312, %mul3A_1313 : i32
    %dma_start3A_1315 = arith.constant 46080 : i32
    %dma_start3A_1316 = tpu.memref_slice %arg3[%mul3A_1314, %dma_start3A_1315] : memref<1024x100000xf32, #tpu.memory_space<hbm>> -> memref<8x7680xf32, #tpu.memory_space<hbm>>
    %dma_start3A_1317 = arith.constant 46080 : i32
    %dma_start3A_1318 = tpu.memref_slice %arg3[%mul3A_1314, %dma_start3A_1317] : memref<1024x100000xf32, #tpu.memory_space<hbm>> -> memref<8x7680xf32, #tpu.memory_space<hbm>>
    tpu.enqueue_dma source(%arg4 : memref<8x7680xf32, #tpu.memory_space<vmem>>) target(%dma_start3A_1318 : memref<8x7680xf32, #tpu.memory_space<hbm>>) target_semaphore(%arg7 : memref<!tpu.dma_semaphore, #tpu.memory_space<semaphore_mem>>)
    %mul3A_1319 = arith.constant 4 : i32
    %mul3A_1320 = arith.muli %add3A, %mul3A_1319 : i32
    %add3A_1321 = arith.constant 2 : i32
    %add3A_1322 = arith.addi %mul3A_1320, %add3A_1321 : i32
    %mul3A_1323 = arith.constant 8 : i32
    %mul3A_1324 = arith.muli %add3A_1322, %mul3A_1323 : i32
    %dma_wait3A_1325 = arith.constant 53760 : i32
    %dma_wait3A_1326 = tpu.memref_slice %arg2[%mul3A_1324, %dma_wait3A_1325] : memref<1024x100000xf32, #tpu.memory_space<hbm>> -> memref<8x7680xf32, #tpu.memory_space<hbm>>
    %dma_wait3A_1327 = arith.constant 53760 : i32
    %dma_wait3A_1328 = tpu.memref_slice %arg2[%mul3A_1324, %dma_wait3A_1327] : memref<1024x100000xf32, #tpu.memory_space<hbm>> -> memref<8x7680xf32, #tpu.memory_space<hbm>>
    tpu.wait_dma2 semaphore(%arg8 : memref<!tpu.dma_semaphore, #tpu.memory_space<semaphore_mem>>) src(%dma_wait3A_1328 : memref<8x7680xf32, #tpu.memory_space<hbm>>) dst(%arg5 : memref<8x7680xf32, #tpu.memory_space<vmem>>)
    %mul3A_1329 = arith.constant 4 : i32
    %mul3A_1330 = arith.muli %add3A, %mul3A_1329 : i32
    %add3A_1331 = arith.constant 2 : i32
    %add3A_1332 = arith.addi %mul3A_1330, %add3A_1331 : i32
    %mul3A_1333 = arith.constant 8 : i32
    %mul3A_1334 = arith.muli %add3A_1332, %mul3A_1333 : i32
    %dma_wait3A_1335 = arith.constant 46080 : i32
    %dma_wait3A_1336 = tpu.memref_slice %arg3[%mul3A_1334, %dma_wait3A_1335] : memref<1024x100000xf32, #tpu.memory_space<hbm>> -> memref<8x7680xf32, #tpu.memory_space<hbm>>
    %dma_wait3A_1337 = arith.constant 46080 : i32
    %dma_wait3A_1338 = tpu.memref_slice %arg3[%mul3A_1334, %dma_wait3A_1337] : memref<1024x100000xf32, #tpu.memory_space<hbm>> -> memref<8x7680xf32, #tpu.memory_space<hbm>>
    tpu.wait_dma2 semaphore(%arg7 : memref<!tpu.dma_semaphore, #tpu.memory_space<semaphore_mem>>) src(%arg4 : memref<8x7680xf32, #tpu.memory_space<vmem>>) dst(%dma_wait3A_1338 : memref<8x7680xf32, #tpu.memory_space<hbm>>)
    %mul3A_1339 = arith.constant 4 : i32
    %mul3A_1340 = arith.muli %add3A, %mul3A_1339 : i32
    %add3A_1341 = arith.constant 2 : i32
    %add3A_1342 = arith.addi %mul3A_1340, %add3A_1341 : i32
    %mul3A_1343 = arith.constant 8 : i32
    %mul3A_1344 = arith.muli %add3A_1342, %mul3A_1343 : i32
    %dma_start3A_1345 = arith.constant 61440 : i32
    %dma_start3A_1346 = tpu.memref_slice %arg2[%mul3A_1344, %dma_start3A_1345] : memref<1024x100000xf32, #tpu.memory_space<hbm>> -> memref<8x7680xf32, #tpu.memory_space<hbm>>
    %dma_start3A_1347 = arith.constant 61440 : i32
    %dma_start3A_1348 = tpu.memref_slice %arg2[%mul3A_1344, %dma_start3A_1347] : memref<1024x100000xf32, #tpu.memory_space<hbm>> -> memref<8x7680xf32, #tpu.memory_space<hbm>>
    tpu.enqueue_dma source(%dma_start3A_1348 : memref<8x7680xf32, #tpu.memory_space<hbm>>) target(%arg4 : memref<8x7680xf32, #tpu.memory_space<vmem>>) target_semaphore(%arg6 : memref<!tpu.dma_semaphore, #tpu.memory_space<semaphore_mem>>)
    %mul3A_1349 = arith.constant 4 : i32
    %mul3A_1350 = arith.muli %add3A, %mul3A_1349 : i32
    %add3A_1351 = arith.constant 2 : i32
    %add3A_1352 = arith.addi %mul3A_1350, %add3A_1351 : i32
    %mul3A_1353 = arith.constant 8 : i32
    %mul3A_1354 = arith.muli %add3A_1352, %mul3A_1353 : i32
    %dma_start3A_1355 = arith.constant 53760 : i32
    %dma_start3A_1356 = tpu.memref_slice %arg3[%mul3A_1354, %dma_start3A_1355] : memref<1024x100000xf32, #tpu.memory_space<hbm>> -> memref<8x7680xf32, #tpu.memory_space<hbm>>
    %dma_start3A_1357 = arith.constant 53760 : i32
    %dma_start3A_1358 = tpu.memref_slice %arg3[%mul3A_1354, %dma_start3A_1357] : memref<1024x100000xf32, #tpu.memory_space<hbm>> -> memref<8x7680xf32, #tpu.memory_space<hbm>>
    tpu.enqueue_dma source(%arg5 : memref<8x7680xf32, #tpu.memory_space<vmem>>) target(%dma_start3A_1358 : memref<8x7680xf32, #tpu.memory_space<hbm>>) target_semaphore(%arg9 : memref<!tpu.dma_semaphore, #tpu.memory_space<semaphore_mem>>)
    %mul3A_1359 = arith.constant 4 : i32
    %mul3A_1360 = arith.muli %add3A, %mul3A_1359 : i32
    %add3A_1361 = arith.constant 2 : i32
    %add3A_1362 = arith.addi %mul3A_1360, %add3A_1361 : i32
    %mul3A_1363 = arith.constant 8 : i32
    %mul3A_1364 = arith.muli %add3A_1362, %mul3A_1363 : i32
    %dma_wait3A_1365 = arith.constant 61440 : i32
    %dma_wait3A_1366 = tpu.memref_slice %arg2[%mul3A_1364, %dma_wait3A_1365] : memref<1024x100000xf32, #tpu.memory_space<hbm>> -> memref<8x7680xf32, #tpu.memory_space<hbm>>
    %dma_wait3A_1367 = arith.constant 61440 : i32
    %dma_wait3A_1368 = tpu.memref_slice %arg2[%mul3A_1364, %dma_wait3A_1367] : memref<1024x100000xf32, #tpu.memory_space<hbm>> -> memref<8x7680xf32, #tpu.memory_space<hbm>>
    tpu.wait_dma2 semaphore(%arg6 : memref<!tpu.dma_semaphore, #tpu.memory_space<semaphore_mem>>) src(%dma_wait3A_1368 : memref<8x7680xf32, #tpu.memory_space<hbm>>) dst(%arg4 : memref<8x7680xf32, #tpu.memory_space<vmem>>)
    %mul3A_1369 = arith.constant 4 : i32
    %mul3A_1370 = arith.muli %add3A, %mul3A_1369 : i32
    %add3A_1371 = arith.constant 2 : i32
    %add3A_1372 = arith.addi %mul3A_1370, %add3A_1371 : i32
    %mul3A_1373 = arith.constant 8 : i32
    %mul3A_1374 = arith.muli %add3A_1372, %mul3A_1373 : i32
    %dma_wait3A_1375 = arith.constant 53760 : i32
    %dma_wait3A_1376 = tpu.memref_slice %arg3[%mul3A_1374, %dma_wait3A_1375] : memref<1024x100000xf32, #tpu.memory_space<hbm>> -> memref<8x7680xf32, #tpu.memory_space<hbm>>
    %dma_wait3A_1377 = arith.constant 53760 : i32
    %dma_wait3A_1378 = tpu.memref_slice %arg3[%mul3A_1374, %dma_wait3A_1377] : memref<1024x100000xf32, #tpu.memory_space<hbm>> -> memref<8x7680xf32, #tpu.memory_space<hbm>>
    tpu.wait_dma2 semaphore(%arg9 : memref<!tpu.dma_semaphore, #tpu.memory_space<semaphore_mem>>) src(%arg5 : memref<8x7680xf32, #tpu.memory_space<vmem>>) dst(%dma_wait3A_1378 : memref<8x7680xf32, #tpu.memory_space<hbm>>)
    %mul3A_1379 = arith.constant 4 : i32
    %mul3A_1380 = arith.muli %add3A, %mul3A_1379 : i32
    %add3A_1381 = arith.constant 2 : i32
    %add3A_1382 = arith.addi %mul3A_1380, %add3A_1381 : i32
    %mul3A_1383 = arith.constant 8 : i32
    %mul3A_1384 = arith.muli %add3A_1382, %mul3A_1383 : i32
    %dma_start3A_1385 = arith.constant 69120 : i32
    %dma_start3A_1386 = tpu.memref_slice %arg2[%mul3A_1384, %dma_start3A_1385] : memref<1024x100000xf32, #tpu.memory_space<hbm>> -> memref<8x7680xf32, #tpu.memory_space<hbm>>
    %dma_start3A_1387 = arith.constant 69120 : i32
    %dma_start3A_1388 = tpu.memref_slice %arg2[%mul3A_1384, %dma_start3A_1387] : memref<1024x100000xf32, #tpu.memory_space<hbm>> -> memref<8x7680xf32, #tpu.memory_space<hbm>>
    tpu.enqueue_dma source(%dma_start3A_1388 : memref<8x7680xf32, #tpu.memory_space<hbm>>) target(%arg5 : memref<8x7680xf32, #tpu.memory_space<vmem>>) target_semaphore(%arg8 : memref<!tpu.dma_semaphore, #tpu.memory_space<semaphore_mem>>)
    %mul3A_1389 = arith.constant 4 : i32
    %mul3A_1390 = arith.muli %add3A, %mul3A_1389 : i32
    %add3A_1391 = arith.constant 2 : i32
    %add3A_1392 = arith.addi %mul3A_1390, %add3A_1391 : i32
    %mul3A_1393 = arith.constant 8 : i32
    %mul3A_1394 = arith.muli %add3A_1392, %mul3A_1393 : i32
    %dma_start3A_1395 = arith.constant 61440 : i32
    %dma_start3A_1396 = tpu.memref_slice %arg3[%mul3A_1394, %dma_start3A_1395] : memref<1024x100000xf32, #tpu.memory_space<hbm>> -> memref<8x7680xf32, #tpu.memory_space<hbm>>
    %dma_start3A_1397 = arith.constant 61440 : i32
    %dma_start3A_1398 = tpu.memref_slice %arg3[%mul3A_1394, %dma_start3A_1397] : memref<1024x100000xf32, #tpu.memory_space<hbm>> -> memref<8x7680xf32, #tpu.memory_space<hbm>>
    tpu.enqueue_dma source(%arg4 : memref<8x7680xf32, #tpu.memory_space<vmem>>) target(%dma_start3A_1398 : memref<8x7680xf32, #tpu.memory_space<hbm>>) target_semaphore(%arg7 : memref<!tpu.dma_semaphore, #tpu.memory_space<semaphore_mem>>)
    %mul3A_1399 = arith.constant 4 : i32
    %mul3A_1400 = arith.muli %add3A, %mul3A_1399 : i32
    %add3A_1401 = arith.constant 2 : i32
    %add3A_1402 = arith.addi %mul3A_1400, %add3A_1401 : i32
    %mul3A_1403 = arith.constant 8 : i32
    %mul3A_1404 = arith.muli %add3A_1402, %mul3A_1403 : i32
    %dma_wait3A_1405 = arith.constant 69120 : i32
    %dma_wait3A_1406 = tpu.memref_slice %arg2[%mul3A_1404, %dma_wait3A_1405] : memref<1024x100000xf32, #tpu.memory_space<hbm>> -> memref<8x7680xf32, #tpu.memory_space<hbm>>
    %dma_wait3A_1407 = arith.constant 69120 : i32
    %dma_wait3A_1408 = tpu.memref_slice %arg2[%mul3A_1404, %dma_wait3A_1407] : memref<1024x100000xf32, #tpu.memory_space<hbm>> -> memref<8x7680xf32, #tpu.memory_space<hbm>>
    tpu.wait_dma2 semaphore(%arg8 : memref<!tpu.dma_semaphore, #tpu.memory_space<semaphore_mem>>) src(%dma_wait3A_1408 : memref<8x7680xf32, #tpu.memory_space<hbm>>) dst(%arg5 : memref<8x7680xf32, #tpu.memory_space<vmem>>)
    %mul3A_1409 = arith.constant 4 : i32
    %mul3A_1410 = arith.muli %add3A, %mul3A_1409 : i32
    %add3A_1411 = arith.constant 2 : i32
    %add3A_1412 = arith.addi %mul3A_1410, %add3A_1411 : i32
    %mul3A_1413 = arith.constant 8 : i32
    %mul3A_1414 = arith.muli %add3A_1412, %mul3A_1413 : i32
    %dma_wait3A_1415 = arith.constant 61440 : i32
    %dma_wait3A_1416 = tpu.memref_slice %arg3[%mul3A_1414, %dma_wait3A_1415] : memref<1024x100000xf32, #tpu.memory_space<hbm>> -> memref<8x7680xf32, #tpu.memory_space<hbm>>
    %dma_wait3A_1417 = arith.constant 61440 : i32
    %dma_wait3A_1418 = tpu.memref_slice %arg3[%mul3A_1414, %dma_wait3A_1417] : memref<1024x100000xf32, #tpu.memory_space<hbm>> -> memref<8x7680xf32, #tpu.memory_space<hbm>>
    tpu.wait_dma2 semaphore(%arg7 : memref<!tpu.dma_semaphore, #tpu.memory_space<semaphore_mem>>) src(%arg4 : memref<8x7680xf32, #tpu.memory_space<vmem>>) dst(%dma_wait3A_1418 : memref<8x7680xf32, #tpu.memory_space<hbm>>)
    %mul3A_1419 = arith.constant 4 : i32
    %mul3A_1420 = arith.muli %add3A, %mul3A_1419 : i32
    %add3A_1421 = arith.constant 2 : i32
    %add3A_1422 = arith.addi %mul3A_1420, %add3A_1421 : i32
    %mul3A_1423 = arith.constant 8 : i32
    %mul3A_1424 = arith.muli %add3A_1422, %mul3A_1423 : i32
    %dma_start3A_1425 = arith.constant 76800 : i32
    %dma_start3A_1426 = tpu.memref_slice %arg2[%mul3A_1424, %dma_start3A_1425] : memref<1024x100000xf32, #tpu.memory_space<hbm>> -> memref<8x7680xf32, #tpu.memory_space<hbm>>
    %dma_start3A_1427 = arith.constant 76800 : i32
    %dma_start3A_1428 = tpu.memref_slice %arg2[%mul3A_1424, %dma_start3A_1427] : memref<1024x100000xf32, #tpu.memory_space<hbm>> -> memref<8x7680xf32, #tpu.memory_space<hbm>>
    tpu.enqueue_dma source(%dma_start3A_1428 : memref<8x7680xf32, #tpu.memory_space<hbm>>) target(%arg4 : memref<8x7680xf32, #tpu.memory_space<vmem>>) target_semaphore(%arg6 : memref<!tpu.dma_semaphore, #tpu.memory_space<semaphore_mem>>)
    %mul3A_1429 = arith.constant 4 : i32
    %mul3A_1430 = arith.muli %add3A, %mul3A_1429 : i32
    %add3A_1431 = arith.constant 2 : i32
    %add3A_1432 = arith.addi %mul3A_1430, %add3A_1431 : i32
    %mul3A_1433 = arith.constant 8 : i32
    %mul3A_1434 = arith.muli %add3A_1432, %mul3A_1433 : i32
    %dma_start3A_1435 = arith.constant 69120 : i32
    %dma_start3A_1436 = tpu.memref_slice %arg3[%mul3A_1434, %dma_start3A_1435] : memref<1024x100000xf32, #tpu.memory_space<hbm>> -> memref<8x7680xf32, #tpu.memory_space<hbm>>
    %dma_start3A_1437 = arith.constant 69120 : i32
    %dma_start3A_1438 = tpu.memref_slice %arg3[%mul3A_1434, %dma_start3A_1437] : memref<1024x100000xf32, #tpu.memory_space<hbm>> -> memref<8x7680xf32, #tpu.memory_space<hbm>>
    tpu.enqueue_dma source(%arg5 : memref<8x7680xf32, #tpu.memory_space<vmem>>) target(%dma_start3A_1438 : memref<8x7680xf32, #tpu.memory_space<hbm>>) target_semaphore(%arg9 : memref<!tpu.dma_semaphore, #tpu.memory_space<semaphore_mem>>)
    %mul3A_1439 = arith.constant 4 : i32
    %mul3A_1440 = arith.muli %add3A, %mul3A_1439 : i32
    %add3A_1441 = arith.constant 2 : i32
    %add3A_1442 = arith.addi %mul3A_1440, %add3A_1441 : i32
    %mul3A_1443 = arith.constant 8 : i32
    %mul3A_1444 = arith.muli %add3A_1442, %mul3A_1443 : i32
    %dma_wait3A_1445 = arith.constant 76800 : i32
    %dma_wait3A_1446 = tpu.memref_slice %arg2[%mul3A_1444, %dma_wait3A_1445] : memref<1024x100000xf32, #tpu.memory_space<hbm>> -> memref<8x7680xf32, #tpu.memory_space<hbm>>
    %dma_wait3A_1447 = arith.constant 76800 : i32
    %dma_wait3A_1448 = tpu.memref_slice %arg2[%mul3A_1444, %dma_wait3A_1447] : memref<1024x100000xf32, #tpu.memory_space<hbm>> -> memref<8x7680xf32, #tpu.memory_space<hbm>>
    tpu.wait_dma2 semaphore(%arg6 : memref<!tpu.dma_semaphore, #tpu.memory_space<semaphore_mem>>) src(%dma_wait3A_1448 : memref<8x7680xf32, #tpu.memory_space<hbm>>) dst(%arg4 : memref<8x7680xf32, #tpu.memory_space<vmem>>)
    %mul3A_1449 = arith.constant 4 : i32
    %mul3A_1450 = arith.muli %add3A, %mul3A_1449 : i32
    %add3A_1451 = arith.constant 2 : i32
    %add3A_1452 = arith.addi %mul3A_1450, %add3A_1451 : i32
    %mul3A_1453 = arith.constant 8 : i32
    %mul3A_1454 = arith.muli %add3A_1452, %mul3A_1453 : i32
    %dma_wait3A_1455 = arith.constant 69120 : i32
    %dma_wait3A_1456 = tpu.memref_slice %arg3[%mul3A_1454, %dma_wait3A_1455] : memref<1024x100000xf32, #tpu.memory_space<hbm>> -> memref<8x7680xf32, #tpu.memory_space<hbm>>
    %dma_wait3A_1457 = arith.constant 69120 : i32
    %dma_wait3A_1458 = tpu.memref_slice %arg3[%mul3A_1454, %dma_wait3A_1457] : memref<1024x100000xf32, #tpu.memory_space<hbm>> -> memref<8x7680xf32, #tpu.memory_space<hbm>>
    tpu.wait_dma2 semaphore(%arg9 : memref<!tpu.dma_semaphore, #tpu.memory_space<semaphore_mem>>) src(%arg5 : memref<8x7680xf32, #tpu.memory_space<vmem>>) dst(%dma_wait3A_1458 : memref<8x7680xf32, #tpu.memory_space<hbm>>)
    %mul3A_1459 = arith.constant 4 : i32
    %mul3A_1460 = arith.muli %add3A, %mul3A_1459 : i32
    %add3A_1461 = arith.constant 2 : i32
    %add3A_1462 = arith.addi %mul3A_1460, %add3A_1461 : i32
    %mul3A_1463 = arith.constant 8 : i32
    %mul3A_1464 = arith.muli %add3A_1462, %mul3A_1463 : i32
    %dma_start3A_1465 = arith.constant 84480 : i32
    %dma_start3A_1466 = tpu.memref_slice %arg2[%mul3A_1464, %dma_start3A_1465] : memref<1024x100000xf32, #tpu.memory_space<hbm>> -> memref<8x7680xf32, #tpu.memory_space<hbm>>
    %dma_start3A_1467 = arith.constant 84480 : i32
    %dma_start3A_1468 = tpu.memref_slice %arg2[%mul3A_1464, %dma_start3A_1467] : memref<1024x100000xf32, #tpu.memory_space<hbm>> -> memref<8x7680xf32, #tpu.memory_space<hbm>>
    tpu.enqueue_dma source(%dma_start3A_1468 : memref<8x7680xf32, #tpu.memory_space<hbm>>) target(%arg5 : memref<8x7680xf32, #tpu.memory_space<vmem>>) target_semaphore(%arg8 : memref<!tpu.dma_semaphore, #tpu.memory_space<semaphore_mem>>)
    %mul3A_1469 = arith.constant 4 : i32
    %mul3A_1470 = arith.muli %add3A, %mul3A_1469 : i32
    %add3A_1471 = arith.constant 2 : i32
    %add3A_1472 = arith.addi %mul3A_1470, %add3A_1471 : i32
    %mul3A_1473 = arith.constant 8 : i32
    %mul3A_1474 = arith.muli %add3A_1472, %mul3A_1473 : i32
    %dma_start3A_1475 = arith.constant 76800 : i32
    %dma_start3A_1476 = tpu.memref_slice %arg3[%mul3A_1474, %dma_start3A_1475] : memref<1024x100000xf32, #tpu.memory_space<hbm>> -> memref<8x7680xf32, #tpu.memory_space<hbm>>
    %dma_start3A_1477 = arith.constant 76800 : i32
    %dma_start3A_1478 = tpu.memref_slice %arg3[%mul3A_1474, %dma_start3A_1477] : memref<1024x100000xf32, #tpu.memory_space<hbm>> -> memref<8x7680xf32, #tpu.memory_space<hbm>>
    tpu.enqueue_dma source(%arg4 : memref<8x7680xf32, #tpu.memory_space<vmem>>) target(%dma_start3A_1478 : memref<8x7680xf32, #tpu.memory_space<hbm>>) target_semaphore(%arg7 : memref<!tpu.dma_semaphore, #tpu.memory_space<semaphore_mem>>)
    %mul3A_1479 = arith.constant 4 : i32
    %mul3A_1480 = arith.muli %add3A, %mul3A_1479 : i32
    %add3A_1481 = arith.constant 2 : i32
    %add3A_1482 = arith.addi %mul3A_1480, %add3A_1481 : i32
    %mul3A_1483 = arith.constant 8 : i32
    %mul3A_1484 = arith.muli %add3A_1482, %mul3A_1483 : i32
    %dma_wait3A_1485 = arith.constant 84480 : i32
    %dma_wait3A_1486 = tpu.memref_slice %arg2[%mul3A_1484, %dma_wait3A_1485] : memref<1024x100000xf32, #tpu.memory_space<hbm>> -> memref<8x7680xf32, #tpu.memory_space<hbm>>
    %dma_wait3A_1487 = arith.constant 84480 : i32
    %dma_wait3A_1488 = tpu.memref_slice %arg2[%mul3A_1484, %dma_wait3A_1487] : memref<1024x100000xf32, #tpu.memory_space<hbm>> -> memref<8x7680xf32, #tpu.memory_space<hbm>>
    tpu.wait_dma2 semaphore(%arg8 : memref<!tpu.dma_semaphore, #tpu.memory_space<semaphore_mem>>) src(%dma_wait3A_1488 : memref<8x7680xf32, #tpu.memory_space<hbm>>) dst(%arg5 : memref<8x7680xf32, #tpu.memory_space<vmem>>)
    %mul3A_1489 = arith.constant 4 : i32
    %mul3A_1490 = arith.muli %add3A, %mul3A_1489 : i32
    %add3A_1491 = arith.constant 2 : i32
    %add3A_1492 = arith.addi %mul3A_1490, %add3A_1491 : i32
    %mul3A_1493 = arith.constant 8 : i32
    %mul3A_1494 = arith.muli %add3A_1492, %mul3A_1493 : i32
    %dma_wait3A_1495 = arith.constant 76800 : i32
    %dma_wait3A_1496 = tpu.memref_slice %arg3[%mul3A_1494, %dma_wait3A_1495] : memref<1024x100000xf32, #tpu.memory_space<hbm>> -> memref<8x7680xf32, #tpu.memory_space<hbm>>
    %dma_wait3A_1497 = arith.constant 76800 : i32
    %dma_wait3A_1498 = tpu.memref_slice %arg3[%mul3A_1494, %dma_wait3A_1497] : memref<1024x100000xf32, #tpu.memory_space<hbm>> -> memref<8x7680xf32, #tpu.memory_space<hbm>>
    tpu.wait_dma2 semaphore(%arg7 : memref<!tpu.dma_semaphore, #tpu.memory_space<semaphore_mem>>) src(%arg4 : memref<8x7680xf32, #tpu.memory_space<vmem>>) dst(%dma_wait3A_1498 : memref<8x7680xf32, #tpu.memory_space<hbm>>)
    %mul3A_1499 = arith.constant 4 : i32
    %mul3A_1500 = arith.muli %add3A, %mul3A_1499 : i32
    %add3A_1501 = arith.constant 2 : i32
    %add3A_1502 = arith.addi %mul3A_1500, %add3A_1501 : i32
    %mul3A_1503 = arith.constant 8 : i32
    %mul3A_1504 = arith.muli %add3A_1502, %mul3A_1503 : i32
    %dma_start3A_1505 = arith.constant 92160 : i32
    %dma_start3A_1506 = tpu.memref_slice %arg2[%mul3A_1504, %dma_start3A_1505] : memref<1024x100000xf32, #tpu.memory_space<hbm>> -> memref<8x7680xf32, #tpu.memory_space<hbm>>
    %dma_start3A_1507 = arith.constant 92160 : i32
    %dma_start3A_1508 = tpu.memref_slice %arg2[%mul3A_1504, %dma_start3A_1507] : memref<1024x100000xf32, #tpu.memory_space<hbm>> -> memref<8x7680xf32, #tpu.memory_space<hbm>>
    tpu.enqueue_dma source(%dma_start3A_1508 : memref<8x7680xf32, #tpu.memory_space<hbm>>) target(%arg4 : memref<8x7680xf32, #tpu.memory_space<vmem>>) target_semaphore(%arg6 : memref<!tpu.dma_semaphore, #tpu.memory_space<semaphore_mem>>)
    %mul3A_1509 = arith.constant 4 : i32
    %mul3A_1510 = arith.muli %add3A, %mul3A_1509 : i32
    %add3A_1511 = arith.constant 2 : i32
    %add3A_1512 = arith.addi %mul3A_1510, %add3A_1511 : i32
    %mul3A_1513 = arith.constant 8 : i32
    %mul3A_1514 = arith.muli %add3A_1512, %mul3A_1513 : i32
    %dma_start3A_1515 = arith.constant 84480 : i32
    %dma_start3A_1516 = tpu.memref_slice %arg3[%mul3A_1514, %dma_start3A_1515] : memref<1024x100000xf32, #tpu.memory_space<hbm>> -> memref<8x7680xf32, #tpu.memory_space<hbm>>
    %dma_start3A_1517 = arith.constant 84480 : i32
    %dma_start3A_1518 = tpu.memref_slice %arg3[%mul3A_1514, %dma_start3A_1517] : memref<1024x100000xf32, #tpu.memory_space<hbm>> -> memref<8x7680xf32, #tpu.memory_space<hbm>>
    tpu.enqueue_dma source(%arg5 : memref<8x7680xf32, #tpu.memory_space<vmem>>) target(%dma_start3A_1518 : memref<8x7680xf32, #tpu.memory_space<hbm>>) target_semaphore(%arg9 : memref<!tpu.dma_semaphore, #tpu.memory_space<semaphore_mem>>)
    %mul3A_1519 = arith.constant 4 : i32
    %mul3A_1520 = arith.muli %add3A, %mul3A_1519 : i32
    %add3A_1521 = arith.constant 2 : i32
    %add3A_1522 = arith.addi %mul3A_1520, %add3A_1521 : i32
    %mul3A_1523 = arith.constant 8 : i32
    %mul3A_1524 = arith.muli %add3A_1522, %mul3A_1523 : i32
    %dma_wait3A_1525 = arith.constant 92160 : i32
    %dma_wait3A_1526 = tpu.memref_slice %arg2[%mul3A_1524, %dma_wait3A_1525] : memref<1024x100000xf32, #tpu.memory_space<hbm>> -> memref<8x7680xf32, #tpu.memory_space<hbm>>
    %dma_wait3A_1527 = arith.constant 92160 : i32
    %dma_wait3A_1528 = tpu.memref_slice %arg2[%mul3A_1524, %dma_wait3A_1527] : memref<1024x100000xf32, #tpu.memory_space<hbm>> -> memref<8x7680xf32, #tpu.memory_space<hbm>>
    tpu.wait_dma2 semaphore(%arg6 : memref<!tpu.dma_semaphore, #tpu.memory_space<semaphore_mem>>) src(%dma_wait3A_1528 : memref<8x7680xf32, #tpu.memory_space<hbm>>) dst(%arg4 : memref<8x7680xf32, #tpu.memory_space<vmem>>)
    %mul3A_1529 = arith.constant 4 : i32
    %mul3A_1530 = arith.muli %add3A, %mul3A_1529 : i32
    %add3A_1531 = arith.constant 2 : i32
    %add3A_1532 = arith.addi %mul3A_1530, %add3A_1531 : i32
    %mul3A_1533 = arith.constant 8 : i32
    %mul3A_1534 = arith.muli %add3A_1532, %mul3A_1533 : i32
    %dma_wait3A_1535 = arith.constant 84480 : i32
    %dma_wait3A_1536 = tpu.memref_slice %arg3[%mul3A_1534, %dma_wait3A_1535] : memref<1024x100000xf32, #tpu.memory_space<hbm>> -> memref<8x7680xf32, #tpu.memory_space<hbm>>
    %dma_wait3A_1537 = arith.constant 84480 : i32
    %dma_wait3A_1538 = tpu.memref_slice %arg3[%mul3A_1534, %dma_wait3A_1537] : memref<1024x100000xf32, #tpu.memory_space<hbm>> -> memref<8x7680xf32, #tpu.memory_space<hbm>>
    tpu.wait_dma2 semaphore(%arg9 : memref<!tpu.dma_semaphore, #tpu.memory_space<semaphore_mem>>) src(%arg5 : memref<8x7680xf32, #tpu.memory_space<vmem>>) dst(%dma_wait3A_1538 : memref<8x7680xf32, #tpu.memory_space<hbm>>)
    %mul3A_1539 = arith.constant 4 : i32
    %mul3A_1540 = arith.muli %add3A, %mul3A_1539 : i32
    %add3A_1541 = arith.constant 3 : i32
    %add3A_1542 = arith.addi %mul3A_1540, %add3A_1541 : i32
    %mul3A_1543 = arith.constant 8 : i32
    %mul3A_1544 = arith.muli %add3A_1542, %mul3A_1543 : i32
    %dma_start3A_1545 = arith.constant 0 : i32
    %dma_start3A_1546 = tpu.memref_slice %arg2[%mul3A_1544, %dma_start3A_1545] : memref<1024x100000xf32, #tpu.memory_space<hbm>> -> memref<8x7680xf32, #tpu.memory_space<hbm>>
    %dma_start3A_1547 = arith.constant 0 : i32
    %dma_start3A_1548 = tpu.memref_slice %arg2[%mul3A_1544, %dma_start3A_1547] : memref<1024x100000xf32, #tpu.memory_space<hbm>> -> memref<8x7680xf32, #tpu.memory_space<hbm>>
    tpu.enqueue_dma source(%dma_start3A_1548 : memref<8x7680xf32, #tpu.memory_space<hbm>>) target(%arg5 : memref<8x7680xf32, #tpu.memory_space<vmem>>) target_semaphore(%arg8 : memref<!tpu.dma_semaphore, #tpu.memory_space<semaphore_mem>>)
    %mul3A_1549 = arith.constant 4 : i32
    %mul3A_1550 = arith.muli %add3A, %mul3A_1549 : i32
    %add3A_1551 = arith.constant 2 : i32
    %add3A_1552 = arith.addi %mul3A_1550, %add3A_1551 : i32
    %mul3A_1553 = arith.constant 8 : i32
    %mul3A_1554 = arith.muli %add3A_1552, %mul3A_1553 : i32
    %dma_start3A_1555 = arith.constant 92160 : i32
    %dma_start3A_1556 = tpu.memref_slice %arg3[%mul3A_1554, %dma_start3A_1555] : memref<1024x100000xf32, #tpu.memory_space<hbm>> -> memref<8x7680xf32, #tpu.memory_space<hbm>>
    %dma_start3A_1557 = arith.constant 92160 : i32
    %dma_start3A_1558 = tpu.memref_slice %arg3[%mul3A_1554, %dma_start3A_1557] : memref<1024x100000xf32, #tpu.memory_space<hbm>> -> memref<8x7680xf32, #tpu.memory_space<hbm>>
    tpu.enqueue_dma source(%arg4 : memref<8x7680xf32, #tpu.memory_space<vmem>>) target(%dma_start3A_1558 : memref<8x7680xf32, #tpu.memory_space<hbm>>) target_semaphore(%arg7 : memref<!tpu.dma_semaphore, #tpu.memory_space<semaphore_mem>>)
    %mul3A_1559 = arith.constant 4 : i32
    %mul3A_1560 = arith.muli %add3A, %mul3A_1559 : i32
    %add3A_1561 = arith.constant 3 : i32
    %add3A_1562 = arith.addi %mul3A_1560, %add3A_1561 : i32
    %mul3A_1563 = arith.constant 8 : i32
    %mul3A_1564 = arith.muli %add3A_1562, %mul3A_1563 : i32
    %dma_wait3A_1565 = arith.constant 0 : i32
    %dma_wait3A_1566 = tpu.memref_slice %arg2[%mul3A_1564, %dma_wait3A_1565] : memref<1024x100000xf32, #tpu.memory_space<hbm>> -> memref<8x7680xf32, #tpu.memory_space<hbm>>
    %dma_wait3A_1567 = arith.constant 0 : i32
    %dma_wait3A_1568 = tpu.memref_slice %arg2[%mul3A_1564, %dma_wait3A_1567] : memref<1024x100000xf32, #tpu.memory_space<hbm>> -> memref<8x7680xf32, #tpu.memory_space<hbm>>
    tpu.wait_dma2 semaphore(%arg8 : memref<!tpu.dma_semaphore, #tpu.memory_space<semaphore_mem>>) src(%dma_wait3A_1568 : memref<8x7680xf32, #tpu.memory_space<hbm>>) dst(%arg5 : memref<8x7680xf32, #tpu.memory_space<vmem>>)
    %mul3A_1569 = arith.constant 4 : i32
    %mul3A_1570 = arith.muli %add3A, %mul3A_1569 : i32
    %add3A_1571 = arith.constant 2 : i32
    %add3A_1572 = arith.addi %mul3A_1570, %add3A_1571 : i32
    %mul3A_1573 = arith.constant 8 : i32
    %mul3A_1574 = arith.muli %add3A_1572, %mul3A_1573 : i32
    %dma_wait3A_1575 = arith.constant 92160 : i32
    %dma_wait3A_1576 = tpu.memref_slice %arg3[%mul3A_1574, %dma_wait3A_1575] : memref<1024x100000xf32, #tpu.memory_space<hbm>> -> memref<8x7680xf32, #tpu.memory_space<hbm>>
    %dma_wait3A_1577 = arith.constant 92160 : i32
    %dma_wait3A_1578 = tpu.memref_slice %arg3[%mul3A_1574, %dma_wait3A_1577] : memref<1024x100000xf32, #tpu.memory_space<hbm>> -> memref<8x7680xf32, #tpu.memory_space<hbm>>
    tpu.wait_dma2 semaphore(%arg7 : memref<!tpu.dma_semaphore, #tpu.memory_space<semaphore_mem>>) src(%arg4 : memref<8x7680xf32, #tpu.memory_space<vmem>>) dst(%dma_wait3A_1578 : memref<8x7680xf32, #tpu.memory_space<hbm>>)
    %mul3A_1579 = arith.constant 4 : i32
    %mul3A_1580 = arith.muli %add3A, %mul3A_1579 : i32
    %add3A_1581 = arith.constant 3 : i32
    %add3A_1582 = arith.addi %mul3A_1580, %add3A_1581 : i32
    %mul3A_1583 = arith.constant 8 : i32
    %mul3A_1584 = arith.muli %add3A_1582, %mul3A_1583 : i32
    %dma_start3A_1585 = arith.constant 7680 : i32
    %dma_start3A_1586 = tpu.memref_slice %arg2[%mul3A_1584, %dma_start3A_1585] : memref<1024x100000xf32, #tpu.memory_space<hbm>> -> memref<8x7680xf32, #tpu.memory_space<hbm>>
    %dma_start3A_1587 = arith.constant 7680 : i32
    %dma_start3A_1588 = tpu.memref_slice %arg2[%mul3A_1584, %dma_start3A_1587] : memref<1024x100000xf32, #tpu.memory_space<hbm>> -> memref<8x7680xf32, #tpu.memory_space<hbm>>
    tpu.enqueue_dma source(%dma_start3A_1588 : memref<8x7680xf32, #tpu.memory_space<hbm>>) target(%arg4 : memref<8x7680xf32, #tpu.memory_space<vmem>>) target_semaphore(%arg6 : memref<!tpu.dma_semaphore, #tpu.memory_space<semaphore_mem>>)
    %mul3A_1589 = arith.constant 4 : i32
    %mul3A_1590 = arith.muli %add3A, %mul3A_1589 : i32
    %add3A_1591 = arith.constant 3 : i32
    %add3A_1592 = arith.addi %mul3A_1590, %add3A_1591 : i32
    %mul3A_1593 = arith.constant 8 : i32
    %mul3A_1594 = arith.muli %add3A_1592, %mul3A_1593 : i32
    %dma_start3A_1595 = arith.constant 0 : i32
    %dma_start3A_1596 = tpu.memref_slice %arg3[%mul3A_1594, %dma_start3A_1595] : memref<1024x100000xf32, #tpu.memory_space<hbm>> -> memref<8x7680xf32, #tpu.memory_space<hbm>>
    %dma_start3A_1597 = arith.constant 0 : i32
    %dma_start3A_1598 = tpu.memref_slice %arg3[%mul3A_1594, %dma_start3A_1597] : memref<1024x100000xf32, #tpu.memory_space<hbm>> -> memref<8x7680xf32, #tpu.memory_space<hbm>>
    tpu.enqueue_dma source(%arg5 : memref<8x7680xf32, #tpu.memory_space<vmem>>) target(%dma_start3A_1598 : memref<8x7680xf32, #tpu.memory_space<hbm>>) target_semaphore(%arg9 : memref<!tpu.dma_semaphore, #tpu.memory_space<semaphore_mem>>)
    %mul3A_1599 = arith.constant 4 : i32
    %mul3A_1600 = arith.muli %add3A, %mul3A_1599 : i32
    %add3A_1601 = arith.constant 3 : i32
    %add3A_1602 = arith.addi %mul3A_1600, %add3A_1601 : i32
    %mul3A_1603 = arith.constant 8 : i32
    %mul3A_1604 = arith.muli %add3A_1602, %mul3A_1603 : i32
    %dma_wait3A_1605 = arith.constant 7680 : i32
    %dma_wait3A_1606 = tpu.memref_slice %arg2[%mul3A_1604, %dma_wait3A_1605] : memref<1024x100000xf32, #tpu.memory_space<hbm>> -> memref<8x7680xf32, #tpu.memory_space<hbm>>
    %dma_wait3A_1607 = arith.constant 7680 : i32
    %dma_wait3A_1608 = tpu.memref_slice %arg2[%mul3A_1604, %dma_wait3A_1607] : memref<1024x100000xf32, #tpu.memory_space<hbm>> -> memref<8x7680xf32, #tpu.memory_space<hbm>>
    tpu.wait_dma2 semaphore(%arg6 : memref<!tpu.dma_semaphore, #tpu.memory_space<semaphore_mem>>) src(%dma_wait3A_1608 : memref<8x7680xf32, #tpu.memory_space<hbm>>) dst(%arg4 : memref<8x7680xf32, #tpu.memory_space<vmem>>)
    %mul3A_1609 = arith.constant 4 : i32
    %mul3A_1610 = arith.muli %add3A, %mul3A_1609 : i32
    %add3A_1611 = arith.constant 3 : i32
    %add3A_1612 = arith.addi %mul3A_1610, %add3A_1611 : i32
    %mul3A_1613 = arith.constant 8 : i32
    %mul3A_1614 = arith.muli %add3A_1612, %mul3A_1613 : i32
    %dma_wait3A_1615 = arith.constant 0 : i32
    %dma_wait3A_1616 = tpu.memref_slice %arg3[%mul3A_1614, %dma_wait3A_1615] : memref<1024x100000xf32, #tpu.memory_space<hbm>> -> memref<8x7680xf32, #tpu.memory_space<hbm>>
    %dma_wait3A_1617 = arith.constant 0 : i32
    %dma_wait3A_1618 = tpu.memref_slice %arg3[%mul3A_1614, %dma_wait3A_1617] : memref<1024x100000xf32, #tpu.memory_space<hbm>> -> memref<8x7680xf32, #tpu.memory_space<hbm>>
    tpu.wait_dma2 semaphore(%arg9 : memref<!tpu.dma_semaphore, #tpu.memory_space<semaphore_mem>>) src(%arg5 : memref<8x7680xf32, #tpu.memory_space<vmem>>) dst(%dma_wait3A_1618 : memref<8x7680xf32, #tpu.memory_space<hbm>>)
    %mul3A_1619 = arith.constant 4 : i32
    %mul3A_1620 = arith.muli %add3A, %mul3A_1619 : i32
    %add3A_1621 = arith.constant 3 : i32
    %add3A_1622 = arith.addi %mul3A_1620, %add3A_1621 : i32
    %mul3A_1623 = arith.constant 8 : i32
    %mul3A_1624 = arith.muli %add3A_1622, %mul3A_1623 : i32
    %dma_start3A_1625 = arith.constant 15360 : i32
    %dma_start3A_1626 = tpu.memref_slice %arg2[%mul3A_1624, %dma_start3A_1625] : memref<1024x100000xf32, #tpu.memory_space<hbm>> -> memref<8x7680xf32, #tpu.memory_space<hbm>>
    %dma_start3A_1627 = arith.constant 15360 : i32
    %dma_start3A_1628 = tpu.memref_slice %arg2[%mul3A_1624, %dma_start3A_1627] : memref<1024x100000xf32, #tpu.memory_space<hbm>> -> memref<8x7680xf32, #tpu.memory_space<hbm>>
    tpu.enqueue_dma source(%dma_start3A_1628 : memref<8x7680xf32, #tpu.memory_space<hbm>>) target(%arg5 : memref<8x7680xf32, #tpu.memory_space<vmem>>) target_semaphore(%arg8 : memref<!tpu.dma_semaphore, #tpu.memory_space<semaphore_mem>>)
    %mul3A_1629 = arith.constant 4 : i32
    %mul3A_1630 = arith.muli %add3A, %mul3A_1629 : i32
    %add3A_1631 = arith.constant 3 : i32
    %add3A_1632 = arith.addi %mul3A_1630, %add3A_1631 : i32
    %mul3A_1633 = arith.constant 8 : i32
    %mul3A_1634 = arith.muli %add3A_1632, %mul3A_1633 : i32
    %dma_start3A_1635 = arith.constant 7680 : i32
    %dma_start3A_1636 = tpu.memref_slice %arg3[%mul3A_1634, %dma_start3A_1635] : memref<1024x100000xf32, #tpu.memory_space<hbm>> -> memref<8x7680xf32, #tpu.memory_space<hbm>>
    %dma_start3A_1637 = arith.constant 7680 : i32
    %dma_start3A_1638 = tpu.memref_slice %arg3[%mul3A_1634, %dma_start3A_1637] : memref<1024x100000xf32, #tpu.memory_space<hbm>> -> memref<8x7680xf32, #tpu.memory_space<hbm>>
    tpu.enqueue_dma source(%arg4 : memref<8x7680xf32, #tpu.memory_space<vmem>>) target(%dma_start3A_1638 : memref<8x7680xf32, #tpu.memory_space<hbm>>) target_semaphore(%arg7 : memref<!tpu.dma_semaphore, #tpu.memory_space<semaphore_mem>>)
    %mul3A_1639 = arith.constant 4 : i32
    %mul3A_1640 = arith.muli %add3A, %mul3A_1639 : i32
    %add3A_1641 = arith.constant 3 : i32
    %add3A_1642 = arith.addi %mul3A_1640, %add3A_1641 : i32
    %mul3A_1643 = arith.constant 8 : i32
    %mul3A_1644 = arith.muli %add3A_1642, %mul3A_1643 : i32
    %dma_wait3A_1645 = arith.constant 15360 : i32
    %dma_wait3A_1646 = tpu.memref_slice %arg2[%mul3A_1644, %dma_wait3A_1645] : memref<1024x100000xf32, #tpu.memory_space<hbm>> -> memref<8x7680xf32, #tpu.memory_space<hbm>>
    %dma_wait3A_1647 = arith.constant 15360 : i32
    %dma_wait3A_1648 = tpu.memref_slice %arg2[%mul3A_1644, %dma_wait3A_1647] : memref<1024x100000xf32, #tpu.memory_space<hbm>> -> memref<8x7680xf32, #tpu.memory_space<hbm>>
    tpu.wait_dma2 semaphore(%arg8 : memref<!tpu.dma_semaphore, #tpu.memory_space<semaphore_mem>>) src(%dma_wait3A_1648 : memref<8x7680xf32, #tpu.memory_space<hbm>>) dst(%arg5 : memref<8x7680xf32, #tpu.memory_space<vmem>>)
    %mul3A_1649 = arith.constant 4 : i32
    %mul3A_1650 = arith.muli %add3A, %mul3A_1649 : i32
    %add3A_1651 = arith.constant 3 : i32
    %add3A_1652 = arith.addi %mul3A_1650, %add3A_1651 : i32
    %mul3A_1653 = arith.constant 8 : i32
    %mul3A_1654 = arith.muli %add3A_1652, %mul3A_1653 : i32
    %dma_wait3A_1655 = arith.constant 7680 : i32
    %dma_wait3A_1656 = tpu.memref_slice %arg3[%mul3A_1654, %dma_wait3A_1655] : memref<1024x100000xf32, #tpu.memory_space<hbm>> -> memref<8x7680xf32, #tpu.memory_space<hbm>>
    %dma_wait3A_1657 = arith.constant 7680 : i32
    %dma_wait3A_1658 = tpu.memref_slice %arg3[%mul3A_1654, %dma_wait3A_1657] : memref<1024x100000xf32, #tpu.memory_space<hbm>> -> memref<8x7680xf32, #tpu.memory_space<hbm>>
    tpu.wait_dma2 semaphore(%arg7 : memref<!tpu.dma_semaphore, #tpu.memory_space<semaphore_mem>>) src(%arg4 : memref<8x7680xf32, #tpu.memory_space<vmem>>) dst(%dma_wait3A_1658 : memref<8x7680xf32, #tpu.memory_space<hbm>>)
    %mul3A_1659 = arith.constant 4 : i32
    %mul3A_1660 = arith.muli %add3A, %mul3A_1659 : i32
    %add3A_1661 = arith.constant 3 : i32
    %add3A_1662 = arith.addi %mul3A_1660, %add3A_1661 : i32
    %mul3A_1663 = arith.constant 8 : i32
    %mul3A_1664 = arith.muli %add3A_1662, %mul3A_1663 : i32
    %dma_start3A_1665 = arith.constant 23040 : i32
    %dma_start3A_1666 = tpu.memref_slice %arg2[%mul3A_1664, %dma_start3A_1665] : memref<1024x100000xf32, #tpu.memory_space<hbm>> -> memref<8x7680xf32, #tpu.memory_space<hbm>>
    %dma_start3A_1667 = arith.constant 23040 : i32
    %dma_start3A_1668 = tpu.memref_slice %arg2[%mul3A_1664, %dma_start3A_1667] : memref<1024x100000xf32, #tpu.memory_space<hbm>> -> memref<8x7680xf32, #tpu.memory_space<hbm>>
    tpu.enqueue_dma source(%dma_start3A_1668 : memref<8x7680xf32, #tpu.memory_space<hbm>>) target(%arg4 : memref<8x7680xf32, #tpu.memory_space<vmem>>) target_semaphore(%arg6 : memref<!tpu.dma_semaphore, #tpu.memory_space<semaphore_mem>>)
    %mul3A_1669 = arith.constant 4 : i32
    %mul3A_1670 = arith.muli %add3A, %mul3A_1669 : i32
    %add3A_1671 = arith.constant 3 : i32
    %add3A_1672 = arith.addi %mul3A_1670, %add3A_1671 : i32
    %mul3A_1673 = arith.constant 8 : i32
    %mul3A_1674 = arith.muli %add3A_1672, %mul3A_1673 : i32
    %dma_start3A_1675 = arith.constant 15360 : i32
    %dma_start3A_1676 = tpu.memref_slice %arg3[%mul3A_1674, %dma_start3A_1675] : memref<1024x100000xf32, #tpu.memory_space<hbm>> -> memref<8x7680xf32, #tpu.memory_space<hbm>>
    %dma_start3A_1677 = arith.constant 15360 : i32
    %dma_start3A_1678 = tpu.memref_slice %arg3[%mul3A_1674, %dma_start3A_1677] : memref<1024x100000xf32, #tpu.memory_space<hbm>> -> memref<8x7680xf32, #tpu.memory_space<hbm>>
    tpu.enqueue_dma source(%arg5 : memref<8x7680xf32, #tpu.memory_space<vmem>>) target(%dma_start3A_1678 : memref<8x7680xf32, #tpu.memory_space<hbm>>) target_semaphore(%arg9 : memref<!tpu.dma_semaphore, #tpu.memory_space<semaphore_mem>>)
    %mul3A_1679 = arith.constant 4 : i32
    %mul3A_1680 = arith.muli %add3A, %mul3A_1679 : i32
    %add3A_1681 = arith.constant 3 : i32
    %add3A_1682 = arith.addi %mul3A_1680, %add3A_1681 : i32
    %mul3A_1683 = arith.constant 8 : i32
    %mul3A_1684 = arith.muli %add3A_1682, %mul3A_1683 : i32
    %dma_wait3A_1685 = arith.constant 23040 : i32
    %dma_wait3A_1686 = tpu.memref_slice %arg2[%mul3A_1684, %dma_wait3A_1685] : memref<1024x100000xf32, #tpu.memory_space<hbm>> -> memref<8x7680xf32, #tpu.memory_space<hbm>>
    %dma_wait3A_1687 = arith.constant 23040 : i32
    %dma_wait3A_1688 = tpu.memref_slice %arg2[%mul3A_1684, %dma_wait3A_1687] : memref<1024x100000xf32, #tpu.memory_space<hbm>> -> memref<8x7680xf32, #tpu.memory_space<hbm>>
    tpu.wait_dma2 semaphore(%arg6 : memref<!tpu.dma_semaphore, #tpu.memory_space<semaphore_mem>>) src(%dma_wait3A_1688 : memref<8x7680xf32, #tpu.memory_space<hbm>>) dst(%arg4 : memref<8x7680xf32, #tpu.memory_space<vmem>>)
    %mul3A_1689 = arith.constant 4 : i32
    %mul3A_1690 = arith.muli %add3A, %mul3A_1689 : i32
    %add3A_1691 = arith.constant 3 : i32
    %add3A_1692 = arith.addi %mul3A_1690, %add3A_1691 : i32
    %mul3A_1693 = arith.constant 8 : i32
    %mul3A_1694 = arith.muli %add3A_1692, %mul3A_1693 : i32
    %dma_wait3A_1695 = arith.constant 15360 : i32
    %dma_wait3A_1696 = tpu.memref_slice %arg3[%mul3A_1694, %dma_wait3A_1695] : memref<1024x100000xf32, #tpu.memory_space<hbm>> -> memref<8x7680xf32, #tpu.memory_space<hbm>>
    %dma_wait3A_1697 = arith.constant 15360 : i32
    %dma_wait3A_1698 = tpu.memref_slice %arg3[%mul3A_1694, %dma_wait3A_1697] : memref<1024x100000xf32, #tpu.memory_space<hbm>> -> memref<8x7680xf32, #tpu.memory_space<hbm>>
    tpu.wait_dma2 semaphore(%arg9 : memref<!tpu.dma_semaphore, #tpu.memory_space<semaphore_mem>>) src(%arg5 : memref<8x7680xf32, #tpu.memory_space<vmem>>) dst(%dma_wait3A_1698 : memref<8x7680xf32, #tpu.memory_space<hbm>>)
    %mul3A_1699 = arith.constant 4 : i32
    %mul3A_1700 = arith.muli %add3A, %mul3A_1699 : i32
    %add3A_1701 = arith.constant 3 : i32
    %add3A_1702 = arith.addi %mul3A_1700, %add3A_1701 : i32
    %mul3A_1703 = arith.constant 8 : i32
    %mul3A_1704 = arith.muli %add3A_1702, %mul3A_1703 : i32
    %dma_start3A_1705 = arith.constant 30720 : i32
    %dma_start3A_1706 = tpu.memref_slice %arg2[%mul3A_1704, %dma_start3A_1705] : memref<1024x100000xf32, #tpu.memory_space<hbm>> -> memref<8x7680xf32, #tpu.memory_space<hbm>>
    %dma_start3A_1707 = arith.constant 30720 : i32
    %dma_start3A_1708 = tpu.memref_slice %arg2[%mul3A_1704, %dma_start3A_1707] : memref<1024x100000xf32, #tpu.memory_space<hbm>> -> memref<8x7680xf32, #tpu.memory_space<hbm>>
    tpu.enqueue_dma source(%dma_start3A_1708 : memref<8x7680xf32, #tpu.memory_space<hbm>>) target(%arg5 : memref<8x7680xf32, #tpu.memory_space<vmem>>) target_semaphore(%arg8 : memref<!tpu.dma_semaphore, #tpu.memory_space<semaphore_mem>>)
    %mul3A_1709 = arith.constant 4 : i32
    %mul3A_1710 = arith.muli %add3A, %mul3A_1709 : i32
    %add3A_1711 = arith.constant 3 : i32
    %add3A_1712 = arith.addi %mul3A_1710, %add3A_1711 : i32
    %mul3A_1713 = arith.constant 8 : i32
    %mul3A_1714 = arith.muli %add3A_1712, %mul3A_1713 : i32
    %dma_start3A_1715 = arith.constant 23040 : i32
    %dma_start3A_1716 = tpu.memref_slice %arg3[%mul3A_1714, %dma_start3A_1715] : memref<1024x100000xf32, #tpu.memory_space<hbm>> -> memref<8x7680xf32, #tpu.memory_space<hbm>>
    %dma_start3A_1717 = arith.constant 23040 : i32
    %dma_start3A_1718 = tpu.memref_slice %arg3[%mul3A_1714, %dma_start3A_1717] : memref<1024x100000xf32, #tpu.memory_space<hbm>> -> memref<8x7680xf32, #tpu.memory_space<hbm>>
    tpu.enqueue_dma source(%arg4 : memref<8x7680xf32, #tpu.memory_space<vmem>>) target(%dma_start3A_1718 : memref<8x7680xf32, #tpu.memory_space<hbm>>) target_semaphore(%arg7 : memref<!tpu.dma_semaphore, #tpu.memory_space<semaphore_mem>>)
    %mul3A_1719 = arith.constant 4 : i32
    %mul3A_1720 = arith.muli %add3A, %mul3A_1719 : i32
    %add3A_1721 = arith.constant 3 : i32
    %add3A_1722 = arith.addi %mul3A_1720, %add3A_1721 : i32
    %mul3A_1723 = arith.constant 8 : i32
    %mul3A_1724 = arith.muli %add3A_1722, %mul3A_1723 : i32
    %dma_wait3A_1725 = arith.constant 30720 : i32
    %dma_wait3A_1726 = tpu.memref_slice %arg2[%mul3A_1724, %dma_wait3A_1725] : memref<1024x100000xf32, #tpu.memory_space<hbm>> -> memref<8x7680xf32, #tpu.memory_space<hbm>>
    %dma_wait3A_1727 = arith.constant 30720 : i32
    %dma_wait3A_1728 = tpu.memref_slice %arg2[%mul3A_1724, %dma_wait3A_1727] : memref<1024x100000xf32, #tpu.memory_space<hbm>> -> memref<8x7680xf32, #tpu.memory_space<hbm>>
    tpu.wait_dma2 semaphore(%arg8 : memref<!tpu.dma_semaphore, #tpu.memory_space<semaphore_mem>>) src(%dma_wait3A_1728 : memref<8x7680xf32, #tpu.memory_space<hbm>>) dst(%arg5 : memref<8x7680xf32, #tpu.memory_space<vmem>>)
    %mul3A_1729 = arith.constant 4 : i32
    %mul3A_1730 = arith.muli %add3A, %mul3A_1729 : i32
    %add3A_1731 = arith.constant 3 : i32
    %add3A_1732 = arith.addi %mul3A_1730, %add3A_1731 : i32
    %mul3A_1733 = arith.constant 8 : i32
    %mul3A_1734 = arith.muli %add3A_1732, %mul3A_1733 : i32
    %dma_wait3A_1735 = arith.constant 23040 : i32
    %dma_wait3A_1736 = tpu.memref_slice %arg3[%mul3A_1734, %dma_wait3A_1735] : memref<1024x100000xf32, #tpu.memory_space<hbm>> -> memref<8x7680xf32, #tpu.memory_space<hbm>>
    %dma_wait3A_1737 = arith.constant 23040 : i32
    %dma_wait3A_1738 = tpu.memref_slice %arg3[%mul3A_1734, %dma_wait3A_1737] : memref<1024x100000xf32, #tpu.memory_space<hbm>> -> memref<8x7680xf32, #tpu.memory_space<hbm>>
    tpu.wait_dma2 semaphore(%arg7 : memref<!tpu.dma_semaphore, #tpu.memory_space<semaphore_mem>>) src(%arg4 : memref<8x7680xf32, #tpu.memory_space<vmem>>) dst(%dma_wait3A_1738 : memref<8x7680xf32, #tpu.memory_space<hbm>>)
    %mul3A_1739 = arith.constant 4 : i32
    %mul3A_1740 = arith.muli %add3A, %mul3A_1739 : i32
    %add3A_1741 = arith.constant 3 : i32
    %add3A_1742 = arith.addi %mul3A_1740, %add3A_1741 : i32
    %mul3A_1743 = arith.constant 8 : i32
    %mul3A_1744 = arith.muli %add3A_1742, %mul3A_1743 : i32
    %dma_start3A_1745 = arith.constant 38400 : i32
    %dma_start3A_1746 = tpu.memref_slice %arg2[%mul3A_1744, %dma_start3A_1745] : memref<1024x100000xf32, #tpu.memory_space<hbm>> -> memref<8x7680xf32, #tpu.memory_space<hbm>>
    %dma_start3A_1747 = arith.constant 38400 : i32
    %dma_start3A_1748 = tpu.memref_slice %arg2[%mul3A_1744, %dma_start3A_1747] : memref<1024x100000xf32, #tpu.memory_space<hbm>> -> memref<8x7680xf32, #tpu.memory_space<hbm>>
    tpu.enqueue_dma source(%dma_start3A_1748 : memref<8x7680xf32, #tpu.memory_space<hbm>>) target(%arg4 : memref<8x7680xf32, #tpu.memory_space<vmem>>) target_semaphore(%arg6 : memref<!tpu.dma_semaphore, #tpu.memory_space<semaphore_mem>>)
    %mul3A_1749 = arith.constant 4 : i32
    %mul3A_1750 = arith.muli %add3A, %mul3A_1749 : i32
    %add3A_1751 = arith.constant 3 : i32
    %add3A_1752 = arith.addi %mul3A_1750, %add3A_1751 : i32
    %mul3A_1753 = arith.constant 8 : i32
    %mul3A_1754 = arith.muli %add3A_1752, %mul3A_1753 : i32
    %dma_start3A_1755 = arith.constant 30720 : i32
    %dma_start3A_1756 = tpu.memref_slice %arg3[%mul3A_1754, %dma_start3A_1755] : memref<1024x100000xf32, #tpu.memory_space<hbm>> -> memref<8x7680xf32, #tpu.memory_space<hbm>>
    %dma_start3A_1757 = arith.constant 30720 : i32
    %dma_start3A_1758 = tpu.memref_slice %arg3[%mul3A_1754, %dma_start3A_1757] : memref<1024x100000xf32, #tpu.memory_space<hbm>> -> memref<8x7680xf32, #tpu.memory_space<hbm>>
    tpu.enqueue_dma source(%arg5 : memref<8x7680xf32, #tpu.memory_space<vmem>>) target(%dma_start3A_1758 : memref<8x7680xf32, #tpu.memory_space<hbm>>) target_semaphore(%arg9 : memref<!tpu.dma_semaphore, #tpu.memory_space<semaphore_mem>>)
    %mul3A_1759 = arith.constant 4 : i32
    %mul3A_1760 = arith.muli %add3A, %mul3A_1759 : i32
    %add3A_1761 = arith.constant 3 : i32
    %add3A_1762 = arith.addi %mul3A_1760, %add3A_1761 : i32
    %mul3A_1763 = arith.constant 8 : i32
    %mul3A_1764 = arith.muli %add3A_1762, %mul3A_1763 : i32
    %dma_wait3A_1765 = arith.constant 38400 : i32
    %dma_wait3A_1766 = tpu.memref_slice %arg2[%mul3A_1764, %dma_wait3A_1765] : memref<1024x100000xf32, #tpu.memory_space<hbm>> -> memref<8x7680xf32, #tpu.memory_space<hbm>>
    %dma_wait3A_1767 = arith.constant 38400 : i32
    %dma_wait3A_1768 = tpu.memref_slice %arg2[%mul3A_1764, %dma_wait3A_1767] : memref<1024x100000xf32, #tpu.memory_space<hbm>> -> memref<8x7680xf32, #tpu.memory_space<hbm>>
    tpu.wait_dma2 semaphore(%arg6 : memref<!tpu.dma_semaphore, #tpu.memory_space<semaphore_mem>>) src(%dma_wait3A_1768 : memref<8x7680xf32, #tpu.memory_space<hbm>>) dst(%arg4 : memref<8x7680xf32, #tpu.memory_space<vmem>>)
    %mul3A_1769 = arith.constant 4 : i32
    %mul3A_1770 = arith.muli %add3A, %mul3A_1769 : i32
    %add3A_1771 = arith.constant 3 : i32
    %add3A_1772 = arith.addi %mul3A_1770, %add3A_1771 : i32
    %mul3A_1773 = arith.constant 8 : i32
    %mul3A_1774 = arith.muli %add3A_1772, %mul3A_1773 : i32
    %dma_wait3A_1775 = arith.constant 30720 : i32
    %dma_wait3A_1776 = tpu.memref_slice %arg3[%mul3A_1774, %dma_wait3A_1775] : memref<1024x100000xf32, #tpu.memory_space<hbm>> -> memref<8x7680xf32, #tpu.memory_space<hbm>>
    %dma_wait3A_1777 = arith.constant 30720 : i32
    %dma_wait3A_1778 = tpu.memref_slice %arg3[%mul3A_1774, %dma_wait3A_1777] : memref<1024x100000xf32, #tpu.memory_space<hbm>> -> memref<8x7680xf32, #tpu.memory_space<hbm>>
    tpu.wait_dma2 semaphore(%arg9 : memref<!tpu.dma_semaphore, #tpu.memory_space<semaphore_mem>>) src(%arg5 : memref<8x7680xf32, #tpu.memory_space<vmem>>) dst(%dma_wait3A_1778 : memref<8x7680xf32, #tpu.memory_space<hbm>>)
    %mul3A_1779 = arith.constant 4 : i32
    %mul3A_1780 = arith.muli %add3A, %mul3A_1779 : i32
    %add3A_1781 = arith.constant 3 : i32
    %add3A_1782 = arith.addi %mul3A_1780, %add3A_1781 : i32
    %mul3A_1783 = arith.constant 8 : i32
    %mul3A_1784 = arith.muli %add3A_1782, %mul3A_1783 : i32
    %dma_start3A_1785 = arith.constant 46080 : i32
    %dma_start3A_1786 = tpu.memref_slice %arg2[%mul3A_1784, %dma_start3A_1785] : memref<1024x100000xf32, #tpu.memory_space<hbm>> -> memref<8x7680xf32, #tpu.memory_space<hbm>>
    %dma_start3A_1787 = arith.constant 46080 : i32
    %dma_start3A_1788 = tpu.memref_slice %arg2[%mul3A_1784, %dma_start3A_1787] : memref<1024x100000xf32, #tpu.memory_space<hbm>> -> memref<8x7680xf32, #tpu.memory_space<hbm>>
    tpu.enqueue_dma source(%dma_start3A_1788 : memref<8x7680xf32, #tpu.memory_space<hbm>>) target(%arg5 : memref<8x7680xf32, #tpu.memory_space<vmem>>) target_semaphore(%arg8 : memref<!tpu.dma_semaphore, #tpu.memory_space<semaphore_mem>>)
    %mul3A_1789 = arith.constant 4 : i32
    %mul3A_1790 = arith.muli %add3A, %mul3A_1789 : i32
    %add3A_1791 = arith.constant 3 : i32
    %add3A_1792 = arith.addi %mul3A_1790, %add3A_1791 : i32
    %mul3A_1793 = arith.constant 8 : i32
    %mul3A_1794 = arith.muli %add3A_1792, %mul3A_1793 : i32
    %dma_start3A_1795 = arith.constant 38400 : i32
    %dma_start3A_1796 = tpu.memref_slice %arg3[%mul3A_1794, %dma_start3A_1795] : memref<1024x100000xf32, #tpu.memory_space<hbm>> -> memref<8x7680xf32, #tpu.memory_space<hbm>>
    %dma_start3A_1797 = arith.constant 38400 : i32
    %dma_start3A_1798 = tpu.memref_slice %arg3[%mul3A_1794, %dma_start3A_1797] : memref<1024x100000xf32, #tpu.memory_space<hbm>> -> memref<8x7680xf32, #tpu.memory_space<hbm>>
    tpu.enqueue_dma source(%arg4 : memref<8x7680xf32, #tpu.memory_space<vmem>>) target(%dma_start3A_1798 : memref<8x7680xf32, #tpu.memory_space<hbm>>) target_semaphore(%arg7 : memref<!tpu.dma_semaphore, #tpu.memory_space<semaphore_mem>>)
    %mul3A_1799 = arith.constant 4 : i32
    %mul3A_1800 = arith.muli %add3A, %mul3A_1799 : i32
    %add3A_1801 = arith.constant 3 : i32
    %add3A_1802 = arith.addi %mul3A_1800, %add3A_1801 : i32
    %mul3A_1803 = arith.constant 8 : i32
    %mul3A_1804 = arith.muli %add3A_1802, %mul3A_1803 : i32
    %dma_wait3A_1805 = arith.constant 46080 : i32
    %dma_wait3A_1806 = tpu.memref_slice %arg2[%mul3A_1804, %dma_wait3A_1805] : memref<1024x100000xf32, #tpu.memory_space<hbm>> -> memref<8x7680xf32, #tpu.memory_space<hbm>>
    %dma_wait3A_1807 = arith.constant 46080 : i32
    %dma_wait3A_1808 = tpu.memref_slice %arg2[%mul3A_1804, %dma_wait3A_1807] : memref<1024x100000xf32, #tpu.memory_space<hbm>> -> memref<8x7680xf32, #tpu.memory_space<hbm>>
    tpu.wait_dma2 semaphore(%arg8 : memref<!tpu.dma_semaphore, #tpu.memory_space<semaphore_mem>>) src(%dma_wait3A_1808 : memref<8x7680xf32, #tpu.memory_space<hbm>>) dst(%arg5 : memref<8x7680xf32, #tpu.memory_space<vmem>>)
    %mul3A_1809 = arith.constant 4 : i32
    %mul3A_1810 = arith.muli %add3A, %mul3A_1809 : i32
    %add3A_1811 = arith.constant 3 : i32
    %add3A_1812 = arith.addi %mul3A_1810, %add3A_1811 : i32
    %mul3A_1813 = arith.constant 8 : i32
    %mul3A_1814 = arith.muli %add3A_1812, %mul3A_1813 : i32
    %dma_wait3A_1815 = arith.constant 38400 : i32
    %dma_wait3A_1816 = tpu.memref_slice %arg3[%mul3A_1814, %dma_wait3A_1815] : memref<1024x100000xf32, #tpu.memory_space<hbm>> -> memref<8x7680xf32, #tpu.memory_space<hbm>>
    %dma_wait3A_1817 = arith.constant 38400 : i32
    %dma_wait3A_1818 = tpu.memref_slice %arg3[%mul3A_1814, %dma_wait3A_1817] : memref<1024x100000xf32, #tpu.memory_space<hbm>> -> memref<8x7680xf32, #tpu.memory_space<hbm>>
    tpu.wait_dma2 semaphore(%arg7 : memref<!tpu.dma_semaphore, #tpu.memory_space<semaphore_mem>>) src(%arg4 : memref<8x7680xf32, #tpu.memory_space<vmem>>) dst(%dma_wait3A_1818 : memref<8x7680xf32, #tpu.memory_space<hbm>>)
    %mul3A_1819 = arith.constant 4 : i32
    %mul3A_1820 = arith.muli %add3A, %mul3A_1819 : i32
    %add3A_1821 = arith.constant 3 : i32
    %add3A_1822 = arith.addi %mul3A_1820, %add3A_1821 : i32
    %mul3A_1823 = arith.constant 8 : i32
    %mul3A_1824 = arith.muli %add3A_1822, %mul3A_1823 : i32
    %dma_start3A_1825 = arith.constant 53760 : i32
    %dma_start3A_1826 = tpu.memref_slice %arg2[%mul3A_1824, %dma_start3A_1825] : memref<1024x100000xf32, #tpu.memory_space<hbm>> -> memref<8x7680xf32, #tpu.memory_space<hbm>>
    %dma_start3A_1827 = arith.constant 53760 : i32
    %dma_start3A_1828 = tpu.memref_slice %arg2[%mul3A_1824, %dma_start3A_1827] : memref<1024x100000xf32, #tpu.memory_space<hbm>> -> memref<8x7680xf32, #tpu.memory_space<hbm>>
    tpu.enqueue_dma source(%dma_start3A_1828 : memref<8x7680xf32, #tpu.memory_space<hbm>>) target(%arg4 : memref<8x7680xf32, #tpu.memory_space<vmem>>) target_semaphore(%arg6 : memref<!tpu.dma_semaphore, #tpu.memory_space<semaphore_mem>>)
    %mul3A_1829 = arith.constant 4 : i32
    %mul3A_1830 = arith.muli %add3A, %mul3A_1829 : i32
    %add3A_1831 = arith.constant 3 : i32
    %add3A_1832 = arith.addi %mul3A_1830, %add3A_1831 : i32
    %mul3A_1833 = arith.constant 8 : i32
    %mul3A_1834 = arith.muli %add3A_1832, %mul3A_1833 : i32
    %dma_start3A_1835 = arith.constant 46080 : i32
    %dma_start3A_1836 = tpu.memref_slice %arg3[%mul3A_1834, %dma_start3A_1835] : memref<1024x100000xf32, #tpu.memory_space<hbm>> -> memref<8x7680xf32, #tpu.memory_space<hbm>>
    %dma_start3A_1837 = arith.constant 46080 : i32
    %dma_start3A_1838 = tpu.memref_slice %arg3[%mul3A_1834, %dma_start3A_1837] : memref<1024x100000xf32, #tpu.memory_space<hbm>> -> memref<8x7680xf32, #tpu.memory_space<hbm>>
    tpu.enqueue_dma source(%arg5 : memref<8x7680xf32, #tpu.memory_space<vmem>>) target(%dma_start3A_1838 : memref<8x7680xf32, #tpu.memory_space<hbm>>) target_semaphore(%arg9 : memref<!tpu.dma_semaphore, #tpu.memory_space<semaphore_mem>>)
    %mul3A_1839 = arith.constant 4 : i32
    %mul3A_1840 = arith.muli %add3A, %mul3A_1839 : i32
    %add3A_1841 = arith.constant 3 : i32
    %add3A_1842 = arith.addi %mul3A_1840, %add3A_1841 : i32
    %mul3A_1843 = arith.constant 8 : i32
    %mul3A_1844 = arith.muli %add3A_1842, %mul3A_1843 : i32
    %dma_wait3A_1845 = arith.constant 53760 : i32
    %dma_wait3A_1846 = tpu.memref_slice %arg2[%mul3A_1844, %dma_wait3A_1845] : memref<1024x100000xf32, #tpu.memory_space<hbm>> -> memref<8x7680xf32, #tpu.memory_space<hbm>>
    %dma_wait3A_1847 = arith.constant 53760 : i32
    %dma_wait3A_1848 = tpu.memref_slice %arg2[%mul3A_1844, %dma_wait3A_1847] : memref<1024x100000xf32, #tpu.memory_space<hbm>> -> memref<8x7680xf32, #tpu.memory_space<hbm>>
    tpu.wait_dma2 semaphore(%arg6 : memref<!tpu.dma_semaphore, #tpu.memory_space<semaphore_mem>>) src(%dma_wait3A_1848 : memref<8x7680xf32, #tpu.memory_space<hbm>>) dst(%arg4 : memref<8x7680xf32, #tpu.memory_space<vmem>>)
    %mul3A_1849 = arith.constant 4 : i32
    %mul3A_1850 = arith.muli %add3A, %mul3A_1849 : i32
    %add3A_1851 = arith.constant 3 : i32
    %add3A_1852 = arith.addi %mul3A_1850, %add3A_1851 : i32
    %mul3A_1853 = arith.constant 8 : i32
    %mul3A_1854 = arith.muli %add3A_1852, %mul3A_1853 : i32
    %dma_wait3A_1855 = arith.constant 46080 : i32
    %dma_wait3A_1856 = tpu.memref_slice %arg3[%mul3A_1854, %dma_wait3A_1855] : memref<1024x100000xf32, #tpu.memory_space<hbm>> -> memref<8x7680xf32, #tpu.memory_space<hbm>>
    %dma_wait3A_1857 = arith.constant 46080 : i32
    %dma_wait3A_1858 = tpu.memref_slice %arg3[%mul3A_1854, %dma_wait3A_1857] : memref<1024x100000xf32, #tpu.memory_space<hbm>> -> memref<8x7680xf32, #tpu.memory_space<hbm>>
    tpu.wait_dma2 semaphore(%arg9 : memref<!tpu.dma_semaphore, #tpu.memory_space<semaphore_mem>>) src(%arg5 : memref<8x7680xf32, #tpu.memory_space<vmem>>) dst(%dma_wait3A_1858 : memref<8x7680xf32, #tpu.memory_space<hbm>>)
    %mul3A_1859 = arith.constant 4 : i32
    %mul3A_1860 = arith.muli %add3A, %mul3A_1859 : i32
    %add3A_1861 = arith.constant 3 : i32
    %add3A_1862 = arith.addi %mul3A_1860, %add3A_1861 : i32
    %mul3A_1863 = arith.constant 8 : i32
    %mul3A_1864 = arith.muli %add3A_1862, %mul3A_1863 : i32
    %dma_start3A_1865 = arith.constant 61440 : i32
    %dma_start3A_1866 = tpu.memref_slice %arg2[%mul3A_1864, %dma_start3A_1865] : memref<1024x100000xf32, #tpu.memory_space<hbm>> -> memref<8x7680xf32, #tpu.memory_space<hbm>>
    %dma_start3A_1867 = arith.constant 61440 : i32
    %dma_start3A_1868 = tpu.memref_slice %arg2[%mul3A_1864, %dma_start3A_1867] : memref<1024x100000xf32, #tpu.memory_space<hbm>> -> memref<8x7680xf32, #tpu.memory_space<hbm>>
    tpu.enqueue_dma source(%dma_start3A_1868 : memref<8x7680xf32, #tpu.memory_space<hbm>>) target(%arg5 : memref<8x7680xf32, #tpu.memory_space<vmem>>) target_semaphore(%arg8 : memref<!tpu.dma_semaphore, #tpu.memory_space<semaphore_mem>>)
    %mul3A_1869 = arith.constant 4 : i32
    %mul3A_1870 = arith.muli %add3A, %mul3A_1869 : i32
    %add3A_1871 = arith.constant 3 : i32
    %add3A_1872 = arith.addi %mul3A_1870, %add3A_1871 : i32
    %mul3A_1873 = arith.constant 8 : i32
    %mul3A_1874 = arith.muli %add3A_1872, %mul3A_1873 : i32
    %dma_start3A_1875 = arith.constant 53760 : i32
    %dma_start3A_1876 = tpu.memref_slice %arg3[%mul3A_1874, %dma_start3A_1875] : memref<1024x100000xf32, #tpu.memory_space<hbm>> -> memref<8x7680xf32, #tpu.memory_space<hbm>>
    %dma_start3A_1877 = arith.constant 53760 : i32
    %dma_start3A_1878 = tpu.memref_slice %arg3[%mul3A_1874, %dma_start3A_1877] : memref<1024x100000xf32, #tpu.memory_space<hbm>> -> memref<8x7680xf32, #tpu.memory_space<hbm>>
    tpu.enqueue_dma source(%arg4 : memref<8x7680xf32, #tpu.memory_space<vmem>>) target(%dma_start3A_1878 : memref<8x7680xf32, #tpu.memory_space<hbm>>) target_semaphore(%arg7 : memref<!tpu.dma_semaphore, #tpu.memory_space<semaphore_mem>>)
    %mul3A_1879 = arith.constant 4 : i32
    %mul3A_1880 = arith.muli %add3A, %mul3A_1879 : i32
    %add3A_1881 = arith.constant 3 : i32
    %add3A_1882 = arith.addi %mul3A_1880, %add3A_1881 : i32
    %mul3A_1883 = arith.constant 8 : i32
    %mul3A_1884 = arith.muli %add3A_1882, %mul3A_1883 : i32
    %dma_wait3A_1885 = arith.constant 61440 : i32
    %dma_wait3A_1886 = tpu.memref_slice %arg2[%mul3A_1884, %dma_wait3A_1885] : memref<1024x100000xf32, #tpu.memory_space<hbm>> -> memref<8x7680xf32, #tpu.memory_space<hbm>>
    %dma_wait3A_1887 = arith.constant 61440 : i32
    %dma_wait3A_1888 = tpu.memref_slice %arg2[%mul3A_1884, %dma_wait3A_1887] : memref<1024x100000xf32, #tpu.memory_space<hbm>> -> memref<8x7680xf32, #tpu.memory_space<hbm>>
    tpu.wait_dma2 semaphore(%arg8 : memref<!tpu.dma_semaphore, #tpu.memory_space<semaphore_mem>>) src(%dma_wait3A_1888 : memref<8x7680xf32, #tpu.memory_space<hbm>>) dst(%arg5 : memref<8x7680xf32, #tpu.memory_space<vmem>>)
    %mul3A_1889 = arith.constant 4 : i32
    %mul3A_1890 = arith.muli %add3A, %mul3A_1889 : i32
    %add3A_1891 = arith.constant 3 : i32
    %add3A_1892 = arith.addi %mul3A_1890, %add3A_1891 : i32
    %mul3A_1893 = arith.constant 8 : i32
    %mul3A_1894 = arith.muli %add3A_1892, %mul3A_1893 : i32
    %dma_wait3A_1895 = arith.constant 53760 : i32
    %dma_wait3A_1896 = tpu.memref_slice %arg3[%mul3A_1894, %dma_wait3A_1895] : memref<1024x100000xf32, #tpu.memory_space<hbm>> -> memref<8x7680xf32, #tpu.memory_space<hbm>>
    %dma_wait3A_1897 = arith.constant 53760 : i32
    %dma_wait3A_1898 = tpu.memref_slice %arg3[%mul3A_1894, %dma_wait3A_1897] : memref<1024x100000xf32, #tpu.memory_space<hbm>> -> memref<8x7680xf32, #tpu.memory_space<hbm>>
    tpu.wait_dma2 semaphore(%arg7 : memref<!tpu.dma_semaphore, #tpu.memory_space<semaphore_mem>>) src(%arg4 : memref<8x7680xf32, #tpu.memory_space<vmem>>) dst(%dma_wait3A_1898 : memref<8x7680xf32, #tpu.memory_space<hbm>>)
    %mul3A_1899 = arith.constant 4 : i32
    %mul3A_1900 = arith.muli %add3A, %mul3A_1899 : i32
    %add3A_1901 = arith.constant 3 : i32
    %add3A_1902 = arith.addi %mul3A_1900, %add3A_1901 : i32
    %mul3A_1903 = arith.constant 8 : i32
    %mul3A_1904 = arith.muli %add3A_1902, %mul3A_1903 : i32
    %dma_start3A_1905 = arith.constant 69120 : i32
    %dma_start3A_1906 = tpu.memref_slice %arg2[%mul3A_1904, %dma_start3A_1905] : memref<1024x100000xf32, #tpu.memory_space<hbm>> -> memref<8x7680xf32, #tpu.memory_space<hbm>>
    %dma_start3A_1907 = arith.constant 69120 : i32
    %dma_start3A_1908 = tpu.memref_slice %arg2[%mul3A_1904, %dma_start3A_1907] : memref<1024x100000xf32, #tpu.memory_space<hbm>> -> memref<8x7680xf32, #tpu.memory_space<hbm>>
    tpu.enqueue_dma source(%dma_start3A_1908 : memref<8x7680xf32, #tpu.memory_space<hbm>>) target(%arg4 : memref<8x7680xf32, #tpu.memory_space<vmem>>) target_semaphore(%arg6 : memref<!tpu.dma_semaphore, #tpu.memory_space<semaphore_mem>>)
    %mul3A_1909 = arith.constant 4 : i32
    %mul3A_1910 = arith.muli %add3A, %mul3A_1909 : i32
    %add3A_1911 = arith.constant 3 : i32
    %add3A_1912 = arith.addi %mul3A_1910, %add3A_1911 : i32
    %mul3A_1913 = arith.constant 8 : i32
    %mul3A_1914 = arith.muli %add3A_1912, %mul3A_1913 : i32
    %dma_start3A_1915 = arith.constant 61440 : i32
    %dma_start3A_1916 = tpu.memref_slice %arg3[%mul3A_1914, %dma_start3A_1915] : memref<1024x100000xf32, #tpu.memory_space<hbm>> -> memref<8x7680xf32, #tpu.memory_space<hbm>>
    %dma_start3A_1917 = arith.constant 61440 : i32
    %dma_start3A_1918 = tpu.memref_slice %arg3[%mul3A_1914, %dma_start3A_1917] : memref<1024x100000xf32, #tpu.memory_space<hbm>> -> memref<8x7680xf32, #tpu.memory_space<hbm>>
    tpu.enqueue_dma source(%arg5 : memref<8x7680xf32, #tpu.memory_space<vmem>>) target(%dma_start3A_1918 : memref<8x7680xf32, #tpu.memory_space<hbm>>) target_semaphore(%arg9 : memref<!tpu.dma_semaphore, #tpu.memory_space<semaphore_mem>>)
    %mul3A_1919 = arith.constant 4 : i32
    %mul3A_1920 = arith.muli %add3A, %mul3A_1919 : i32
    %add3A_1921 = arith.constant 3 : i32
    %add3A_1922 = arith.addi %mul3A_1920, %add3A_1921 : i32
    %mul3A_1923 = arith.constant 8 : i32
    %mul3A_1924 = arith.muli %add3A_1922, %mul3A_1923 : i32
    %dma_wait3A_1925 = arith.constant 69120 : i32
    %dma_wait3A_1926 = tpu.memref_slice %arg2[%mul3A_1924, %dma_wait3A_1925] : memref<1024x100000xf32, #tpu.memory_space<hbm>> -> memref<8x7680xf32, #tpu.memory_space<hbm>>
    %dma_wait3A_1927 = arith.constant 69120 : i32
    %dma_wait3A_1928 = tpu.memref_slice %arg2[%mul3A_1924, %dma_wait3A_1927] : memref<1024x100000xf32, #tpu.memory_space<hbm>> -> memref<8x7680xf32, #tpu.memory_space<hbm>>
    tpu.wait_dma2 semaphore(%arg6 : memref<!tpu.dma_semaphore, #tpu.memory_space<semaphore_mem>>) src(%dma_wait3A_1928 : memref<8x7680xf32, #tpu.memory_space<hbm>>) dst(%arg4 : memref<8x7680xf32, #tpu.memory_space<vmem>>)
    %mul3A_1929 = arith.constant 4 : i32
    %mul3A_1930 = arith.muli %add3A, %mul3A_1929 : i32
    %add3A_1931 = arith.constant 3 : i32
    %add3A_1932 = arith.addi %mul3A_1930, %add3A_1931 : i32
    %mul3A_1933 = arith.constant 8 : i32
    %mul3A_1934 = arith.muli %add3A_1932, %mul3A_1933 : i32
    %dma_wait3A_1935 = arith.constant 61440 : i32
    %dma_wait3A_1936 = tpu.memref_slice %arg3[%mul3A_1934, %dma_wait3A_1935] : memref<1024x100000xf32, #tpu.memory_space<hbm>> -> memref<8x7680xf32, #tpu.memory_space<hbm>>
    %dma_wait3A_1937 = arith.constant 61440 : i32
    %dma_wait3A_1938 = tpu.memref_slice %arg3[%mul3A_1934, %dma_wait3A_1937] : memref<1024x100000xf32, #tpu.memory_space<hbm>> -> memref<8x7680xf32, #tpu.memory_space<hbm>>
    tpu.wait_dma2 semaphore(%arg9 : memref<!tpu.dma_semaphore, #tpu.memory_space<semaphore_mem>>) src(%arg5 : memref<8x7680xf32, #tpu.memory_space<vmem>>) dst(%dma_wait3A_1938 : memref<8x7680xf32, #tpu.memory_space<hbm>>)
    %mul3A_1939 = arith.constant 4 : i32
    %mul3A_1940 = arith.muli %add3A, %mul3A_1939 : i32
    %add3A_1941 = arith.constant 3 : i32
    %add3A_1942 = arith.addi %mul3A_1940, %add3A_1941 : i32
    %mul3A_1943 = arith.constant 8 : i32
    %mul3A_1944 = arith.muli %add3A_1942, %mul3A_1943 : i32
    %dma_start3A_1945 = arith.constant 76800 : i32
    %dma_start3A_1946 = tpu.memref_slice %arg2[%mul3A_1944, %dma_start3A_1945] : memref<1024x100000xf32, #tpu.memory_space<hbm>> -> memref<8x7680xf32, #tpu.memory_space<hbm>>
    %dma_start3A_1947 = arith.constant 76800 : i32
    %dma_start3A_1948 = tpu.memref_slice %arg2[%mul3A_1944, %dma_start3A_1947] : memref<1024x100000xf32, #tpu.memory_space<hbm>> -> memref<8x7680xf32, #tpu.memory_space<hbm>>
    tpu.enqueue_dma source(%dma_start3A_1948 : memref<8x7680xf32, #tpu.memory_space<hbm>>) target(%arg5 : memref<8x7680xf32, #tpu.memory_space<vmem>>) target_semaphore(%arg8 : memref<!tpu.dma_semaphore, #tpu.memory_space<semaphore_mem>>)
    %mul3A_1949 = arith.constant 4 : i32
    %mul3A_1950 = arith.muli %add3A, %mul3A_1949 : i32
    %add3A_1951 = arith.constant 3 : i32
    %add3A_1952 = arith.addi %mul3A_1950, %add3A_1951 : i32
    %mul3A_1953 = arith.constant 8 : i32
    %mul3A_1954 = arith.muli %add3A_1952, %mul3A_1953 : i32
    %dma_start3A_1955 = arith.constant 69120 : i32
    %dma_start3A_1956 = tpu.memref_slice %arg3[%mul3A_1954, %dma_start3A_1955] : memref<1024x100000xf32, #tpu.memory_space<hbm>> -> memref<8x7680xf32, #tpu.memory_space<hbm>>
    %dma_start3A_1957 = arith.constant 69120 : i32
    %dma_start3A_1958 = tpu.memref_slice %arg3[%mul3A_1954, %dma_start3A_1957] : memref<1024x100000xf32, #tpu.memory_space<hbm>> -> memref<8x7680xf32, #tpu.memory_space<hbm>>
    tpu.enqueue_dma source(%arg4 : memref<8x7680xf32, #tpu.memory_space<vmem>>) target(%dma_start3A_1958 : memref<8x7680xf32, #tpu.memory_space<hbm>>) target_semaphore(%arg7 : memref<!tpu.dma_semaphore, #tpu.memory_space<semaphore_mem>>)
    %mul3A_1959 = arith.constant 4 : i32
    %mul3A_1960 = arith.muli %add3A, %mul3A_1959 : i32
    %add3A_1961 = arith.constant 3 : i32
    %add3A_1962 = arith.addi %mul3A_1960, %add3A_1961 : i32
    %mul3A_1963 = arith.constant 8 : i32
    %mul3A_1964 = arith.muli %add3A_1962, %mul3A_1963 : i32
    %dma_wait3A_1965 = arith.constant 76800 : i32
    %dma_wait3A_1966 = tpu.memref_slice %arg2[%mul3A_1964, %dma_wait3A_1965] : memref<1024x100000xf32, #tpu.memory_space<hbm>> -> memref<8x7680xf32, #tpu.memory_space<hbm>>
    %dma_wait3A_1967 = arith.constant 76800 : i32
    %dma_wait3A_1968 = tpu.memref_slice %arg2[%mul3A_1964, %dma_wait3A_1967] : memref<1024x100000xf32, #tpu.memory_space<hbm>> -> memref<8x7680xf32, #tpu.memory_space<hbm>>
    tpu.wait_dma2 semaphore(%arg8 : memref<!tpu.dma_semaphore, #tpu.memory_space<semaphore_mem>>) src(%dma_wait3A_1968 : memref<8x7680xf32, #tpu.memory_space<hbm>>) dst(%arg5 : memref<8x7680xf32, #tpu.memory_space<vmem>>)
    %mul3A_1969 = arith.constant 4 : i32
    %mul3A_1970 = arith.muli %add3A, %mul3A_1969 : i32
    %add3A_1971 = arith.constant 3 : i32
    %add3A_1972 = arith.addi %mul3A_1970, %add3A_1971 : i32
    %mul3A_1973 = arith.constant 8 : i32
    %mul3A_1974 = arith.muli %add3A_1972, %mul3A_1973 : i32
    %dma_wait3A_1975 = arith.constant 69120 : i32
    %dma_wait3A_1976 = tpu.memref_slice %arg3[%mul3A_1974, %dma_wait3A_1975] : memref<1024x100000xf32, #tpu.memory_space<hbm>> -> memref<8x7680xf32, #tpu.memory_space<hbm>>
    %dma_wait3A_1977 = arith.constant 69120 : i32
    %dma_wait3A_1978 = tpu.memref_slice %arg3[%mul3A_1974, %dma_wait3A_1977] : memref<1024x100000xf32, #tpu.memory_space<hbm>> -> memref<8x7680xf32, #tpu.memory_space<hbm>>
    tpu.wait_dma2 semaphore(%arg7 : memref<!tpu.dma_semaphore, #tpu.memory_space<semaphore_mem>>) src(%arg4 : memref<8x7680xf32, #tpu.memory_space<vmem>>) dst(%dma_wait3A_1978 : memref<8x7680xf32, #tpu.memory_space<hbm>>)
    %mul3A_1979 = arith.constant 4 : i32
    %mul3A_1980 = arith.muli %add3A, %mul3A_1979 : i32
    %add3A_1981 = arith.constant 3 : i32
    %add3A_1982 = arith.addi %mul3A_1980, %add3A_1981 : i32
    %mul3A_1983 = arith.constant 8 : i32
    %mul3A_1984 = arith.muli %add3A_1982, %mul3A_1983 : i32
    %dma_start3A_1985 = arith.constant 84480 : i32
    %dma_start3A_1986 = tpu.memref_slice %arg2[%mul3A_1984, %dma_start3A_1985] : memref<1024x100000xf32, #tpu.memory_space<hbm>> -> memref<8x7680xf32, #tpu.memory_space<hbm>>
    %dma_start3A_1987 = arith.constant 84480 : i32
    %dma_start3A_1988 = tpu.memref_slice %arg2[%mul3A_1984, %dma_start3A_1987] : memref<1024x100000xf32, #tpu.memory_space<hbm>> -> memref<8x7680xf32, #tpu.memory_space<hbm>>
    tpu.enqueue_dma source(%dma_start3A_1988 : memref<8x7680xf32, #tpu.memory_space<hbm>>) target(%arg4 : memref<8x7680xf32, #tpu.memory_space<vmem>>) target_semaphore(%arg6 : memref<!tpu.dma_semaphore, #tpu.memory_space<semaphore_mem>>)
    %mul3A_1989 = arith.constant 4 : i32
    %mul3A_1990 = arith.muli %add3A, %mul3A_1989 : i32
    %add3A_1991 = arith.constant 3 : i32
    %add3A_1992 = arith.addi %mul3A_1990, %add3A_1991 : i32
    %mul3A_1993 = arith.constant 8 : i32
    %mul3A_1994 = arith.muli %add3A_1992, %mul3A_1993 : i32
    %dma_start3A_1995 = arith.constant 76800 : i32
    %dma_start3A_1996 = tpu.memref_slice %arg3[%mul3A_1994, %dma_start3A_1995] : memref<1024x100000xf32, #tpu.memory_space<hbm>> -> memref<8x7680xf32, #tpu.memory_space<hbm>>
    %dma_start3A_1997 = arith.constant 76800 : i32
    %dma_start3A_1998 = tpu.memref_slice %arg3[%mul3A_1994, %dma_start3A_1997] : memref<1024x100000xf32, #tpu.memory_space<hbm>> -> memref<8x7680xf32, #tpu.memory_space<hbm>>
    tpu.enqueue_dma source(%arg5 : memref<8x7680xf32, #tpu.memory_space<vmem>>) target(%dma_start3A_1998 : memref<8x7680xf32, #tpu.memory_space<hbm>>) target_semaphore(%arg9 : memref<!tpu.dma_semaphore, #tpu.memory_space<semaphore_mem>>)
    %mul3A_1999 = arith.constant 4 : i32
    %mul3A_2000 = arith.muli %add3A, %mul3A_1999 : i32
    %add3A_2001 = arith.constant 3 : i32
    %add3A_2002 = arith.addi %mul3A_2000, %add3A_2001 : i32
    %mul3A_2003 = arith.constant 8 : i32
    %mul3A_2004 = arith.muli %add3A_2002, %mul3A_2003 : i32
    %dma_wait3A_2005 = arith.constant 84480 : i32
    %dma_wait3A_2006 = tpu.memref_slice %arg2[%mul3A_2004, %dma_wait3A_2005] : memref<1024x100000xf32, #tpu.memory_space<hbm>> -> memref<8x7680xf32, #tpu.memory_space<hbm>>
    %dma_wait3A_2007 = arith.constant 84480 : i32
    %dma_wait3A_2008 = tpu.memref_slice %arg2[%mul3A_2004, %dma_wait3A_2007] : memref<1024x100000xf32, #tpu.memory_space<hbm>> -> memref<8x7680xf32, #tpu.memory_space<hbm>>
    tpu.wait_dma2 semaphore(%arg6 : memref<!tpu.dma_semaphore, #tpu.memory_space<semaphore_mem>>) src(%dma_wait3A_2008 : memref<8x7680xf32, #tpu.memory_space<hbm>>) dst(%arg4 : memref<8x7680xf32, #tpu.memory_space<vmem>>)
    %mul3A_2009 = arith.constant 4 : i32
    %mul3A_2010 = arith.muli %add3A, %mul3A_2009 : i32
    %add3A_2011 = arith.constant 3 : i32
    %add3A_2012 = arith.addi %mul3A_2010, %add3A_2011 : i32
    %mul3A_2013 = arith.constant 8 : i32
    %mul3A_2014 = arith.muli %add3A_2012, %mul3A_2013 : i32
    %dma_wait3A_2015 = arith.constant 76800 : i32
    %dma_wait3A_2016 = tpu.memref_slice %arg3[%mul3A_2014, %dma_wait3A_2015] : memref<1024x100000xf32, #tpu.memory_space<hbm>> -> memref<8x7680xf32, #tpu.memory_space<hbm>>
    %dma_wait3A_2017 = arith.constant 76800 : i32
    %dma_wait3A_2018 = tpu.memref_slice %arg3[%mul3A_2014, %dma_wait3A_2017] : memref<1024x100000xf32, #tpu.memory_space<hbm>> -> memref<8x7680xf32, #tpu.memory_space<hbm>>
    tpu.wait_dma2 semaphore(%arg9 : memref<!tpu.dma_semaphore, #tpu.memory_space<semaphore_mem>>) src(%arg5 : memref<8x7680xf32, #tpu.memory_space<vmem>>) dst(%dma_wait3A_2018 : memref<8x7680xf32, #tpu.memory_space<hbm>>)
    %mul3A_2019 = arith.constant 4 : i32
    %mul3A_2020 = arith.muli %add3A, %mul3A_2019 : i32
    %add3A_2021 = arith.constant 3 : i32
    %add3A_2022 = arith.addi %mul3A_2020, %add3A_2021 : i32
    %mul3A_2023 = arith.constant 8 : i32
    %mul3A_2024 = arith.muli %add3A_2022, %mul3A_2023 : i32
    %dma_start3A_2025 = arith.constant 92160 : i32
    %dma_start3A_2026 = tpu.memref_slice %arg2[%mul3A_2024, %dma_start3A_2025] : memref<1024x100000xf32, #tpu.memory_space<hbm>> -> memref<8x7680xf32, #tpu.memory_space<hbm>>
    %dma_start3A_2027 = arith.constant 92160 : i32
    %dma_start3A_2028 = tpu.memref_slice %arg2[%mul3A_2024, %dma_start3A_2027] : memref<1024x100000xf32, #tpu.memory_space<hbm>> -> memref<8x7680xf32, #tpu.memory_space<hbm>>
    tpu.enqueue_dma source(%dma_start3A_2028 : memref<8x7680xf32, #tpu.memory_space<hbm>>) target(%arg5 : memref<8x7680xf32, #tpu.memory_space<vmem>>) target_semaphore(%arg8 : memref<!tpu.dma_semaphore, #tpu.memory_space<semaphore_mem>>)
    %mul3A_2029 = arith.constant 4 : i32
    %mul3A_2030 = arith.muli %add3A, %mul3A_2029 : i32
    %add3A_2031 = arith.constant 3 : i32
    %add3A_2032 = arith.addi %mul3A_2030, %add3A_2031 : i32
    %mul3A_2033 = arith.constant 8 : i32
    %mul3A_2034 = arith.muli %add3A_2032, %mul3A_2033 : i32
    %dma_start3A_2035 = arith.constant 84480 : i32
    %dma_start3A_2036 = tpu.memref_slice %arg3[%mul3A_2034, %dma_start3A_2035] : memref<1024x100000xf32, #tpu.memory_space<hbm>> -> memref<8x7680xf32, #tpu.memory_space<hbm>>
    %dma_start3A_2037 = arith.constant 84480 : i32
    %dma_start3A_2038 = tpu.memref_slice %arg3[%mul3A_2034, %dma_start3A_2037] : memref<1024x100000xf32, #tpu.memory_space<hbm>> -> memref<8x7680xf32, #tpu.memory_space<hbm>>
    tpu.enqueue_dma source(%arg4 : memref<8x7680xf32, #tpu.memory_space<vmem>>) target(%dma_start3A_2038 : memref<8x7680xf32, #tpu.memory_space<hbm>>) target_semaphore(%arg7 : memref<!tpu.dma_semaphore, #tpu.memory_space<semaphore_mem>>)
    %mul3A_2039 = arith.constant 4 : i32
    %mul3A_2040 = arith.muli %add3A, %mul3A_2039 : i32
    %add3A_2041 = arith.constant 3 : i32
    %add3A_2042 = arith.addi %mul3A_2040, %add3A_2041 : i32
    %mul3A_2043 = arith.constant 8 : i32
    %mul3A_2044 = arith.muli %add3A_2042, %mul3A_2043 : i32
    %dma_wait3A_2045 = arith.constant 92160 : i32
    %dma_wait3A_2046 = tpu.memref_slice %arg2[%mul3A_2044, %dma_wait3A_2045] : memref<1024x100000xf32, #tpu.memory_space<hbm>> -> memref<8x7680xf32, #tpu.memory_space<hbm>>
    %dma_wait3A_2047 = arith.constant 92160 : i32
    %dma_wait3A_2048 = tpu.memref_slice %arg2[%mul3A_2044, %dma_wait3A_2047] : memref<1024x100000xf32, #tpu.memory_space<hbm>> -> memref<8x7680xf32, #tpu.memory_space<hbm>>
    tpu.wait_dma2 semaphore(%arg8 : memref<!tpu.dma_semaphore, #tpu.memory_space<semaphore_mem>>) src(%dma_wait3A_2048 : memref<8x7680xf32, #tpu.memory_space<hbm>>) dst(%arg5 : memref<8x7680xf32, #tpu.memory_space<vmem>>)
    %mul3A_2049 = arith.constant 4 : i32
    %mul3A_2050 = arith.muli %add3A, %mul3A_2049 : i32
    %add3A_2051 = arith.constant 3 : i32
    %add3A_2052 = arith.addi %mul3A_2050, %add3A_2051 : i32
    %mul3A_2053 = arith.constant 8 : i32
    %mul3A_2054 = arith.muli %add3A_2052, %mul3A_2053 : i32
    %dma_start3A_2055 = arith.constant 92160 : i32
    %dma_start3A_2056 = tpu.memref_slice %arg3[%mul3A_2054, %dma_start3A_2055] : memref<1024x100000xf32, #tpu.memory_space<hbm>> -> memref<8x7680xf32, #tpu.memory_space<hbm>>
    %dma_start3A_2057 = arith.constant 92160 : i32
    %dma_start3A_2058 = tpu.memref_slice %arg3[%mul3A_2054, %dma_start3A_2057] : memref<1024x100000xf32, #tpu.memory_space<hbm>> -> memref<8x7680xf32, #tpu.memory_space<hbm>>
    tpu.enqueue_dma source(%arg5 : memref<8x7680xf32, #tpu.memory_space<vmem>>) target(%dma_start3A_2058 : memref<8x7680xf32, #tpu.memory_space<hbm>>) target_semaphore(%arg9 : memref<!tpu.dma_semaphore, #tpu.memory_space<semaphore_mem>>)
    %mul3A_2059 = arith.constant 4 : i32
    %mul3A_2060 = arith.muli %add3A, %mul3A_2059 : i32
    %add3A_2061 = arith.constant 3 : i32
    %add3A_2062 = arith.addi %mul3A_2060, %add3A_2061 : i32
    %mul3A_2063 = arith.constant 8 : i32
    %mul3A_2064 = arith.muli %add3A_2062, %mul3A_2063 : i32
    %dma_wait3A_2065 = arith.constant 84480 : i32
    %dma_wait3A_2066 = tpu.memref_slice %arg3[%mul3A_2064, %dma_wait3A_2065] : memref<1024x100000xf32, #tpu.memory_space<hbm>> -> memref<8x7680xf32, #tpu.memory_space<hbm>>
    %dma_wait3A_2067 = arith.constant 84480 : i32
    %dma_wait3A_2068 = tpu.memref_slice %arg3[%mul3A_2064, %dma_wait3A_2067] : memref<1024x100000xf32, #tpu.memory_space<hbm>> -> memref<8x7680xf32, #tpu.memory_space<hbm>>
    tpu.wait_dma2 semaphore(%arg7 : memref<!tpu.dma_semaphore, #tpu.memory_space<semaphore_mem>>) src(%arg4 : memref<8x7680xf32, #tpu.memory_space<vmem>>) dst(%dma_wait3A_2068 : memref<8x7680xf32, #tpu.memory_space<hbm>>)
    %mul3A_2069 = arith.constant 4 : i32
    %mul3A_2070 = arith.muli %add3A, %mul3A_2069 : i32
    %add3A_2071 = arith.constant 3 : i32
    %add3A_2072 = arith.addi %mul3A_2070, %add3A_2071 : i32
    %mul3A_2073 = arith.constant 8 : i32
    %mul3A_2074 = arith.muli %add3A_2072, %mul3A_2073 : i32
    %dma_wait3A_2075 = arith.constant 92160 : i32
    %dma_wait3A_2076 = tpu.memref_slice %arg3[%mul3A_2074, %dma_wait3A_2075] : memref<1024x100000xf32, #tpu.memory_space<hbm>> -> memref<8x7680xf32, #tpu.memory_space<hbm>>
    %dma_wait3A_2077 = arith.constant 92160 : i32
    %dma_wait3A_2078 = tpu.memref_slice %arg3[%mul3A_2074, %dma_wait3A_2077] : memref<1024x100000xf32, #tpu.memory_space<hbm>> -> memref<8x7680xf32, #tpu.memory_space<hbm>>
    tpu.wait_dma2 semaphore(%arg9 : memref<!tpu.dma_semaphore, #tpu.memory_space<semaphore_mem>>) src(%arg5 : memref<8x7680xf32, #tpu.memory_space<vmem>>) dst(%dma_wait3A_2078 : memref<8x7680xf32, #tpu.memory_space<hbm>>)
    return
  }
}

</mosaic_0001>

<sc_bundles>
// kernel: kernel.3.cloned.1.call-start
scs
__scs_entry_jumppad:
0x0: {  	(pc) =	sbr.rel $0x88, $3  }
0x1: {  	(tag) =	ssettag $0x0;
	lr =	simm.s32 $0x1  }
0x2: {  	[smem:$0x3FA0] =	sst lr;
	_ =	strace $0xD0000000  }
0x3: {  	_ = 	snop  }
0x4: {  	_ = 	snop  }
0x5: {  	_ = 	snop  }
0x6: {  	_ = 	snop  }
0x7: {  	_ = 	snop  }
__scs_overlays_trampoline_lowered:
0x8: {  	[smem:$0x3FAF] =	sst s0  }
0x9: {  	[smem:$0x3FB0] =	sst s1  }
0xa: {  	[smem:$0x3FB1] =	sst s2  }
0xb: {  	[smem:$0x3FB2] =	sst s3  }
0xc: {  	[smem:$0x3FB3] =	sst s4  }
0xd: {  	[smem:$0x3FB4] =	sst s5  }
0xe: {  	[smem:$0x3FB5] =	sst s6  }
0xf: {  	[smem:$0x3FB6] =	sst s7  }
0x10: {  	[smem:$0x3FB7] =	sst s8  }
0x11: {  	[smem:$0x3FB8] =	sst s9;
	s0 =	simm.s32 @!p0 $0x0  }
0x12: {  	s1 =	sld [smem:$0x3F9E];
	s0 =	simm.s32 @p0 $0x1  }
0x13: {  	[smem:$0x3FB9] =	sst s0;
	s0 =	simm.s32 @!p1 $0x0  }
0x14: {  	s2 =	sld [smem:$0x3F9D];
	s0 =	simm.s32 @p1 $0x1  }
0x15: {  	[smem:$0x3FBA] =	sst s0;
	s0 =	simm.s32 @!p2 $0x0  }
0x16: {  	s3 =	sld [smem:$0x3FDB];
	s0 =	simm.s32 @p2 $0x1  }
0x17: {  	s4 =	simm.s32 $0x1BF5;
	[smem:$0x3FBC] =	sst s0  }
0x18: {  	s0 =	sld [smem:$0x3F9F];
	_ =	swait.ge [sflag:s4], $0x0  }
0x19: {  	s7 =	sld [smem:$0x3FA0]  }
0x1a: {  	s8 =	sadd.s32 $0xFFFFE003, lr  }
0x1b: {  	s9 =	sadd.s32 $0xFFFFFEF7, lr;
	s5 =	simm.s32 $0xFFFFFFFF;
	p2 =	slt.u32 s8, $0xFFFFF086  }
0x1c: {  	p1 =	slt.u32 s9, $0xF7A;
	s5 =	simm.s32 @!p2 $0x0  }
0x1d: {  	s5 =	simm.s32 @p1 $0x1;
	p0 =	seq.s32 s7, s2  }
0x1e: {  	s7 =	smul.u32 @!p0 $0xF7A, s2;
	p2 =	seq.s32 @!p0 s5, $0x0  }
0x1f: {  	s9 =	smul.u32 $0xF7A, s1;
	s8 =	simm.s32 @!p0 $0x1BF5;
	p2 =	por !p2, p0  }
0x20: {  	[sflag:s8] =	ssyncset.s32 @!p0 $0xFFFFF086;
	s6 =	sadd.s32 @!p0 s3, s7;
	s7 =	simm.s32 @!p0 $0x108  }
0x21: {  	s3 =	sadd.s32 s3, s9;
	s6 =	sadd.s32 @!p0 $0x88, s6;
	s7 =	simm.s32 @p2 $0x1082  }
0x22: {  	[simem:s7], [sflag:s8] =	dma.local @!p0 [hbm:s6], $0xF7A  }
0x23: {  	s9 =	sor.u32 $0xD0000000, s2;
	s6 =	simm.s32 $0x108;
	_ =	swait.ge @!p0 [sflag:s8], $0x0  }
0x24: {  	s3 =	sadd.s32 $0x88, s3;
	s6 =	simm.s32 @!p1 $0x1082;
	[sflag:s4] =	ssyncset.s32 $0xFFFFF086  }
0x25: {  	[simem:s6], [sflag:s4] =	dma.local [hbm:s3], $0xF7A  }
0x26: {  	[smem:$0x3FA0] =	sst s1;
	(tag) =	ssettag s2;
	_ =	strace s9  }
0x27: {  	s1 =	sld [smem:$0x3FB0]  }
0x28: {  	s2 =	sld [smem:$0x3FB1]  }
0x29: {  	s4 =	sld [smem:$0x3FB3]  }
0x2a: {  	p0 =	seq.s32 s5, $0x0;
	s5 =	sld [smem:$0x3FB4]  }
0x2b: {  	s6 =	sld [smem:$0x3FB5]  }
0x2c: {  	s7 =	sld [smem:$0x3FB6]  }
0x2d: {  	s3 =	simm.s32 $0x108;
	s8 =	sld [smem:$0x3FB7]  }
0x2e: {  	s3 =	simm.s32 @!p0 $0x1082;
	s9 =	sld [smem:$0x3FB8]  }
0x2f: {  	lr =	sadd.s32 s0, s3;
	s0 =	sld [smem:$0x3FAF]  }
0x30: {  	s3 =	sld [smem:$0x3FB2]  }
0x31: {  	[smem:$0x3FBB] =	sst s10  }
0x32: {  	s10 =	sld [smem:$0x3FB9];
	_ =	sdelay $0x3  }
0x33: {  	p0 =	seq.s32 s10, $0x1;
	s10 =	sld [smem:$0x3FBB];
	_ =	sdelay $0x3  }
0x34: {  	[smem:$0x3FBB] =	sst s10  }
0x35: {  	s10 =	sld [smem:$0x3FBA];
	_ =	sdelay $0x3  }
0x36: {  	p1 =	seq.s32 s10, $0x1;
	s10 =	sld [smem:$0x3FBB];
	_ =	sdelay $0x3  }
0x37: {  	[smem:$0x3FBB] =	sst s10  }
0x38: {  	s10 =	sld [smem:$0x3FBC]  }
0x39: {  	_ = 	snop;
	(pc) =	sbr.ind lr, $3  }
0x3a: {  	_ = 	snop  }
0x3b: {  	_ = 	snop  }
0x3c: {  	p2 =	seq.s32 s10, $0x1;
	s10 =	sld [smem:$0x3FBB]  }
0x3d: {  	_ =	shalt  }
0x3e: {  	_ =	shalt  }
0x3f: {  	_ =	shalt  }
0x40: {  	_ =	shalt  }
0x41: {  	_ =	shalt  }
0x42: {  	_ =	shalt  }
0x43: {  	_ =	shalt  }
0x44: {  	_ =	shalt  }
0x45: {  	_ =	shalt  }
0x46: {  	_ =	shalt  }
0x47: {  	_ =	shalt  }
0x48: {  	_ =	shalt  }
0x49: {  	_ =	shalt  }
0x4a: {  	_ =	shalt  }
0x4b: {  	_ =	shalt  }
0x4c: {  	_ =	shalt  }
0x4d: {  	_ =	shalt  }
0x4e: {  	_ =	shalt  }
0x4f: {  	_ =	shalt  }
0x50: {  	_ =	shalt  }
0x51: {  	_ =	shalt  }
0x52: {  	_ =	shalt  }
0x53: {  	_ =	shalt  }
0x54: {  	_ =	shalt  }
0x55: {  	_ =	shalt  }
0x56: {  	_ =	shalt  }
0x57: {  	_ =	shalt  }
0x58: {  	_ =	shalt  }
0x59: {  	_ =	shalt  }
0x5a: {  	_ =	shalt  }
0x5b: {  	_ =	shalt  }
0x5c: {  	_ =	shalt  }
0x5d: {  	_ =	shalt  }
0x5e: {  	_ =	shalt  }
0x5f: {  	_ =	shalt  }
0x60: {  	_ =	shalt  }
0x61: {  	_ =	shalt  }
0x62: {  	_ =	shalt  }
0x63: {  	_ =	shalt  }
0x64: {  	_ =	shalt  }
0x65: {  	_ =	shalt  }
0x66: {  	_ =	shalt  }
0x67: {  	_ =	shalt  }
0x68: {  	_ =	shalt  }
0x69: {  	_ =	shalt  }
0x6a: {  	_ =	shalt  }
0x6b: {  	_ =	shalt  }
0x6c: {  	_ =	shalt  }
0x6d: {  	_ =	shalt  }
0x6e: {  	_ =	shalt  }
0x6f: {  	_ =	shalt  }
0x70: {  	_ =	shalt  }
0x71: {  	_ =	shalt  }
0x72: {  	_ =	shalt  }
0x73: {  	_ =	shalt  }
0x74: {  	_ =	shalt  }
0x75: {  	_ =	shalt  }
0x76: {  	_ =	shalt  }
0x77: {  	_ =	shalt  }
0x78: {  	_ =	shalt  }
0x79: {  	_ =	shalt  }
0x7a: {  	_ =	shalt  }
0x7b: {  	_ =	shalt  }
0x7c: {  	_ =	shalt  }
0x7d: {  	_ =	shalt  }
0x7e: {  	_ =	shalt  }
0x7f: {  	_ =	shalt  }
0x80: {  	_ =	shalt  }
0x81: {  	_ =	shalt  }
0x82: {  	_ =	shalt  }
0x83: {  	_ =	shalt  }
0x84: {  	_ =	shalt  }
0x85: {  	_ =	shalt  }
0x86: {  	_ =	shalt  }
0x87: {  	_ =	shalt  }
.Lfunc_end0:
.L_simem_size_0:
called_computation_lowered:
.L_overlay_start_0:
0x88: {  	s2 =	sld [smem:$0x3FD9]  }
0x89: {  	s3 =	sld [smem:$0x3FFE];
	_ =	sdelay $0x1  }
0x8a: {  	s1 =	srdreg.scid  }
0x8b: {  	s0 =	sand.u32 $0x1, s1  }
0x8c: {  	s16 =	sshll.u32 s0, $0xA;
	s2 =	sadd.s32 s3, s2  }
0x8d: {  	s2 =	sadd.s32 s2, s16  }
0x8e: {  	[smem:$0x3FC7] =	sst s2  }
0x8f: {  	_ = 	snop  }
0x90: {  	(tm) =	ssettm $0x1  }
0x91: {  	s17 =	sld [smem:$0x3FFB];
	_ =	sdelay $0x3  }
0x92: {  	_ =	strace s17  }
0x93: {  	s2 =	sld [smem:$0x3FFC];
	_ =	sdelay $0x3  }
0x94: {  	_ =	strace s2  }
0x95: {  	s2 =	sld [smem:$0x3FFD];
	_ =	sdelay $0x3  }
0x96: {  	_ =	strace s2  }
0x97: {  	_ =	strace $0x8FFFFFFF  }
0x98: {  	s18 =	sld [smem:$0x3FDB];
	_ =	sdelay $0x1  }
0x99: {  	s19 =	simm.s32 $_scs_section_size  }
0x9a: {  	s4 =	simm.s32 $_size__tile_overlayer_lowered;
	s5 =	simm.s32 $_tile_overlayer_lowered  }
0x9b: {  	s22 =	simm.s32 $0x1BFF;
	s21 =	sshll.u32 s5, $0x1;
	s2 =	sadd.s32 s19, s18  }
0x9c: {  	s6 =	simm.s32 $0x0;
	s20 =	sshll.u32 s4, $0x1;
	s4 =	sadd.s32 s21, s2  }
0x9d: {  	[timem:s6], [sflag:s22] =	dma.local [hbm:s4], s20  }
0x9e: {  	_ =	swait.ge [sflag:s22], s20  }
0x9f: {  	s3 =	ssub.s32 $0x0, s20;
	[sflag:s22] =	ssyncset.done $0x0  }
0xa0: {  	[sflag:s22] =	ssyncadd.s32 s3;
	_ =	sdelay $0x1  }
0xa1: {  	s23 =	simm.s32 $0x1B8B  }
0xa2: {  	_ =	swait.ge [sflag:s23], $0x1  }
0xa3: {  	[sflag:s23] =	ssyncset.done $0x0  }
0xa4: {  	s25 =	simm.s32 $0x1B8E;
	s24 =	sld [smem:$0x3FFE];
	[sflag:s23] =	ssyncadd.s32 $0xFFFFFFFF  }
0xa5: {  	s26 =	simm.s32 $execute0_lowered;
	[smem:$0x3FD2] =	sst s25  }
0xa6: {  	s4 =	sshll.u32 s26, $0x1;
	_ =	strace $0x80000046;
	[dreg:$0x1] =	wrdreg $0xFFFFFFFF  }
0xa7: {  	s28 =	simm.s32 $_size_execute0_lowered;
	s2 =	sadd.s32 s2, s4;
	[dreg:$0x0] =	wrdreg $0x0  }
0xa8: {  	s4 =	sshll.u32 s28, $0x1;
	[dreg:$0x2] =	wrdreg s2  }
0xa9: {  	[dreg:$0x3] =	wrdreg s4  }
0xaa: {  	[dreg:$0x4] =	wrdreg $0xC0  }
0xab: {  	_ =	task [dreg:s6], $0x5FFFF  }
0xac: {  	[dreg:$0x1] =	wrdreg $0xFFFFFFFF  }
0xad: {  	[dreg:$0x0] =	wrdreg $0x60  }
0xae: {  	[dreg:$0x2] =	wrdreg s24  }
0xaf: {  	[dreg:$0x3] =	wrdreg $0x9  }
0xb0: {  	_ =	task.clear_ibuf [dreg:s6], $0x4FFFF;
	_ =	strace $0x90000046  }
0xb1: {  	s29 =	simm.s32 $0x9;
	_ =	strace $0x80000048  }
0xb2: {  	_ =	swait.ge [sflag:s29], $0x1  }
0xb3: {  	[sflag:s29] =	ssyncadd.s32 $0xFFFFFFFF  }
0xb4: {  	_ =	strace $0x90000048  }
0xb5: {  	_ =	sfence  }
0xb6: {  	s30 =	sld [smem:$0x0];
	_ =	sdelay $0x2  }
0xb7: {  	s31 =	sshll.u32 s1, $0xD;
	s1 =	sshrl.u32 s1, $0x2  }
0xb8: {  	s3 =	sand.u32 $0x4000, s31;
	s1 =	sadd.s32 s1, s30  }
0xb9: {  	s0 =	sor.u32 s3, s0;
	s1 =	sshll.u32 s1, $0x11  }
0xba: {  	s0 =	sor.u32 s1, s0  }
0xbb: {  	s0 =	sadd.s32 $0x8F2B, s0  }
0xbc: {  	[sflag:s0] =	ssyncadd.remote.s32 $0x1  }
0xbd: {  	_ =	sfence.sel $0xFFFF  }
0xbe: {  	[dreg:$0x0] =	wrdreg $0xFFFFFFFF;
	(pc) =	sbr.abs _section_cstart, $3  }
0xbf: {  	[dreg:$0x1] =	wrdreg $0xFFFFFFFF  }
0xc0: {  	_ =	task.clear_ibuf [dreg:s6], $0x2FFFF;
	_ =	strace $0x9FFFFFFF  }
0xc1: {  	(tm) =	ssettm $0x7FFFFFFF  }
tec
execute0_lowered:
.L_overlay_start_1:
0x0: {  	(tag) =	ssettag $0x1  }
0x1: {  	s0 =	srdreg.scid  }
0x2: {  	s1 =	stileid.u32;
	s5 =	sand.u32 $0x1, s0  }
0x3: {  	s23 =	sshll.u32 s1, $0x3;
	s24 =	sshll.u32 s5, $0x2  }
0x4: {  	s0 =	sor.u32 s24, s23  }
0x5: {  	s0 =	smul.u32 $0xC3800, s0  }
0x6: {  	s3 =	rddreg [dreg:$0x0];
	s2 =	simm.s32 $0x0  }
0x7: {  	[smem:$0x7FF] =	sst s2;
	s1 =	sadd.s32 $0x400, s3;
	s4 =	sshrl.u32 s0, $0x3  }
0x8: {  	s3 =	sadd.s32 $0xC38400, s3;
	_ =	strace $0x80000047;
	s0 =	sadd.s32 s1, s4  }
0x9: {  	s6 =	sadd.s32 $0x1E00, s4;
	s26 =	sadd.s32 s3, s4;
	[dreg:$0x2] =	wrdreg s0  }
0xa: {  	s7 =	sadd.s32 $0x3C00, s4;
	s25 =	sadd.s32 s1, s6;
	[dreg:$0x4] =	wrdreg s26  }
0xb: {  	s8 =	sadd.s32 s1, s7;
	[dreg:$0x3] =	wrdreg s25  }
0xc: {  	s10 =	sadd.s32 $0x5A00, s4;
	s9 =	sadd.s32 s3, s6;
	[dreg:$0x5] =	wrdreg s8  }
0xd: {  	s11 =	sadd.s32 s1, s10;
	[dreg:$0x6] =	wrdreg s9  }
0xe: {  	s13 =	sadd.s32 $0x7800, s4;
	s12 =	sadd.s32 s3, s7;
	[dreg:$0x7] =	wrdreg s11  }
0xf: {  	s14 =	sadd.s32 s1, s13;
	[dreg:$0x8] =	wrdreg s12  }
0x10: {  	s16 =	sadd.s32 $0x9600, s4;
	s15 =	sadd.s32 s3, s10;
	[dreg:$0x9] =	wrdreg s14  }
0x11: {  	s17 =	sadd.s32 s1, s16;
	[dreg:$0xa] =	wrdreg s15  }
0x12: {  	s19 =	sadd.s32 $0xB400, s4;
	s18 =	sadd.s32 s3, s13;
	[dreg:$0xb] =	wrdreg s17  }
0x13: {  	s20 =	sadd.s32 s1, s19;
	[dreg:$0xc] =	wrdreg s18  }
0x14: {  	s22 =	sadd.s32 $0xD200, s4;
	s21 =	sadd.s32 s3, s16;
	[dreg:$0xd] =	wrdreg s20  }
0x15: {  	s23 =	sadd.s32 s1, s22;
	[dreg:$0xe] =	wrdreg s21  }
0x16: {  	s24 =	sadd.s32 s3, s19;
	[dreg:$0xf] =	wrdreg s23  }
0x17: {  	s6 =	sadd.s32 s3, s22;
	[dreg:$0x10] =	wrdreg s24  }
0x18: {  	s25 =	sadd.s32 $0xF000, s4;
	[dreg:$0x12] =	wrdreg s6  }
0x19: {  	s8 =	sadd.s32 $0x10E00, s4;
	s0 =	rddreg [dreg:$0x2];
	s26 =	sadd.s32 s1, s25  }
0x1a: {  	s9 =	sadd.s32 s1, s8;
	[dreg:$0x11] =	wrdreg s26  }
0x1b: {  	s11 =	sadd.s32 $0x12C00, s4;
	s10 =	sadd.s32 s3, s25;
	[dreg:$0x13] =	wrdreg s9  }
0x1c: {  	s12 =	sadd.s32 s1, s11;
	[dreg:$0x14] =	wrdreg s10  }
0x1d: {  	s14 =	sadd.s32 $0x14A00, s4;
	s13 =	sadd.s32 s3, s8;
	[dreg:$0x15] =	wrdreg s12  }
0x1e: {  	s15 =	sadd.s32 s1, s14;
	[dreg:$0x16] =	wrdreg s13  }
0x1f: {  	s17 =	sadd.s32 $0x16800, s4;
	s16 =	sadd.s32 s3, s11;
	[dreg:$0x17] =	wrdreg s15  }
0x20: {  	s18 =	sadd.s32 s1, s17;
	[dreg:$0x18] =	wrdreg s16  }
0x21: {  	s20 =	sadd.s32 $0x18700, s4;
	s19 =	sadd.s32 s3, s14;
	[dreg:$0x19] =	wrdreg s18  }
0x22: {  	s21 =	sadd.s32 s1, s20;
	[dreg:$0x1a] =	wrdreg s19  }
0x23: {  	s23 =	sadd.s32 $0x1A500, s4;
	s22 =	sadd.s32 s3, s17;
	[dreg:$0x1b] =	wrdreg s21  }
0x24: {  	s24 =	sadd.s32 s1, s23;
	[dreg:$0x1c] =	wrdreg s22  }
0x25: {  	s25 =	sadd.s32 s3, s20;
	[dreg:$0x1d] =	wrdreg s24  }
0x26: {  	s26 =	sadd.s32 $0x1C300, s4;
	[dreg:$0x1e] =	wrdreg s25;
	s9 =	sadd.s32 s3, s23  }
0x27: {  	s10 =	sadd.s32 $0x1E100, s4;
	s8 =	sadd.s32 s1, s26;
	[smem:$0x7CB] =	sst s9  }
0x28: {  	s11 =	sadd.s32 s1, s10;
	[dreg:$0x1f] =	wrdreg s8  }
0x29: {  	s13 =	sadd.s32 $0x1FF00, s4;
	s12 =	sadd.s32 s3, s26;
	[smem:$0x7CC] =	sst s11  }
0x2a: {  	s14 =	sadd.s32 s1, s13;
	[smem:$0x7CD] =	sst s12  }
0x2b: {  	s16 =	sadd.s32 $0x21D00, s4;
	s15 =	sadd.s32 s3, s10;
	[smem:$0x7CE] =	sst s14  }
0x2c: {  	s17 =	sadd.s32 s1, s16;
	[smem:$0x7CF] =	sst s15  }
0x2d: {  	s19 =	sadd.s32 $0x23B00, s4;
	s18 =	sadd.s32 s3, s13;
	[smem:$0x7D0] =	sst s17  }
0x2e: {  	s20 =	sadd.s32 s1, s19;
	[smem:$0x7D1] =	sst s18  }
0x2f: {  	s22 =	sadd.s32 $0x25900, s4;
	s21 =	sadd.s32 s3, s16;
	[smem:$0x7D2] =	sst s20  }
0x30: {  	s23 =	sadd.s32 s1, s22;
	[smem:$0x7D3] =	sst s21  }
0x31: {  	s25 =	sadd.s32 $0x27700, s4;
	s24 =	sadd.s32 s3, s19;
	[smem:$0x7D4] =	sst s23  }
0x32: {  	s26 =	sadd.s32 s1, s25;
	[smem:$0x7D5] =	sst s24  }
0x33: {  	s7 =	sadd.s32 s3, s22;
	[smem:$0x7D6] =	sst s26  }
0x34: {  	s10 =	sadd.s32 s3, s25;
	s8 =	sadd.s32 $0x29500, s4;
	[smem:$0x7D7] =	sst s7  }
0x35: {  	s11 =	sadd.s32 $0x2B300, s4;
	[smem:$0x7D9] =	sst s10;
	s9 =	sadd.s32 s1, s8  }
0x36: {  	s12 =	sadd.s32 s1, s11;
	[smem:$0x7D8] =	sst s9  }
0x37: {  	s14 =	sadd.s32 $0x2D100, s4;
	s13 =	sadd.s32 s3, s8;
	[smem:$0x7DA] =	sst s12  }
0x38: {  	s15 =	sadd.s32 s1, s14;
	[smem:$0x7DB] =	sst s13  }
0x39: {  	s17 =	sadd.s32 $0x2EF00, s4;
	s16 =	sadd.s32 s3, s11;
	[smem:$0x7DC] =	sst s15  }
0x3a: {  	s18 =	sadd.s32 s1, s17;
	[smem:$0x7DD] =	sst s16  }
0x3b: {  	s20 =	sadd.s32 $0x30E00, s4;
	s19 =	sadd.s32 s3, s14;
	[smem:$0x7DE] =	sst s18  }
0x3c: {  	s21 =	sadd.s32 s1, s20;
	[smem:$0x7DF] =	sst s19  }
0x3d: {  	s23 =	sadd.s32 $0x32C00, s4;
	s22 =	sadd.s32 s3, s17;
	[smem:$0x7E0] =	sst s21  }
0x3e: {  	s24 =	sadd.s32 s1, s23;
	[smem:$0x7E1] =	sst s22  }
0x3f: {  	s26 =	sadd.s32 $0x34A00, s4;
	s25 =	sadd.s32 s3, s20;
	[smem:$0x7E2] =	sst s24  }
0x40: {  	s10 =	sadd.s32 $0x36800, s4;
	s8 =	sadd.s32 s1, s26;
	[smem:$0x7E3] =	sst s25  }
0x41: {  	s11 =	sadd.s32 s1, s10;
	[smem:$0x7E4] =	sst s8  }
0x42: {  	s9 =	sadd.s32 s3, s23;
	[smem:$0x7E6] =	sst s11  }
0x43: {  	p0 =	por $0x0, $0x0;
	s12 =	sadd.s32 s3, s26;
	[smem:$0x7E5] =	sst s9  }
0x44: {  	s13 =	sadd.s32 $0x38600, s4;
	s15 =	sadd.s32 s3, s10;
	[smem:$0x7E7] =	sst s12  }
0x45: {  	s16 =	sadd.s32 $0x3A400, s4;
	s14 =	sadd.s32 s1, s13;
	[smem:$0x7E9] =	sst s15  }
0x46: {  	s5 =	ssub.s32 $0x2, s5;
	s17 =	sadd.s32 s1, s16;
	[smem:$0x7E8] =	sst s14  }
0x47: {  	s19 =	sadd.s32 $0x3C200, s4;
	s18 =	sadd.s32 s3, s13;
	[smem:$0x7EA] =	sst s17  }
0x48: {  	s6 =	sadd.s32 $0x4EF00, s4;
	s20 =	sadd.s32 s1, s19;
	[smem:$0x7EB] =	sst s18  }
0x49: {  	s22 =	sadd.s32 $0x3E000, s4;
	s21 =	sadd.s32 s3, s16;
	[smem:$0x7EC] =	sst s20  }
0x4a: {  	s28 =	sadd.s32 s1, s6;
	s23 =	sadd.s32 s1, s22;
	[smem:$0x7ED] =	sst s21  }
0x4b: {  	s25 =	sadd.s32 $0x3FE00, s4;
	s24 =	sadd.s32 s3, s19;
	[smem:$0x7EE] =	sst s23  }
0x4c: {  	s7 =	sadd.s32 $0x5DF00, s4;
	s26 =	sadd.s32 s1, s25;
	[smem:$0x7EF] =	sst s24  }
0x4d: {  	s8 =	sadd.s32 s3, s22;
	s9 =	sadd.s32 $0x41C00, s4;
	[smem:$0x7F0] =	sst s26  }
0x4e: {  	s11 =	sadd.s32 s3, s25;
	s12 =	sadd.s32 $0x43A00, s4;
	[smem:$0x7F1] =	sst s8  }
0x4f: {  	s15 =	sadd.s32 $0x45800, s4;
	s10 =	sadd.s32 s1, s9;
	[smem:$0x7F3] =	sst s11  }
0x50: {  	s13 =	sadd.s32 s1, s12;
	s14 =	sadd.s32 s3, s9;
	s16 =	sadd.s32 s1, s15  }
0x51: {  	s17 =	sadd.s32 s3, s12;
	s18 =	sadd.s32 $0x47600, s4;
	[smem:$0x7F2] =	sst s10  }
0x52: {  	s20 =	sadd.s32 s3, s15;
	s21 =	sadd.s32 $0x49500, s4;
	[smem:$0x7F4] =	sst s13  }
0x53: {  	s24 =	sadd.s32 $0x4B300, s4;
	s8 =	sshrl.u32 s5, $0x1;
	[smem:$0x7F5] =	sst s14  }
0x54: {  	s9 =	sadd.s32 $0x50D00, s4;
	s11 =	sadd.s32 $0x54900, s4;
	[smem:$0x7F6] =	sst s16  }
0x55: {  	s12 =	sadd.s32 $0x56700, s4;
	[smem:$0x7F7] =	sst s17;
	s19 =	sadd.s32 s1, s18  }
0x56: {  	[smem:$0x7F9] =	sst s20;
	s22 =	sadd.s32 s1, s21;
	s23 =	sadd.s32 s3, s18  }
0x57: {  	s25 =	sadd.s32 s1, s24;
	s8 =	ssub.s32 s5, s8;
	s26 =	sadd.s32 s3, s21  }
0x58: {  	s5 =	sadd.s32 $0x4D100, s4;
	s31 =	sadd.s32 s3, s24;
	[smem:$0x7F8] =	sst s19  }
0x59: {  	s10 =	sadd.s32 $0x52B00, s4;
	s24 =	sadd.s32 s3, s9;
	[smem:$0x7FA] =	sst s22  }
0x5a: {  	s21 =	sadd.s32 s1, s11;
	s20 =	sadd.s32 s3, s11;
	[smem:$0x7FB] =	sst s23  }
0x5b: {  	s13 =	sadd.s32 $0x58500, s4;
	s14 =	sadd.s32 $0x5A300, s4;
	[smem:$0x7FC] =	sst s25  }
0x5c: {  	s18 =	sadd.s32 s3, s12;
	s11 =	sadd.s32 s1, s7;
	[smem:$0x7FD] =	sst s26  }
0x5d: {  	s30 =	sadd.s32 s1, s5;
	s29 =	sadd.s32 s3, s5;
	s25 =	sadd.s32 s1, s9  }
0x5e: {  	s26 =	sadd.s32 s3, s6;
	s23 =	sadd.s32 s1, s10;
	s22 =	sadd.s32 s3, s10  }
0x5f: {  	s17 =	sadd.s32 s1, s13;
	s16 =	sadd.s32 s3, s13;
	s13 =	smax.u32 s8, $0x1  }
0x60: {  	s19 =	sadd.s32 s1, s12;
	s15 =	sadd.s32 s1, s14;
	p1 =	sne.s32 s13, $0x1  }
.Ltmp0:
0x61: {  	s5 =	sadd.s32 $0x5C100, s4;
	s12 =	sadd.s32 s3, s14;
	(pc) =	sbr.rel @!p1 .LBB2_3-.Ltmp0, $4  }
0x62: {  	s10 =	sadd.s32 $0x5FD00, s4;
	s8 =	simm.s32 $0xF000;
	s6 =	simm.s32 $0x4  }
0x63: {  	s14 =	sadd.s32 s1, s5;
	s9 =	sadd.s32 s3, s5;
	s4 =	sadd.s32 s1, s10  }
0x64: {  	s5 =	sadd.s32 s3, s7;
	s3 =	sadd.s32 s3, s10;
	s1 =	sadd.s32 $0xFFFFFFFF, s13  }
0x65: {  	s13 =	simm.s32 $0x1;
	s10 =	simm.s32 $0x3;
	s7 =	simm.s32 $0x2  }
0x66: {  	[tilespmem:s2], [sflag:$0x1] =	stream.linear.gather [hbm4b:s0+s2], $0xF000, $0x38;
	[tilespmem:$0x1E000] =	vst v63  }
0x67: {  	_ =	swait.ge [sflag:s13], $0xF000  }
0x68: {  	s0 =	rddreg [dreg:$0x3];
	[sflag:s13] =	ssyncset.done $0x0  }
0x69: {  	[smem:$0x7C9] =	sst s1;
	[sflag:s13] =	ssyncadd.s32 $0xFFFF1000  }
0x6a: {  	[tilespmem:s8], [sflag:$0x3] =	stream.linear.gather [hbm4b:s0+s2], $0xF000, $0x38;
	[tilespmem:$0x1E000] =	vst v63  }
0x6b: {  	s1 =	rddreg [dreg:$0x4]  }
0x6c: {  	[hbm4b:s1+s2] =	stream.linear.scatter [tilespmem:s2], [sflag:$0x2], $0xF000, $0x38;
	[tilespmem:$0x1E000] =	vst v63  }
0x6d: {  	_ =	swait.ge [sflag:s10], $0xF000  }
0x6e: {  	[sflag:s10] =	ssyncset.done $0x0  }
0x6f: {  	[sflag:s10] =	ssyncadd.s32 $0xFFFF1000  }
0x70: {  	_ =	swait.ge [sflag:s7], $0xF000  }
0x71: {  	[sflag:s7] =	ssyncset.done $0x0  }
0x72: {  	s0 =	rddreg [dreg:$0x5];
	[sflag:s7] =	ssyncadd.s32 $0xFFFF1000  }
0x73: {  	[tilespmem:s2], [sflag:$0x1] =	stream.linear.gather [hbm4b:s0+s2], $0xF000, $0x38;
	[tilespmem:$0x1E000] =	vst v63  }
0x74: {  	s1 =	rddreg [dreg:$0x6]  }
0x75: {  	[hbm4b:s1+s2] =	stream.linear.scatter [tilespmem:s8], [sflag:$0x4], $0xF000, $0x38;
	[tilespmem:$0x1E000] =	vst v63  }
0x76: {  	_ =	swait.ge [sflag:s13], $0xF000  }
0x77: {  	[sflag:s13] =	ssyncset.done $0x0  }
0x78: {  	[sflag:s13] =	ssyncadd.s32 $0xFFFF1000  }
0x79: {  	_ =	swait.ge [sflag:s6], $0xF000  }
0x7a: {  	[sflag:s6] =	ssyncset.done $0x0  }
0x7b: {  	s0 =	rddreg [dreg:$0x7];
	[sflag:s6] =	ssyncadd.s32 $0xFFFF1000  }
0x7c: {  	[tilespmem:s8], [sflag:$0x3] =	stream.linear.gather [hbm4b:s0+s2], $0xF000, $0x38;
	[tilespmem:$0x1E000] =	vst v63  }
0x7d: {  	s1 =	rddreg [dreg:$0x8]  }
0x7e: {  	[hbm4b:s1+s2] =	stream.linear.scatter [tilespmem:s2], [sflag:$0x2], $0xF000, $0x38;
	[tilespmem:$0x1E000] =	vst v63  }
0x7f: {  	_ =	swait.ge [sflag:s10], $0xF000  }
0x80: {  	[sflag:s10] =	ssyncset.done $0x0  }
0x81: {  	[sflag:s10] =	ssyncadd.s32 $0xFFFF1000  }
0x82: {  	_ =	swait.ge [sflag:s7], $0xF000  }
0x83: {  	[sflag:s7] =	ssyncset.done $0x0  }
0x84: {  	s0 =	rddreg [dreg:$0x9];
	[sflag:s7] =	ssyncadd.s32 $0xFFFF1000  }
0x85: {  	[tilespmem:s2], [sflag:$0x1] =	stream.linear.gather [hbm4b:s0+s2], $0xF000, $0x38;
	[tilespmem:$0x1E000] =	vst v63  }
0x86: {  	s1 =	rddreg [dreg:$0xa]  }
0x87: {  	[hbm4b:s1+s2] =	stream.linear.scatter [tilespmem:s8], [sflag:$0x4], $0xF000, $0x38;
	[tilespmem:$0x1E000] =	vst v63  }
0x88: {  	_ =	swait.ge [sflag:s13], $0xF000  }
0x89: {  	[sflag:s13] =	ssyncset.done $0x0  }
0x8a: {  	[sflag:s13] =	ssyncadd.s32 $0xFFFF1000  }
0x8b: {  	_ =	swait.ge [sflag:s6], $0xF000  }
0x8c: {  	[sflag:s6] =	ssyncset.done $0x0  }
0x8d: {  	s0 =	rddreg [dreg:$0xb];
	[sflag:s6] =	ssyncadd.s32 $0xFFFF1000  }
0x8e: {  	[tilespmem:s8], [sflag:$0x3] =	stream.linear.gather [hbm4b:s0+s2], $0xF000, $0x38;
	[tilespmem:$0x1E000] =	vst v63  }
0x8f: {  	s1 =	rddreg [dreg:$0xc]  }
0x90: {  	[hbm4b:s1+s2] =	stream.linear.scatter [tilespmem:s2], [sflag:$0x2], $0xF000, $0x38;
	[tilespmem:$0x1E000] =	vst v63  }
0x91: {  	_ =	swait.ge [sflag:s10], $0xF000  }
0x92: {  	[sflag:s10] =	ssyncset.done $0x0  }
0x93: {  	[sflag:s10] =	ssyncadd.s32 $0xFFFF1000  }
0x94: {  	_ =	swait.ge [sflag:s7], $0xF000  }
0x95: {  	[sflag:s7] =	ssyncset.done $0x0  }
0x96: {  	s0 =	rddreg [dreg:$0xd];
	[sflag:s7] =	ssyncadd.s32 $0xFFFF1000  }
0x97: {  	[tilespmem:s2], [sflag:$0x1] =	stream.linear.gather [hbm4b:s0+s2], $0xF000, $0x38;
	[tilespmem:$0x1E000] =	vst v63  }
0x98: {  	s1 =	rddreg [dreg:$0xe]  }
0x99: {  	[hbm4b:s1+s2] =	stream.linear.scatter [tilespmem:s8], [sflag:$0x4], $0xF000, $0x38;
	[tilespmem:$0x1E000] =	vst v63  }
0x9a: {  	_ =	swait.ge [sflag:s13], $0xF000  }
0x9b: {  	[sflag:s13] =	ssyncset.done $0x0  }
0x9c: {  	[sflag:s13] =	ssyncadd.s32 $0xFFFF1000  }
0x9d: {  	_ =	swait.ge [sflag:s6], $0xF000  }
0x9e: {  	[sflag:s6] =	ssyncset.done $0x0  }
0x9f: {  	s0 =	rddreg [dreg:$0xf];
	[sflag:s6] =	ssyncadd.s32 $0xFFFF1000  }
0xa0: {  	[tilespmem:s8], [sflag:$0x3] =	stream.linear.gather [hbm4b:s0+s2], $0xF000, $0x38;
	[tilespmem:$0x1E000] =	vst v63  }
0xa1: {  	s1 =	rddreg [dreg:$0x10]  }
0xa2: {  	[hbm4b:s1+s2] =	stream.linear.scatter [tilespmem:s2], [sflag:$0x2], $0xF000, $0x38;
	[tilespmem:$0x1E000] =	vst v63  }
0xa3: {  	_ =	swait.ge [sflag:s10], $0xF000  }
0xa4: {  	[sflag:s10] =	ssyncset.done $0x0  }
0xa5: {  	[sflag:s10] =	ssyncadd.s32 $0xFFFF1000  }
0xa6: {  	_ =	swait.ge [sflag:s7], $0xF000  }
0xa7: {  	[sflag:s7] =	ssyncset.done $0x0  }
0xa8: {  	s0 =	rddreg [dreg:$0x11];
	[sflag:s7] =	ssyncadd.s32 $0xFFFF1000  }
0xa9: {  	[tilespmem:s2], [sflag:$0x1] =	stream.linear.gather [hbm4b:s0+s2], $0xF000, $0x38;
	[tilespmem:$0x1E000] =	vst v63  }
0xaa: {  	s1 =	rddreg [dreg:$0x12]  }
0xab: {  	[hbm4b:s1+s2] =	stream.linear.scatter [tilespmem:s8], [sflag:$0x4], $0xF000, $0x38;
	[tilespmem:$0x1E000] =	vst v63  }
0xac: {  	_ =	swait.ge [sflag:s13], $0xF000  }
0xad: {  	[sflag:s13] =	ssyncset.done $0x0  }
0xae: {  	[sflag:s13] =	ssyncadd.s32 $0xFFFF1000  }
0xaf: {  	_ =	swait.ge [sflag:s6], $0xF000  }
0xb0: {  	[sflag:s6] =	ssyncset.done $0x0  }
0xb1: {  	s0 =	rddreg [dreg:$0x13];
	[sflag:s6] =	ssyncadd.s32 $0xFFFF1000  }
0xb2: {  	[tilespmem:s8], [sflag:$0x3] =	stream.linear.gather [hbm4b:s0+s2], $0xF000, $0x38;
	[tilespmem:$0x1E000] =	vst v63  }
0xb3: {  	s1 =	rddreg [dreg:$0x14]  }
0xb4: {  	[hbm4b:s1+s2] =	stream.linear.scatter [tilespmem:s2], [sflag:$0x2], $0xF000, $0x38;
	[tilespmem:$0x1E000] =	vst v63  }
0xb5: {  	_ =	swait.ge [sflag:s10], $0xF000  }
0xb6: {  	[sflag:s10] =	ssyncset.done $0x0  }
0xb7: {  	[sflag:s10] =	ssyncadd.s32 $0xFFFF1000  }
0xb8: {  	_ =	swait.ge [sflag:s7], $0xF000  }
0xb9: {  	[sflag:s7] =	ssyncset.done $0x0  }
0xba: {  	s0 =	rddreg [dreg:$0x15];
	[sflag:s7] =	ssyncadd.s32 $0xFFFF1000  }
0xbb: {  	[tilespmem:s2], [sflag:$0x1] =	stream.linear.gather [hbm4b:s0+s2], $0xF000, $0x38;
	[tilespmem:$0x1E000] =	vst v63  }
0xbc: {  	s1 =	rddreg [dreg:$0x16]  }
0xbd: {  	[hbm4b:s1+s2] =	stream.linear.scatter [tilespmem:s8], [sflag:$0x4], $0xF000, $0x38;
	[tilespmem:$0x1E000] =	vst v63  }
0xbe: {  	_ =	swait.ge [sflag:s13], $0xF000  }
0xbf: {  	[sflag:s13] =	ssyncset.done $0x0  }
0xc0: {  	[sflag:s13] =	ssyncadd.s32 $0xFFFF1000  }
0xc1: {  	_ =	swait.ge [sflag:s6], $0xF000  }
0xc2: {  	[sflag:s6] =	ssyncset.done $0x0  }
0xc3: {  	s0 =	rddreg [dreg:$0x17];
	[sflag:s6] =	ssyncadd.s32 $0xFFFF1000  }
0xc4: {  	[tilespmem:s8], [sflag:$0x3] =	stream.linear.gather [hbm4b:s0+s2], $0xF000, $0x38;
	[tilespmem:$0x1E000] =	vst v63  }
0xc5: {  	s1 =	rddreg [dreg:$0x18]  }
0xc6: {  	[hbm4b:s1+s2] =	stream.linear.scatter [tilespmem:s2], [sflag:$0x2], $0xF000, $0x38;
	[tilespmem:$0x1E000] =	vst v63  }
0xc7: {  	_ =	swait.ge [sflag:s10], $0xF000  }
0xc8: {  	[sflag:s10] =	ssyncset.done $0x0  }
0xc9: {  	[sflag:s10] =	ssyncadd.s32 $0xFFFF1000  }
0xca: {  	_ =	swait.ge [sflag:s7], $0xF000  }
0xcb: {  	[sflag:s7] =	ssyncset.done $0x0  }
0xcc: {  	s0 =	rddreg [dreg:$0x19];
	[sflag:s7] =	ssyncadd.s32 $0xFFFF1000  }
0xcd: {  	[tilespmem:s2], [sflag:$0x1] =	stream.linear.gather [hbm4b:s0+s2], $0xF000, $0x38;
	[tilespmem:$0x1E000] =	vst v63  }
0xce: {  	s1 =	rddreg [dreg:$0x1a]  }
0xcf: {  	[hbm4b:s1+s2] =	stream.linear.scatter [tilespmem:s8], [sflag:$0x4], $0xF000, $0x38;
	[tilespmem:$0x1E000] =	vst v63  }
0xd0: {  	_ =	swait.ge [sflag:s13], $0xF000  }
0xd1: {  	[sflag:s13] =	ssyncset.done $0x0  }
0xd2: {  	[sflag:s13] =	ssyncadd.s32 $0xFFFF1000  }
0xd3: {  	_ =	swait.ge [sflag:s6], $0xF000  }
0xd4: {  	[sflag:s6] =	ssyncset.done $0x0  }
0xd5: {  	s0 =	rddreg [dreg:$0x1b];
	[sflag:s6] =	ssyncadd.s32 $0xFFFF1000  }
0xd6: {  	[tilespmem:s8], [sflag:$0x3] =	stream.linear.gather [hbm4b:s0+s2], $0xF000, $0x38;
	[tilespmem:$0x1E000] =	vst v63  }
0xd7: {  	s1 =	rddreg [dreg:$0x1c]  }
0xd8: {  	[hbm4b:s1+s2] =	stream.linear.scatter [tilespmem:s2], [sflag:$0x2], $0xF000, $0x38;
	[tilespmem:$0x1E000] =	vst v63  }
0xd9: {  	_ =	swait.ge [sflag:s10], $0xF000  }
0xda: {  	[sflag:s10] =	ssyncset.done $0x0  }
0xdb: {  	[sflag:s10] =	ssyncadd.s32 $0xFFFF1000  }
0xdc: {  	_ =	swait.ge [sflag:s7], $0xF000  }
0xdd: {  	[sflag:s7] =	ssyncset.done $0x0  }
0xde: {  	s0 =	rddreg [dreg:$0x1d];
	[sflag:s7] =	ssyncadd.s32 $0xFFFF1000  }
0xdf: {  	[tilespmem:s2], [sflag:$0x1] =	stream.linear.gather [hbm4b:s0+s2], $0xF000, $0x38;
	[tilespmem:$0x1E000] =	vst v63  }
0xe0: {  	s1 =	rddreg [dreg:$0x1e]  }
0xe1: {  	[hbm4b:s1+s2] =	stream.linear.scatter [tilespmem:s8], [sflag:$0x4], $0xF000, $0x38;
	[tilespmem:$0x1E000] =	vst v63  }
0xe2: {  	_ =	swait.ge [sflag:s13], $0xF000  }
0xe3: {  	[sflag:s13] =	ssyncset.done $0x0  }
0xe4: {  	[sflag:s13] =	ssyncadd.s32 $0xFFFF1000  }
0xe5: {  	_ =	swait.ge [sflag:s6], $0xF000  }
0xe6: {  	s0 =	rddreg [dreg:$0x1f];
	[sflag:s6] =	ssyncset.done $0x0  }
0xe7: {  	s1 =	sld [smem:$0x7CB];
	[sflag:s6] =	ssyncadd.s32 $0xFFFF1000  }
0xe8: {  	[tilespmem:s8], [sflag:$0x3] =	stream.linear.gather [hbm4b:s0+s2], $0xF000, $0x38;
	[tilespmem:$0x1E000] =	vst v63  }
0xe9: {  	_ = 	snop  }
0xea: {  	[hbm4b:s1+s2] =	stream.linear.scatter [tilespmem:s2], [sflag:$0x2], $0xF000, $0x38;
	[tilespmem:$0x1E000] =	vst v63  }
0xeb: {  	_ =	swait.ge [sflag:s10], $0xF000  }
0xec: {  	[sflag:s10] =	ssyncset.done $0x0  }
0xed: {  	[sflag:s10] =	ssyncadd.s32 $0xFFFF1000  }
0xee: {  	_ =	swait.ge [sflag:s7], $0xF000  }
0xef: {  	s0 =	sld [smem:$0x7CC]  }
0xf0: {  	[sflag:s7] =	ssyncset.done $0x0  }
0xf1: {  	s1 =	sld [smem:$0x7CD];
	[sflag:s7] =	ssyncadd.s32 $0xFFFF1000  }
0xf2: {  	[tilespmem:s2], [sflag:$0x1] =	stream.linear.gather [hbm4b:s0+s2], $0xF000, $0x38;
	[tilespmem:$0x1E000] =	vst v63  }
0xf3: {  	_ = 	snop  }
0xf4: {  	[hbm4b:s1+s2] =	stream.linear.scatter [tilespmem:s8], [sflag:$0x4], $0xF000, $0x38;
	[tilespmem:$0x1E000] =	vst v63  }
0xf5: {  	_ =	swait.ge [sflag:s13], $0xF000  }
0xf6: {  	[sflag:s13] =	ssyncset.done $0x0  }
0xf7: {  	[sflag:s13] =	ssyncadd.s32 $0xFFFF1000  }
0xf8: {  	_ =	swait.ge [sflag:s6], $0xF000  }
0xf9: {  	s0 =	sld [smem:$0x7CE]  }
0xfa: {  	[sflag:s6] =	ssyncset.done $0x0  }
0xfb: {  	s1 =	sld [smem:$0x7CF];
	[sflag:s6] =	ssyncadd.s32 $0xFFFF1000  }
0xfc: {  	[tilespmem:s8], [sflag:$0x3] =	stream.linear.gather [hbm4b:s0+s2], $0xF000, $0x38;
	[tilespmem:$0x1E000] =	vst v63  }
0xfd: {  	_ = 	snop  }
0xfe: {  	[hbm4b:s1+s2] =	stream.linear.scatter [tilespmem:s2], [sflag:$0x2], $0xF000, $0x38;
	[tilespmem:$0x1E000] =	vst v63  }
0xff: {  	_ =	swait.ge [sflag:s10], $0xF000  }
0x100: {  	[sflag:s10] =	ssyncset.done $0x0  }
0x101: {  	[sflag:s10] =	ssyncadd.s32 $0xFFFF1000  }
0x102: {  	_ =	swait.ge [sflag:s7], $0xF000  }
0x103: {  	s0 =	sld [smem:$0x7D0]  }
0x104: {  	[sflag:s7] =	ssyncset.done $0x0  }
0x105: {  	s1 =	sld [smem:$0x7D1];
	[sflag:s7] =	ssyncadd.s32 $0xFFFF1000  }
0x106: {  	[tilespmem:s2], [sflag:$0x1] =	stream.linear.gather [hbm4b:s0+s2], $0xF000, $0x38;
	[tilespmem:$0x1E000] =	vst v63  }
0x107: {  	_ = 	snop  }
0x108: {  	[hbm4b:s1+s2] =	stream.linear.scatter [tilespmem:s8], [sflag:$0x4], $0xF000, $0x38;
	[tilespmem:$0x1E000] =	vst v63  }
0x109: {  	_ =	swait.ge [sflag:s13], $0xF000  }
0x10a: {  	[sflag:s13] =	ssyncset.done $0x0  }
0x10b: {  	[sflag:s13] =	ssyncadd.s32 $0xFFFF1000  }
0x10c: {  	_ =	swait.ge [sflag:s6], $0xF000  }
0x10d: {  	s0 =	sld [smem:$0x7D2]  }
0x10e: {  	[sflag:s6] =	ssyncset.done $0x0  }
0x10f: {  	s1 =	sld [smem:$0x7D3];
	[sflag:s6] =	ssyncadd.s32 $0xFFFF1000  }
0x110: {  	[tilespmem:s8], [sflag:$0x3] =	stream.linear.gather [hbm4b:s0+s2], $0xF000, $0x38;
	[tilespmem:$0x1E000] =	vst v63  }
0x111: {  	_ = 	snop  }
0x112: {  	[hbm4b:s1+s2] =	stream.linear.scatter [tilespmem:s2], [sflag:$0x2], $0xF000, $0x38;
	[tilespmem:$0x1E000] =	vst v63  }
0x113: {  	_ =	swait.ge [sflag:s10], $0xF000  }
0x114: {  	[sflag:s10] =	ssyncset.done $0x0  }
0x115: {  	[sflag:s10] =	ssyncadd.s32 $0xFFFF1000  }
0x116: {  	_ =	swait.ge [sflag:s7], $0xF000  }
0x117: {  	s0 =	sld [smem:$0x7D4]  }
0x118: {  	[sflag:s7] =	ssyncset.done $0x0  }
0x119: {  	s1 =	sld [smem:$0x7D5];
	[sflag:s7] =	ssyncadd.s32 $0xFFFF1000  }
0x11a: {  	[tilespmem:s2], [sflag:$0x1] =	stream.linear.gather [hbm4b:s0+s2], $0xF000, $0x38;
	[tilespmem:$0x1E000] =	vst v63  }
0x11b: {  	_ = 	snop  }
0x11c: {  	[hbm4b:s1+s2] =	stream.linear.scatter [tilespmem:s8], [sflag:$0x4], $0xF000, $0x38;
	[tilespmem:$0x1E000] =	vst v63  }
0x11d: {  	_ =	swait.ge [sflag:s13], $0xF000  }
0x11e: {  	[sflag:s13] =	ssyncset.done $0x0  }
0x11f: {  	[sflag:s13] =	ssyncadd.s32 $0xFFFF1000  }
0x120: {  	_ =	swait.ge [sflag:s6], $0xF000  }
0x121: {  	s0 =	sld [smem:$0x7D6]  }
0x122: {  	[sflag:s6] =	ssyncset.done $0x0  }
0x123: {  	s1 =	sld [smem:$0x7D7];
	[sflag:s6] =	ssyncadd.s32 $0xFFFF1000  }
0x124: {  	[tilespmem:s8], [sflag:$0x3] =	stream.linear.gather [hbm4b:s0+s2], $0xF000, $0x38;
	[tilespmem:$0x1E000] =	vst v63  }
0x125: {  	_ = 	snop  }
0x126: {  	[hbm4b:s1+s2] =	stream.linear.scatter [tilespmem:s2], [sflag:$0x2], $0xF000, $0x38;
	[tilespmem:$0x1E000] =	vst v63  }
0x127: {  	_ =	swait.ge [sflag:s10], $0xF000  }
0x128: {  	[sflag:s10] =	ssyncset.done $0x0  }
0x129: {  	[sflag:s10] =	ssyncadd.s32 $0xFFFF1000  }
0x12a: {  	_ =	swait.ge [sflag:s7], $0xF000  }
0x12b: {  	s0 =	sld [smem:$0x7D8]  }
0x12c: {  	[sflag:s7] =	ssyncset.done $0x0  }
0x12d: {  	s1 =	sld [smem:$0x7D9];
	[sflag:s7] =	ssyncadd.s32 $0xFFFF1000  }
0x12e: {  	[tilespmem:s2], [sflag:$0x1] =	stream.linear.gather [hbm4b:s0+s2], $0xF000, $0x38;
	[tilespmem:$0x1E000] =	vst v63  }
0x12f: {  	_ = 	snop  }
0x130: {  	[hbm4b:s1+s2] =	stream.linear.scatter [tilespmem:s8], [sflag:$0x4], $0xF000, $0x38;
	[tilespmem:$0x1E000] =	vst v63  }
0x131: {  	_ =	swait.ge [sflag:s13], $0xF000  }
0x132: {  	[sflag:s13] =	ssyncset.done $0x0  }
0x133: {  	[sflag:s13] =	ssyncadd.s32 $0xFFFF1000  }
0x134: {  	_ =	swait.ge [sflag:s6], $0xF000  }
0x135: {  	s0 =	sld [smem:$0x7DA]  }
0x136: {  	[sflag:s6] =	ssyncset.done $0x0  }
0x137: {  	s1 =	sld [smem:$0x7DB];
	[sflag:s6] =	ssyncadd.s32 $0xFFFF1000  }
0x138: {  	[tilespmem:s8], [sflag:$0x3] =	stream.linear.gather [hbm4b:s0+s2], $0xF000, $0x38;
	[tilespmem:$0x1E000] =	vst v63  }
0x139: {  	_ = 	snop  }
0x13a: {  	[hbm4b:s1+s2] =	stream.linear.scatter [tilespmem:s2], [sflag:$0x2], $0xF000, $0x38;
	[tilespmem:$0x1E000] =	vst v63  }
0x13b: {  	_ =	swait.ge [sflag:s10], $0xF000  }
0x13c: {  	[sflag:s10] =	ssyncset.done $0x0  }
0x13d: {  	[sflag:s10] =	ssyncadd.s32 $0xFFFF1000  }
0x13e: {  	_ =	swait.ge [sflag:s7], $0xF000  }
0x13f: {  	s0 =	sld [smem:$0x7DC]  }
0x140: {  	[sflag:s7] =	ssyncset.done $0x0  }
0x141: {  	s1 =	sld [smem:$0x7DD];
	[sflag:s7] =	ssyncadd.s32 $0xFFFF1000  }
0x142: {  	[tilespmem:s2], [sflag:$0x1] =	stream.linear.gather [hbm4b:s0+s2], $0xF000, $0x38;
	[tilespmem:$0x1E000] =	vst v63  }
0x143: {  	_ = 	snop  }
0x144: {  	[hbm4b:s1+s2] =	stream.linear.scatter [tilespmem:s8], [sflag:$0x4], $0xF000, $0x38;
	[tilespmem:$0x1E000] =	vst v63  }
0x145: {  	_ =	swait.ge [sflag:s13], $0xF000  }
0x146: {  	[sflag:s13] =	ssyncset.done $0x0  }
0x147: {  	[sflag:s13] =	ssyncadd.s32 $0xFFFF1000  }
0x148: {  	_ =	swait.ge [sflag:s6], $0xF000  }
0x149: {  	s0 =	sld [smem:$0x7DE]  }
0x14a: {  	[sflag:s6] =	ssyncset.done $0x0  }
0x14b: {  	s1 =	sld [smem:$0x7DF];
	[sflag:s6] =	ssyncadd.s32 $0xFFFF1000  }
0x14c: {  	[tilespmem:s8], [sflag:$0x3] =	stream.linear.gather [hbm4b:s0+s2], $0xF000, $0x38;
	[tilespmem:$0x1E000] =	vst v63  }
0x14d: {  	_ = 	snop  }
0x14e: {  	[hbm4b:s1+s2] =	stream.linear.scatter [tilespmem:s2], [sflag:$0x2], $0xF000, $0x38;
	[tilespmem:$0x1E000] =	vst v63  }
0x14f: {  	_ =	swait.ge [sflag:s10], $0xF000  }
0x150: {  	[sflag:s10] =	ssyncset.done $0x0  }
0x151: {  	[sflag:s10] =	ssyncadd.s32 $0xFFFF1000  }
0x152: {  	_ =	swait.ge [sflag:s7], $0xF000  }
0x153: {  	s0 =	sld [smem:$0x7E0]  }
0x154: {  	[sflag:s7] =	ssyncset.done $0x0  }
0x155: {  	s1 =	sld [smem:$0x7E1];
	[sflag:s7] =	ssyncadd.s32 $0xFFFF1000  }
0x156: {  	[tilespmem:s2], [sflag:$0x1] =	stream.linear.gather [hbm4b:s0+s2], $0xF000, $0x38;
	[tilespmem:$0x1E000] =	vst v63  }
0x157: {  	_ = 	snop  }
0x158: {  	[hbm4b:s1+s2] =	stream.linear.scatter [tilespmem:s8], [sflag:$0x4], $0xF000, $0x38;
	[tilespmem:$0x1E000] =	vst v63  }
0x159: {  	_ =	swait.ge [sflag:s13], $0xF000  }
0x15a: {  	[sflag:s13] =	ssyncset.done $0x0  }
0x15b: {  	[sflag:s13] =	ssyncadd.s32 $0xFFFF1000  }
0x15c: {  	_ =	swait.ge [sflag:s6], $0xF000  }
0x15d: {  	s0 =	sld [smem:$0x7E2]  }
0x15e: {  	[sflag:s6] =	ssyncset.done $0x0  }
0x15f: {  	s1 =	sld [smem:$0x7E3];
	[sflag:s6] =	ssyncadd.s32 $0xFFFF1000  }
0x160: {  	[tilespmem:s8], [sflag:$0x3] =	stream.linear.gather [hbm4b:s0+s2], $0xF000, $0x38;
	[tilespmem:$0x1E000] =	vst v63  }
0x161: {  	_ = 	snop  }
0x162: {  	[hbm4b:s1+s2] =	stream.linear.scatter [tilespmem:s2], [sflag:$0x2], $0xF000, $0x38;
	[tilespmem:$0x1E000] =	vst v63  }
0x163: {  	_ =	swait.ge [sflag:s10], $0xF000  }
0x164: {  	[sflag:s10] =	ssyncset.done $0x0  }
0x165: {  	[sflag:s10] =	ssyncadd.s32 $0xFFFF1000  }
0x166: {  	_ =	swait.ge [sflag:s7], $0xF000  }
0x167: {  	s0 =	sld [smem:$0x7E4]  }
0x168: {  	[sflag:s7] =	ssyncset.done $0x0  }
0x169: {  	s1 =	sld [smem:$0x7E5];
	[sflag:s7] =	ssyncadd.s32 $0xFFFF1000  }
0x16a: {  	[tilespmem:s2], [sflag:$0x1] =	stream.linear.gather [hbm4b:s0+s2], $0xF000, $0x38;
	[tilespmem:$0x1E000] =	vst v63  }
0x16b: {  	_ = 	snop  }
0x16c: {  	[hbm4b:s1+s2] =	stream.linear.scatter [tilespmem:s8], [sflag:$0x4], $0xF000, $0x38;
	[tilespmem:$0x1E000] =	vst v63  }
0x16d: {  	_ =	swait.ge [sflag:s13], $0xF000  }
0x16e: {  	[sflag:s13] =	ssyncset.done $0x0  }
0x16f: {  	[sflag:s13] =	ssyncadd.s32 $0xFFFF1000  }
0x170: {  	_ =	swait.ge [sflag:s6], $0xF000  }
0x171: {  	s0 =	sld [smem:$0x7E6]  }
0x172: {  	[sflag:s6] =	ssyncset.done $0x0  }
0x173: {  	s1 =	sld [smem:$0x7E7];
	[sflag:s6] =	ssyncadd.s32 $0xFFFF1000  }
0x174: {  	[tilespmem:s8], [sflag:$0x3] =	stream.linear.gather [hbm4b:s0+s2], $0xF000, $0x38;
	[tilespmem:$0x1E000] =	vst v63  }
0x175: {  	_ = 	snop  }
0x176: {  	[hbm4b:s1+s2] =	stream.linear.scatter [tilespmem:s2], [sflag:$0x2], $0xF000, $0x38;
	[tilespmem:$0x1E000] =	vst v63  }
0x177: {  	_ =	swait.ge [sflag:s10], $0xF000  }
0x178: {  	[sflag:s10] =	ssyncset.done $0x0  }
0x179: {  	[sflag:s10] =	ssyncadd.s32 $0xFFFF1000  }
0x17a: {  	_ =	swait.ge [sflag:s7], $0xF000  }
0x17b: {  	s0 =	sld [smem:$0x7E8]  }
0x17c: {  	[sflag:s7] =	ssyncset.done $0x0  }
0x17d: {  	s1 =	sld [smem:$0x7E9];
	[sflag:s7] =	ssyncadd.s32 $0xFFFF1000  }
0x17e: {  	[tilespmem:s2], [sflag:$0x1] =	stream.linear.gather [hbm4b:s0+s2], $0xF000, $0x38;
	[tilespmem:$0x1E000] =	vst v63  }
0x17f: {  	_ = 	snop  }
0x180: {  	[hbm4b:s1+s2] =	stream.linear.scatter [tilespmem:s8], [sflag:$0x4], $0xF000, $0x38;
	[tilespmem:$0x1E000] =	vst v63  }
0x181: {  	_ =	swait.ge [sflag:s13], $0xF000  }
0x182: {  	[sflag:s13] =	ssyncset.done $0x0  }
0x183: {  	[sflag:s13] =	ssyncadd.s32 $0xFFFF1000  }
0x184: {  	_ =	swait.ge [sflag:s6], $0xF000  }
0x185: {  	s0 =	sld [smem:$0x7EA]  }
0x186: {  	[sflag:s6] =	ssyncset.done $0x0  }
0x187: {  	s1 =	sld [smem:$0x7EB];
	[sflag:s6] =	ssyncadd.s32 $0xFFFF1000  }
0x188: {  	[tilespmem:s8], [sflag:$0x3] =	stream.linear.gather [hbm4b:s0+s2], $0xF000, $0x38;
	[tilespmem:$0x1E000] =	vst v63  }
0x189: {  	_ = 	snop  }
0x18a: {  	[hbm4b:s1+s2] =	stream.linear.scatter [tilespmem:s2], [sflag:$0x2], $0xF000, $0x38;
	[tilespmem:$0x1E000] =	vst v63  }
0x18b: {  	_ =	swait.ge [sflag:s10], $0xF000  }
0x18c: {  	[sflag:s10] =	ssyncset.done $0x0  }
0x18d: {  	[sflag:s10] =	ssyncadd.s32 $0xFFFF1000  }
0x18e: {  	_ =	swait.ge [sflag:s7], $0xF000  }
0x18f: {  	s0 =	sld [smem:$0x7EC]  }
0x190: {  	[sflag:s7] =	ssyncset.done $0x0  }
0x191: {  	s1 =	sld [smem:$0x7ED];
	[sflag:s7] =	ssyncadd.s32 $0xFFFF1000  }
0x192: {  	[tilespmem:s2], [sflag:$0x1] =	stream.linear.gather [hbm4b:s0+s2], $0xF000, $0x38;
	[tilespmem:$0x1E000] =	vst v63  }
0x193: {  	_ = 	snop  }
0x194: {  	[hbm4b:s1+s2] =	stream.linear.scatter [tilespmem:s8], [sflag:$0x4], $0xF000, $0x38;
	[tilespmem:$0x1E000] =	vst v63  }
0x195: {  	_ =	swait.ge [sflag:s13], $0xF000  }
0x196: {  	[sflag:s13] =	ssyncset.done $0x0  }
0x197: {  	[sflag:s13] =	ssyncadd.s32 $0xFFFF1000  }
0x198: {  	_ =	swait.ge [sflag:s6], $0xF000  }
0x199: {  	s0 =	sld [smem:$0x7EE]  }
0x19a: {  	[sflag:s6] =	ssyncset.done $0x0  }
0x19b: {  	s1 =	sld [smem:$0x7EF];
	[sflag:s6] =	ssyncadd.s32 $0xFFFF1000  }
0x19c: {  	[tilespmem:s8], [sflag:$0x3] =	stream.linear.gather [hbm4b:s0+s2], $0xF000, $0x38;
	[tilespmem:$0x1E000] =	vst v63  }
0x19d: {  	_ = 	snop  }
0x19e: {  	[hbm4b:s1+s2] =	stream.linear.scatter [tilespmem:s2], [sflag:$0x2], $0xF000, $0x38;
	[tilespmem:$0x1E000] =	vst v63  }
0x19f: {  	_ =	swait.ge [sflag:s10], $0xF000  }
0x1a0: {  	[sflag:s10] =	ssyncset.done $0x0  }
0x1a1: {  	[sflag:s10] =	ssyncadd.s32 $0xFFFF1000  }
0x1a2: {  	_ =	swait.ge [sflag:s7], $0xF000  }
0x1a3: {  	s0 =	sld [smem:$0x7F0]  }
0x1a4: {  	[sflag:s7] =	ssyncset.done $0x0  }
0x1a5: {  	s1 =	sld [smem:$0x7F1];
	[sflag:s7] =	ssyncadd.s32 $0xFFFF1000  }
0x1a6: {  	[tilespmem:s2], [sflag:$0x1] =	stream.linear.gather [hbm4b:s0+s2], $0xF000, $0x38;
	[tilespmem:$0x1E000] =	vst v63  }
0x1a7: {  	_ = 	snop  }
0x1a8: {  	[hbm4b:s1+s2] =	stream.linear.scatter [tilespmem:s8], [sflag:$0x4], $0xF000, $0x38;
	[tilespmem:$0x1E000] =	vst v63  }
0x1a9: {  	_ =	swait.ge [sflag:s13], $0xF000  }
0x1aa: {  	[sflag:s13] =	ssyncset.done $0x0  }
0x1ab: {  	[sflag:s13] =	ssyncadd.s32 $0xFFFF1000  }
0x1ac: {  	_ =	swait.ge [sflag:s6], $0xF000  }
0x1ad: {  	s0 =	sld [smem:$0x7F2]  }
0x1ae: {  	[sflag:s6] =	ssyncset.done $0x0  }
0x1af: {  	s1 =	sld [smem:$0x7F3];
	[sflag:s6] =	ssyncadd.s32 $0xFFFF1000  }
0x1b0: {  	[tilespmem:s8], [sflag:$0x3] =	stream.linear.gather [hbm4b:s0+s2], $0xF000, $0x38;
	[tilespmem:$0x1E000] =	vst v63  }
0x1b1: {  	_ = 	snop  }
0x1b2: {  	[hbm4b:s1+s2] =	stream.linear.scatter [tilespmem:s2], [sflag:$0x2], $0xF000, $0x38;
	[tilespmem:$0x1E000] =	vst v63  }
0x1b3: {  	_ =	swait.ge [sflag:s10], $0xF000  }
0x1b4: {  	[sflag:s10] =	ssyncset.done $0x0  }
0x1b5: {  	[sflag:s10] =	ssyncadd.s32 $0xFFFF1000  }
0x1b6: {  	_ =	swait.ge [sflag:s7], $0xF000  }
0x1b7: {  	s0 =	sld [smem:$0x7F4]  }
0x1b8: {  	[sflag:s7] =	ssyncset.done $0x0  }
0x1b9: {  	s1 =	sld [smem:$0x7F5];
	[sflag:s7] =	ssyncadd.s32 $0xFFFF1000  }
0x1ba: {  	[tilespmem:s2], [sflag:$0x1] =	stream.linear.gather [hbm4b:s0+s2], $0xF000, $0x38;
	[tilespmem:$0x1E000] =	vst v63  }
0x1bb: {  	_ = 	snop  }
0x1bc: {  	[hbm4b:s1+s2] =	stream.linear.scatter [tilespmem:s8], [sflag:$0x4], $0xF000, $0x38;
	[tilespmem:$0x1E000] =	vst v63  }
0x1bd: {  	_ =	swait.ge [sflag:s13], $0xF000  }
0x1be: {  	[sflag:s13] =	ssyncset.done $0x0  }
0x1bf: {  	[sflag:s13] =	ssyncadd.s32 $0xFFFF1000  }
0x1c0: {  	_ =	swait.ge [sflag:s6], $0xF000  }
0x1c1: {  	s0 =	sld [smem:$0x7F6]  }
0x1c2: {  	[sflag:s6] =	ssyncset.done $0x0  }
0x1c3: {  	s1 =	sld [smem:$0x7F7];
	[sflag:s6] =	ssyncadd.s32 $0xFFFF1000  }
0x1c4: {  	[tilespmem:s8], [sflag:$0x3] =	stream.linear.gather [hbm4b:s0+s2], $0xF000, $0x38;
	[tilespmem:$0x1E000] =	vst v63  }
0x1c5: {  	_ = 	snop  }
0x1c6: {  	[hbm4b:s1+s2] =	stream.linear.scatter [tilespmem:s2], [sflag:$0x2], $0xF000, $0x38;
	[tilespmem:$0x1E000] =	vst v63  }
0x1c7: {  	_ =	swait.ge [sflag:s10], $0xF000  }
0x1c8: {  	[sflag:s10] =	ssyncset.done $0x0  }
0x1c9: {  	[sflag:s10] =	ssyncadd.s32 $0xFFFF1000  }
0x1ca: {  	_ =	swait.ge [sflag:s7], $0xF000  }
0x1cb: {  	s0 =	sld [smem:$0x7F8]  }
0x1cc: {  	[sflag:s7] =	ssyncset.done $0x0  }
0x1cd: {  	s1 =	sld [smem:$0x7F9];
	[sflag:s7] =	ssyncadd.s32 $0xFFFF1000  }
0x1ce: {  	[tilespmem:s2], [sflag:$0x1] =	stream.linear.gather [hbm4b:s0+s2], $0xF000, $0x38;
	[tilespmem:$0x1E000] =	vst v63  }
0x1cf: {  	_ = 	snop  }
0x1d0: {  	[hbm4b:s1+s2] =	stream.linear.scatter [tilespmem:s8], [sflag:$0x4], $0xF000, $0x38;
	[tilespmem:$0x1E000] =	vst v63  }
0x1d1: {  	_ =	swait.ge [sflag:s13], $0xF000  }
0x1d2: {  	[sflag:s13] =	ssyncset.done $0x0  }
0x1d3: {  	[sflag:s13] =	ssyncadd.s32 $0xFFFF1000  }
0x1d4: {  	_ =	swait.ge [sflag:s6], $0xF000  }
0x1d5: {  	s0 =	sld [smem:$0x7FA]  }
0x1d6: {  	[sflag:s6] =	ssyncset.done $0x0  }
0x1d7: {  	s1 =	sld [smem:$0x7FB];
	[sflag:s6] =	ssyncadd.s32 $0xFFFF1000  }
0x1d8: {  	[tilespmem:s8], [sflag:$0x3] =	stream.linear.gather [hbm4b:s0+s2], $0xF000, $0x38;
	[tilespmem:$0x1E000] =	vst v63  }
0x1d9: {  	_ = 	snop  }
0x1da: {  	[hbm4b:s1+s2] =	stream.linear.scatter [tilespmem:s2], [sflag:$0x2], $0xF000, $0x38;
	[tilespmem:$0x1E000] =	vst v63  }
0x1db: {  	_ =	swait.ge [sflag:s10], $0xF000  }
0x1dc: {  	[sflag:s10] =	ssyncset.done $0x0  }
0x1dd: {  	[sflag:s10] =	ssyncadd.s32 $0xFFFF1000  }
0x1de: {  	_ =	swait.ge [sflag:s7], $0xF000  }
0x1df: {  	s0 =	sld [smem:$0x7FC]  }
0x1e0: {  	[sflag:s7] =	ssyncset.done $0x0  }
0x1e1: {  	s1 =	sld [smem:$0x7FD];
	[sflag:s7] =	ssyncadd.s32 $0xFFFF1000  }
0x1e2: {  	[tilespmem:s2], [sflag:$0x1] =	stream.linear.gather [hbm4b:s0+s2], $0xF000, $0x38;
	[tilespmem:$0x1E000] =	vst v63  }
0x1e3: {  	_ = 	snop  }
0x1e4: {  	[hbm4b:s1+s2] =	stream.linear.scatter [tilespmem:s8], [sflag:$0x4], $0xF000, $0x38;
	[tilespmem:$0x1E000] =	vst v63  }
0x1e5: {  	_ =	swait.ge [sflag:s13], $0xF000  }
0x1e6: {  	[sflag:s13] =	ssyncset.done $0x0  }
0x1e7: {  	[sflag:s13] =	ssyncadd.s32 $0xFFFF1000  }
0x1e8: {  	_ =	swait.ge [sflag:s6], $0xF000  }
0x1e9: {  	[sflag:s6] =	ssyncset.done $0x0  }
0x1ea: {  	[sflag:s6] =	ssyncadd.s32 $0xFFFF1000  }
0x1eb: {  	[tilespmem:s8], [sflag:$0x3] =	stream.linear.gather [hbm4b:s30+s2], $0xF000, $0x38;
	[tilespmem:$0x1E000] =	vst v63  }
0x1ec: {  	_ = 	snop  }
0x1ed: {  	[hbm4b:s31+s2] =	stream.linear.scatter [tilespmem:s2], [sflag:$0x2], $0xF000, $0x38;
	[tilespmem:$0x1E000] =	vst v63  }
0x1ee: {  	_ =	swait.ge [sflag:s10], $0xF000  }
0x1ef: {  	[sflag:s10] =	ssyncset.done $0x0  }
0x1f0: {  	[sflag:s10] =	ssyncadd.s32 $0xFFFF1000  }
0x1f1: {  	_ =	swait.ge [sflag:s7], $0xF000  }
0x1f2: {  	[sflag:s7] =	ssyncset.done $0x0  }
0x1f3: {  	[sflag:s7] =	ssyncadd.s32 $0xFFFF1000  }
0x1f4: {  	[tilespmem:s2], [sflag:$0x1] =	stream.linear.gather [hbm4b:s28+s2], $0xF000, $0x38;
	[tilespmem:$0x1E000] =	vst v63  }
0x1f5: {  	_ = 	snop  }
0x1f6: {  	[hbm4b:s29+s2] =	stream.linear.scatter [tilespmem:s8], [sflag:$0x4], $0xF000, $0x38;
	[tilespmem:$0x1E000] =	vst v63  }
0x1f7: {  	_ =	swait.ge [sflag:s13], $0xF000  }
0x1f8: {  	[sflag:s13] =	ssyncset.done $0x0  }
0x1f9: {  	[sflag:s13] =	ssyncadd.s32 $0xFFFF1000  }
0x1fa: {  	_ =	swait.ge [sflag:s6], $0xF000  }
0x1fb: {  	[sflag:s6] =	ssyncset.done $0x0  }
0x1fc: {  	[sflag:s6] =	ssyncadd.s32 $0xFFFF1000  }
0x1fd: {  	[tilespmem:s8], [sflag:$0x3] =	stream.linear.gather [hbm4b:s25+s2], $0xF000, $0x38;
	[tilespmem:$0x1E000] =	vst v63  }
0x1fe: {  	_ = 	snop  }
0x1ff: {  	[hbm4b:s26+s2] =	stream.linear.scatter [tilespmem:s2], [sflag:$0x2], $0xF000, $0x38;
	[tilespmem:$0x1E000] =	vst v63  }
0x200: {  	_ =	swait.ge [sflag:s10], $0xF000  }
0x201: {  	[sflag:s10] =	ssyncset.done $0x0  }
0x202: {  	[sflag:s10] =	ssyncadd.s32 $0xFFFF1000  }
0x203: {  	_ =	swait.ge [sflag:s7], $0xF000  }
0x204: {  	[sflag:s7] =	ssyncset.done $0x0  }
0x205: {  	[sflag:s7] =	ssyncadd.s32 $0xFFFF1000  }
0x206: {  	[tilespmem:s2], [sflag:$0x1] =	stream.linear.gather [hbm4b:s23+s2], $0xF000, $0x38;
	[tilespmem:$0x1E000] =	vst v63  }
0x207: {  	_ = 	snop  }
0x208: {  	[hbm4b:s24+s2] =	stream.linear.scatter [tilespmem:s8], [sflag:$0x4], $0xF000, $0x38;
	[tilespmem:$0x1E000] =	vst v63  }
0x209: {  	_ =	swait.ge [sflag:s13], $0xF000  }
0x20a: {  	[sflag:s13] =	ssyncset.done $0x0  }
0x20b: {  	[sflag:s13] =	ssyncadd.s32 $0xFFFF1000  }
0x20c: {  	_ =	swait.ge [sflag:s6], $0xF000  }
0x20d: {  	[sflag:s6] =	ssyncset.done $0x0  }
0x20e: {  	[sflag:s6] =	ssyncadd.s32 $0xFFFF1000  }
0x20f: {  	[tilespmem:s8], [sflag:$0x3] =	stream.linear.gather [hbm4b:s21+s2], $0xF000, $0x38;
	[tilespmem:$0x1E000] =	vst v63  }
0x210: {  	_ = 	snop  }
0x211: {  	[hbm4b:s22+s2] =	stream.linear.scatter [tilespmem:s2], [sflag:$0x2], $0xF000, $0x38;
	[tilespmem:$0x1E000] =	vst v63  }
0x212: {  	_ =	swait.ge [sflag:s10], $0xF000  }
0x213: {  	[sflag:s10] =	ssyncset.done $0x0  }
0x214: {  	[sflag:s10] =	ssyncadd.s32 $0xFFFF1000  }
0x215: {  	_ =	swait.ge [sflag:s7], $0xF000  }
0x216: {  	[sflag:s7] =	ssyncset.done $0x0  }
0x217: {  	[sflag:s7] =	ssyncadd.s32 $0xFFFF1000  }
0x218: {  	[tilespmem:s2], [sflag:$0x1] =	stream.linear.gather [hbm4b:s19+s2], $0xF000, $0x38;
	[tilespmem:$0x1E000] =	vst v63  }
0x219: {  	_ = 	snop  }
0x21a: {  	[hbm4b:s20+s2] =	stream.linear.scatter [tilespmem:s8], [sflag:$0x4], $0xF000, $0x38;
	[tilespmem:$0x1E000] =	vst v63  }
0x21b: {  	_ =	swait.ge [sflag:s13], $0xF000  }
0x21c: {  	[sflag:s13] =	ssyncset.done $0x0  }
0x21d: {  	[sflag:s13] =	ssyncadd.s32 $0xFFFF1000  }
0x21e: {  	_ =	swait.ge [sflag:s6], $0xF000  }
0x21f: {  	[sflag:s6] =	ssyncset.done $0x0  }
0x220: {  	[sflag:s6] =	ssyncadd.s32 $0xFFFF1000  }
0x221: {  	[tilespmem:s8], [sflag:$0x3] =	stream.linear.gather [hbm4b:s17+s2], $0xF000, $0x38;
	[tilespmem:$0x1E000] =	vst v63  }
0x222: {  	_ = 	snop  }
0x223: {  	[hbm4b:s18+s2] =	stream.linear.scatter [tilespmem:s2], [sflag:$0x2], $0xF000, $0x38;
	[tilespmem:$0x1E000] =	vst v63  }
0x224: {  	_ =	swait.ge [sflag:s10], $0xF000  }
0x225: {  	[sflag:s10] =	ssyncset.done $0x0  }
0x226: {  	[sflag:s10] =	ssyncadd.s32 $0xFFFF1000  }
0x227: {  	_ =	swait.ge [sflag:s7], $0xF000  }
0x228: {  	[sflag:s7] =	ssyncset.done $0x0  }
0x229: {  	[sflag:s7] =	ssyncadd.s32 $0xFFFF1000  }
0x22a: {  	[tilespmem:s2], [sflag:$0x1] =	stream.linear.gather [hbm4b:s15+s2], $0xF000, $0x38;
	[tilespmem:$0x1E000] =	vst v63  }
0x22b: {  	_ = 	snop  }
0x22c: {  	[hbm4b:s16+s2] =	stream.linear.scatter [tilespmem:s8], [sflag:$0x4], $0xF000, $0x38;
	[tilespmem:$0x1E000] =	vst v63  }
0x22d: {  	_ =	swait.ge [sflag:s13], $0xF000  }
0x22e: {  	[sflag:s13] =	ssyncset.done $0x0  }
0x22f: {  	[sflag:s13] =	ssyncadd.s32 $0xFFFF1000  }
0x230: {  	_ =	swait.ge [sflag:s6], $0xF000  }
0x231: {  	[sflag:s6] =	ssyncset.done $0x0  }
0x232: {  	[sflag:s6] =	ssyncadd.s32 $0xFFFF1000  }
0x233: {  	[tilespmem:s8], [sflag:$0x3] =	stream.linear.gather [hbm4b:s14+s2], $0xF000, $0x38;
	[tilespmem:$0x1E000] =	vst v63  }
0x234: {  	_ = 	snop  }
0x235: {  	[hbm4b:s12+s2] =	stream.linear.scatter [tilespmem:s2], [sflag:$0x2], $0xF000, $0x38;
	[tilespmem:$0x1E000] =	vst v63  }
0x236: {  	_ =	swait.ge [sflag:s10], $0xF000  }
0x237: {  	[sflag:s10] =	ssyncset.done $0x0  }
0x238: {  	[sflag:s10] =	ssyncadd.s32 $0xFFFF1000  }
0x239: {  	_ =	swait.ge [sflag:s7], $0xF000  }
0x23a: {  	[sflag:s7] =	ssyncset.done $0x0  }
0x23b: {  	[sflag:s7] =	ssyncadd.s32 $0xFFFF1000  }
0x23c: {  	[tilespmem:s2], [sflag:$0x1] =	stream.linear.gather [hbm4b:s11+s2], $0xF000, $0x38;
	[tilespmem:$0x1E000] =	vst v63  }
0x23d: {  	_ = 	snop  }
0x23e: {  	[hbm4b:s9+s2] =	stream.linear.scatter [tilespmem:s8], [sflag:$0x4], $0xF000, $0x38;
	[tilespmem:$0x1E000] =	vst v63  }
0x23f: {  	_ =	swait.ge [sflag:s13], $0xF000  }
0x240: {  	[sflag:s13] =	ssyncset.done $0x0  }
0x241: {  	[sflag:s13] =	ssyncadd.s32 $0xFFFF1000  }
0x242: {  	_ =	swait.ge [sflag:s6], $0xF000  }
0x243: {  	[sflag:s6] =	ssyncset.done $0x0  }
0x244: {  	[sflag:s6] =	ssyncadd.s32 $0xFFFF1000  }
0x245: {  	[tilespmem:s8], [sflag:$0x3] =	stream.linear.gather [hbm4b:s4+s2], $0xF000, $0x38;
	[tilespmem:$0x1E000] =	vst v63  }
0x246: {  	_ = 	snop  }
0x247: {  	[hbm4b:s5+s2] =	stream.linear.scatter [tilespmem:s2], [sflag:$0x2], $0xF000, $0x38;
	[tilespmem:$0x1E000] =	vst v63  }
0x248: {  	_ =	swait.ge [sflag:s10], $0xF000  }
0x249: {  	[sflag:s10] =	ssyncset.done $0x0  }
0x24a: {  	[sflag:s10] =	ssyncadd.s32 $0xFFFF1000  }
0x24b: {  	[hbm4b:s3+s2] =	stream.linear.scatter [tilespmem:s8], [sflag:$0x4], $0xF000, $0x38;
	[tilespmem:$0x1E000] =	vst v63  }
0x24c: {  	_ =	swait.ge [sflag:s7], $0xF000  }
0x24d: {  	s1 =	sld [smem:$0x7C9];
	_ =	sdelay $0x2  }
0x24e: {  	p1 =	sne.s32 s1, $0x1  }
.Ltmp1:
0x24f: {  	[sflag:s7] =	ssyncset.done $0x0;
	(pc) =	sbr.rel @!p1 .LBB2_3-.Ltmp1, $4  }
0x250: {  	[sflag:s7] =	ssyncadd.s32 $0xFFFF1000  }
0x251: {  	_ =	swait.ge [sflag:s6], $0xF000  }
0x252: {  	p0 =	por $0x1, $0x1;
	s0 =	rddreg [dreg:$0x2]  }
0x253: {  	s1 =	sadd.s32 $0xFFFFFFFF, s1;
	[sflag:s6] =	ssyncset.done $0x0;
	[smem:$0x7CA] =	sst s31  }
.LBB2_2:
0x254: {  	[sflag:s6] =	ssyncadd.s32 $0xFFFF1000  }
0x255: {  	s31 =	smov.u32 s30;
	s30 =	smov.u32 s29;
	s29 =	smov.u32 s28  }
0x256: {  	s28 =	smov.u32 s26;
	s26 =	smov.u32 s25;
	s25 =	smov.u32 s24  }
0x257: {  	s24 =	smov.u32 s23;
	s23 =	smov.u32 s22;
	s22 =	smov.u32 s21  }
0x258: {  	s21 =	smov.u32 s20;
	s20 =	smov.u32 s19;
	s19 =	smov.u32 s18  }
0x259: {  	s18 =	smov.u32 s17;
	s17 =	smov.u32 s16;
	s16 =	smov.u32 s15  }
0x25a: {  	[tilespmem:s2], [sflag:$0x1] =	stream.linear.gather [hbm4b:s0+s2], $0xF000, $0x38;
	[tilespmem:$0x1E000] =	vst v63  }
0x25b: {  	s15 =	smov.u32 s14;
	s14 =	smov.u32 s12;
	_ =	swait.ge [sflag:s13], $0xF000  }
0x25c: {  	s12 =	smov.u32 s11;
	s11 =	smov.u32 s9;
	[sflag:s13] =	ssyncset.done $0x0  }
0x25d: {  	s9 =	smov.u32 s5;
	s0 =	rddreg [dreg:$0x3];
	[sflag:s13] =	ssyncadd.s32 $0xFFFF1000  }
0x25e: {  	[tilespmem:s8], [sflag:$0x3] =	stream.linear.gather [hbm4b:s0+s2], $0xF000, $0x38;
	[tilespmem:$0x1E000] =	vst v63  }
0x25f: {  	s5 =	smov.u32 s4;
	s4 =	smov.u32 s3;
	s3 =	rddreg [dreg:$0x4]  }
0x260: {  	[hbm4b:s3+s2] =	stream.linear.scatter [tilespmem:s2], [sflag:$0x2], $0xF000, $0x38;
	[tilespmem:$0x1E000] =	vst v63  }
0x261: {  	_ =	swait.ge [sflag:s10], $0xF000  }
0x262: {  	[sflag:s10] =	ssyncset.done $0x0  }
0x263: {  	[sflag:s10] =	ssyncadd.s32 $0xFFFF1000  }
0x264: {  	_ =	swait.ge [sflag:s7], $0xF000  }
0x265: {  	[sflag:s7] =	ssyncset.done $0x0  }
0x266: {  	s0 =	rddreg [dreg:$0x5];
	[sflag:s7] =	ssyncadd.s32 $0xFFFF1000  }
0x267: {  	[tilespmem:s2], [sflag:$0x1] =	stream.linear.gather [hbm4b:s0+s2], $0xF000, $0x38;
	[tilespmem:$0x1E000] =	vst v63  }
0x268: {  	s3 =	rddreg [dreg:$0x6]  }
0x269: {  	[hbm4b:s3+s2] =	stream.linear.scatter [tilespmem:s8], [sflag:$0x4], $0xF000, $0x38;
	[tilespmem:$0x1E000] =	vst v63  }
0x26a: {  	_ =	swait.ge [sflag:s13], $0xF000  }
0x26b: {  	[sflag:s13] =	ssyncset.done $0x0  }
0x26c: {  	[sflag:s13] =	ssyncadd.s32 $0xFFFF1000  }
0x26d: {  	_ =	swait.ge [sflag:s6], $0xF000  }
0x26e: {  	[sflag:s6] =	ssyncset.done $0x0  }
0x26f: {  	s0 =	rddreg [dreg:$0x7];
	[sflag:s6] =	ssyncadd.s32 $0xFFFF1000  }
0x270: {  	[tilespmem:s8], [sflag:$0x3] =	stream.linear.gather [hbm4b:s0+s2], $0xF000, $0x38;
	[tilespmem:$0x1E000] =	vst v63  }
0x271: {  	s3 =	rddreg [dreg:$0x8]  }
0x272: {  	[hbm4b:s3+s2] =	stream.linear.scatter [tilespmem:s2], [sflag:$0x2], $0xF000, $0x38;
	[tilespmem:$0x1E000] =	vst v63  }
0x273: {  	_ =	swait.ge [sflag:s10], $0xF000  }
0x274: {  	[sflag:s10] =	ssyncset.done $0x0  }
0x275: {  	[sflag:s10] =	ssyncadd.s32 $0xFFFF1000  }
0x276: {  	_ =	swait.ge [sflag:s7], $0xF000  }
0x277: {  	[sflag:s7] =	ssyncset.done $0x0  }
0x278: {  	s0 =	rddreg [dreg:$0x9];
	[sflag:s7] =	ssyncadd.s32 $0xFFFF1000  }
0x279: {  	[tilespmem:s2], [sflag:$0x1] =	stream.linear.gather [hbm4b:s0+s2], $0xF000, $0x38;
	[tilespmem:$0x1E000] =	vst v63  }
0x27a: {  	s3 =	rddreg [dreg:$0xa]  }
0x27b: {  	[hbm4b:s3+s2] =	stream.linear.scatter [tilespmem:s8], [sflag:$0x4], $0xF000, $0x38;
	[tilespmem:$0x1E000] =	vst v63  }
0x27c: {  	_ =	swait.ge [sflag:s13], $0xF000  }
0x27d: {  	[sflag:s13] =	ssyncset.done $0x0  }
0x27e: {  	[sflag:s13] =	ssyncadd.s32 $0xFFFF1000  }
0x27f: {  	_ =	swait.ge [sflag:s6], $0xF000  }
0x280: {  	[sflag:s6] =	ssyncset.done $0x0  }
0x281: {  	s0 =	rddreg [dreg:$0xb];
	[sflag:s6] =	ssyncadd.s32 $0xFFFF1000  }
0x282: {  	[tilespmem:s8], [sflag:$0x3] =	stream.linear.gather [hbm4b:s0+s2], $0xF000, $0x38;
	[tilespmem:$0x1E000] =	vst v63  }
0x283: {  	s3 =	rddreg [dreg:$0xc]  }
0x284: {  	[hbm4b:s3+s2] =	stream.linear.scatter [tilespmem:s2], [sflag:$0x2], $0xF000, $0x38;
	[tilespmem:$0x1E000] =	vst v63  }
0x285: {  	_ =	swait.ge [sflag:s10], $0xF000  }
0x286: {  	[sflag:s10] =	ssyncset.done $0x0  }
0x287: {  	[sflag:s10] =	ssyncadd.s32 $0xFFFF1000  }
0x288: {  	_ =	swait.ge [sflag:s7], $0xF000  }
0x289: {  	[sflag:s7] =	ssyncset.done $0x0  }
0x28a: {  	s0 =	rddreg [dreg:$0xd];
	[sflag:s7] =	ssyncadd.s32 $0xFFFF1000  }
0x28b: {  	[tilespmem:s2], [sflag:$0x1] =	stream.linear.gather [hbm4b:s0+s2], $0xF000, $0x38;
	[tilespmem:$0x1E000] =	vst v63  }
0x28c: {  	s3 =	rddreg [dreg:$0xe]  }
0x28d: {  	[hbm4b:s3+s2] =	stream.linear.scatter [tilespmem:s8], [sflag:$0x4], $0xF000, $0x38;
	[tilespmem:$0x1E000] =	vst v63  }
0x28e: {  	_ =	swait.ge [sflag:s13], $0xF000  }
0x28f: {  	[sflag:s13] =	ssyncset.done $0x0  }
0x290: {  	[sflag:s13] =	ssyncadd.s32 $0xFFFF1000  }
0x291: {  	_ =	swait.ge [sflag:s6], $0xF000  }
0x292: {  	[sflag:s6] =	ssyncset.done $0x0  }
0x293: {  	s0 =	rddreg [dreg:$0xf];
	[sflag:s6] =	ssyncadd.s32 $0xFFFF1000  }
0x294: {  	[tilespmem:s8], [sflag:$0x3] =	stream.linear.gather [hbm4b:s0+s2], $0xF000, $0x38;
	[tilespmem:$0x1E000] =	vst v63  }
0x295: {  	s3 =	rddreg [dreg:$0x10]  }
0x296: {  	[hbm4b:s3+s2] =	stream.linear.scatter [tilespmem:s2], [sflag:$0x2], $0xF000, $0x38;
	[tilespmem:$0x1E000] =	vst v63  }
0x297: {  	_ =	swait.ge [sflag:s10], $0xF000  }
0x298: {  	[sflag:s10] =	ssyncset.done $0x0  }
0x299: {  	[sflag:s10] =	ssyncadd.s32 $0xFFFF1000  }
0x29a: {  	_ =	swait.ge [sflag:s7], $0xF000  }
0x29b: {  	[sflag:s7] =	ssyncset.done $0x0  }
0x29c: {  	s0 =	rddreg [dreg:$0x11];
	[sflag:s7] =	ssyncadd.s32 $0xFFFF1000  }
0x29d: {  	[tilespmem:s2], [sflag:$0x1] =	stream.linear.gather [hbm4b:s0+s2], $0xF000, $0x38;
	[tilespmem:$0x1E000] =	vst v63  }
0x29e: {  	s3 =	rddreg [dreg:$0x12]  }
0x29f: {  	[hbm4b:s3+s2] =	stream.linear.scatter [tilespmem:s8], [sflag:$0x4], $0xF000, $0x38;
	[tilespmem:$0x1E000] =	vst v63  }
0x2a0: {  	_ =	swait.ge [sflag:s13], $0xF000  }
0x2a1: {  	[sflag:s13] =	ssyncset.done $0x0  }
0x2a2: {  	[sflag:s13] =	ssyncadd.s32 $0xFFFF1000  }
0x2a3: {  	_ =	swait.ge [sflag:s6], $0xF000  }
0x2a4: {  	[sflag:s6] =	ssyncset.done $0x0  }
0x2a5: {  	s0 =	rddreg [dreg:$0x13];
	[sflag:s6] =	ssyncadd.s32 $0xFFFF1000  }
0x2a6: {  	[tilespmem:s8], [sflag:$0x3] =	stream.linear.gather [hbm4b:s0+s2], $0xF000, $0x38;
	[tilespmem:$0x1E000] =	vst v63  }
0x2a7: {  	s3 =	rddreg [dreg:$0x14]  }
0x2a8: {  	[hbm4b:s3+s2] =	stream.linear.scatter [tilespmem:s2], [sflag:$0x2], $0xF000, $0x38;
	[tilespmem:$0x1E000] =	vst v63  }
0x2a9: {  	_ =	swait.ge [sflag:s10], $0xF000  }
0x2aa: {  	[sflag:s10] =	ssyncset.done $0x0  }
0x2ab: {  	[sflag:s10] =	ssyncadd.s32 $0xFFFF1000  }
0x2ac: {  	_ =	swait.ge [sflag:s7], $0xF000  }
0x2ad: {  	[sflag:s7] =	ssyncset.done $0x0  }
0x2ae: {  	s0 =	rddreg [dreg:$0x15];
	[sflag:s7] =	ssyncadd.s32 $0xFFFF1000  }
0x2af: {  	[tilespmem:s2], [sflag:$0x1] =	stream.linear.gather [hbm4b:s0+s2], $0xF000, $0x38;
	[tilespmem:$0x1E000] =	vst v63  }
0x2b0: {  	s3 =	rddreg [dreg:$0x16]  }
0x2b1: {  	[hbm4b:s3+s2] =	stream.linear.scatter [tilespmem:s8], [sflag:$0x4], $0xF000, $0x38;
	[tilespmem:$0x1E000] =	vst v63  }
0x2b2: {  	_ =	swait.ge [sflag:s13], $0xF000  }
0x2b3: {  	[sflag:s13] =	ssyncset.done $0x0  }
0x2b4: {  	[sflag:s13] =	ssyncadd.s32 $0xFFFF1000  }
0x2b5: {  	_ =	swait.ge [sflag:s6], $0xF000  }
0x2b6: {  	[sflag:s6] =	ssyncset.done $0x0  }
0x2b7: {  	s0 =	rddreg [dreg:$0x17];
	[sflag:s6] =	ssyncadd.s32 $0xFFFF1000  }
0x2b8: {  	[tilespmem:s8], [sflag:$0x3] =	stream.linear.gather [hbm4b:s0+s2], $0xF000, $0x38;
	[tilespmem:$0x1E000] =	vst v63  }
0x2b9: {  	s3 =	rddreg [dreg:$0x18]  }
0x2ba: {  	[hbm4b:s3+s2] =	stream.linear.scatter [tilespmem:s2], [sflag:$0x2], $0xF000, $0x38;
	[tilespmem:$0x1E000] =	vst v63  }
0x2bb: {  	_ =	swait.ge [sflag:s10], $0xF000  }
0x2bc: {  	[sflag:s10] =	ssyncset.done $0x0  }
0x2bd: {  	[sflag:s10] =	ssyncadd.s32 $0xFFFF1000  }
0x2be: {  	_ =	swait.ge [sflag:s7], $0xF000  }
0x2bf: {  	[sflag:s7] =	ssyncset.done $0x0  }
0x2c0: {  	s0 =	rddreg [dreg:$0x19];
	[sflag:s7] =	ssyncadd.s32 $0xFFFF1000  }
0x2c1: {  	[tilespmem:s2], [sflag:$0x1] =	stream.linear.gather [hbm4b:s0+s2], $0xF000, $0x38;
	[tilespmem:$0x1E000] =	vst v63  }
0x2c2: {  	s3 =	rddreg [dreg:$0x1a]  }
0x2c3: {  	[hbm4b:s3+s2] =	stream.linear.scatter [tilespmem:s8], [sflag:$0x4], $0xF000, $0x38;
	[tilespmem:$0x1E000] =	vst v63  }
0x2c4: {  	_ =	swait.ge [sflag:s13], $0xF000  }
0x2c5: {  	[sflag:s13] =	ssyncset.done $0x0  }
0x2c6: {  	[sflag:s13] =	ssyncadd.s32 $0xFFFF1000  }
0x2c7: {  	_ =	swait.ge [sflag:s6], $0xF000  }
0x2c8: {  	[sflag:s6] =	ssyncset.done $0x0  }
0x2c9: {  	s0 =	rddreg [dreg:$0x1b];
	[sflag:s6] =	ssyncadd.s32 $0xFFFF1000  }
0x2ca: {  	[tilespmem:s8], [sflag:$0x3] =	stream.linear.gather [hbm4b:s0+s2], $0xF000, $0x38;
	[tilespmem:$0x1E000] =	vst v63  }
0x2cb: {  	s3 =	rddreg [dreg:$0x1c]  }
0x2cc: {  	[hbm4b:s3+s2] =	stream.linear.scatter [tilespmem:s2], [sflag:$0x2], $0xF000, $0x38;
	[tilespmem:$0x1E000] =	vst v63  }
0x2cd: {  	_ =	swait.ge [sflag:s10], $0xF000  }
0x2ce: {  	[sflag:s10] =	ssyncset.done $0x0  }
0x2cf: {  	[sflag:s10] =	ssyncadd.s32 $0xFFFF1000  }
0x2d0: {  	_ =	swait.ge [sflag:s7], $0xF000  }
0x2d1: {  	[sflag:s7] =	ssyncset.done $0x0  }
0x2d2: {  	s0 =	rddreg [dreg:$0x1d];
	[sflag:s7] =	ssyncadd.s32 $0xFFFF1000  }
0x2d3: {  	[tilespmem:s2], [sflag:$0x1] =	stream.linear.gather [hbm4b:s0+s2], $0xF000, $0x38;
	[tilespmem:$0x1E000] =	vst v63  }
0x2d4: {  	s3 =	rddreg [dreg:$0x1e]  }
0x2d5: {  	[hbm4b:s3+s2] =	stream.linear.scatter [tilespmem:s8], [sflag:$0x4], $0xF000, $0x38;
	[tilespmem:$0x1E000] =	vst v63  }
0x2d6: {  	_ =	swait.ge [sflag:s13], $0xF000  }
0x2d7: {  	[sflag:s13] =	ssyncset.done $0x0  }
0x2d8: {  	[sflag:s13] =	ssyncadd.s32 $0xFFFF1000  }
0x2d9: {  	_ =	swait.ge [sflag:s6], $0xF000  }
0x2da: {  	s0 =	rddreg [dreg:$0x1f];
	[sflag:s6] =	ssyncset.done $0x0  }
0x2db: {  	s3 =	sld [smem:$0x7CB];
	[sflag:s6] =	ssyncadd.s32 $0xFFFF1000  }
0x2dc: {  	[tilespmem:s8], [sflag:$0x3] =	stream.linear.gather [hbm4b:s0+s2], $0xF000, $0x38;
	[tilespmem:$0x1E000] =	vst v63  }
0x2dd: {  	_ = 	snop  }
0x2de: {  	[hbm4b:s3+s2] =	stream.linear.scatter [tilespmem:s2], [sflag:$0x2], $0xF000, $0x38;
	[tilespmem:$0x1E000] =	vst v63  }
0x2df: {  	_ =	swait.ge [sflag:s10], $0xF000  }
0x2e0: {  	[sflag:s10] =	ssyncset.done $0x0  }
0x2e1: {  	[sflag:s10] =	ssyncadd.s32 $0xFFFF1000  }
0x2e2: {  	_ =	swait.ge [sflag:s7], $0xF000  }
0x2e3: {  	s0 =	sld [smem:$0x7CC]  }
0x2e4: {  	[sflag:s7] =	ssyncset.done $0x0  }
0x2e5: {  	s3 =	sld [smem:$0x7CD];
	[sflag:s7] =	ssyncadd.s32 $0xFFFF1000  }
0x2e6: {  	[tilespmem:s2], [sflag:$0x1] =	stream.linear.gather [hbm4b:s0+s2], $0xF000, $0x38;
	[tilespmem:$0x1E000] =	vst v63  }
0x2e7: {  	_ = 	snop  }
0x2e8: {  	[hbm4b:s3+s2] =	stream.linear.scatter [tilespmem:s8], [sflag:$0x4], $0xF000, $0x38;
	[tilespmem:$0x1E000] =	vst v63  }
0x2e9: {  	_ =	swait.ge [sflag:s13], $0xF000  }
0x2ea: {  	[sflag:s13] =	ssyncset.done $0x0  }
0x2eb: {  	[sflag:s13] =	ssyncadd.s32 $0xFFFF1000  }
0x2ec: {  	_ =	swait.ge [sflag:s6], $0xF000  }
0x2ed: {  	s0 =	sld [smem:$0x7CE]  }
0x2ee: {  	[sflag:s6] =	ssyncset.done $0x0  }
0x2ef: {  	s3 =	sld [smem:$0x7CF];
	[sflag:s6] =	ssyncadd.s32 $0xFFFF1000  }
0x2f0: {  	[tilespmem:s8], [sflag:$0x3] =	stream.linear.gather [hbm4b:s0+s2], $0xF000, $0x38;
	[tilespmem:$0x1E000] =	vst v63  }
0x2f1: {  	_ = 	snop  }
0x2f2: {  	[hbm4b:s3+s2] =	stream.linear.scatter [tilespmem:s2], [sflag:$0x2], $0xF000, $0x38;
	[tilespmem:$0x1E000] =	vst v63  }
0x2f3: {  	_ =	swait.ge [sflag:s10], $0xF000  }
0x2f4: {  	[sflag:s10] =	ssyncset.done $0x0  }
0x2f5: {  	[sflag:s10] =	ssyncadd.s32 $0xFFFF1000  }
0x2f6: {  	_ =	swait.ge [sflag:s7], $0xF000  }
0x2f7: {  	s0 =	sld [smem:$0x7D0]  }
0x2f8: {  	[sflag:s7] =	ssyncset.done $0x0  }
0x2f9: {  	s3 =	sld [smem:$0x7D1];
	[sflag:s7] =	ssyncadd.s32 $0xFFFF1000  }
0x2fa: {  	[tilespmem:s2], [sflag:$0x1] =	stream.linear.gather [hbm4b:s0+s2], $0xF000, $0x38;
	[tilespmem:$0x1E000] =	vst v63  }
0x2fb: {  	_ = 	snop  }
0x2fc: {  	[hbm4b:s3+s2] =	stream.linear.scatter [tilespmem:s8], [sflag:$0x4], $0xF000, $0x38;
	[tilespmem:$0x1E000] =	vst v63  }
0x2fd: {  	_ =	swait.ge [sflag:s13], $0xF000  }
0x2fe: {  	[sflag:s13] =	ssyncset.done $0x0  }
0x2ff: {  	[sflag:s13] =	ssyncadd.s32 $0xFFFF1000  }
0x300: {  	_ =	swait.ge [sflag:s6], $0xF000  }
0x301: {  	s0 =	sld [smem:$0x7D2]  }
0x302: {  	[sflag:s6] =	ssyncset.done $0x0  }
0x303: {  	s3 =	sld [smem:$0x7D3];
	[sflag:s6] =	ssyncadd.s32 $0xFFFF1000  }
0x304: {  	[tilespmem:s8], [sflag:$0x3] =	stream.linear.gather [hbm4b:s0+s2], $0xF000, $0x38;
	[tilespmem:$0x1E000] =	vst v63  }
0x305: {  	_ = 	snop  }
0x306: {  	[hbm4b:s3+s2] =	stream.linear.scatter [tilespmem:s2], [sflag:$0x2], $0xF000, $0x38;
	[tilespmem:$0x1E000] =	vst v63  }
0x307: {  	_ =	swait.ge [sflag:s10], $0xF000  }
0x308: {  	[sflag:s10] =	ssyncset.done $0x0  }
0x309: {  	[sflag:s10] =	ssyncadd.s32 $0xFFFF1000  }
0x30a: {  	_ =	swait.ge [sflag:s7], $0xF000  }
0x30b: {  	s0 =	sld [smem:$0x7D4]  }
0x30c: {  	[sflag:s7] =	ssyncset.done $0x0  }
0x30d: {  	s3 =	sld [smem:$0x7D5];
	[sflag:s7] =	ssyncadd.s32 $0xFFFF1000  }
0x30e: {  	[tilespmem:s2], [sflag:$0x1] =	stream.linear.gather [hbm4b:s0+s2], $0xF000, $0x38;
	[tilespmem:$0x1E000] =	vst v63  }
0x30f: {  	_ = 	snop  }
0x310: {  	[hbm4b:s3+s2] =	stream.linear.scatter [tilespmem:s8], [sflag:$0x4], $0xF000, $0x38;
	[tilespmem:$0x1E000] =	vst v63  }
0x311: {  	_ =	swait.ge [sflag:s13], $0xF000  }
0x312: {  	[sflag:s13] =	ssyncset.done $0x0  }
0x313: {  	[sflag:s13] =	ssyncadd.s32 $0xFFFF1000  }
0x314: {  	_ =	swait.ge [sflag:s6], $0xF000  }
0x315: {  	s0 =	sld [smem:$0x7D6]  }
0x316: {  	[sflag:s6] =	ssyncset.done $0x0  }
0x317: {  	s3 =	sld [smem:$0x7D7];
	[sflag:s6] =	ssyncadd.s32 $0xFFFF1000  }
0x318: {  	[tilespmem:s8], [sflag:$0x3] =	stream.linear.gather [hbm4b:s0+s2], $0xF000, $0x38;
	[tilespmem:$0x1E000] =	vst v63  }
0x319: {  	_ = 	snop  }
0x31a: {  	[hbm4b:s3+s2] =	stream.linear.scatter [tilespmem:s2], [sflag:$0x2], $0xF000, $0x38;
	[tilespmem:$0x1E000] =	vst v63  }
0x31b: {  	_ =	swait.ge [sflag:s10], $0xF000  }
0x31c: {  	[sflag:s10] =	ssyncset.done $0x0  }
0x31d: {  	[sflag:s10] =	ssyncadd.s32 $0xFFFF1000  }
0x31e: {  	_ =	swait.ge [sflag:s7], $0xF000  }
0x31f: {  	s0 =	sld [smem:$0x7D8]  }
0x320: {  	[sflag:s7] =	ssyncset.done $0x0  }
0x321: {  	s3 =	sld [smem:$0x7D9];
	[sflag:s7] =	ssyncadd.s32 $0xFFFF1000  }
0x322: {  	[tilespmem:s2], [sflag:$0x1] =	stream.linear.gather [hbm4b:s0+s2], $0xF000, $0x38;
	[tilespmem:$0x1E000] =	vst v63  }
0x323: {  	_ = 	snop  }
0x324: {  	[hbm4b:s3+s2] =	stream.linear.scatter [tilespmem:s8], [sflag:$0x4], $0xF000, $0x38;
	[tilespmem:$0x1E000] =	vst v63  }
0x325: {  	_ =	swait.ge [sflag:s13], $0xF000  }
0x326: {  	[sflag:s13] =	ssyncset.done $0x0  }
0x327: {  	[sflag:s13] =	ssyncadd.s32 $0xFFFF1000  }
0x328: {  	_ =	swait.ge [sflag:s6], $0xF000  }
0x329: {  	s0 =	sld [smem:$0x7DA]  }
0x32a: {  	[sflag:s6] =	ssyncset.done $0x0  }
0x32b: {  	s3 =	sld [smem:$0x7DB];
	[sflag:s6] =	ssyncadd.s32 $0xFFFF1000  }
0x32c: {  	[tilespmem:s8], [sflag:$0x3] =	stream.linear.gather [hbm4b:s0+s2], $0xF000, $0x38;
	[tilespmem:$0x1E000] =	vst v63  }
0x32d: {  	_ = 	snop  }
0x32e: {  	[hbm4b:s3+s2] =	stream.linear.scatter [tilespmem:s2], [sflag:$0x2], $0xF000, $0x38;
	[tilespmem:$0x1E000] =	vst v63  }
0x32f: {  	_ =	swait.ge [sflag:s10], $0xF000  }
0x330: {  	[sflag:s10] =	ssyncset.done $0x0  }
0x331: {  	[sflag:s10] =	ssyncadd.s32 $0xFFFF1000  }
0x332: {  	_ =	swait.ge [sflag:s7], $0xF000  }
0x333: {  	s0 =	sld [smem:$0x7DC]  }
0x334: {  	[sflag:s7] =	ssyncset.done $0x0  }
0x335: {  	s3 =	sld [smem:$0x7DD];
	[sflag:s7] =	ssyncadd.s32 $0xFFFF1000  }
0x336: {  	[tilespmem:s2], [sflag:$0x1] =	stream.linear.gather [hbm4b:s0+s2], $0xF000, $0x38;
	[tilespmem:$0x1E000] =	vst v63  }
0x337: {  	_ = 	snop  }
0x338: {  	[hbm4b:s3+s2] =	stream.linear.scatter [tilespmem:s8], [sflag:$0x4], $0xF000, $0x38;
	[tilespmem:$0x1E000] =	vst v63  }
0x339: {  	_ =	swait.ge [sflag:s13], $0xF000  }
0x33a: {  	[sflag:s13] =	ssyncset.done $0x0  }
0x33b: {  	[sflag:s13] =	ssyncadd.s32 $0xFFFF1000  }
0x33c: {  	_ =	swait.ge [sflag:s6], $0xF000  }
0x33d: {  	s0 =	sld [smem:$0x7DE]  }
0x33e: {  	[sflag:s6] =	ssyncset.done $0x0  }
0x33f: {  	s3 =	sld [smem:$0x7DF];
	[sflag:s6] =	ssyncadd.s32 $0xFFFF1000  }
0x340: {  	[tilespmem:s8], [sflag:$0x3] =	stream.linear.gather [hbm4b:s0+s2], $0xF000, $0x38;
	[tilespmem:$0x1E000] =	vst v63  }
0x341: {  	_ = 	snop  }
0x342: {  	[hbm4b:s3+s2] =	stream.linear.scatter [tilespmem:s2], [sflag:$0x2], $0xF000, $0x38;
	[tilespmem:$0x1E000] =	vst v63  }
0x343: {  	_ =	swait.ge [sflag:s10], $0xF000  }
0x344: {  	[sflag:s10] =	ssyncset.done $0x0  }
0x345: {  	[sflag:s10] =	ssyncadd.s32 $0xFFFF1000  }
0x346: {  	_ =	swait.ge [sflag:s7], $0xF000  }
0x347: {  	s0 =	sld [smem:$0x7E0]  }
0x348: {  	[sflag:s7] =	ssyncset.done $0x0  }
0x349: {  	s3 =	sld [smem:$0x7E1];
	[sflag:s7] =	ssyncadd.s32 $0xFFFF1000  }
0x34a: {  	[tilespmem:s2], [sflag:$0x1] =	stream.linear.gather [hbm4b:s0+s2], $0xF000, $0x38;
	[tilespmem:$0x1E000] =	vst v63  }
0x34b: {  	_ = 	snop  }
0x34c: {  	[hbm4b:s3+s2] =	stream.linear.scatter [tilespmem:s8], [sflag:$0x4], $0xF000, $0x38;
	[tilespmem:$0x1E000] =	vst v63  }
0x34d: {  	_ =	swait.ge [sflag:s13], $0xF000  }
0x34e: {  	[sflag:s13] =	ssyncset.done $0x0  }
0x34f: {  	[sflag:s13] =	ssyncadd.s32 $0xFFFF1000  }
0x350: {  	_ =	swait.ge [sflag:s6], $0xF000  }
0x351: {  	s0 =	sld [smem:$0x7E2]  }
0x352: {  	[sflag:s6] =	ssyncset.done $0x0  }
0x353: {  	s3 =	sld [smem:$0x7E3];
	[sflag:s6] =	ssyncadd.s32 $0xFFFF1000  }
0x354: {  	[tilespmem:s8], [sflag:$0x3] =	stream.linear.gather [hbm4b:s0+s2], $0xF000, $0x38;
	[tilespmem:$0x1E000] =	vst v63  }
0x355: {  	_ = 	snop  }
0x356: {  	[hbm4b:s3+s2] =	stream.linear.scatter [tilespmem:s2], [sflag:$0x2], $0xF000, $0x38;
	[tilespmem:$0x1E000] =	vst v63  }
0x357: {  	_ =	swait.ge [sflag:s10], $0xF000  }
0x358: {  	[sflag:s10] =	ssyncset.done $0x0  }
0x359: {  	[sflag:s10] =	ssyncadd.s32 $0xFFFF1000  }
0x35a: {  	_ =	swait.ge [sflag:s7], $0xF000  }
0x35b: {  	s0 =	sld [smem:$0x7E4]  }
0x35c: {  	[sflag:s7] =	ssyncset.done $0x0  }
0x35d: {  	s3 =	sld [smem:$0x7E5];
	[sflag:s7] =	ssyncadd.s32 $0xFFFF1000  }
0x35e: {  	[tilespmem:s2], [sflag:$0x1] =	stream.linear.gather [hbm4b:s0+s2], $0xF000, $0x38;
	[tilespmem:$0x1E000] =	vst v63  }
0x35f: {  	_ = 	snop  }
0x360: {  	[hbm4b:s3+s2] =	stream.linear.scatter [tilespmem:s8], [sflag:$0x4], $0xF000, $0x38;
	[tilespmem:$0x1E000] =	vst v63  }
0x361: {  	_ =	swait.ge [sflag:s13], $0xF000  }
0x362: {  	[sflag:s13] =	ssyncset.done $0x0  }
0x363: {  	[sflag:s13] =	ssyncadd.s32 $0xFFFF1000  }
0x364: {  	_ =	swait.ge [sflag:s6], $0xF000  }
0x365: {  	s0 =	sld [smem:$0x7E6]  }
0x366: {  	[sflag:s6] =	ssyncset.done $0x0  }
0x367: {  	s3 =	sld [smem:$0x7E7];
	[sflag:s6] =	ssyncadd.s32 $0xFFFF1000  }
0x368: {  	[tilespmem:s8], [sflag:$0x3] =	stream.linear.gather [hbm4b:s0+s2], $0xF000, $0x38;
	[tilespmem:$0x1E000] =	vst v63  }
0x369: {  	_ = 	snop  }
0x36a: {  	[hbm4b:s3+s2] =	stream.linear.scatter [tilespmem:s2], [sflag:$0x2], $0xF000, $0x38;
	[tilespmem:$0x1E000] =	vst v63  }
0x36b: {  	_ =	swait.ge [sflag:s10], $0xF000  }
0x36c: {  	[sflag:s10] =	ssyncset.done $0x0  }
0x36d: {  	[sflag:s10] =	ssyncadd.s32 $0xFFFF1000  }
0x36e: {  	_ =	swait.ge [sflag:s7], $0xF000  }
0x36f: {  	s0 =	sld [smem:$0x7E8]  }
0x370: {  	[sflag:s7] =	ssyncset.done $0x0  }
0x371: {  	s3 =	sld [smem:$0x7E9];
	[sflag:s7] =	ssyncadd.s32 $0xFFFF1000  }
0x372: {  	[tilespmem:s2], [sflag:$0x1] =	stream.linear.gather [hbm4b:s0+s2], $0xF000, $0x38;
	[tilespmem:$0x1E000] =	vst v63  }
0x373: {  	_ = 	snop  }
0x374: {  	[hbm4b:s3+s2] =	stream.linear.scatter [tilespmem:s8], [sflag:$0x4], $0xF000, $0x38;
	[tilespmem:$0x1E000] =	vst v63  }
0x375: {  	_ =	swait.ge [sflag:s13], $0xF000  }
0x376: {  	[sflag:s13] =	ssyncset.done $0x0  }
0x377: {  	[sflag:s13] =	ssyncadd.s32 $0xFFFF1000  }
0x378: {  	_ =	swait.ge [sflag:s6], $0xF000  }
0x379: {  	s0 =	sld [smem:$0x7EA]  }
0x37a: {  	[sflag:s6] =	ssyncset.done $0x0  }
0x37b: {  	s3 =	sld [smem:$0x7EB];
	[sflag:s6] =	ssyncadd.s32 $0xFFFF1000  }
0x37c: {  	[tilespmem:s8], [sflag:$0x3] =	stream.linear.gather [hbm4b:s0+s2], $0xF000, $0x38;
	[tilespmem:$0x1E000] =	vst v63  }
0x37d: {  	_ = 	snop  }
0x37e: {  	[hbm4b:s3+s2] =	stream.linear.scatter [tilespmem:s2], [sflag:$0x2], $0xF000, $0x38;
	[tilespmem:$0x1E000] =	vst v63  }
0x37f: {  	_ =	swait.ge [sflag:s10], $0xF000  }
0x380: {  	[sflag:s10] =	ssyncset.done $0x0  }
0x381: {  	[sflag:s10] =	ssyncadd.s32 $0xFFFF1000  }
0x382: {  	_ =	swait.ge [sflag:s7], $0xF000  }
0x383: {  	s0 =	sld [smem:$0x7EC]  }
0x384: {  	[sflag:s7] =	ssyncset.done $0x0  }
0x385: {  	s3 =	sld [smem:$0x7ED];
	[sflag:s7] =	ssyncadd.s32 $0xFFFF1000  }
0x386: {  	[tilespmem:s2], [sflag:$0x1] =	stream.linear.gather [hbm4b:s0+s2], $0xF000, $0x38;
	[tilespmem:$0x1E000] =	vst v63  }
0x387: {  	_ = 	snop  }
0x388: {  	[hbm4b:s3+s2] =	stream.linear.scatter [tilespmem:s8], [sflag:$0x4], $0xF000, $0x38;
	[tilespmem:$0x1E000] =	vst v63  }
0x389: {  	_ =	swait.ge [sflag:s13], $0xF000  }
0x38a: {  	[sflag:s13] =	ssyncset.done $0x0  }
0x38b: {  	[sflag:s13] =	ssyncadd.s32 $0xFFFF1000  }
0x38c: {  	_ =	swait.ge [sflag:s6], $0xF000  }
0x38d: {  	s0 =	sld [smem:$0x7EE]  }
0x38e: {  	[sflag:s6] =	ssyncset.done $0x0  }
0x38f: {  	s3 =	sld [smem:$0x7EF];
	[sflag:s6] =	ssyncadd.s32 $0xFFFF1000  }
0x390: {  	[tilespmem:s8], [sflag:$0x3] =	stream.linear.gather [hbm4b:s0+s2], $0xF000, $0x38;
	[tilespmem:$0x1E000] =	vst v63  }
0x391: {  	_ = 	snop  }
0x392: {  	[hbm4b:s3+s2] =	stream.linear.scatter [tilespmem:s2], [sflag:$0x2], $0xF000, $0x38;
	[tilespmem:$0x1E000] =	vst v63  }
0x393: {  	_ =	swait.ge [sflag:s10], $0xF000  }
0x394: {  	[sflag:s10] =	ssyncset.done $0x0  }
0x395: {  	[sflag:s10] =	ssyncadd.s32 $0xFFFF1000  }
0x396: {  	_ =	swait.ge [sflag:s7], $0xF000  }
0x397: {  	s0 =	sld [smem:$0x7F0]  }
0x398: {  	[sflag:s7] =	ssyncset.done $0x0  }
0x399: {  	s3 =	sld [smem:$0x7F1];
	[sflag:s7] =	ssyncadd.s32 $0xFFFF1000  }
0x39a: {  	[tilespmem:s2], [sflag:$0x1] =	stream.linear.gather [hbm4b:s0+s2], $0xF000, $0x38;
	[tilespmem:$0x1E000] =	vst v63  }
0x39b: {  	_ = 	snop  }
0x39c: {  	[hbm4b:s3+s2] =	stream.linear.scatter [tilespmem:s8], [sflag:$0x4], $0xF000, $0x38;
	[tilespmem:$0x1E000] =	vst v63  }
0x39d: {  	_ =	swait.ge [sflag:s13], $0xF000  }
0x39e: {  	[sflag:s13] =	ssyncset.done $0x0  }
0x39f: {  	[sflag:s13] =	ssyncadd.s32 $0xFFFF1000  }
0x3a0: {  	_ =	swait.ge [sflag:s6], $0xF000  }
0x3a1: {  	s0 =	sld [smem:$0x7F2]  }
0x3a2: {  	[sflag:s6] =	ssyncset.done $0x0  }
0x3a3: {  	s3 =	sld [smem:$0x7F3];
	[sflag:s6] =	ssyncadd.s32 $0xFFFF1000  }
0x3a4: {  	[tilespmem:s8], [sflag:$0x3] =	stream.linear.gather [hbm4b:s0+s2], $0xF000, $0x38;
	[tilespmem:$0x1E000] =	vst v63  }
0x3a5: {  	_ = 	snop  }
0x3a6: {  	[hbm4b:s3+s2] =	stream.linear.scatter [tilespmem:s2], [sflag:$0x2], $0xF000, $0x38;
	[tilespmem:$0x1E000] =	vst v63  }
0x3a7: {  	_ =	swait.ge [sflag:s10], $0xF000  }
0x3a8: {  	[sflag:s10] =	ssyncset.done $0x0  }
0x3a9: {  	[sflag:s10] =	ssyncadd.s32 $0xFFFF1000  }
0x3aa: {  	_ =	swait.ge [sflag:s7], $0xF000  }
0x3ab: {  	s0 =	sld [smem:$0x7F4]  }
0x3ac: {  	[sflag:s7] =	ssyncset.done $0x0  }
0x3ad: {  	s3 =	sld [smem:$0x7F5];
	[sflag:s7] =	ssyncadd.s32 $0xFFFF1000  }
0x3ae: {  	[tilespmem:s2], [sflag:$0x1] =	stream.linear.gather [hbm4b:s0+s2], $0xF000, $0x38;
	[tilespmem:$0x1E000] =	vst v63  }
0x3af: {  	_ = 	snop  }
0x3b0: {  	[hbm4b:s3+s2] =	stream.linear.scatter [tilespmem:s8], [sflag:$0x4], $0xF000, $0x38;
	[tilespmem:$0x1E000] =	vst v63  }
0x3b1: {  	_ =	swait.ge [sflag:s13], $0xF000  }
0x3b2: {  	[sflag:s13] =	ssyncset.done $0x0  }
0x3b3: {  	[sflag:s13] =	ssyncadd.s32 $0xFFFF1000  }
0x3b4: {  	_ =	swait.ge [sflag:s6], $0xF000  }
0x3b5: {  	s0 =	sld [smem:$0x7F6]  }
0x3b6: {  	[sflag:s6] =	ssyncset.done $0x0  }
0x3b7: {  	s3 =	sld [smem:$0x7F7];
	[sflag:s6] =	ssyncadd.s32 $0xFFFF1000  }
0x3b8: {  	[tilespmem:s8], [sflag:$0x3] =	stream.linear.gather [hbm4b:s0+s2], $0xF000, $0x38;
	[tilespmem:$0x1E000] =	vst v63  }
0x3b9: {  	_ = 	snop  }
0x3ba: {  	[hbm4b:s3+s2] =	stream.linear.scatter [tilespmem:s2], [sflag:$0x2], $0xF000, $0x38;
	[tilespmem:$0x1E000] =	vst v63  }
0x3bb: {  	_ =	swait.ge [sflag:s10], $0xF000  }
0x3bc: {  	[sflag:s10] =	ssyncset.done $0x0  }
0x3bd: {  	[sflag:s10] =	ssyncadd.s32 $0xFFFF1000  }
0x3be: {  	_ =	swait.ge [sflag:s7], $0xF000  }
0x3bf: {  	s0 =	sld [smem:$0x7F8]  }
0x3c0: {  	[sflag:s7] =	ssyncset.done $0x0  }
0x3c1: {  	s3 =	sld [smem:$0x7F9];
	[sflag:s7] =	ssyncadd.s32 $0xFFFF1000  }
0x3c2: {  	[tilespmem:s2], [sflag:$0x1] =	stream.linear.gather [hbm4b:s0+s2], $0xF000, $0x38;
	[tilespmem:$0x1E000] =	vst v63  }
0x3c3: {  	_ = 	snop  }
0x3c4: {  	[hbm4b:s3+s2] =	stream.linear.scatter [tilespmem:s8], [sflag:$0x4], $0xF000, $0x38;
	[tilespmem:$0x1E000] =	vst v63  }
0x3c5: {  	_ =	swait.ge [sflag:s13], $0xF000  }
0x3c6: {  	[sflag:s13] =	ssyncset.done $0x0  }
0x3c7: {  	[sflag:s13] =	ssyncadd.s32 $0xFFFF1000  }
0x3c8: {  	_ =	swait.ge [sflag:s6], $0xF000  }
0x3c9: {  	s0 =	sld [smem:$0x7FA]  }
0x3ca: {  	[sflag:s6] =	ssyncset.done $0x0  }
0x3cb: {  	s3 =	sld [smem:$0x7FB];
	[sflag:s6] =	ssyncadd.s32 $0xFFFF1000  }
0x3cc: {  	[tilespmem:s8], [sflag:$0x3] =	stream.linear.gather [hbm4b:s0+s2], $0xF000, $0x38;
	[tilespmem:$0x1E000] =	vst v63  }
0x3cd: {  	_ = 	snop  }
0x3ce: {  	[hbm4b:s3+s2] =	stream.linear.scatter [tilespmem:s2], [sflag:$0x2], $0xF000, $0x38;
	[tilespmem:$0x1E000] =	vst v63  }
0x3cf: {  	_ =	swait.ge [sflag:s10], $0xF000  }
0x3d0: {  	[sflag:s10] =	ssyncset.done $0x0  }
0x3d1: {  	[sflag:s10] =	ssyncadd.s32 $0xFFFF1000  }
0x3d2: {  	_ =	swait.ge [sflag:s7], $0xF000  }
0x3d3: {  	s0 =	sld [smem:$0x7FC]  }
0x3d4: {  	[sflag:s7] =	ssyncset.done $0x0  }
0x3d5: {  	s3 =	sld [smem:$0x7FD];
	[sflag:s7] =	ssyncadd.s32 $0xFFFF1000  }
0x3d6: {  	[tilespmem:s2], [sflag:$0x1] =	stream.linear.gather [hbm4b:s0+s2], $0xF000, $0x38;
	[tilespmem:$0x1E000] =	vst v63  }
0x3d7: {  	_ = 	snop  }
0x3d8: {  	[hbm4b:s3+s2] =	stream.linear.scatter [tilespmem:s8], [sflag:$0x4], $0xF000, $0x38;
	[tilespmem:$0x1E000] =	vst v63  }
0x3d9: {  	s3 =	smov.u32 s4;
	s4 =	smov.u32 s5;
	s5 =	smov.u32 s9  }
0x3da: {  	s9 =	smov.u32 s11;
	s11 =	smov.u32 s12;
	s12 =	smov.u32 s14  }
0x3db: {  	s14 =	smov.u32 s15;
	s15 =	smov.u32 s16;
	s16 =	smov.u32 s17  }
0x3dc: {  	s17 =	smov.u32 s18;
	s18 =	smov.u32 s19;
	s19 =	smov.u32 s20  }
0x3dd: {  	s20 =	smov.u32 s21;
	s21 =	smov.u32 s22;
	s22 =	smov.u32 s23  }
0x3de: {  	s23 =	smov.u32 s24;
	s24 =	smov.u32 s25;
	s25 =	smov.u32 s26  }
0x3df: {  	s26 =	smov.u32 s28;
	s28 =	smov.u32 s29;
	s29 =	smov.u32 s30  }
0x3e0: {  	s30 =	smov.u32 s31;
	s31 =	sld [smem:$0x7CA];
	_ =	swait.ge [sflag:s13], $0xF000  }
0x3e1: {  	[sflag:s13] =	ssyncset.done $0x0  }
0x3e2: {  	[sflag:s13] =	ssyncadd.s32 $0xFFFF1000  }
0x3e3: {  	_ =	swait.ge [sflag:s6], $0xF000  }
0x3e4: {  	[sflag:s6] =	ssyncset.done $0x0  }
0x3e5: {  	[sflag:s6] =	ssyncadd.s32 $0xFFFF1000  }
0x3e6: {  	[tilespmem:s8], [sflag:$0x3] =	stream.linear.gather [hbm4b:s30+s2], $0xF000, $0x38;
	[tilespmem:$0x1E000] =	vst v63  }
0x3e7: {  	_ = 	snop  }
0x3e8: {  	[hbm4b:s31+s2] =	stream.linear.scatter [tilespmem:s2], [sflag:$0x2], $0xF000, $0x38;
	[tilespmem:$0x1E000] =	vst v63  }
0x3e9: {  	_ =	swait.ge [sflag:s10], $0xF000  }
0x3ea: {  	[sflag:s10] =	ssyncset.done $0x0  }
0x3eb: {  	[sflag:s10] =	ssyncadd.s32 $0xFFFF1000  }
0x3ec: {  	_ =	swait.ge [sflag:s7], $0xF000  }
0x3ed: {  	[sflag:s7] =	ssyncset.done $0x0  }
0x3ee: {  	[sflag:s7] =	ssyncadd.s32 $0xFFFF1000  }
0x3ef: {  	[tilespmem:s2], [sflag:$0x1] =	stream.linear.gather [hbm4b:s28+s2], $0xF000, $0x38;
	[tilespmem:$0x1E000] =	vst v63  }
0x3f0: {  	_ = 	snop  }
0x3f1: {  	[hbm4b:s29+s2] =	stream.linear.scatter [tilespmem:s8], [sflag:$0x4], $0xF000, $0x38;
	[tilespmem:$0x1E000] =	vst v63  }
0x3f2: {  	_ =	swait.ge [sflag:s13], $0xF000  }
0x3f3: {  	[sflag:s13] =	ssyncset.done $0x0  }
0x3f4: {  	[sflag:s13] =	ssyncadd.s32 $0xFFFF1000  }
0x3f5: {  	_ =	swait.ge [sflag:s6], $0xF000  }
0x3f6: {  	[sflag:s6] =	ssyncset.done $0x0  }
0x3f7: {  	[sflag:s6] =	ssyncadd.s32 $0xFFFF1000  }
0x3f8: {  	[tilespmem:s8], [sflag:$0x3] =	stream.linear.gather [hbm4b:s25+s2], $0xF000, $0x38;
	[tilespmem:$0x1E000] =	vst v63  }
0x3f9: {  	_ = 	snop  }
0x3fa: {  	[hbm4b:s26+s2] =	stream.linear.scatter [tilespmem:s2], [sflag:$0x2], $0xF000, $0x38;
	[tilespmem:$0x1E000] =	vst v63  }
0x3fb: {  	_ =	swait.ge [sflag:s10], $0xF000  }
0x3fc: {  	[sflag:s10] =	ssyncset.done $0x0  }
0x3fd: {  	[sflag:s10] =	ssyncadd.s32 $0xFFFF1000  }
0x3fe: {  	_ =	swait.ge [sflag:s7], $0xF000  }
0x3ff: {  	[sflag:s7] =	ssyncset.done $0x0  }
0x400: {  	[sflag:s7] =	ssyncadd.s32 $0xFFFF1000  }
0x401: {  	[tilespmem:s2], [sflag:$0x1] =	stream.linear.gather [hbm4b:s23+s2], $0xF000, $0x38;
	[tilespmem:$0x1E000] =	vst v63  }
0x402: {  	_ = 	snop  }
0x403: {  	[hbm4b:s24+s2] =	stream.linear.scatter [tilespmem:s8], [sflag:$0x4], $0xF000, $0x38;
	[tilespmem:$0x1E000] =	vst v63  }
0x404: {  	_ =	swait.ge [sflag:s13], $0xF000  }
0x405: {  	[sflag:s13] =	ssyncset.done $0x0  }
0x406: {  	[sflag:s13] =	ssyncadd.s32 $0xFFFF1000  }
0x407: {  	_ =	swait.ge [sflag:s6], $0xF000  }
0x408: {  	[sflag:s6] =	ssyncset.done $0x0  }
0x409: {  	[sflag:s6] =	ssyncadd.s32 $0xFFFF1000  }
0x40a: {  	[tilespmem:s8], [sflag:$0x3] =	stream.linear.gather [hbm4b:s21+s2], $0xF000, $0x38;
	[tilespmem:$0x1E000] =	vst v63  }
0x40b: {  	_ = 	snop  }
0x40c: {  	[hbm4b:s22+s2] =	stream.linear.scatter [tilespmem:s2], [sflag:$0x2], $0xF000, $0x38;
	[tilespmem:$0x1E000] =	vst v63  }
0x40d: {  	_ =	swait.ge [sflag:s10], $0xF000  }
0x40e: {  	[sflag:s10] =	ssyncset.done $0x0  }
0x40f: {  	[sflag:s10] =	ssyncadd.s32 $0xFFFF1000  }
0x410: {  	_ =	swait.ge [sflag:s7], $0xF000  }
0x411: {  	[sflag:s7] =	ssyncset.done $0x0  }
0x412: {  	[sflag:s7] =	ssyncadd.s32 $0xFFFF1000  }
0x413: {  	[tilespmem:s2], [sflag:$0x1] =	stream.linear.gather [hbm4b:s19+s2], $0xF000, $0x38;
	[tilespmem:$0x1E000] =	vst v63  }
0x414: {  	_ = 	snop  }
0x415: {  	[hbm4b:s20+s2] =	stream.linear.scatter [tilespmem:s8], [sflag:$0x4], $0xF000, $0x38;
	[tilespmem:$0x1E000] =	vst v63  }
0x416: {  	_ =	swait.ge [sflag:s13], $0xF000  }
0x417: {  	[sflag:s13] =	ssyncset.done $0x0  }
0x418: {  	[sflag:s13] =	ssyncadd.s32 $0xFFFF1000  }
0x419: {  	_ =	swait.ge [sflag:s6], $0xF000  }
0x41a: {  	[sflag:s6] =	ssyncset.done $0x0  }
0x41b: {  	[sflag:s6] =	ssyncadd.s32 $0xFFFF1000  }
0x41c: {  	[tilespmem:s8], [sflag:$0x3] =	stream.linear.gather [hbm4b:s17+s2], $0xF000, $0x38;
	[tilespmem:$0x1E000] =	vst v63  }
0x41d: {  	_ = 	snop  }
0x41e: {  	[hbm4b:s18+s2] =	stream.linear.scatter [tilespmem:s2], [sflag:$0x2], $0xF000, $0x38;
	[tilespmem:$0x1E000] =	vst v63  }
0x41f: {  	_ =	swait.ge [sflag:s10], $0xF000  }
0x420: {  	[sflag:s10] =	ssyncset.done $0x0  }
0x421: {  	[sflag:s10] =	ssyncadd.s32 $0xFFFF1000  }
0x422: {  	_ =	swait.ge [sflag:s7], $0xF000  }
0x423: {  	[sflag:s7] =	ssyncset.done $0x0  }
0x424: {  	[sflag:s7] =	ssyncadd.s32 $0xFFFF1000  }
0x425: {  	[tilespmem:s2], [sflag:$0x1] =	stream.linear.gather [hbm4b:s15+s2], $0xF000, $0x38;
	[tilespmem:$0x1E000] =	vst v63  }
0x426: {  	_ = 	snop  }
0x427: {  	[hbm4b:s16+s2] =	stream.linear.scatter [tilespmem:s8], [sflag:$0x4], $0xF000, $0x38;
	[tilespmem:$0x1E000] =	vst v63  }
0x428: {  	_ =	swait.ge [sflag:s13], $0xF000  }
0x429: {  	[sflag:s13] =	ssyncset.done $0x0  }
0x42a: {  	[sflag:s13] =	ssyncadd.s32 $0xFFFF1000  }
0x42b: {  	_ =	swait.ge [sflag:s6], $0xF000  }
0x42c: {  	[sflag:s6] =	ssyncset.done $0x0  }
0x42d: {  	[sflag:s6] =	ssyncadd.s32 $0xFFFF1000  }
0x42e: {  	[tilespmem:s8], [sflag:$0x3] =	stream.linear.gather [hbm4b:s14+s2], $0xF000, $0x38;
	[tilespmem:$0x1E000] =	vst v63  }
0x42f: {  	_ = 	snop  }
0x430: {  	[hbm4b:s12+s2] =	stream.linear.scatter [tilespmem:s2], [sflag:$0x2], $0xF000, $0x38;
	[tilespmem:$0x1E000] =	vst v63  }
0x431: {  	_ =	swait.ge [sflag:s10], $0xF000  }
0x432: {  	[sflag:s10] =	ssyncset.done $0x0  }
0x433: {  	[sflag:s10] =	ssyncadd.s32 $0xFFFF1000  }
0x434: {  	_ =	swait.ge [sflag:s7], $0xF000  }
0x435: {  	[sflag:s7] =	ssyncset.done $0x0  }
0x436: {  	[sflag:s7] =	ssyncadd.s32 $0xFFFF1000  }
0x437: {  	[tilespmem:s2], [sflag:$0x1] =	stream.linear.gather [hbm4b:s11+s2], $0xF000, $0x38;
	[tilespmem:$0x1E000] =	vst v63  }
0x438: {  	_ = 	snop  }
0x439: {  	[hbm4b:s9+s2] =	stream.linear.scatter [tilespmem:s8], [sflag:$0x4], $0xF000, $0x38;
	[tilespmem:$0x1E000] =	vst v63  }
0x43a: {  	_ =	swait.ge [sflag:s13], $0xF000  }
0x43b: {  	[sflag:s13] =	ssyncset.done $0x0  }
0x43c: {  	[sflag:s13] =	ssyncadd.s32 $0xFFFF1000  }
0x43d: {  	_ =	swait.ge [sflag:s6], $0xF000  }
0x43e: {  	[sflag:s6] =	ssyncset.done $0x0  }
0x43f: {  	[sflag:s6] =	ssyncadd.s32 $0xFFFF1000  }
0x440: {  	[tilespmem:s8], [sflag:$0x3] =	stream.linear.gather [hbm4b:s4+s2], $0xF000, $0x38;
	[tilespmem:$0x1E000] =	vst v63  }
0x441: {  	_ = 	snop  }
0x442: {  	[hbm4b:s5+s2] =	stream.linear.scatter [tilespmem:s2], [sflag:$0x2], $0xF000, $0x38;
	[tilespmem:$0x1E000] =	vst v63  }
0x443: {  	_ =	swait.ge [sflag:s10], $0xF000  }
0x444: {  	[sflag:s10] =	ssyncset.done $0x0  }
0x445: {  	p1 =	sne.s32 s1, $0x1;
	[sflag:s10] =	ssyncadd.s32 $0xFFFF1000  }
0x446: {  	[hbm4b:s3+s2] =	stream.linear.scatter [tilespmem:s8], [sflag:$0x4], $0xF000, $0x38;
	[tilespmem:$0x1E000] =	vst v63  }
.Ltmp2:
0x447: {  	_ =	swait.ge [sflag:s7], $0xF000;
	(pc) =	sbr.rel @p1 .LBB2_2-.Ltmp2, $4  }
0x448: {  	[sflag:s7] =	ssyncset.done $0x0  }
0x449: {  	[sflag:s7] =	ssyncadd.s32 $0xFFFF1000  }
0x44a: {  	_ =	swait.ge [sflag:s6], $0xF000  }
0x44b: {  	s1 =	sadd.s32 $0xFFFFFFFF, s1;
	s0 =	rddreg [dreg:$0x2];
	[sflag:s6] =	ssyncset.done $0x0  }
.LBB2_3:
0x44c: {  	[sflag:s6] =	ssyncadd.s32 @p0 $0xFFFF1000  }
0x44d: {  	[tilespmem:s2], [sflag:$0x1] =	stream.linear.gather [hbm4b:s0+s2], $0xF000, $0x38;
	[tilespmem:$0x1E000] =	vst v63  }
0x44e: {  	_ =	swait.ge [sflag:s13], $0xF000  }
0x44f: {  	[sflag:s13] =	ssyncset.done $0x0  }
0x450: {  	s0 =	rddreg [dreg:$0x3];
	[sflag:s13] =	ssyncadd.s32 $0xFFFF1000  }
0x451: {  	[tilespmem:s8], [sflag:$0x3] =	stream.linear.gather [hbm4b:s0+s2], $0xF000, $0x38;
	[tilespmem:$0x1E000] =	vst v63  }
0x452: {  	s1 =	rddreg [dreg:$0x4]  }
0x453: {  	[hbm4b:s1+s2] =	stream.linear.scatter [tilespmem:s2], [sflag:$0x2], $0xF000, $0x38;
	[tilespmem:$0x1E000] =	vst v63  }
0x454: {  	_ =	swait.ge [sflag:s10], $0xF000  }
0x455: {  	[sflag:s10] =	ssyncset.done $0x0  }
0x456: {  	[sflag:s10] =	ssyncadd.s32 $0xFFFF1000  }
0x457: {  	_ =	swait.ge [sflag:s7], $0xF000  }
0x458: {  	[sflag:s7] =	ssyncset.done $0x0  }
0x459: {  	s0 =	rddreg [dreg:$0x5];
	[sflag:s7] =	ssyncadd.s32 $0xFFFF1000  }
0x45a: {  	[tilespmem:s2], [sflag:$0x1] =	stream.linear.gather [hbm4b:s0+s2], $0xF000, $0x38;
	[tilespmem:$0x1E000] =	vst v63  }
0x45b: {  	s1 =	rddreg [dreg:$0x6]  }
0x45c: {  	[hbm4b:s1+s2] =	stream.linear.scatter [tilespmem:s8], [sflag:$0x4], $0xF000, $0x38;
	[tilespmem:$0x1E000] =	vst v63  }
0x45d: {  	_ =	swait.ge [sflag:s13], $0xF000  }
0x45e: {  	[sflag:s13] =	ssyncset.done $0x0  }
0x45f: {  	[sflag:s13] =	ssyncadd.s32 $0xFFFF1000  }
0x460: {  	_ =	swait.ge [sflag:s6], $0xF000  }
0x461: {  	[sflag:s6] =	ssyncset.done $0x0  }
0x462: {  	s0 =	rddreg [dreg:$0x7];
	[sflag:s6] =	ssyncadd.s32 $0xFFFF1000  }
0x463: {  	[tilespmem:s8], [sflag:$0x3] =	stream.linear.gather [hbm4b:s0+s2], $0xF000, $0x38;
	[tilespmem:$0x1E000] =	vst v63  }
0x464: {  	s1 =	rddreg [dreg:$0x8]  }
0x465: {  	[hbm4b:s1+s2] =	stream.linear.scatter [tilespmem:s2], [sflag:$0x2], $0xF000, $0x38;
	[tilespmem:$0x1E000] =	vst v63  }
0x466: {  	_ =	swait.ge [sflag:s10], $0xF000  }
0x467: {  	[sflag:s10] =	ssyncset.done $0x0  }
0x468: {  	[sflag:s10] =	ssyncadd.s32 $0xFFFF1000  }
0x469: {  	_ =	swait.ge [sflag:s7], $0xF000  }
0x46a: {  	[sflag:s7] =	ssyncset.done $0x0  }
0x46b: {  	s0 =	rddreg [dreg:$0x9];
	[sflag:s7] =	ssyncadd.s32 $0xFFFF1000  }
0x46c: {  	[tilespmem:s2], [sflag:$0x1] =	stream.linear.gather [hbm4b:s0+s2], $0xF000, $0x38;
	[tilespmem:$0x1E000] =	vst v63  }
0x46d: {  	s1 =	rddreg [dreg:$0xa]  }
0x46e: {  	[hbm4b:s1+s2] =	stream.linear.scatter [tilespmem:s8], [sflag:$0x4], $0xF000, $0x38;
	[tilespmem:$0x1E000] =	vst v63  }
0x46f: {  	_ =	swait.ge [sflag:s13], $0xF000  }
0x470: {  	[sflag:s13] =	ssyncset.done $0x0  }
0x471: {  	[sflag:s13] =	ssyncadd.s32 $0xFFFF1000  }
0x472: {  	_ =	swait.ge [sflag:s6], $0xF000  }
0x473: {  	[sflag:s6] =	ssyncset.done $0x0  }
0x474: {  	s0 =	rddreg [dreg:$0xb];
	[sflag:s6] =	ssyncadd.s32 $0xFFFF1000  }
0x475: {  	[tilespmem:s8], [sflag:$0x3] =	stream.linear.gather [hbm4b:s0+s2], $0xF000, $0x38;
	[tilespmem:$0x1E000] =	vst v63  }
0x476: {  	s1 =	rddreg [dreg:$0xc]  }
0x477: {  	[hbm4b:s1+s2] =	stream.linear.scatter [tilespmem:s2], [sflag:$0x2], $0xF000, $0x38;
	[tilespmem:$0x1E000] =	vst v63  }
0x478: {  	_ =	swait.ge [sflag:s10], $0xF000  }
0x479: {  	[sflag:s10] =	ssyncset.done $0x0  }
0x47a: {  	[sflag:s10] =	ssyncadd.s32 $0xFFFF1000  }
0x47b: {  	_ =	swait.ge [sflag:s7], $0xF000  }
0x47c: {  	[sflag:s7] =	ssyncset.done $0x0  }
0x47d: {  	s0 =	rddreg [dreg:$0xd];
	[sflag:s7] =	ssyncadd.s32 $0xFFFF1000  }
0x47e: {  	[tilespmem:s2], [sflag:$0x1] =	stream.linear.gather [hbm4b:s0+s2], $0xF000, $0x38;
	[tilespmem:$0x1E000] =	vst v63  }
0x47f: {  	s1 =	rddreg [dreg:$0xe]  }
0x480: {  	[hbm4b:s1+s2] =	stream.linear.scatter [tilespmem:s8], [sflag:$0x4], $0xF000, $0x38;
	[tilespmem:$0x1E000] =	vst v63  }
0x481: {  	_ =	swait.ge [sflag:s13], $0xF000  }
0x482: {  	[sflag:s13] =	ssyncset.done $0x0  }
0x483: {  	[sflag:s13] =	ssyncadd.s32 $0xFFFF1000  }
0x484: {  	_ =	swait.ge [sflag:s6], $0xF000  }
0x485: {  	[sflag:s6] =	ssyncset.done $0x0  }
0x486: {  	s0 =	rddreg [dreg:$0xf];
	[sflag:s6] =	ssyncadd.s32 $0xFFFF1000  }
0x487: {  	[tilespmem:s8], [sflag:$0x3] =	stream.linear.gather [hbm4b:s0+s2], $0xF000, $0x38;
	[tilespmem:$0x1E000] =	vst v63  }
0x488: {  	s1 =	rddreg [dreg:$0x10]  }
0x489: {  	[hbm4b:s1+s2] =	stream.linear.scatter [tilespmem:s2], [sflag:$0x2], $0xF000, $0x38;
	[tilespmem:$0x1E000] =	vst v63  }
0x48a: {  	_ =	swait.ge [sflag:s10], $0xF000  }
0x48b: {  	[sflag:s10] =	ssyncset.done $0x0  }
0x48c: {  	[sflag:s10] =	ssyncadd.s32 $0xFFFF1000  }
0x48d: {  	_ =	swait.ge [sflag:s7], $0xF000  }
0x48e: {  	[sflag:s7] =	ssyncset.done $0x0  }
0x48f: {  	s0 =	rddreg [dreg:$0x11];
	[sflag:s7] =	ssyncadd.s32 $0xFFFF1000  }
0x490: {  	[tilespmem:s2], [sflag:$0x1] =	stream.linear.gather [hbm4b:s0+s2], $0xF000, $0x38;
	[tilespmem:$0x1E000] =	vst v63  }
0x491: {  	s1 =	rddreg [dreg:$0x12]  }
0x492: {  	[hbm4b:s1+s2] =	stream.linear.scatter [tilespmem:s8], [sflag:$0x4], $0xF000, $0x38;
	[tilespmem:$0x1E000] =	vst v63  }
0x493: {  	_ =	swait.ge [sflag:s13], $0xF000  }
0x494: {  	[sflag:s13] =	ssyncset.done $0x0  }
0x495: {  	[sflag:s13] =	ssyncadd.s32 $0xFFFF1000  }
0x496: {  	_ =	swait.ge [sflag:s6], $0xF000  }
0x497: {  	[sflag:s6] =	ssyncset.done $0x0  }
0x498: {  	s0 =	rddreg [dreg:$0x13];
	[sflag:s6] =	ssyncadd.s32 $0xFFFF1000  }
0x499: {  	[tilespmem:s8], [sflag:$0x3] =	stream.linear.gather [hbm4b:s0+s2], $0xF000, $0x38;
	[tilespmem:$0x1E000] =	vst v63  }
0x49a: {  	s1 =	rddreg [dreg:$0x14]  }
0x49b: {  	[hbm4b:s1+s2] =	stream.linear.scatter [tilespmem:s2], [sflag:$0x2], $0xF000, $0x38;
	[tilespmem:$0x1E000] =	vst v63  }
0x49c: {  	_ =	swait.ge [sflag:s10], $0xF000  }
0x49d: {  	[sflag:s10] =	ssyncset.done $0x0  }
0x49e: {  	[sflag:s10] =	ssyncadd.s32 $0xFFFF1000  }
0x49f: {  	_ =	swait.ge [sflag:s7], $0xF000  }
0x4a0: {  	[sflag:s7] =	ssyncset.done $0x0  }
0x4a1: {  	s0 =	rddreg [dreg:$0x15];
	[sflag:s7] =	ssyncadd.s32 $0xFFFF1000  }
0x4a2: {  	[tilespmem:s2], [sflag:$0x1] =	stream.linear.gather [hbm4b:s0+s2], $0xF000, $0x38;
	[tilespmem:$0x1E000] =	vst v63  }
0x4a3: {  	s1 =	rddreg [dreg:$0x16]  }
0x4a4: {  	[hbm4b:s1+s2] =	stream.linear.scatter [tilespmem:s8], [sflag:$0x4], $0xF000, $0x38;
	[tilespmem:$0x1E000] =	vst v63  }
0x4a5: {  	_ =	swait.ge [sflag:s13], $0xF000  }
0x4a6: {  	[sflag:s13] =	ssyncset.done $0x0  }
0x4a7: {  	[sflag:s13] =	ssyncadd.s32 $0xFFFF1000  }
0x4a8: {  	_ =	swait.ge [sflag:s6], $0xF000  }
0x4a9: {  	[sflag:s6] =	ssyncset.done $0x0  }
0x4aa: {  	s0 =	rddreg [dreg:$0x17];
	[sflag:s6] =	ssyncadd.s32 $0xFFFF1000  }
0x4ab: {  	[tilespmem:s8], [sflag:$0x3] =	stream.linear.gather [hbm4b:s0+s2], $0xF000, $0x38;
	[tilespmem:$0x1E000] =	vst v63  }
0x4ac: {  	s1 =	rddreg [dreg:$0x18]  }
0x4ad: {  	[hbm4b:s1+s2] =	stream.linear.scatter [tilespmem:s2], [sflag:$0x2], $0xF000, $0x38;
	[tilespmem:$0x1E000] =	vst v63  }
0x4ae: {  	_ =	swait.ge [sflag:s10], $0xF000  }
0x4af: {  	[sflag:s10] =	ssyncset.done $0x0  }
0x4b0: {  	[sflag:s10] =	ssyncadd.s32 $0xFFFF1000  }
0x4b1: {  	_ =	swait.ge [sflag:s7], $0xF000  }
0x4b2: {  	[sflag:s7] =	ssyncset.done $0x0  }
0x4b3: {  	s0 =	rddreg [dreg:$0x19];
	[sflag:s7] =	ssyncadd.s32 $0xFFFF1000  }
0x4b4: {  	[tilespmem:s2], [sflag:$0x1] =	stream.linear.gather [hbm4b:s0+s2], $0xF000, $0x38;
	[tilespmem:$0x1E000] =	vst v63  }
0x4b5: {  	s1 =	rddreg [dreg:$0x1a]  }
0x4b6: {  	[hbm4b:s1+s2] =	stream.linear.scatter [tilespmem:s8], [sflag:$0x4], $0xF000, $0x38;
	[tilespmem:$0x1E000] =	vst v63  }
0x4b7: {  	_ =	swait.ge [sflag:s13], $0xF000  }
0x4b8: {  	[sflag:s13] =	ssyncset.done $0x0  }
0x4b9: {  	[sflag:s13] =	ssyncadd.s32 $0xFFFF1000  }
0x4ba: {  	_ =	swait.ge [sflag:s6], $0xF000  }
0x4bb: {  	[sflag:s6] =	ssyncset.done $0x0  }
0x4bc: {  	s0 =	rddreg [dreg:$0x1b];
	[sflag:s6] =	ssyncadd.s32 $0xFFFF1000  }
0x4bd: {  	[tilespmem:s8], [sflag:$0x3] =	stream.linear.gather [hbm4b:s0+s2], $0xF000, $0x38;
	[tilespmem:$0x1E000] =	vst v63  }
0x4be: {  	s1 =	rddreg [dreg:$0x1c]  }
0x4bf: {  	[hbm4b:s1+s2] =	stream.linear.scatter [tilespmem:s2], [sflag:$0x2], $0xF000, $0x38;
	[tilespmem:$0x1E000] =	vst v63  }
0x4c0: {  	_ =	swait.ge [sflag:s10], $0xF000  }
0x4c1: {  	[sflag:s10] =	ssyncset.done $0x0  }
0x4c2: {  	[sflag:s10] =	ssyncadd.s32 $0xFFFF1000  }
0x4c3: {  	_ =	swait.ge [sflag:s7], $0xF000  }
0x4c4: {  	[sflag:s7] =	ssyncset.done $0x0  }
0x4c5: {  	s0 =	rddreg [dreg:$0x1d];
	[sflag:s7] =	ssyncadd.s32 $0xFFFF1000  }
0x4c6: {  	[tilespmem:s2], [sflag:$0x1] =	stream.linear.gather [hbm4b:s0+s2], $0xF000, $0x38;
	[tilespmem:$0x1E000] =	vst v63  }
0x4c7: {  	s1 =	rddreg [dreg:$0x1e]  }
0x4c8: {  	[hbm4b:s1+s2] =	stream.linear.scatter [tilespmem:s8], [sflag:$0x4], $0xF000, $0x38;
	[tilespmem:$0x1E000] =	vst v63  }
0x4c9: {  	_ =	swait.ge [sflag:s13], $0xF000  }
0x4ca: {  	[sflag:s13] =	ssyncset.done $0x0  }
0x4cb: {  	[sflag:s13] =	ssyncadd.s32 $0xFFFF1000  }
0x4cc: {  	_ =	swait.ge [sflag:s6], $0xF000  }
0x4cd: {  	s0 =	rddreg [dreg:$0x1f];
	[sflag:s6] =	ssyncset.done $0x0  }
0x4ce: {  	s1 =	sld [smem:$0x7CB];
	[sflag:s6] =	ssyncadd.s32 $0xFFFF1000  }
0x4cf: {  	[tilespmem:s8], [sflag:$0x3] =	stream.linear.gather [hbm4b:s0+s2], $0xF000, $0x38;
	[tilespmem:$0x1E000] =	vst v63  }
0x4d0: {  	_ = 	snop  }
0x4d1: {  	[hbm4b:s1+s2] =	stream.linear.scatter [tilespmem:s2], [sflag:$0x2], $0xF000, $0x38;
	[tilespmem:$0x1E000] =	vst v63  }
0x4d2: {  	_ =	swait.ge [sflag:s10], $0xF000  }
0x4d3: {  	[sflag:s10] =	ssyncset.done $0x0  }
0x4d4: {  	[sflag:s10] =	ssyncadd.s32 $0xFFFF1000  }
0x4d5: {  	_ =	swait.ge [sflag:s7], $0xF000  }
0x4d6: {  	s0 =	sld [smem:$0x7CC]  }
0x4d7: {  	[sflag:s7] =	ssyncset.done $0x0  }
0x4d8: {  	s1 =	sld [smem:$0x7CD];
	[sflag:s7] =	ssyncadd.s32 $0xFFFF1000  }
0x4d9: {  	[tilespmem:s2], [sflag:$0x1] =	stream.linear.gather [hbm4b:s0+s2], $0xF000, $0x38;
	[tilespmem:$0x1E000] =	vst v63  }
0x4da: {  	_ = 	snop  }
0x4db: {  	[hbm4b:s1+s2] =	stream.linear.scatter [tilespmem:s8], [sflag:$0x4], $0xF000, $0x38;
	[tilespmem:$0x1E000] =	vst v63  }
0x4dc: {  	_ =	swait.ge [sflag:s13], $0xF000  }
0x4dd: {  	[sflag:s13] =	ssyncset.done $0x0  }
0x4de: {  	[sflag:s13] =	ssyncadd.s32 $0xFFFF1000  }
0x4df: {  	_ =	swait.ge [sflag:s6], $0xF000  }
0x4e0: {  	s0 =	sld [smem:$0x7CE]  }
0x4e1: {  	[sflag:s6] =	ssyncset.done $0x0  }
0x4e2: {  	s1 =	sld [smem:$0x7CF];
	[sflag:s6] =	ssyncadd.s32 $0xFFFF1000  }
0x4e3: {  	[tilespmem:s8], [sflag:$0x3] =	stream.linear.gather [hbm4b:s0+s2], $0xF000, $0x38;
	[tilespmem:$0x1E000] =	vst v63  }
0x4e4: {  	_ = 	snop  }
0x4e5: {  	[hbm4b:s1+s2] =	stream.linear.scatter [tilespmem:s2], [sflag:$0x2], $0xF000, $0x38;
	[tilespmem:$0x1E000] =	vst v63  }
0x4e6: {  	_ =	swait.ge [sflag:s10], $0xF000  }
0x4e7: {  	[sflag:s10] =	ssyncset.done $0x0  }
0x4e8: {  	[sflag:s10] =	ssyncadd.s32 $0xFFFF1000  }
0x4e9: {  	_ =	swait.ge [sflag:s7], $0xF000  }
0x4ea: {  	s0 =	sld [smem:$0x7D0]  }
0x4eb: {  	[sflag:s7] =	ssyncset.done $0x0  }
0x4ec: {  	s1 =	sld [smem:$0x7D1];
	[sflag:s7] =	ssyncadd.s32 $0xFFFF1000  }
0x4ed: {  	[tilespmem:s2], [sflag:$0x1] =	stream.linear.gather [hbm4b:s0+s2], $0xF000, $0x38;
	[tilespmem:$0x1E000] =	vst v63  }
0x4ee: {  	_ = 	snop  }
0x4ef: {  	[hbm4b:s1+s2] =	stream.linear.scatter [tilespmem:s8], [sflag:$0x4], $0xF000, $0x38;
	[tilespmem:$0x1E000] =	vst v63  }
0x4f0: {  	_ =	swait.ge [sflag:s13], $0xF000  }
0x4f1: {  	[sflag:s13] =	ssyncset.done $0x0  }
0x4f2: {  	[sflag:s13] =	ssyncadd.s32 $0xFFFF1000  }
0x4f3: {  	_ =	swait.ge [sflag:s6], $0xF000  }
0x4f4: {  	s0 =	sld [smem:$0x7D2]  }
0x4f5: {  	[sflag:s6] =	ssyncset.done $0x0  }
0x4f6: {  	s1 =	sld [smem:$0x7D3];
	[sflag:s6] =	ssyncadd.s32 $0xFFFF1000  }
0x4f7: {  	[tilespmem:s8], [sflag:$0x3] =	stream.linear.gather [hbm4b:s0+s2], $0xF000, $0x38;
	[tilespmem:$0x1E000] =	vst v63  }
0x4f8: {  	_ = 	snop  }
0x4f9: {  	[hbm4b:s1+s2] =	stream.linear.scatter [tilespmem:s2], [sflag:$0x2], $0xF000, $0x38;
	[tilespmem:$0x1E000] =	vst v63  }
0x4fa: {  	_ =	swait.ge [sflag:s10], $0xF000  }
0x4fb: {  	[sflag:s10] =	ssyncset.done $0x0  }
0x4fc: {  	[sflag:s10] =	ssyncadd.s32 $0xFFFF1000  }
0x4fd: {  	_ =	swait.ge [sflag:s7], $0xF000  }
0x4fe: {  	s0 =	sld [smem:$0x7D4]  }
0x4ff: {  	[sflag:s7] =	ssyncset.done $0x0  }
0x500: {  	s1 =	sld [smem:$0x7D5];
	[sflag:s7] =	ssyncadd.s32 $0xFFFF1000  }
0x501: {  	[tilespmem:s2], [sflag:$0x1] =	stream.linear.gather [hbm4b:s0+s2], $0xF000, $0x38;
	[tilespmem:$0x1E000] =	vst v63  }
0x502: {  	_ = 	snop  }
0x503: {  	[hbm4b:s1+s2] =	stream.linear.scatter [tilespmem:s8], [sflag:$0x4], $0xF000, $0x38;
	[tilespmem:$0x1E000] =	vst v63  }
0x504: {  	_ =	swait.ge [sflag:s13], $0xF000  }
0x505: {  	[sflag:s13] =	ssyncset.done $0x0  }
0x506: {  	[sflag:s13] =	ssyncadd.s32 $0xFFFF1000  }
0x507: {  	_ =	swait.ge [sflag:s6], $0xF000  }
0x508: {  	s0 =	sld [smem:$0x7D6]  }
0x509: {  	[sflag:s6] =	ssyncset.done $0x0  }
0x50a: {  	s1 =	sld [smem:$0x7D7];
	[sflag:s6] =	ssyncadd.s32 $0xFFFF1000  }
0x50b: {  	[tilespmem:s8], [sflag:$0x3] =	stream.linear.gather [hbm4b:s0+s2], $0xF000, $0x38;
	[tilespmem:$0x1E000] =	vst v63  }
0x50c: {  	_ = 	snop  }
0x50d: {  	[hbm4b:s1+s2] =	stream.linear.scatter [tilespmem:s2], [sflag:$0x2], $0xF000, $0x38;
	[tilespmem:$0x1E000] =	vst v63  }
0x50e: {  	_ =	swait.ge [sflag:s10], $0xF000  }
0x50f: {  	[sflag:s10] =	ssyncset.done $0x0  }
0x510: {  	[sflag:s10] =	ssyncadd.s32 $0xFFFF1000  }
0x511: {  	_ =	swait.ge [sflag:s7], $0xF000  }
0x512: {  	s0 =	sld [smem:$0x7D8]  }
0x513: {  	[sflag:s7] =	ssyncset.done $0x0  }
0x514: {  	s1 =	sld [smem:$0x7D9];
	[sflag:s7] =	ssyncadd.s32 $0xFFFF1000  }
0x515: {  	[tilespmem:s2], [sflag:$0x1] =	stream.linear.gather [hbm4b:s0+s2], $0xF000, $0x38;
	[tilespmem:$0x1E000] =	vst v63  }
0x516: {  	_ = 	snop  }
0x517: {  	[hbm4b:s1+s2] =	stream.linear.scatter [tilespmem:s8], [sflag:$0x4], $0xF000, $0x38;
	[tilespmem:$0x1E000] =	vst v63  }
0x518: {  	_ =	swait.ge [sflag:s13], $0xF000  }
0x519: {  	[sflag:s13] =	ssyncset.done $0x0  }
0x51a: {  	[sflag:s13] =	ssyncadd.s32 $0xFFFF1000  }
0x51b: {  	_ =	swait.ge [sflag:s6], $0xF000  }
0x51c: {  	s0 =	sld [smem:$0x7DA]  }
0x51d: {  	[sflag:s6] =	ssyncset.done $0x0  }
0x51e: {  	s1 =	sld [smem:$0x7DB];
	[sflag:s6] =	ssyncadd.s32 $0xFFFF1000  }
0x51f: {  	[tilespmem:s8], [sflag:$0x3] =	stream.linear.gather [hbm4b:s0+s2], $0xF000, $0x38;
	[tilespmem:$0x1E000] =	vst v63  }
0x520: {  	_ = 	snop  }
0x521: {  	[hbm4b:s1+s2] =	stream.linear.scatter [tilespmem:s2], [sflag:$0x2], $0xF000, $0x38;
	[tilespmem:$0x1E000] =	vst v63  }
0x522: {  	_ =	swait.ge [sflag:s10], $0xF000  }
0x523: {  	[sflag:s10] =	ssyncset.done $0x0  }
0x524: {  	[sflag:s10] =	ssyncadd.s32 $0xFFFF1000  }
0x525: {  	_ =	swait.ge [sflag:s7], $0xF000  }
0x526: {  	s0 =	sld [smem:$0x7DC]  }
0x527: {  	[sflag:s7] =	ssyncset.done $0x0  }
0x528: {  	s1 =	sld [smem:$0x7DD];
	[sflag:s7] =	ssyncadd.s32 $0xFFFF1000  }
0x529: {  	[tilespmem:s2], [sflag:$0x1] =	stream.linear.gather [hbm4b:s0+s2], $0xF000, $0x38;
	[tilespmem:$0x1E000] =	vst v63  }
0x52a: {  	_ = 	snop  }
0x52b: {  	[hbm4b:s1+s2] =	stream.linear.scatter [tilespmem:s8], [sflag:$0x4], $0xF000, $0x38;
	[tilespmem:$0x1E000] =	vst v63  }
0x52c: {  	_ =	swait.ge [sflag:s13], $0xF000  }
0x52d: {  	[sflag:s13] =	ssyncset.done $0x0  }
0x52e: {  	[sflag:s13] =	ssyncadd.s32 $0xFFFF1000  }
0x52f: {  	_ =	swait.ge [sflag:s6], $0xF000  }
0x530: {  	s0 =	sld [smem:$0x7DE]  }
0x531: {  	[sflag:s6] =	ssyncset.done $0x0  }
0x532: {  	s1 =	sld [smem:$0x7DF];
	[sflag:s6] =	ssyncadd.s32 $0xFFFF1000  }
0x533: {  	[tilespmem:s8], [sflag:$0x3] =	stream.linear.gather [hbm4b:s0+s2], $0xF000, $0x38;
	[tilespmem:$0x1E000] =	vst v63  }
0x534: {  	_ = 	snop  }
0x535: {  	[hbm4b:s1+s2] =	stream.linear.scatter [tilespmem:s2], [sflag:$0x2], $0xF000, $0x38;
	[tilespmem:$0x1E000] =	vst v63  }
0x536: {  	_ =	swait.ge [sflag:s10], $0xF000  }
0x537: {  	[sflag:s10] =	ssyncset.done $0x0  }
0x538: {  	[sflag:s10] =	ssyncadd.s32 $0xFFFF1000  }
0x539: {  	_ =	swait.ge [sflag:s7], $0xF000  }
0x53a: {  	s0 =	sld [smem:$0x7E0]  }
0x53b: {  	[sflag:s7] =	ssyncset.done $0x0  }
0x53c: {  	s1 =	sld [smem:$0x7E1];
	[sflag:s7] =	ssyncadd.s32 $0xFFFF1000  }
0x53d: {  	[tilespmem:s2], [sflag:$0x1] =	stream.linear.gather [hbm4b:s0+s2], $0xF000, $0x38;
	[tilespmem:$0x1E000] =	vst v63  }
0x53e: {  	_ = 	snop  }
0x53f: {  	[hbm4b:s1+s2] =	stream.linear.scatter [tilespmem:s8], [sflag:$0x4], $0xF000, $0x38;
	[tilespmem:$0x1E000] =	vst v63  }
0x540: {  	_ =	swait.ge [sflag:s13], $0xF000  }
0x541: {  	[sflag:s13] =	ssyncset.done $0x0  }
0x542: {  	[sflag:s13] =	ssyncadd.s32 $0xFFFF1000  }
0x543: {  	_ =	swait.ge [sflag:s6], $0xF000  }
0x544: {  	s0 =	sld [smem:$0x7E2]  }
0x545: {  	[sflag:s6] =	ssyncset.done $0x0  }
0x546: {  	s1 =	sld [smem:$0x7E3];
	[sflag:s6] =	ssyncadd.s32 $0xFFFF1000  }
0x547: {  	[tilespmem:s8], [sflag:$0x3] =	stream.linear.gather [hbm4b:s0+s2], $0xF000, $0x38;
	[tilespmem:$0x1E000] =	vst v63  }
0x548: {  	_ = 	snop  }
0x549: {  	[hbm4b:s1+s2] =	stream.linear.scatter [tilespmem:s2], [sflag:$0x2], $0xF000, $0x38;
	[tilespmem:$0x1E000] =	vst v63  }
0x54a: {  	_ =	swait.ge [sflag:s10], $0xF000  }
0x54b: {  	[sflag:s10] =	ssyncset.done $0x0  }
0x54c: {  	[sflag:s10] =	ssyncadd.s32 $0xFFFF1000  }
0x54d: {  	_ =	swait.ge [sflag:s7], $0xF000  }
0x54e: {  	s0 =	sld [smem:$0x7E4]  }
0x54f: {  	[sflag:s7] =	ssyncset.done $0x0  }
0x550: {  	s1 =	sld [smem:$0x7E5];
	[sflag:s7] =	ssyncadd.s32 $0xFFFF1000  }
0x551: {  	[tilespmem:s2], [sflag:$0x1] =	stream.linear.gather [hbm4b:s0+s2], $0xF000, $0x38;
	[tilespmem:$0x1E000] =	vst v63  }
0x552: {  	_ = 	snop  }
0x553: {  	[hbm4b:s1+s2] =	stream.linear.scatter [tilespmem:s8], [sflag:$0x4], $0xF000, $0x38;
	[tilespmem:$0x1E000] =	vst v63  }
0x554: {  	_ =	swait.ge [sflag:s13], $0xF000  }
0x555: {  	[sflag:s13] =	ssyncset.done $0x0  }
0x556: {  	[sflag:s13] =	ssyncadd.s32 $0xFFFF1000  }
0x557: {  	_ =	swait.ge [sflag:s6], $0xF000  }
0x558: {  	s0 =	sld [smem:$0x7E6]  }
0x559: {  	[sflag:s6] =	ssyncset.done $0x0  }
0x55a: {  	s1 =	sld [smem:$0x7E7];
	[sflag:s6] =	ssyncadd.s32 $0xFFFF1000  }
0x55b: {  	[tilespmem:s8], [sflag:$0x3] =	stream.linear.gather [hbm4b:s0+s2], $0xF000, $0x38;
	[tilespmem:$0x1E000] =	vst v63  }
0x55c: {  	_ = 	snop  }
0x55d: {  	[hbm4b:s1+s2] =	stream.linear.scatter [tilespmem:s2], [sflag:$0x2], $0xF000, $0x38;
	[tilespmem:$0x1E000] =	vst v63  }
0x55e: {  	_ =	swait.ge [sflag:s10], $0xF000  }
0x55f: {  	[sflag:s10] =	ssyncset.done $0x0  }
0x560: {  	[sflag:s10] =	ssyncadd.s32 $0xFFFF1000  }
0x561: {  	_ =	swait.ge [sflag:s7], $0xF000  }
0x562: {  	s0 =	sld [smem:$0x7E8]  }
0x563: {  	[sflag:s7] =	ssyncset.done $0x0  }
0x564: {  	s1 =	sld [smem:$0x7E9];
	[sflag:s7] =	ssyncadd.s32 $0xFFFF1000  }
0x565: {  	[tilespmem:s2], [sflag:$0x1] =	stream.linear.gather [hbm4b:s0+s2], $0xF000, $0x38;
	[tilespmem:$0x1E000] =	vst v63  }
0x566: {  	_ = 	snop  }
0x567: {  	[hbm4b:s1+s2] =	stream.linear.scatter [tilespmem:s8], [sflag:$0x4], $0xF000, $0x38;
	[tilespmem:$0x1E000] =	vst v63  }
0x568: {  	_ =	swait.ge [sflag:s13], $0xF000  }
0x569: {  	[sflag:s13] =	ssyncset.done $0x0  }
0x56a: {  	[sflag:s13] =	ssyncadd.s32 $0xFFFF1000  }
0x56b: {  	_ =	swait.ge [sflag:s6], $0xF000  }
0x56c: {  	s0 =	sld [smem:$0x7EA]  }
0x56d: {  	[sflag:s6] =	ssyncset.done $0x0  }
0x56e: {  	s1 =	sld [smem:$0x7EB];
	[sflag:s6] =	ssyncadd.s32 $0xFFFF1000  }
0x56f: {  	[tilespmem:s8], [sflag:$0x3] =	stream.linear.gather [hbm4b:s0+s2], $0xF000, $0x38;
	[tilespmem:$0x1E000] =	vst v63  }
0x570: {  	_ = 	snop  }
0x571: {  	[hbm4b:s1+s2] =	stream.linear.scatter [tilespmem:s2], [sflag:$0x2], $0xF000, $0x38;
	[tilespmem:$0x1E000] =	vst v63  }
0x572: {  	_ =	swait.ge [sflag:s10], $0xF000  }
0x573: {  	[sflag:s10] =	ssyncset.done $0x0  }
0x574: {  	[sflag:s10] =	ssyncadd.s32 $0xFFFF1000  }
0x575: {  	_ =	swait.ge [sflag:s7], $0xF000  }
0x576: {  	s0 =	sld [smem:$0x7EC]  }
0x577: {  	[sflag:s7] =	ssyncset.done $0x0  }
0x578: {  	s1 =	sld [smem:$0x7ED];
	[sflag:s7] =	ssyncadd.s32 $0xFFFF1000  }
0x579: {  	[tilespmem:s2], [sflag:$0x1] =	stream.linear.gather [hbm4b:s0+s2], $0xF000, $0x38;
	[tilespmem:$0x1E000] =	vst v63  }
0x57a: {  	_ = 	snop  }
0x57b: {  	[hbm4b:s1+s2] =	stream.linear.scatter [tilespmem:s8], [sflag:$0x4], $0xF000, $0x38;
	[tilespmem:$0x1E000] =	vst v63  }
0x57c: {  	_ =	swait.ge [sflag:s13], $0xF000  }
0x57d: {  	[sflag:s13] =	ssyncset.done $0x0  }
0x57e: {  	[sflag:s13] =	ssyncadd.s32 $0xFFFF1000  }
0x57f: {  	_ =	swait.ge [sflag:s6], $0xF000  }
0x580: {  	s0 =	sld [smem:$0x7EE]  }
0x581: {  	[sflag:s6] =	ssyncset.done $0x0  }
0x582: {  	s1 =	sld [smem:$0x7EF];
	[sflag:s6] =	ssyncadd.s32 $0xFFFF1000  }
0x583: {  	[tilespmem:s8], [sflag:$0x3] =	stream.linear.gather [hbm4b:s0+s2], $0xF000, $0x38;
	[tilespmem:$0x1E000] =	vst v63  }
0x584: {  	_ = 	snop  }
0x585: {  	[hbm4b:s1+s2] =	stream.linear.scatter [tilespmem:s2], [sflag:$0x2], $0xF000, $0x38;
	[tilespmem:$0x1E000] =	vst v63  }
0x586: {  	_ =	swait.ge [sflag:s10], $0xF000  }
0x587: {  	[sflag:s10] =	ssyncset.done $0x0  }
0x588: {  	[sflag:s10] =	ssyncadd.s32 $0xFFFF1000  }
0x589: {  	_ =	swait.ge [sflag:s7], $0xF000  }
0x58a: {  	s0 =	sld [smem:$0x7F0]  }
0x58b: {  	[sflag:s7] =	ssyncset.done $0x0  }
0x58c: {  	s1 =	sld [smem:$0x7F1];
	[sflag:s7] =	ssyncadd.s32 $0xFFFF1000  }
0x58d: {  	[tilespmem:s2], [sflag:$0x1] =	stream.linear.gather [hbm4b:s0+s2], $0xF000, $0x38;
	[tilespmem:$0x1E000] =	vst v63  }
0x58e: {  	_ = 	snop  }
0x58f: {  	[hbm4b:s1+s2] =	stream.linear.scatter [tilespmem:s8], [sflag:$0x4], $0xF000, $0x38;
	[tilespmem:$0x1E000] =	vst v63  }
0x590: {  	_ =	swait.ge [sflag:s13], $0xF000  }
0x591: {  	[sflag:s13] =	ssyncset.done $0x0  }
0x592: {  	[sflag:s13] =	ssyncadd.s32 $0xFFFF1000  }
0x593: {  	_ =	swait.ge [sflag:s6], $0xF000  }
0x594: {  	s0 =	sld [smem:$0x7F2]  }
0x595: {  	[sflag:s6] =	ssyncset.done $0x0  }
0x596: {  	s1 =	sld [smem:$0x7F3];
	[sflag:s6] =	ssyncadd.s32 $0xFFFF1000  }
0x597: {  	[tilespmem:s8], [sflag:$0x3] =	stream.linear.gather [hbm4b:s0+s2], $0xF000, $0x38;
	[tilespmem:$0x1E000] =	vst v63  }
0x598: {  	_ = 	snop  }
0x599: {  	[hbm4b:s1+s2] =	stream.linear.scatter [tilespmem:s2], [sflag:$0x2], $0xF000, $0x38;
	[tilespmem:$0x1E000] =	vst v63  }
0x59a: {  	_ =	swait.ge [sflag:s10], $0xF000  }
0x59b: {  	[sflag:s10] =	ssyncset.done $0x0  }
0x59c: {  	[sflag:s10] =	ssyncadd.s32 $0xFFFF1000  }
0x59d: {  	_ =	swait.ge [sflag:s7], $0xF000  }
0x59e: {  	s0 =	sld [smem:$0x7F4]  }
0x59f: {  	[sflag:s7] =	ssyncset.done $0x0  }
0x5a0: {  	s1 =	sld [smem:$0x7F5];
	[sflag:s7] =	ssyncadd.s32 $0xFFFF1000  }
0x5a1: {  	[tilespmem:s2], [sflag:$0x1] =	stream.linear.gather [hbm4b:s0+s2], $0xF000, $0x38;
	[tilespmem:$0x1E000] =	vst v63  }
0x5a2: {  	_ = 	snop  }
0x5a3: {  	[hbm4b:s1+s2] =	stream.linear.scatter [tilespmem:s8], [sflag:$0x4], $0xF000, $0x38;
	[tilespmem:$0x1E000] =	vst v63  }
0x5a4: {  	_ =	swait.ge [sflag:s13], $0xF000  }
0x5a5: {  	[sflag:s13] =	ssyncset.done $0x0  }
0x5a6: {  	[sflag:s13] =	ssyncadd.s32 $0xFFFF1000  }
0x5a7: {  	_ =	swait.ge [sflag:s6], $0xF000  }
0x5a8: {  	s0 =	sld [smem:$0x7F6]  }
0x5a9: {  	[sflag:s6] =	ssyncset.done $0x0  }
0x5aa: {  	s1 =	sld [smem:$0x7F7];
	[sflag:s6] =	ssyncadd.s32 $0xFFFF1000  }
0x5ab: {  	[tilespmem:s8], [sflag:$0x3] =	stream.linear.gather [hbm4b:s0+s2], $0xF000, $0x38;
	[tilespmem:$0x1E000] =	vst v63  }
0x5ac: {  	_ = 	snop  }
0x5ad: {  	[hbm4b:s1+s2] =	stream.linear.scatter [tilespmem:s2], [sflag:$0x2], $0xF000, $0x38;
	[tilespmem:$0x1E000] =	vst v63  }
0x5ae: {  	_ =	swait.ge [sflag:s10], $0xF000  }
0x5af: {  	[sflag:s10] =	ssyncset.done $0x0  }
0x5b0: {  	[sflag:s10] =	ssyncadd.s32 $0xFFFF1000  }
0x5b1: {  	_ =	swait.ge [sflag:s7], $0xF000  }
0x5b2: {  	s0 =	sld [smem:$0x7F8]  }
0x5b3: {  	[sflag:s7] =	ssyncset.done $0x0  }
0x5b4: {  	s1 =	sld [smem:$0x7F9];
	[sflag:s7] =	ssyncadd.s32 $0xFFFF1000  }
0x5b5: {  	[tilespmem:s2], [sflag:$0x1] =	stream.linear.gather [hbm4b:s0+s2], $0xF000, $0x38;
	[tilespmem:$0x1E000] =	vst v63  }
0x5b6: {  	_ = 	snop  }
0x5b7: {  	[hbm4b:s1+s2] =	stream.linear.scatter [tilespmem:s8], [sflag:$0x4], $0xF000, $0x38;
	[tilespmem:$0x1E000] =	vst v63  }
0x5b8: {  	_ =	swait.ge [sflag:s13], $0xF000  }
0x5b9: {  	[sflag:s13] =	ssyncset.done $0x0  }
0x5ba: {  	[sflag:s13] =	ssyncadd.s32 $0xFFFF1000  }
0x5bb: {  	_ =	swait.ge [sflag:s6], $0xF000  }
0x5bc: {  	s0 =	sld [smem:$0x7FA]  }
0x5bd: {  	[sflag:s6] =	ssyncset.done $0x0  }
0x5be: {  	s1 =	sld [smem:$0x7FB];
	[sflag:s6] =	ssyncadd.s32 $0xFFFF1000  }
0x5bf: {  	[tilespmem:s8], [sflag:$0x3] =	stream.linear.gather [hbm4b:s0+s2], $0xF000, $0x38;
	[tilespmem:$0x1E000] =	vst v63  }
0x5c0: {  	_ = 	snop  }
0x5c1: {  	[hbm4b:s1+s2] =	stream.linear.scatter [tilespmem:s2], [sflag:$0x2], $0xF000, $0x38;
	[tilespmem:$0x1E000] =	vst v63  }
0x5c2: {  	_ =	swait.ge [sflag:s10], $0xF000  }
0x5c3: {  	[sflag:s10] =	ssyncset.done $0x0  }
0x5c4: {  	[sflag:s10] =	ssyncadd.s32 $0xFFFF1000  }
0x5c5: {  	_ =	swait.ge [sflag:s7], $0xF000  }
0x5c6: {  	s0 =	sld [smem:$0x7FC]  }
0x5c7: {  	[sflag:s7] =	ssyncset.done $0x0  }
0x5c8: {  	s1 =	sld [smem:$0x7FD];
	[sflag:s7] =	ssyncadd.s32 $0xFFFF1000  }
0x5c9: {  	[tilespmem:s2], [sflag:$0x1] =	stream.linear.gather [hbm4b:s0+s2], $0xF000, $0x38;
	[tilespmem:$0x1E000] =	vst v63  }
0x5ca: {  	_ = 	snop  }
0x5cb: {  	[hbm4b:s1+s2] =	stream.linear.scatter [tilespmem:s8], [sflag:$0x4], $0xF000, $0x38;
	[tilespmem:$0x1E000] =	vst v63  }
0x5cc: {  	_ =	swait.ge [sflag:s13], $0xF000  }
0x5cd: {  	[sflag:s13] =	ssyncset.done $0x0  }
0x5ce: {  	[sflag:s13] =	ssyncadd.s32 $0xFFFF1000  }
0x5cf: {  	_ =	swait.ge [sflag:s6], $0xF000  }
0x5d0: {  	[sflag:s6] =	ssyncset.done $0x0  }
0x5d1: {  	[sflag:s6] =	ssyncadd.s32 $0xFFFF1000  }
0x5d2: {  	[tilespmem:s8], [sflag:$0x3] =	stream.linear.gather [hbm4b:s30+s2], $0xF000, $0x38;
	[tilespmem:$0x1E000] =	vst v63  }
0x5d3: {  	_ = 	snop  }
0x5d4: {  	[hbm4b:s31+s2] =	stream.linear.scatter [tilespmem:s2], [sflag:$0x2], $0xF000, $0x38;
	[tilespmem:$0x1E000] =	vst v63  }
0x5d5: {  	_ =	swait.ge [sflag:s10], $0xF000  }
0x5d6: {  	[sflag:s10] =	ssyncset.done $0x0  }
0x5d7: {  	[sflag:s10] =	ssyncadd.s32 $0xFFFF1000  }
0x5d8: {  	_ =	swait.ge [sflag:s7], $0xF000  }
0x5d9: {  	[sflag:s7] =	ssyncset.done $0x0  }
0x5da: {  	[sflag:s7] =	ssyncadd.s32 $0xFFFF1000  }
0x5db: {  	[tilespmem:s2], [sflag:$0x1] =	stream.linear.gather [hbm4b:s28+s2], $0xF000, $0x38;
	[tilespmem:$0x1E000] =	vst v63  }
0x5dc: {  	_ = 	snop  }
0x5dd: {  	[hbm4b:s29+s2] =	stream.linear.scatter [tilespmem:s8], [sflag:$0x4], $0xF000, $0x38;
	[tilespmem:$0x1E000] =	vst v63  }
0x5de: {  	_ =	swait.ge [sflag:s13], $0xF000  }
0x5df: {  	[sflag:s13] =	ssyncset.done $0x0  }
0x5e0: {  	[sflag:s13] =	ssyncadd.s32 $0xFFFF1000  }
0x5e1: {  	_ =	swait.ge [sflag:s6], $0xF000  }
0x5e2: {  	[sflag:s6] =	ssyncset.done $0x0  }
0x5e3: {  	[sflag:s6] =	ssyncadd.s32 $0xFFFF1000  }
0x5e4: {  	[tilespmem:s8], [sflag:$0x3] =	stream.linear.gather [hbm4b:s25+s2], $0xF000, $0x38;
	[tilespmem:$0x1E000] =	vst v63  }
0x5e5: {  	_ = 	snop  }
0x5e6: {  	[hbm4b:s26+s2] =	stream.linear.scatter [tilespmem:s2], [sflag:$0x2], $0xF000, $0x38;
	[tilespmem:$0x1E000] =	vst v63  }
0x5e7: {  	_ =	swait.ge [sflag:s10], $0xF000  }
0x5e8: {  	[sflag:s10] =	ssyncset.done $0x0  }
0x5e9: {  	[sflag:s10] =	ssyncadd.s32 $0xFFFF1000  }
0x5ea: {  	_ =	swait.ge [sflag:s7], $0xF000  }
0x5eb: {  	[sflag:s7] =	ssyncset.done $0x0  }
0x5ec: {  	[sflag:s7] =	ssyncadd.s32 $0xFFFF1000  }
0x5ed: {  	[tilespmem:s2], [sflag:$0x1] =	stream.linear.gather [hbm4b:s23+s2], $0xF000, $0x38;
	[tilespmem:$0x1E000] =	vst v63  }
0x5ee: {  	_ = 	snop  }
0x5ef: {  	[hbm4b:s24+s2] =	stream.linear.scatter [tilespmem:s8], [sflag:$0x4], $0xF000, $0x38;
	[tilespmem:$0x1E000] =	vst v63  }
0x5f0: {  	_ =	swait.ge [sflag:s13], $0xF000  }
0x5f1: {  	[sflag:s13] =	ssyncset.done $0x0  }
0x5f2: {  	[sflag:s13] =	ssyncadd.s32 $0xFFFF1000  }
0x5f3: {  	_ =	swait.ge [sflag:s6], $0xF000  }
0x5f4: {  	[sflag:s6] =	ssyncset.done $0x0  }
0x5f5: {  	[sflag:s6] =	ssyncadd.s32 $0xFFFF1000  }
0x5f6: {  	[tilespmem:s8], [sflag:$0x3] =	stream.linear.gather [hbm4b:s21+s2], $0xF000, $0x38;
	[tilespmem:$0x1E000] =	vst v63  }
0x5f7: {  	_ = 	snop  }
0x5f8: {  	[hbm4b:s22+s2] =	stream.linear.scatter [tilespmem:s2], [sflag:$0x2], $0xF000, $0x38;
	[tilespmem:$0x1E000] =	vst v63  }
0x5f9: {  	_ =	swait.ge [sflag:s10], $0xF000  }
0x5fa: {  	[sflag:s10] =	ssyncset.done $0x0  }
0x5fb: {  	[sflag:s10] =	ssyncadd.s32 $0xFFFF1000  }
0x5fc: {  	_ =	swait.ge [sflag:s7], $0xF000  }
0x5fd: {  	[sflag:s7] =	ssyncset.done $0x0  }
0x5fe: {  	[sflag:s7] =	ssyncadd.s32 $0xFFFF1000  }
0x5ff: {  	[tilespmem:s2], [sflag:$0x1] =	stream.linear.gather [hbm4b:s19+s2], $0xF000, $0x38;
	[tilespmem:$0x1E000] =	vst v63  }
0x600: {  	_ = 	snop  }
0x601: {  	[hbm4b:s20+s2] =	stream.linear.scatter [tilespmem:s8], [sflag:$0x4], $0xF000, $0x38;
	[tilespmem:$0x1E000] =	vst v63  }
0x602: {  	_ =	swait.ge [sflag:s13], $0xF000  }
0x603: {  	[sflag:s13] =	ssyncset.done $0x0  }
0x604: {  	[sflag:s13] =	ssyncadd.s32 $0xFFFF1000  }
0x605: {  	_ =	swait.ge [sflag:s6], $0xF000  }
0x606: {  	[sflag:s6] =	ssyncset.done $0x0  }
0x607: {  	[sflag:s6] =	ssyncadd.s32 $0xFFFF1000  }
0x608: {  	[tilespmem:s8], [sflag:$0x3] =	stream.linear.gather [hbm4b:s17+s2], $0xF000, $0x38;
	[tilespmem:$0x1E000] =	vst v63  }
0x609: {  	_ = 	snop  }
0x60a: {  	[hbm4b:s18+s2] =	stream.linear.scatter [tilespmem:s2], [sflag:$0x2], $0xF000, $0x38;
	[tilespmem:$0x1E000] =	vst v63  }
0x60b: {  	_ =	swait.ge [sflag:s10], $0xF000  }
0x60c: {  	[sflag:s10] =	ssyncset.done $0x0  }
0x60d: {  	[sflag:s10] =	ssyncadd.s32 $0xFFFF1000  }
0x60e: {  	_ =	swait.ge [sflag:s7], $0xF000  }
0x60f: {  	[sflag:s7] =	ssyncset.done $0x0  }
0x610: {  	[sflag:s7] =	ssyncadd.s32 $0xFFFF1000  }
0x611: {  	[tilespmem:s2], [sflag:$0x1] =	stream.linear.gather [hbm4b:s15+s2], $0xF000, $0x38;
	[tilespmem:$0x1E000] =	vst v63  }
0x612: {  	_ = 	snop  }
0x613: {  	[hbm4b:s16+s2] =	stream.linear.scatter [tilespmem:s8], [sflag:$0x4], $0xF000, $0x38;
	[tilespmem:$0x1E000] =	vst v63  }
0x614: {  	_ =	swait.ge [sflag:s13], $0xF000  }
0x615: {  	[sflag:s13] =	ssyncset.done $0x0  }
0x616: {  	[sflag:s13] =	ssyncadd.s32 $0xFFFF1000  }
0x617: {  	_ =	swait.ge [sflag:s6], $0xF000  }
0x618: {  	[sflag:s6] =	ssyncset.done $0x0  }
0x619: {  	[sflag:s6] =	ssyncadd.s32 $0xFFFF1000  }
0x61a: {  	[tilespmem:s8], [sflag:$0x3] =	stream.linear.gather [hbm4b:s14+s2], $0xF000, $0x38;
	[tilespmem:$0x1E000] =	vst v63  }
0x61b: {  	_ = 	snop  }
0x61c: {  	[hbm4b:s12+s2] =	stream.linear.scatter [tilespmem:s2], [sflag:$0x2], $0xF000, $0x38;
	[tilespmem:$0x1E000] =	vst v63  }
0x61d: {  	_ =	swait.ge [sflag:s10], $0xF000  }
0x61e: {  	[sflag:s10] =	ssyncset.done $0x0  }
0x61f: {  	[sflag:s10] =	ssyncadd.s32 $0xFFFF1000  }
0x620: {  	_ =	swait.ge [sflag:s7], $0xF000  }
0x621: {  	[sflag:s7] =	ssyncset.done $0x0  }
0x622: {  	[sflag:s7] =	ssyncadd.s32 $0xFFFF1000  }
0x623: {  	[tilespmem:s2], [sflag:$0x1] =	stream.linear.gather [hbm4b:s11+s2], $0xF000, $0x38;
	[tilespmem:$0x1E000] =	vst v63  }
0x624: {  	_ = 	snop  }
0x625: {  	[hbm4b:s9+s2] =	stream.linear.scatter [tilespmem:s8], [sflag:$0x4], $0xF000, $0x38;
	[tilespmem:$0x1E000] =	vst v63  }
0x626: {  	_ =	swait.ge [sflag:s13], $0xF000  }
0x627: {  	[sflag:s13] =	ssyncset.done $0x0  }
0x628: {  	[sflag:s13] =	ssyncadd.s32 $0xFFFF1000  }
0x629: {  	_ =	swait.ge [sflag:s6], $0xF000  }
0x62a: {  	[sflag:s6] =	ssyncset.done $0x0  }
0x62b: {  	[sflag:s6] =	ssyncadd.s32 $0xFFFF1000  }
0x62c: {  	[tilespmem:s8], [sflag:$0x3] =	stream.linear.gather [hbm4b:s4+s2], $0xF000, $0x38;
	[tilespmem:$0x1E000] =	vst v63  }
0x62d: {  	_ = 	snop  }
0x62e: {  	[hbm4b:s5+s2] =	stream.linear.scatter [tilespmem:s2], [sflag:$0x2], $0xF000, $0x38;
	[tilespmem:$0x1E000] =	vst v63  }
0x62f: {  	_ =	swait.ge [sflag:s10], $0xF000  }
0x630: {  	[sflag:s10] =	ssyncset.done $0x0  }
0x631: {  	[sflag:s10] =	ssyncadd.s32 $0xFFFF1000  }
0x632: {  	[hbm4b:s3+s2] =	stream.linear.scatter [tilespmem:s8], [sflag:$0x4], $0xF000, $0x38;
	[tilespmem:$0x1E000] =	vst v63  }
0x633: {  	_ =	swait.ge [sflag:s7], $0xF000  }
0x634: {  	[sflag:s7] =	ssyncset.done $0x0  }
0x635: {  	[sflag:s7] =	ssyncadd.s32 $0xFFFF1000  }
0x636: {  	_ =	swait.ge [sflag:s6], $0xF000  }
0x637: {  	[sflag:s6] =	ssyncset.done $0x0  }
0x638: {  	[sflag:s6] =	ssyncadd.s32 $0xFFFF1000  }
0x639: {  	_ =	sfence.sel $0x180000  }
0x63a: {  	[bflag:$0x0] =	sbarrier.arrive $0xFFFF  }
0x63b: {  	_ =	strace $0x90000047  }
0x63c: {  	s31 =	stileid.u32;
	[bflag:$0x2] =	sbarrier.arrive $0xFFFF  }
0x63d: {  	p0 =	sne.s32 s31, $0x0;
	s0 =	rddreg [dreg:$0x1]  }
0x63e: {  	s0 =	sadd.s32 @!p0 $0x100000, s0  }
0x63f: {  	[sflag:s0] =	ssyncadd.tile.s32 @!p0 $0x1;
	_ =	shalt  }
.Lfunc_end2:
_tile_overlayer_lowered:
.L_overlay_start_2:
0x640: {  	(tag) =	ssettag $0x2  }
0x641: {  	s0 =	rddreg [dreg:$0x0];
	s2 =	stileid.u32  }
0x642: {  	s1 =	rddreg [dreg:$0x1];
	p0 =	sne.s32 s2, $0x0  }
0x643: {  	s3 =	rddreg [dreg:$0x2];
	[bflag:$0x3] =	sbarrier.arrive $0xFFFF;
	s2 =	simm.s32 @!p0 $0x1C05  }
0x644: {  	[timem:s3], [sflag:s2] =	dma.local @!p0 [hbm:s0], s1  }
0x645: {  	s0 =	simm.s32 @!p0 $0x5  }
0x646: {  	_ =	swait.ge @!p0 [sflag:s0], s1  }
0x647: {  	s1 =	ssub.s32 @!p0 $0x0, s1;
	[sflag:s0] =	ssyncset.done @!p0 $0x0  }
0x648: {  	[sflag:s0] =	ssyncadd.s32 @!p0 s1  }
0x649: {  	[bflag:$0x3] =	sbarrier.arrive $0xFFFF  }
0x64a: {  	_ =	shalt  }

</sc_bundles>
